<compile_context>
chip_gen: v7x
topology: tpu7x:2x2x1
jax: 0.10.2.dev20260603
libtpu: 0.0.44.dev20260713+nightly
codegen_flags: <defaults>
</compile_context>

<pallas_src>
import functools

import jax
import jax.numpy as jnp
from jax import lax
from jax.experimental import pallas as pl
from jax.experimental.pallas import tpu as pltpu
from jax.experimental.pallas import tpu_sc as plsc

N = 50000
D = 256
EPS = 1e-12
NC, NS, L = 2, 16, 16
NW = NC * NS
C = 16

SC_ROWS = 16384
SC_NITER = SC_ROWS // (NW * C)
TC_ROWS = N - SC_ROWS

TC_BLOCK = 3056


def _vsqrt(x):
    i = plsc.bitcast(x, jnp.int32)
    i = jnp.int32(0x5F3759DF) - (i >> 1)
    y = plsc.bitcast(i, jnp.float32)
    for _ in range(3):
        y = y * (1.5 - (0.5 * x * y) * y)
    return x * y


def _sc_pair_loss(na, nb, dab):
    sa = jnp.maximum(_vsqrt(na), EPS)
    sb = jnp.maximum(_vsqrt(nb), EPS)
    return na / (sa * sa) + nb / (sb * sb) - 2.0 * (dab / (sa * sb))


_mesh = plsc.VectorSubcoreMesh(core_axis_name="c", subcore_axis_name="s")


@functools.partial(
    pl.kernel,
    mesh=_mesh,
    out_type=jax.ShapeDtypeStruct((NW, L), jnp.float32),
    scratch_types=[pltpu.VMEM((C, D), jnp.float32) for _ in range(8)]
    + [pltpu.VMEM((C * 17,), jnp.float32) for _ in range(6)]
    + [
        pltpu.VMEM((L,), jnp.float32),
        pltpu.SemaphoreType.DMA,
        pltpu.SemaphoreType.DMA,
    ],
    compiler_params=pltpu.CompilerParams(
        use_tc_tiling_on_sc=True, needs_layout_passes=False
    ),
)
def _sc_loss(
    p1, q2, p2, q1, out,
    b0, b1, b2, b3, b4, b5, b6, b7,
    t0, t1, t2, t3, t4, t5,
    lbuf, s0, s1,
):
    wid = lax.axis_index("s") * NC + lax.axis_index("c")
    row_iota = lax.iota(jnp.int32, L)
    zero = jnp.zeros((L,), jnp.float32)
    srcs = (p1, q2, p2, q1)
    bufs = ((b0, b1, b2, b3), (b4, b5, b6, b7))
    tr = (t0, t1, t2, t3, t4, t5)
    sems = (s0, s1)

    def start(i, slot):
        base = TC_ROWS + (wid + i * NW) * C
        for src, dst in zip(srcs, bufs[slot]):
            pltpu.async_copy(src.at[pl.ds(base, C)], dst, sems[slot])

    def wait(i, slot):
        base = TC_ROWS + (wid + i * NW) * C
        for src, dst in zip(srcs, bufs[slot]):
            pltpu.make_async_copy(src.at[pl.ds(base, C)], dst, sems[slot]).wait()

    def compute(slot, loss):
        c1, c2, c3, c4 = bufs[slot]

        def r_body(r, carry):
            na1 = nb1 = dd1 = na2 = nb2 = dd2 = zero
            for k in range(D // L):
                sl = pl.ds(k * L, L)
                a = c1[r, sl]
                b = c2[r, sl]
                c = c3[r, sl]
                e = c4[r, sl]
                na1 += a * a
                nb1 += b * b
                dd1 += a * b
                na2 += c * c
                nb2 += e * e
                dd2 += c * e
            off = pl.ds(r * 17, L)
            t0[off] = na1
            t1[off] = nb1
            t2[off] = dd1
            t3[off] = na2
            t4[off] = nb2
            t5[off] = dd2
            return carry

        lax.fori_loop(0, C, r_body, 0, unroll=2)

        sums = []
        for t in tr:
            acc = zero
            for k in range(D // L):
                acc += plsc.load_gather(t, [row_iota * 17 + k])
            sums.append(acc)
        na1, nb1, dd1, na2, nb2, dd2 = sums
        return loss + _sc_pair_loss(na1, nb1, dd1) + _sc_pair_loss(na2, nb2, dd2)

    start(0, 0)

    def body(j, loss):
        for k in (0, 1):
            i = 2 * j + k

            @pl.when(i + 1 < SC_NITER)
            def _():
                start(i + 1, 1 - k)

            wait(i, k)
            loss = compute(k, loss)
        return loss

    lbuf[...] = lax.fori_loop(0, SC_NITER // 2, body, zero)
    pltpu.sync_copy(lbuf, out.at[wid])


def _tc_row_terms(a, b):
    na = jnp.sum(a * a, axis=1)
    nb = jnp.sum(b * b, axis=1)
    dab = jnp.sum(a * b, axis=1)
    sa = jnp.maximum(jnp.sqrt(na), EPS)
    sb = jnp.maximum(jnp.sqrt(nb), EPS)
    return jnp.sum(na / (sa * sa) + nb / (sb * sb) - 2.0 * dab / (sa * sb))


def _tc_body(p1_ref, q2_ref, p2_ref, q1_ref, out_ref):
    i = pl.program_id(0)

    partial = _tc_row_terms(p1_ref[...], q2_ref[...]) + _tc_row_terms(
        p2_ref[...], q1_ref[...]
    )

    @pl.when(i == 0)
    def _():
        out_ref[0, 0] = 0.0

    out_ref[0, 0] += partial


@jax.jit
def kernel(pred1, proj2, pred2, proj1):
    sc_partials = _sc_loss(pred1, proj2, pred2, proj1)

    spec = pl.BlockSpec((TC_BLOCK, D), lambda i: (i, 0))
    tc_out = pl.pallas_call(
        _tc_body,
        grid=(TC_ROWS // TC_BLOCK,),
        in_specs=[spec, spec, spec, spec],
        out_specs=pl.BlockSpec((1, 1), lambda i: (0, 0), memory_space=pltpu.SMEM),
        out_shape=jax.ShapeDtypeStruct((1, 1), jnp.float32),
    )(pred1, proj2, pred2, proj1)

    return (jnp.sum(sc_partials) + tc_out[0, 0]) / 2.0

# --- scband reference (transcript-rebuilt; emitter-appended) ---
"""Pipeline reference for scband-snep-17162689315369 (READ-ONLY COPY).

The authoritative reference and input builder live on the scoring server;
editing this copy changes nothing except your own understanding.
"""

import jax, jax.numpy as jnp
import numpy as np

N = 50000
D = 256

def setup_inputs(seed: int = 0) -> dict:
    key = jax.random.key(seed)
    k1, k2, k3, k4 = jax.random.split(key, 4)
    pred1 = jax.random.normal(k1, (N, D), dtype=jnp.float32)
    proj2 = jax.random.normal(k2, (N, D), dtype=jnp.float32)
    pred2 = jax.random.normal(k3, (N, D), dtype=jnp.float32)
    proj1 = jax.random.normal(k4, (N, D), dtype=jnp.float32)
    return {"pred1": pred1, "proj2": proj2, "pred2": pred2, "proj1": proj1}

def _l2_normalize(x, eps=1e-12):
    # matches torch.nn.functional.normalize(x, p=2, dim=-1): x / max(||x||, eps)
    n = jnp.sqrt(jnp.sum(x * x, axis=-1, keepdims=True))
    return x / jnp.maximum(n, eps)

def reference(pred1, proj2, pred2, proj1):
    p1 = _l2_normalize(pred1)
    q2 = _l2_normalize(proj2)
    p2 = _l2_normalize(pred2)
    q1 = _l2_normalize(proj1)
    loss1 = jnp.sum((p1 - q2) ** 2)  # mse_loss(..., reduction='sum')
    loss2 = jnp.sum((p2 - q1) ** 2)
    return (loss1 + loss2) / 2.0

if __name__ == "__main__":
    import jax
    _d = setup_inputs()
    print(jax.jit(kernel)(*tuple(_d.values())))

</pallas_src>

<mosaic_0001>
#map = affine_map<(d0, d1) -> (0, 0)>
module attributes {stable_mosaic.version = 14 : i64} {
  func.func @_sc_loss(%arg0: i32, %arg1: i32, %arg2: memref<50000x256xf32, #tpu.memory_space<hbm>>, %arg3: memref<50000x256xf32, #tpu.memory_space<hbm>>, %arg4: memref<50000x256xf32, #tpu.memory_space<hbm>>, %arg5: memref<50000x256xf32, #tpu.memory_space<hbm>>, %arg6: memref<32x16xf32, #tpu.memory_space<hbm>>, %arg7: memref<16x256xf32, #tpu.memory_space<vmem>>, %arg8: memref<16x256xf32, #tpu.memory_space<vmem>>, %arg9: memref<16x256xf32, #tpu.memory_space<vmem>>, %arg10: memref<16x256xf32, #tpu.memory_space<vmem>>, %arg11: memref<16x256xf32, #tpu.memory_space<vmem>>, %arg12: memref<16x256xf32, #tpu.memory_space<vmem>>, %arg13: memref<16x256xf32, #tpu.memory_space<vmem>>, %arg14: memref<16x256xf32, #tpu.memory_space<vmem>>, %arg15: memref<272xf32, #tpu.memory_space<vmem>>, %arg16: memref<272xf32, #tpu.memory_space<vmem>>, %arg17: memref<272xf32, #tpu.memory_space<vmem>>, %arg18: memref<272xf32, #tpu.memory_space<vmem>>, %arg19: memref<272xf32, #tpu.memory_space<vmem>>, %arg20: memref<272xf32, #tpu.memory_space<vmem>>, %arg21: memref<16xf32, #tpu.memory_space<vmem>>, %arg22: memref<!tpu.dma_semaphore, #tpu.memory_space<semaphore_mem>>, %arg23: memref<!tpu.dma_semaphore, #tpu.memory_space<semaphore_mem>>) attributes {dimension_semantics = [#tpu.dimension_semantics<core_parallel>, #tpu.dimension_semantics<subcore_parallel>], iteration_bounds = array<i64: 2, 16>, scalar_prefetch = 0 : i64, scratch_operands = 17 : i64, tpu.core_type = #tpu.core_type<sc_vector_subcore>, window_params = [{transform_indices = #map}, {transform_indices = #map}, {transform_indices = #map}, {transform_indices = #map}, {transform_indices = #map}]} {
    %mul3A = arith.constant 2 : i32
    %mul3A_0 = arith.muli %arg1, %mul3A : i32
    %add3A = arith.addi %mul3A_0, %arg0 : i32
    %iota3A = tpu.iota {dimensions = array<i32: 0>} : vector<16xi32>
    %broadcast_in_dim3A = arith.constant 0.000000e+00 : f32
    %broadcast_in_dim3A_1 = vector.broadcast %broadcast_in_dim3A : f32 to vector<16xf32>
    %add3A_2 = arith.constant 0 : i32
    %add3A_3 = arith.addi %add3A, %add3A_2 : i32
    %mul3A_4 = arith.constant 16 : i32
    %mul3A_5 = arith.muli %add3A_3, %mul3A_4 : i32
    %add3A_6 = arith.constant 33616 : i32
    %add3A_7 = arith.addi %add3A_6, %mul3A_5 : i32
    %dma_start3A = arith.constant 0 : i32
    %dma_start3A_8 = tpu.memref_slice %arg2[%add3A_7, %dma_start3A] : memref<50000x256xf32, #tpu.memory_space<hbm>> -> memref<16x256xf32, #tpu.memory_space<hbm>>
    %dma_start3A_9 = arith.constant 0 : i32
    %dma_start3A_10 = tpu.memref_slice %arg2[%add3A_7, %dma_start3A_9] : memref<50000x256xf32, #tpu.memory_space<hbm>> -> memref<16x256xf32, #tpu.memory_space<hbm>>
    tpu.enqueue_dma source(%dma_start3A_10 : memref<16x256xf32, #tpu.memory_space<hbm>>) target(%arg7 : memref<16x256xf32, #tpu.memory_space<vmem>>) target_semaphore(%arg22 : memref<!tpu.dma_semaphore, #tpu.memory_space<semaphore_mem>>)
    %dma_start3A_11 = arith.constant 0 : i32
    %dma_start3A_12 = tpu.memref_slice %arg3[%add3A_7, %dma_start3A_11] : memref<50000x256xf32, #tpu.memory_space<hbm>> -> memref<16x256xf32, #tpu.memory_space<hbm>>
    %dma_start3A_13 = arith.constant 0 : i32
    %dma_start3A_14 = tpu.memref_slice %arg3[%add3A_7, %dma_start3A_13] : memref<50000x256xf32, #tpu.memory_space<hbm>> -> memref<16x256xf32, #tpu.memory_space<hbm>>
    tpu.enqueue_dma source(%dma_start3A_14 : memref<16x256xf32, #tpu.memory_space<hbm>>) target(%arg8 : memref<16x256xf32, #tpu.memory_space<vmem>>) target_semaphore(%arg22 : memref<!tpu.dma_semaphore, #tpu.memory_space<semaphore_mem>>)
    %dma_start3A_15 = arith.constant 0 : i32
    %dma_start3A_16 = tpu.memref_slice %arg4[%add3A_7, %dma_start3A_15] : memref<50000x256xf32, #tpu.memory_space<hbm>> -> memref<16x256xf32, #tpu.memory_space<hbm>>
    %dma_start3A_17 = arith.constant 0 : i32
    %dma_start3A_18 = tpu.memref_slice %arg4[%add3A_7, %dma_start3A_17] : memref<50000x256xf32, #tpu.memory_space<hbm>> -> memref<16x256xf32, #tpu.memory_space<hbm>>
    tpu.enqueue_dma source(%dma_start3A_18 : memref<16x256xf32, #tpu.memory_space<hbm>>) target(%arg9 : memref<16x256xf32, #tpu.memory_space<vmem>>) target_semaphore(%arg22 : memref<!tpu.dma_semaphore, #tpu.memory_space<semaphore_mem>>)
    %dma_start3A_19 = arith.constant 0 : i32
    %dma_start3A_20 = tpu.memref_slice %arg5[%add3A_7, %dma_start3A_19] : memref<50000x256xf32, #tpu.memory_space<hbm>> -> memref<16x256xf32, #tpu.memory_space<hbm>>
    %dma_start3A_21 = arith.constant 0 : i32
    %dma_start3A_22 = tpu.memref_slice %arg5[%add3A_7, %dma_start3A_21] : memref<50000x256xf32, #tpu.memory_space<hbm>> -> memref<16x256xf32, #tpu.memory_space<hbm>>
    tpu.enqueue_dma source(%dma_start3A_22 : memref<16x256xf32, #tpu.memory_space<hbm>>) target(%arg10 : memref<16x256xf32, #tpu.memory_space<vmem>>) target_semaphore(%arg22 : memref<!tpu.dma_semaphore, #tpu.memory_space<semaphore_mem>>)
    %scan3A = arith.constant 0 : i32
    %scan3A_23 = arith.constant 16 : i32
    %scan3A_24 = arith.addi %scan3A, %scan3A_23 : i32
    %scan3A_25 = arith.constant 1 : i32
    %scan3A_26 = scf.for %scan3A_29 = %scan3A to %scan3A_24 step %scan3A_25 iter_args(%scan3A_30 = %broadcast_in_dim3A_1) -> (vector<16xf32>)  : i32 {
      %mul3A_31 = arith.constant 2 : i32
      %mul3A_32 = arith.muli %mul3A_31, %scan3A_29 : i32
      %add3A_33 = arith.constant 0 : i32
      %add3A_34 = arith.addi %mul3A_32, %add3A_33 : i32
      %add3A_35 = arith.constant 1 : i32
      %add3A_36 = arith.addi %add3A_34, %add3A_35 : i32
      %lt3A = arith.constant 32 : i32
      %lt3A_37 = arith.cmpi slt, %add3A_36, %lt3A : i32
      %convert_element_type3A = arith.extui %lt3A_37 : i1 to i32
      %cond3A = arith.constant 0 : i32
      %cond3A_38 = arith.cmpi ne, %convert_element_type3A, %cond3A : i32
      scf.if %cond3A_38 {
        %add3A_1997 = arith.constant 1 : i32
        %add3A_1998 = arith.addi %add3A_34, %add3A_1997 : i32
        %mul3A_1999 = arith.constant 32 : i32
        %mul3A_2000 = arith.muli %add3A_1998, %mul3A_1999 : i32
        %add3A_2001 = arith.addi %add3A, %mul3A_2000 : i32
        %mul3A_2002 = arith.constant 16 : i32
        %mul3A_2003 = arith.muli %add3A_2001, %mul3A_2002 : i32
        %add3A_2004 = arith.constant 33616 : i32
        %add3A_2005 = arith.addi %add3A_2004, %mul3A_2003 : i32
        %dma_start3A_2006 = arith.constant 0 : i32
        %dma_start3A_2007 = tpu.memref_slice %arg2[%add3A_2005, %dma_start3A_2006] : memref<50000x256xf32, #tpu.memory_space<hbm>> -> memref<16x256xf32, #tpu.memory_space<hbm>>
        %dma_start3A_2008 = arith.constant 0 : i32
        %dma_start3A_2009 = tpu.memref_slice %arg2[%add3A_2005, %dma_start3A_2008] : memref<50000x256xf32, #tpu.memory_space<hbm>> -> memref<16x256xf32, #tpu.memory_space<hbm>>
        tpu.enqueue_dma source(%dma_start3A_2009 : memref<16x256xf32, #tpu.memory_space<hbm>>) target(%arg11 : memref<16x256xf32, #tpu.memory_space<vmem>>) target_semaphore(%arg23 : memref<!tpu.dma_semaphore, #tpu.memory_space<semaphore_mem>>)
        %dma_start3A_2010 = arith.constant 0 : i32
        %dma_start3A_2011 = tpu.memref_slice %arg3[%add3A_2005, %dma_start3A_2010] : memref<50000x256xf32, #tpu.memory_space<hbm>> -> memref<16x256xf32, #tpu.memory_space<hbm>>
        %dma_start3A_2012 = arith.constant 0 : i32
        %dma_start3A_2013 = tpu.memref_slice %arg3[%add3A_2005, %dma_start3A_2012] : memref<50000x256xf32, #tpu.memory_space<hbm>> -> memref<16x256xf32, #tpu.memory_space<hbm>>
        tpu.enqueue_dma source(%dma_start3A_2013 : memref<16x256xf32, #tpu.memory_space<hbm>>) target(%arg12 : memref<16x256xf32, #tpu.memory_space<vmem>>) target_semaphore(%arg23 : memref<!tpu.dma_semaphore, #tpu.memory_space<semaphore_mem>>)
        %dma_start3A_2014 = arith.constant 0 : i32
        %dma_start3A_2015 = tpu.memref_slice %arg4[%add3A_2005, %dma_start3A_2014] : memref<50000x256xf32, #tpu.memory_space<hbm>> -> memref<16x256xf32, #tpu.memory_space<hbm>>
        %dma_start3A_2016 = arith.constant 0 : i32
        %dma_start3A_2017 = tpu.memref_slice %arg4[%add3A_2005, %dma_start3A_2016] : memref<50000x256xf32, #tpu.memory_space<hbm>> -> memref<16x256xf32, #tpu.memory_space<hbm>>
        tpu.enqueue_dma source(%dma_start3A_2017 : memref<16x256xf32, #tpu.memory_space<hbm>>) target(%arg13 : memref<16x256xf32, #tpu.memory_space<vmem>>) target_semaphore(%arg23 : memref<!tpu.dma_semaphore, #tpu.memory_space<semaphore_mem>>)
        %dma_start3A_2018 = arith.constant 0 : i32
        %dma_start3A_2019 = tpu.memref_slice %arg5[%add3A_2005, %dma_start3A_2018] : memref<50000x256xf32, #tpu.memory_space<hbm>> -> memref<16x256xf32, #tpu.memory_space<hbm>>
        %dma_start3A_2020 = arith.constant 0 : i32
        %dma_start3A_2021 = tpu.memref_slice %arg5[%add3A_2005, %dma_start3A_2020] : memref<50000x256xf32, #tpu.memory_space<hbm>> -> memref<16x256xf32, #tpu.memory_space<hbm>>
        tpu.enqueue_dma source(%dma_start3A_2021 : memref<16x256xf32, #tpu.memory_space<hbm>>) target(%arg14 : memref<16x256xf32, #tpu.memory_space<vmem>>) target_semaphore(%arg23 : memref<!tpu.dma_semaphore, #tpu.memory_space<semaphore_mem>>)
      } else {
      }
      %mul3A_39 = arith.constant 32 : i32
      %mul3A_40 = arith.muli %add3A_34, %mul3A_39 : i32
      %add3A_41 = arith.addi %add3A, %mul3A_40 : i32
      %mul3A_42 = arith.constant 16 : i32
      %mul3A_43 = arith.muli %add3A_41, %mul3A_42 : i32
      %add3A_44 = arith.constant 33616 : i32
      %add3A_45 = arith.addi %add3A_44, %mul3A_43 : i32
      %dma_wait3A = arith.constant 0 : i32
      %dma_wait3A_46 = tpu.memref_slice %arg2[%add3A_45, %dma_wait3A] : memref<50000x256xf32, #tpu.memory_space<hbm>> -> memref<16x256xf32, #tpu.memory_space<hbm>>
      %dma_wait3A_47 = arith.constant 0 : i32
      %dma_wait3A_48 = tpu.memref_slice %arg2[%add3A_45, %dma_wait3A_47] : memref<50000x256xf32, #tpu.memory_space<hbm>> -> memref<16x256xf32, #tpu.memory_space<hbm>>
      tpu.wait_dma2 semaphore(%arg22 : memref<!tpu.dma_semaphore, #tpu.memory_space<semaphore_mem>>) src(%dma_wait3A_48 : memref<16x256xf32, #tpu.memory_space<hbm>>) dst(%arg7 : memref<16x256xf32, #tpu.memory_space<vmem>>)
      %dma_wait3A_49 = arith.constant 0 : i32
      %dma_wait3A_50 = tpu.memref_slice %arg3[%add3A_45, %dma_wait3A_49] : memref<50000x256xf32, #tpu.memory_space<hbm>> -> memref<16x256xf32, #tpu.memory_space<hbm>>
      %dma_wait3A_51 = arith.constant 0 : i32
      %dma_wait3A_52 = tpu.memref_slice %arg3[%add3A_45, %dma_wait3A_51] : memref<50000x256xf32, #tpu.memory_space<hbm>> -> memref<16x256xf32, #tpu.memory_space<hbm>>
      tpu.wait_dma2 semaphore(%arg22 : memref<!tpu.dma_semaphore, #tpu.memory_space<semaphore_mem>>) src(%dma_wait3A_52 : memref<16x256xf32, #tpu.memory_space<hbm>>) dst(%arg8 : memref<16x256xf32, #tpu.memory_space<vmem>>)
      %dma_wait3A_53 = arith.constant 0 : i32
      %dma_wait3A_54 = tpu.memref_slice %arg4[%add3A_45, %dma_wait3A_53] : memref<50000x256xf32, #tpu.memory_space<hbm>> -> memref<16x256xf32, #tpu.memory_space<hbm>>
      %dma_wait3A_55 = arith.constant 0 : i32
      %dma_wait3A_56 = tpu.memref_slice %arg4[%add3A_45, %dma_wait3A_55] : memref<50000x256xf32, #tpu.memory_space<hbm>> -> memref<16x256xf32, #tpu.memory_space<hbm>>
      tpu.wait_dma2 semaphore(%arg22 : memref<!tpu.dma_semaphore, #tpu.memory_space<semaphore_mem>>) src(%dma_wait3A_56 : memref<16x256xf32, #tpu.memory_space<hbm>>) dst(%arg9 : memref<16x256xf32, #tpu.memory_space<vmem>>)
      %dma_wait3A_57 = arith.constant 0 : i32
      %dma_wait3A_58 = tpu.memref_slice %arg5[%add3A_45, %dma_wait3A_57] : memref<50000x256xf32, #tpu.memory_space<hbm>> -> memref<16x256xf32, #tpu.memory_space<hbm>>
      %dma_wait3A_59 = arith.constant 0 : i32
      %dma_wait3A_60 = tpu.memref_slice %arg5[%add3A_45, %dma_wait3A_59] : memref<50000x256xf32, #tpu.memory_space<hbm>> -> memref<16x256xf32, #tpu.memory_space<hbm>>
      tpu.wait_dma2 semaphore(%arg22 : memref<!tpu.dma_semaphore, #tpu.memory_space<semaphore_mem>>) src(%dma_wait3A_60 : memref<16x256xf32, #tpu.memory_space<hbm>>) dst(%arg10 : memref<16x256xf32, #tpu.memory_space<vmem>>)
      %scan3A_61 = arith.constant 0 : i32
      %scan3A_62 = arith.constant 0 : i32
      %scan3A_63 = arith.constant 16 : i32
      %scan3A_64 = arith.addi %scan3A_62, %scan3A_63 : i32
      %scan3A_65 = arith.constant 2 : i32
      scf.for %scan3A_1997 = %scan3A_62 to %scan3A_64 step %scan3A_65  : i32 {
        %get3A = arith.index_cast %scan3A_1997 : i32 to index
        %get3A_1998 = arith.constant 0 : index
        %get3A_1999 = tpu.vector_load %arg7[%get3A, %get3A_1998] {strides = array<i32>} : memref<16x256xf32, #tpu.memory_space<vmem>>, vector<16xf32>,
        %get3A_2000 = arith.index_cast %scan3A_1997 : i32 to index
        %get3A_2001 = arith.constant 0 : index
        %get3A_2002 = tpu.vector_load %arg8[%get3A_2000, %get3A_2001] {strides = array<i32>} : memref<16x256xf32, #tpu.memory_space<vmem>>, vector<16xf32>,
        %get3A_2003 = arith.index_cast %scan3A_1997 : i32 to index
        %get3A_2004 = arith.constant 0 : index
        %get3A_2005 = tpu.vector_load %arg9[%get3A_2003, %get3A_2004] {strides = array<i32>} : memref<16x256xf32, #tpu.memory_space<vmem>>, vector<16xf32>,
        %get3A_2006 = arith.index_cast %scan3A_1997 : i32 to index
        %get3A_2007 = arith.constant 0 : index
        %get3A_2008 = tpu.vector_load %arg10[%get3A_2006, %get3A_2007] {strides = array<i32>} : memref<16x256xf32, #tpu.memory_space<vmem>>, vector<16xf32>,
        %mul3A_2009 = arith.mulf %get3A_1999, %get3A_1999 : vector<16xf32>
        %add3A_2010 = arith.addf %broadcast_in_dim3A_1, %mul3A_2009 : vector<16xf32>
        %mul3A_2011 = arith.mulf %get3A_2002, %get3A_2002 : vector<16xf32>
        %add3A_2012 = arith.addf %broadcast_in_dim3A_1, %mul3A_2011 : vector<16xf32>
        %mul3A_2013 = arith.mulf %get3A_1999, %get3A_2002 : vector<16xf32>
        %add3A_2014 = arith.addf %broadcast_in_dim3A_1, %mul3A_2013 : vector<16xf32>
        %mul3A_2015 = arith.mulf %get3A_2005, %get3A_2005 : vector<16xf32>
        %add3A_2016 = arith.addf %broadcast_in_dim3A_1, %mul3A_2015 : vector<16xf32>
        %mul3A_2017 = arith.mulf %get3A_2008, %get3A_2008 : vector<16xf32>
        %add3A_2018 = arith.addf %broadcast_in_dim3A_1, %mul3A_2017 : vector<16xf32>
        %mul3A_2019 = arith.mulf %get3A_2005, %get3A_2008 : vector<16xf32>
        %add3A_2020 = arith.addf %broadcast_in_dim3A_1, %mul3A_2019 : vector<16xf32>
        %get3A_2021 = arith.index_cast %scan3A_1997 : i32 to index
        %get3A_2022 = arith.constant 16 : index
        %get3A_2023 = tpu.vector_load %arg7[%get3A_2021, %get3A_2022] {strides = array<i32>} : memref<16x256xf32, #tpu.memory_space<vmem>>, vector<16xf32>,
        %get3A_2024 = arith.index_cast %scan3A_1997 : i32 to index
        %get3A_2025 = arith.constant 16 : index
        %get3A_2026 = tpu.vector_load %arg8[%get3A_2024, %get3A_2025] {strides = array<i32>} : memref<16x256xf32, #tpu.memory_space<vmem>>, vector<16xf32>,
        %get3A_2027 = arith.index_cast %scan3A_1997 : i32 to index
        %get3A_2028 = arith.constant 16 : index
        %get3A_2029 = tpu.vector_load %arg9[%get3A_2027, %get3A_2028] {strides = array<i32>} : memref<16x256xf32, #tpu.memory_space<vmem>>, vector<16xf32>,
        %get3A_2030 = arith.index_cast %scan3A_1997 : i32 to index
        %get3A_2031 = arith.constant 16 : index
        %get3A_2032 = tpu.vector_load %arg10[%get3A_2030, %get3A_2031] {strides = array<i32>} : memref<16x256xf32, #tpu.memory_space<vmem>>, vector<16xf32>,
        %mul3A_2033 = arith.mulf %get3A_2023, %get3A_2023 : vector<16xf32>
        %add3A_2034 = arith.addf %add3A_2010, %mul3A_2033 : vector<16xf32>
        %mul3A_2035 = arith.mulf %get3A_2026, %get3A_2026 : vector<16xf32>
        %add3A_2036 = arith.addf %add3A_2012, %mul3A_2035 : vector<16xf32>
        %mul3A_2037 = arith.mulf %get3A_2023, %get3A_2026 : vector<16xf32>
        %add3A_2038 = arith.addf %add3A_2014, %mul3A_2037 : vector<16xf32>
        %mul3A_2039 = arith.mulf %get3A_2029, %get3A_2029 : vector<16xf32>
        %add3A_2040 = arith.addf %add3A_2016, %mul3A_2039 : vector<16xf32>
        %mul3A_2041 = arith.mulf %get3A_2032, %get3A_2032 : vector<16xf32>
        %add3A_2042 = arith.addf %add3A_2018, %mul3A_2041 : vector<16xf32>
        %mul3A_2043 = arith.mulf %get3A_2029, %get3A_2032 : vector<16xf32>
        %add3A_2044 = arith.addf %add3A_2020, %mul3A_2043 : vector<16xf32>
        %get3A_2045 = arith.index_cast %scan3A_1997 : i32 to index
        %get3A_2046 = arith.constant 32 : index
        %get3A_2047 = tpu.vector_load %arg7[%get3A_2045, %get3A_2046] {strides = array<i32>} : memref<16x256xf32, #tpu.memory_space<vmem>>, vector<16xf32>,
        %get3A_2048 = arith.index_cast %scan3A_1997 : i32 to index
        %get3A_2049 = arith.constant 32 : index
        %get3A_2050 = tpu.vector_load %arg8[%get3A_2048, %get3A_2049] {strides = array<i32>} : memref<16x256xf32, #tpu.memory_space<vmem>>, vector<16xf32>,
        %get3A_2051 = arith.index_cast %scan3A_1997 : i32 to index
        %get3A_2052 = arith.constant 32 : index
        %get3A_2053 = tpu.vector_load %arg9[%get3A_2051, %get3A_2052] {strides = array<i32>} : memref<16x256xf32, #tpu.memory_space<vmem>>, vector<16xf32>,
        %get3A_2054 = arith.index_cast %scan3A_1997 : i32 to index
        %get3A_2055 = arith.constant 32 : index
        %get3A_2056 = tpu.vector_load %arg10[%get3A_2054, %get3A_2055] {strides = array<i32>} : memref<16x256xf32, #tpu.memory_space<vmem>>, vector<16xf32>,
        %mul3A_2057 = arith.mulf %get3A_2047, %get3A_2047 : vector<16xf32>
        %add3A_2058 = arith.addf %add3A_2034, %mul3A_2057 : vector<16xf32>
        %mul3A_2059 = arith.mulf %get3A_2050, %get3A_2050 : vector<16xf32>
        %add3A_2060 = arith.addf %add3A_2036, %mul3A_2059 : vector<16xf32>
        %mul3A_2061 = arith.mulf %get3A_2047, %get3A_2050 : vector<16xf32>
        %add3A_2062 = arith.addf %add3A_2038, %mul3A_2061 : vector<16xf32>
        %mul3A_2063 = arith.mulf %get3A_2053, %get3A_2053 : vector<16xf32>
        %add3A_2064 = arith.addf %add3A_2040, %mul3A_2063 : vector<16xf32>
        %mul3A_2065 = arith.mulf %get3A_2056, %get3A_2056 : vector<16xf32>
        %add3A_2066 = arith.addf %add3A_2042, %mul3A_2065 : vector<16xf32>
        %mul3A_2067 = arith.mulf %get3A_2053, %get3A_2056 : vector<16xf32>
        %add3A_2068 = arith.addf %add3A_2044, %mul3A_2067 : vector<16xf32>
        %get3A_2069 = arith.index_cast %scan3A_1997 : i32 to index
        %get3A_2070 = arith.constant 48 : index
        %get3A_2071 = tpu.vector_load %arg7[%get3A_2069, %get3A_2070] {strides = array<i32>} : memref<16x256xf32, #tpu.memory_space<vmem>>, vector<16xf32>,
        %get3A_2072 = arith.index_cast %scan3A_1997 : i32 to index
        %get3A_2073 = arith.constant 48 : index
        %get3A_2074 = tpu.vector_load %arg8[%get3A_2072, %get3A_2073] {strides = array<i32>} : memref<16x256xf32, #tpu.memory_space<vmem>>, vector<16xf32>,
        %get3A_2075 = arith.index_cast %scan3A_1997 : i32 to index
        %get3A_2076 = arith.constant 48 : index
        %get3A_2077 = tpu.vector_load %arg9[%get3A_2075, %get3A_2076] {strides = array<i32>} : memref<16x256xf32, #tpu.memory_space<vmem>>, vector<16xf32>,
        %get3A_2078 = arith.index_cast %scan3A_1997 : i32 to index
        %get3A_2079 = arith.constant 48 : index
        %get3A_2080 = tpu.vector_load %arg10[%get3A_2078, %get3A_2079] {strides = array<i32>} : memref<16x256xf32, #tpu.memory_space<vmem>>, vector<16xf32>,
        %mul3A_2081 = arith.mulf %get3A_2071, %get3A_2071 : vector<16xf32>
        %add3A_2082 = arith.addf %add3A_2058, %mul3A_2081 : vector<16xf32>
        %mul3A_2083 = arith.mulf %get3A_2074, %get3A_2074 : vector<16xf32>
        %add3A_2084 = arith.addf %add3A_2060, %mul3A_2083 : vector<16xf32>
        %mul3A_2085 = arith.mulf %get3A_2071, %get3A_2074 : vector<16xf32>
        %add3A_2086 = arith.addf %add3A_2062, %mul3A_2085 : vector<16xf32>
        %mul3A_2087 = arith.mulf %get3A_2077, %get3A_2077 : vector<16xf32>
        %add3A_2088 = arith.addf %add3A_2064, %mul3A_2087 : vector<16xf32>
        %mul3A_2089 = arith.mulf %get3A_2080, %get3A_2080 : vector<16xf32>
        %add3A_2090 = arith.addf %add3A_2066, %mul3A_2089 : vector<16xf32>
        %mul3A_2091 = arith.mulf %get3A_2077, %get3A_2080 : vector<16xf32>
        %add3A_2092 = arith.addf %add3A_2068, %mul3A_2091 : vector<16xf32>
        %get3A_2093 = arith.index_cast %scan3A_1997 : i32 to index
        %get3A_2094 = arith.constant 64 : index
        %get3A_2095 = tpu.vector_load %arg7[%get3A_2093, %get3A_2094] {strides = array<i32>} : memref<16x256xf32, #tpu.memory_space<vmem>>, vector<16xf32>,
        %get3A_2096 = arith.index_cast %scan3A_1997 : i32 to index
        %get3A_2097 = arith.constant 64 : index
        %get3A_2098 = tpu.vector_load %arg8[%get3A_2096, %get3A_2097] {strides = array<i32>} : memref<16x256xf32, #tpu.memory_space<vmem>>, vector<16xf32>,
        %get3A_2099 = arith.index_cast %scan3A_1997 : i32 to index
        %get3A_2100 = arith.constant 64 : index
        %get3A_2101 = tpu.vector_load %arg9[%get3A_2099, %get3A_2100] {strides = array<i32>} : memref<16x256xf32, #tpu.memory_space<vmem>>, vector<16xf32>,
        %get3A_2102 = arith.index_cast %scan3A_1997 : i32 to index
        %get3A_2103 = arith.constant 64 : index
        %get3A_2104 = tpu.vector_load %arg10[%get3A_2102, %get3A_2103] {strides = array<i32>} : memref<16x256xf32, #tpu.memory_space<vmem>>, vector<16xf32>,
        %mul3A_2105 = arith.mulf %get3A_2095, %get3A_2095 : vector<16xf32>
        %add3A_2106 = arith.addf %add3A_2082, %mul3A_2105 : vector<16xf32>
        %mul3A_2107 = arith.mulf %get3A_2098, %get3A_2098 : vector<16xf32>
        %add3A_2108 = arith.addf %add3A_2084, %mul3A_2107 : vector<16xf32>
        %mul3A_2109 = arith.mulf %get3A_2095, %get3A_2098 : vector<16xf32>
        %add3A_2110 = arith.addf %add3A_2086, %mul3A_2109 : vector<16xf32>
        %mul3A_2111 = arith.mulf %get3A_2101, %get3A_2101 : vector<16xf32>
        %add3A_2112 = arith.addf %add3A_2088, %mul3A_2111 : vector<16xf32>
        %mul3A_2113 = arith.mulf %get3A_2104, %get3A_2104 : vector<16xf32>
        %add3A_2114 = arith.addf %add3A_2090, %mul3A_2113 : vector<16xf32>
        %mul3A_2115 = arith.mulf %get3A_2101, %get3A_2104 : vector<16xf32>
        %add3A_2116 = arith.addf %add3A_2092, %mul3A_2115 : vector<16xf32>
        %get3A_2117 = arith.index_cast %scan3A_1997 : i32 to index
        %get3A_2118 = arith.constant 80 : index
        %get3A_2119 = tpu.vector_load %arg7[%get3A_2117, %get3A_2118] {strides = array<i32>} : memref<16x256xf32, #tpu.memory_space<vmem>>, vector<16xf32>,
        %get3A_2120 = arith.index_cast %scan3A_1997 : i32 to index
        %get3A_2121 = arith.constant 80 : index
        %get3A_2122 = tpu.vector_load %arg8[%get3A_2120, %get3A_2121] {strides = array<i32>} : memref<16x256xf32, #tpu.memory_space<vmem>>, vector<16xf32>,
        %get3A_2123 = arith.index_cast %scan3A_1997 : i32 to index
        %get3A_2124 = arith.constant 80 : index
        %get3A_2125 = tpu.vector_load %arg9[%get3A_2123, %get3A_2124] {strides = array<i32>} : memref<16x256xf32, #tpu.memory_space<vmem>>, vector<16xf32>,
        %get3A_2126 = arith.index_cast %scan3A_1997 : i32 to index
        %get3A_2127 = arith.constant 80 : index
        %get3A_2128 = tpu.vector_load %arg10[%get3A_2126, %get3A_2127] {strides = array<i32>} : memref<16x256xf32, #tpu.memory_space<vmem>>, vector<16xf32>,
        %mul3A_2129 = arith.mulf %get3A_2119, %get3A_2119 : vector<16xf32>
        %add3A_2130 = arith.addf %add3A_2106, %mul3A_2129 : vector<16xf32>
        %mul3A_2131 = arith.mulf %get3A_2122, %get3A_2122 : vector<16xf32>
        %add3A_2132 = arith.addf %add3A_2108, %mul3A_2131 : vector<16xf32>
        %mul3A_2133 = arith.mulf %get3A_2119, %get3A_2122 : vector<16xf32>
        %add3A_2134 = arith.addf %add3A_2110, %mul3A_2133 : vector<16xf32>
        %mul3A_2135 = arith.mulf %get3A_2125, %get3A_2125 : vector<16xf32>
        %add3A_2136 = arith.addf %add3A_2112, %mul3A_2135 : vector<16xf32>
        %mul3A_2137 = arith.mulf %get3A_2128, %get3A_2128 : vector<16xf32>
        %add3A_2138 = arith.addf %add3A_2114, %mul3A_2137 : vector<16xf32>
        %mul3A_2139 = arith.mulf %get3A_2125, %get3A_2128 : vector<16xf32>
        %add3A_2140 = arith.addf %add3A_2116, %mul3A_2139 : vector<16xf32>
        %get3A_2141 = arith.index_cast %scan3A_1997 : i32 to index
        %get3A_2142 = arith.constant 96 : index
        %get3A_2143 = tpu.vector_load %arg7[%get3A_2141, %get3A_2142] {strides = array<i32>} : memref<16x256xf32, #tpu.memory_space<vmem>>, vector<16xf32>,
        %get3A_2144 = arith.index_cast %scan3A_1997 : i32 to index
        %get3A_2145 = arith.constant 96 : index
        %get3A_2146 = tpu.vector_load %arg8[%get3A_2144, %get3A_2145] {strides = array<i32>} : memref<16x256xf32, #tpu.memory_space<vmem>>, vector<16xf32>,
        %get3A_2147 = arith.index_cast %scan3A_1997 : i32 to index
        %get3A_2148 = arith.constant 96 : index
        %get3A_2149 = tpu.vector_load %arg9[%get3A_2147, %get3A_2148] {strides = array<i32>} : memref<16x256xf32, #tpu.memory_space<vmem>>, vector<16xf32>,
        %get3A_2150 = arith.index_cast %scan3A_1997 : i32 to index
        %get3A_2151 = arith.constant 96 : index
        %get3A_2152 = tpu.vector_load %arg10[%get3A_2150, %get3A_2151] {strides = array<i32>} : memref<16x256xf32, #tpu.memory_space<vmem>>, vector<16xf32>,
        %mul3A_2153 = arith.mulf %get3A_2143, %get3A_2143 : vector<16xf32>
        %add3A_2154 = arith.addf %add3A_2130, %mul3A_2153 : vector<16xf32>
        %mul3A_2155 = arith.mulf %get3A_2146, %get3A_2146 : vector<16xf32>
        %add3A_2156 = arith.addf %add3A_2132, %mul3A_2155 : vector<16xf32>
        %mul3A_2157 = arith.mulf %get3A_2143, %get3A_2146 : vector<16xf32>
        %add3A_2158 = arith.addf %add3A_2134, %mul3A_2157 : vector<16xf32>
        %mul3A_2159 = arith.mulf %get3A_2149, %get3A_2149 : vector<16xf32>
        %add3A_2160 = arith.addf %add3A_2136, %mul3A_2159 : vector<16xf32>
        %mul3A_2161 = arith.mulf %get3A_2152, %get3A_2152 : vector<16xf32>
        %add3A_2162 = arith.addf %add3A_2138, %mul3A_2161 : vector<16xf32>
        %mul3A_2163 = arith.mulf %get3A_2149, %get3A_2152 : vector<16xf32>
        %add3A_2164 = arith.addf %add3A_2140, %mul3A_2163 : vector<16xf32>
        %get3A_2165 = arith.index_cast %scan3A_1997 : i32 to index
        %get3A_2166 = arith.constant 112 : index
        %get3A_2167 = tpu.vector_load %arg7[%get3A_2165, %get3A_2166] {strides = array<i32>} : memref<16x256xf32, #tpu.memory_space<vmem>>, vector<16xf32>,
        %get3A_2168 = arith.index_cast %scan3A_1997 : i32 to index
        %get3A_2169 = arith.constant 112 : index
        %get3A_2170 = tpu.vector_load %arg8[%get3A_2168, %get3A_2169] {strides = array<i32>} : memref<16x256xf32, #tpu.memory_space<vmem>>, vector<16xf32>,
        %get3A_2171 = arith.index_cast %scan3A_1997 : i32 to index
        %get3A_2172 = arith.constant 112 : index
        %get3A_2173 = tpu.vector_load %arg9[%get3A_2171, %get3A_2172] {strides = array<i32>} : memref<16x256xf32, #tpu.memory_space<vmem>>, vector<16xf32>,
        %get3A_2174 = arith.index_cast %scan3A_1997 : i32 to index
        %get3A_2175 = arith.constant 112 : index
        %get3A_2176 = tpu.vector_load %arg10[%get3A_2174, %get3A_2175] {strides = array<i32>} : memref<16x256xf32, #tpu.memory_space<vmem>>, vector<16xf32>,
        %mul3A_2177 = arith.mulf %get3A_2167, %get3A_2167 : vector<16xf32>
        %add3A_2178 = arith.addf %add3A_2154, %mul3A_2177 : vector<16xf32>
        %mul3A_2179 = arith.mulf %get3A_2170, %get3A_2170 : vector<16xf32>
        %add3A_2180 = arith.addf %add3A_2156, %mul3A_2179 : vector<16xf32>
        %mul3A_2181 = arith.mulf %get3A_2167, %get3A_2170 : vector<16xf32>
        %add3A_2182 = arith.addf %add3A_2158, %mul3A_2181 : vector<16xf32>
        %mul3A_2183 = arith.mulf %get3A_2173, %get3A_2173 : vector<16xf32>
        %add3A_2184 = arith.addf %add3A_2160, %mul3A_2183 : vector<16xf32>
        %mul3A_2185 = arith.mulf %get3A_2176, %get3A_2176 : vector<16xf32>
        %add3A_2186 = arith.addf %add3A_2162, %mul3A_2185 : vector<16xf32>
        %mul3A_2187 = arith.mulf %get3A_2173, %get3A_2176 : vector<16xf32>
        %add3A_2188 = arith.addf %add3A_2164, %mul3A_2187 : vector<16xf32>
        %get3A_2189 = arith.index_cast %scan3A_1997 : i32 to index
        %get3A_2190 = arith.constant 128 : index
        %get3A_2191 = tpu.vector_load %arg7[%get3A_2189, %get3A_2190] {strides = array<i32>} : memref<16x256xf32, #tpu.memory_space<vmem>>, vector<16xf32>,
        %get3A_2192 = arith.index_cast %scan3A_1997 : i32 to index
        %get3A_2193 = arith.constant 128 : index
        %get3A_2194 = tpu.vector_load %arg8[%get3A_2192, %get3A_2193] {strides = array<i32>} : memref<16x256xf32, #tpu.memory_space<vmem>>, vector<16xf32>,
        %get3A_2195 = arith.index_cast %scan3A_1997 : i32 to index
        %get3A_2196 = arith.constant 128 : index
        %get3A_2197 = tpu.vector_load %arg9[%get3A_2195, %get3A_2196] {strides = array<i32>} : memref<16x256xf32, #tpu.memory_space<vmem>>, vector<16xf32>,
        %get3A_2198 = arith.index_cast %scan3A_1997 : i32 to index
        %get3A_2199 = arith.constant 128 : index
        %get3A_2200 = tpu.vector_load %arg10[%get3A_2198, %get3A_2199] {strides = array<i32>} : memref<16x256xf32, #tpu.memory_space<vmem>>, vector<16xf32>,
        %mul3A_2201 = arith.mulf %get3A_2191, %get3A_2191 : vector<16xf32>
        %add3A_2202 = arith.addf %add3A_2178, %mul3A_2201 : vector<16xf32>
        %mul3A_2203 = arith.mulf %get3A_2194, %get3A_2194 : vector<16xf32>
        %add3A_2204 = arith.addf %add3A_2180, %mul3A_2203 : vector<16xf32>
        %mul3A_2205 = arith.mulf %get3A_2191, %get3A_2194 : vector<16xf32>
        %add3A_2206 = arith.addf %add3A_2182, %mul3A_2205 : vector<16xf32>
        %mul3A_2207 = arith.mulf %get3A_2197, %get3A_2197 : vector<16xf32>
        %add3A_2208 = arith.addf %add3A_2184, %mul3A_2207 : vector<16xf32>
        %mul3A_2209 = arith.mulf %get3A_2200, %get3A_2200 : vector<16xf32>
        %add3A_2210 = arith.addf %add3A_2186, %mul3A_2209 : vector<16xf32>
        %mul3A_2211 = arith.mulf %get3A_2197, %get3A_2200 : vector<16xf32>
        %add3A_2212 = arith.addf %add3A_2188, %mul3A_2211 : vector<16xf32>
        %get3A_2213 = arith.index_cast %scan3A_1997 : i32 to index
        %get3A_2214 = arith.constant 144 : index
        %get3A_2215 = tpu.vector_load %arg7[%get3A_2213, %get3A_2214] {strides = array<i32>} : memref<16x256xf32, #tpu.memory_space<vmem>>, vector<16xf32>,
        %get3A_2216 = arith.index_cast %scan3A_1997 : i32 to index
        %get3A_2217 = arith.constant 144 : index
        %get3A_2218 = tpu.vector_load %arg8[%get3A_2216, %get3A_2217] {strides = array<i32>} : memref<16x256xf32, #tpu.memory_space<vmem>>, vector<16xf32>,
        %get3A_2219 = arith.index_cast %scan3A_1997 : i32 to index
        %get3A_2220 = arith.constant 144 : index
        %get3A_2221 = tpu.vector_load %arg9[%get3A_2219, %get3A_2220] {strides = array<i32>} : memref<16x256xf32, #tpu.memory_space<vmem>>, vector<16xf32>,
        %get3A_2222 = arith.index_cast %scan3A_1997 : i32 to index
        %get3A_2223 = arith.constant 144 : index
        %get3A_2224 = tpu.vector_load %arg10[%get3A_2222, %get3A_2223] {strides = array<i32>} : memref<16x256xf32, #tpu.memory_space<vmem>>, vector<16xf32>,
        %mul3A_2225 = arith.mulf %get3A_2215, %get3A_2215 : vector<16xf32>
        %add3A_2226 = arith.addf %add3A_2202, %mul3A_2225 : vector<16xf32>
        %mul3A_2227 = arith.mulf %get3A_2218, %get3A_2218 : vector<16xf32>
        %add3A_2228 = arith.addf %add3A_2204, %mul3A_2227 : vector<16xf32>
        %mul3A_2229 = arith.mulf %get3A_2215, %get3A_2218 : vector<16xf32>
        %add3A_2230 = arith.addf %add3A_2206, %mul3A_2229 : vector<16xf32>
        %mul3A_2231 = arith.mulf %get3A_2221, %get3A_2221 : vector<16xf32>
        %add3A_2232 = arith.addf %add3A_2208, %mul3A_2231 : vector<16xf32>
        %mul3A_2233 = arith.mulf %get3A_2224, %get3A_2224 : vector<16xf32>
        %add3A_2234 = arith.addf %add3A_2210, %mul3A_2233 : vector<16xf32>
        %mul3A_2235 = arith.mulf %get3A_2221, %get3A_2224 : vector<16xf32>
        %add3A_2236 = arith.addf %add3A_2212, %mul3A_2235 : vector<16xf32>
        %get3A_2237 = arith.index_cast %scan3A_1997 : i32 to index
        %get3A_2238 = arith.constant 160 : index
        %get3A_2239 = tpu.vector_load %arg7[%get3A_2237, %get3A_2238] {strides = array<i32>} : memref<16x256xf32, #tpu.memory_space<vmem>>, vector<16xf32>,
        %get3A_2240 = arith.index_cast %scan3A_1997 : i32 to index
        %get3A_2241 = arith.constant 160 : index
        %get3A_2242 = tpu.vector_load %arg8[%get3A_2240, %get3A_2241] {strides = array<i32>} : memref<16x256xf32, #tpu.memory_space<vmem>>, vector<16xf32>,
        %get3A_2243 = arith.index_cast %scan3A_1997 : i32 to index
        %get3A_2244 = arith.constant 160 : index
        %get3A_2245 = tpu.vector_load %arg9[%get3A_2243, %get3A_2244] {strides = array<i32>} : memref<16x256xf32, #tpu.memory_space<vmem>>, vector<16xf32>,
        %get3A_2246 = arith.index_cast %scan3A_1997 : i32 to index
        %get3A_2247 = arith.constant 160 : index
        %get3A_2248 = tpu.vector_load %arg10[%get3A_2246, %get3A_2247] {strides = array<i32>} : memref<16x256xf32, #tpu.memory_space<vmem>>, vector<16xf32>,
        %mul3A_2249 = arith.mulf %get3A_2239, %get3A_2239 : vector<16xf32>
        %add3A_2250 = arith.addf %add3A_2226, %mul3A_2249 : vector<16xf32>
        %mul3A_2251 = arith.mulf %get3A_2242, %get3A_2242 : vector<16xf32>
        %add3A_2252 = arith.addf %add3A_2228, %mul3A_2251 : vector<16xf32>
        %mul3A_2253 = arith.mulf %get3A_2239, %get3A_2242 : vector<16xf32>
        %add3A_2254 = arith.addf %add3A_2230, %mul3A_2253 : vector<16xf32>
        %mul3A_2255 = arith.mulf %get3A_2245, %get3A_2245 : vector<16xf32>
        %add3A_2256 = arith.addf %add3A_2232, %mul3A_2255 : vector<16xf32>
        %mul3A_2257 = arith.mulf %get3A_2248, %get3A_2248 : vector<16xf32>
        %add3A_2258 = arith.addf %add3A_2234, %mul3A_2257 : vector<16xf32>
        %mul3A_2259 = arith.mulf %get3A_2245, %get3A_2248 : vector<16xf32>
        %add3A_2260 = arith.addf %add3A_2236, %mul3A_2259 : vector<16xf32>
        %get3A_2261 = arith.index_cast %scan3A_1997 : i32 to index
        %get3A_2262 = arith.constant 176 : index
        %get3A_2263 = tpu.vector_load %arg7[%get3A_2261, %get3A_2262] {strides = array<i32>} : memref<16x256xf32, #tpu.memory_space<vmem>>, vector<16xf32>,
        %get3A_2264 = arith.index_cast %scan3A_1997 : i32 to index
        %get3A_2265 = arith.constant 176 : index
        %get3A_2266 = tpu.vector_load %arg8[%get3A_2264, %get3A_2265] {strides = array<i32>} : memref<16x256xf32, #tpu.memory_space<vmem>>, vector<16xf32>,
        %get3A_2267 = arith.index_cast %scan3A_1997 : i32 to index
        %get3A_2268 = arith.constant 176 : index
        %get3A_2269 = tpu.vector_load %arg9[%get3A_2267, %get3A_2268] {strides = array<i32>} : memref<16x256xf32, #tpu.memory_space<vmem>>, vector<16xf32>,
        %get3A_2270 = arith.index_cast %scan3A_1997 : i32 to index
        %get3A_2271 = arith.constant 176 : index
        %get3A_2272 = tpu.vector_load %arg10[%get3A_2270, %get3A_2271] {strides = array<i32>} : memref<16x256xf32, #tpu.memory_space<vmem>>, vector<16xf32>,
        %mul3A_2273 = arith.mulf %get3A_2263, %get3A_2263 : vector<16xf32>
        %add3A_2274 = arith.addf %add3A_2250, %mul3A_2273 : vector<16xf32>
        %mul3A_2275 = arith.mulf %get3A_2266, %get3A_2266 : vector<16xf32>
        %add3A_2276 = arith.addf %add3A_2252, %mul3A_2275 : vector<16xf32>
        %mul3A_2277 = arith.mulf %get3A_2263, %get3A_2266 : vector<16xf32>
        %add3A_2278 = arith.addf %add3A_2254, %mul3A_2277 : vector<16xf32>
        %mul3A_2279 = arith.mulf %get3A_2269, %get3A_2269 : vector<16xf32>
        %add3A_2280 = arith.addf %add3A_2256, %mul3A_2279 : vector<16xf32>
        %mul3A_2281 = arith.mulf %get3A_2272, %get3A_2272 : vector<16xf32>
        %add3A_2282 = arith.addf %add3A_2258, %mul3A_2281 : vector<16xf32>
        %mul3A_2283 = arith.mulf %get3A_2269, %get3A_2272 : vector<16xf32>
        %add3A_2284 = arith.addf %add3A_2260, %mul3A_2283 : vector<16xf32>
        %get3A_2285 = arith.index_cast %scan3A_1997 : i32 to index
        %get3A_2286 = arith.constant 192 : index
        %get3A_2287 = tpu.vector_load %arg7[%get3A_2285, %get3A_2286] {strides = array<i32>} : memref<16x256xf32, #tpu.memory_space<vmem>>, vector<16xf32>,
        %get3A_2288 = arith.index_cast %scan3A_1997 : i32 to index
        %get3A_2289 = arith.constant 192 : index
        %get3A_2290 = tpu.vector_load %arg8[%get3A_2288, %get3A_2289] {strides = array<i32>} : memref<16x256xf32, #tpu.memory_space<vmem>>, vector<16xf32>,
        %get3A_2291 = arith.index_cast %scan3A_1997 : i32 to index
        %get3A_2292 = arith.constant 192 : index
        %get3A_2293 = tpu.vector_load %arg9[%get3A_2291, %get3A_2292] {strides = array<i32>} : memref<16x256xf32, #tpu.memory_space<vmem>>, vector<16xf32>,
        %get3A_2294 = arith.index_cast %scan3A_1997 : i32 to index
        %get3A_2295 = arith.constant 192 : index
        %get3A_2296 = tpu.vector_load %arg10[%get3A_2294, %get3A_2295] {strides = array<i32>} : memref<16x256xf32, #tpu.memory_space<vmem>>, vector<16xf32>,
        %mul3A_2297 = arith.mulf %get3A_2287, %get3A_2287 : vector<16xf32>
        %add3A_2298 = arith.addf %add3A_2274, %mul3A_2297 : vector<16xf32>
        %mul3A_2299 = arith.mulf %get3A_2290, %get3A_2290 : vector<16xf32>
        %add3A_2300 = arith.addf %add3A_2276, %mul3A_2299 : vector<16xf32>
        %mul3A_2301 = arith.mulf %get3A_2287, %get3A_2290 : vector<16xf32>
        %add3A_2302 = arith.addf %add3A_2278, %mul3A_2301 : vector<16xf32>
        %mul3A_2303 = arith.mulf %get3A_2293, %get3A_2293 : vector<16xf32>
        %add3A_2304 = arith.addf %add3A_2280, %mul3A_2303 : vector<16xf32>
        %mul3A_2305 = arith.mulf %get3A_2296, %get3A_2296 : vector<16xf32>
        %add3A_2306 = arith.addf %add3A_2282, %mul3A_2305 : vector<16xf32>
        %mul3A_2307 = arith.mulf %get3A_2293, %get3A_2296 : vector<16xf32>
        %add3A_2308 = arith.addf %add3A_2284, %mul3A_2307 : vector<16xf32>
        %get3A_2309 = arith.index_cast %scan3A_1997 : i32 to index
        %get3A_2310 = arith.constant 208 : index
        %get3A_2311 = tpu.vector_load %arg7[%get3A_2309, %get3A_2310] {strides = array<i32>} : memref<16x256xf32, #tpu.memory_space<vmem>>, vector<16xf32>,
        %get3A_2312 = arith.index_cast %scan3A_1997 : i32 to index
        %get3A_2313 = arith.constant 208 : index
        %get3A_2314 = tpu.vector_load %arg8[%get3A_2312, %get3A_2313] {strides = array<i32>} : memref<16x256xf32, #tpu.memory_space<vmem>>, vector<16xf32>,
        %get3A_2315 = arith.index_cast %scan3A_1997 : i32 to index
        %get3A_2316 = arith.constant 208 : index
        %get3A_2317 = tpu.vector_load %arg9[%get3A_2315, %get3A_2316] {strides = array<i32>} : memref<16x256xf32, #tpu.memory_space<vmem>>, vector<16xf32>,
        %get3A_2318 = arith.index_cast %scan3A_1997 : i32 to index
        %get3A_2319 = arith.constant 208 : index
        %get3A_2320 = tpu.vector_load %arg10[%get3A_2318, %get3A_2319] {strides = array<i32>} : memref<16x256xf32, #tpu.memory_space<vmem>>, vector<16xf32>,
        %mul3A_2321 = arith.mulf %get3A_2311, %get3A_2311 : vector<16xf32>
        %add3A_2322 = arith.addf %add3A_2298, %mul3A_2321 : vector<16xf32>
        %mul3A_2323 = arith.mulf %get3A_2314, %get3A_2314 : vector<16xf32>
        %add3A_2324 = arith.addf %add3A_2300, %mul3A_2323 : vector<16xf32>
        %mul3A_2325 = arith.mulf %get3A_2311, %get3A_2314 : vector<16xf32>
        %add3A_2326 = arith.addf %add3A_2302, %mul3A_2325 : vector<16xf32>
        %mul3A_2327 = arith.mulf %get3A_2317, %get3A_2317 : vector<16xf32>
        %add3A_2328 = arith.addf %add3A_2304, %mul3A_2327 : vector<16xf32>
        %mul3A_2329 = arith.mulf %get3A_2320, %get3A_2320 : vector<16xf32>
        %add3A_2330 = arith.addf %add3A_2306, %mul3A_2329 : vector<16xf32>
        %mul3A_2331 = arith.mulf %get3A_2317, %get3A_2320 : vector<16xf32>
        %add3A_2332 = arith.addf %add3A_2308, %mul3A_2331 : vector<16xf32>
        %get3A_2333 = arith.index_cast %scan3A_1997 : i32 to index
        %get3A_2334 = arith.constant 224 : index
        %get3A_2335 = tpu.vector_load %arg7[%get3A_2333, %get3A_2334] {strides = array<i32>} : memref<16x256xf32, #tpu.memory_space<vmem>>, vector<16xf32>,
        %get3A_2336 = arith.index_cast %scan3A_1997 : i32 to index
        %get3A_2337 = arith.constant 224 : index
        %get3A_2338 = tpu.vector_load %arg8[%get3A_2336, %get3A_2337] {strides = array<i32>} : memref<16x256xf32, #tpu.memory_space<vmem>>, vector<16xf32>,
        %get3A_2339 = arith.index_cast %scan3A_1997 : i32 to index
        %get3A_2340 = arith.constant 224 : index
        %get3A_2341 = tpu.vector_load %arg9[%get3A_2339, %get3A_2340] {strides = array<i32>} : memref<16x256xf32, #tpu.memory_space<vmem>>, vector<16xf32>,
        %get3A_2342 = arith.index_cast %scan3A_1997 : i32 to index
        %get3A_2343 = arith.constant 224 : index
        %get3A_2344 = tpu.vector_load %arg10[%get3A_2342, %get3A_2343] {strides = array<i32>} : memref<16x256xf32, #tpu.memory_space<vmem>>, vector<16xf32>,
        %mul3A_2345 = arith.mulf %get3A_2335, %get3A_2335 : vector<16xf32>
        %add3A_2346 = arith.addf %add3A_2322, %mul3A_2345 : vector<16xf32>
        %mul3A_2347 = arith.mulf %get3A_2338, %get3A_2338 : vector<16xf32>
        %add3A_2348 = arith.addf %add3A_2324, %mul3A_2347 : vector<16xf32>
        %mul3A_2349 = arith.mulf %get3A_2335, %get3A_2338 : vector<16xf32>
        %add3A_2350 = arith.addf %add3A_2326, %mul3A_2349 : vector<16xf32>
        %mul3A_2351 = arith.mulf %get3A_2341, %get3A_2341 : vector<16xf32>
        %add3A_2352 = arith.addf %add3A_2328, %mul3A_2351 : vector<16xf32>
        %mul3A_2353 = arith.mulf %get3A_2344, %get3A_2344 : vector<16xf32>
        %add3A_2354 = arith.addf %add3A_2330, %mul3A_2353 : vector<16xf32>
        %mul3A_2355 = arith.mulf %get3A_2341, %get3A_2344 : vector<16xf32>
        %add3A_2356 = arith.addf %add3A_2332, %mul3A_2355 : vector<16xf32>
        %get3A_2357 = arith.index_cast %scan3A_1997 : i32 to index
        %get3A_2358 = arith.constant 240 : index
        %get3A_2359 = tpu.vector_load %arg7[%get3A_2357, %get3A_2358] {strides = array<i32>} : memref<16x256xf32, #tpu.memory_space<vmem>>, vector<16xf32>,
        %get3A_2360 = arith.index_cast %scan3A_1997 : i32 to index
        %get3A_2361 = arith.constant 240 : index
        %get3A_2362 = tpu.vector_load %arg8[%get3A_2360, %get3A_2361] {strides = array<i32>} : memref<16x256xf32, #tpu.memory_space<vmem>>, vector<16xf32>,
        %get3A_2363 = arith.index_cast %scan3A_1997 : i32 to index
        %get3A_2364 = arith.constant 240 : index
        %get3A_2365 = tpu.vector_load %arg9[%get3A_2363, %get3A_2364] {strides = array<i32>} : memref<16x256xf32, #tpu.memory_space<vmem>>, vector<16xf32>,
        %get3A_2366 = arith.index_cast %scan3A_1997 : i32 to index
        %get3A_2367 = arith.constant 240 : index
        %get3A_2368 = tpu.vector_load %arg10[%get3A_2366, %get3A_2367] {strides = array<i32>} : memref<16x256xf32, #tpu.memory_space<vmem>>, vector<16xf32>,
        %mul3A_2369 = arith.mulf %get3A_2359, %get3A_2359 : vector<16xf32>
        %add3A_2370 = arith.addf %add3A_2346, %mul3A_2369 : vector<16xf32>
        %mul3A_2371 = arith.mulf %get3A_2362, %get3A_2362 : vector<16xf32>
        %add3A_2372 = arith.addf %add3A_2348, %mul3A_2371 : vector<16xf32>
        %mul3A_2373 = arith.mulf %get3A_2359, %get3A_2362 : vector<16xf32>
        %add3A_2374 = arith.addf %add3A_2350, %mul3A_2373 : vector<16xf32>
        %mul3A_2375 = arith.mulf %get3A_2365, %get3A_2365 : vector<16xf32>
        %add3A_2376 = arith.addf %add3A_2352, %mul3A_2375 : vector<16xf32>
        %mul3A_2377 = arith.mulf %get3A_2368, %get3A_2368 : vector<16xf32>
        %add3A_2378 = arith.addf %add3A_2354, %mul3A_2377 : vector<16xf32>
        %mul3A_2379 = arith.mulf %get3A_2365, %get3A_2368 : vector<16xf32>
        %add3A_2380 = arith.addf %add3A_2356, %mul3A_2379 : vector<16xf32>
        %mul3A_2381 = arith.constant 17 : i32
        %mul3A_2382 = arith.muli %scan3A_1997, %mul3A_2381 : i32
        %swap3A_2383 = arith.index_cast %mul3A_2382 : i32 to index
        %swap3A_2384 = tpu.vector_load %arg15[%swap3A_2383] {strides = array<i32>} : memref<272xf32, #tpu.memory_space<vmem>>, vector<16xf32>,
        tpu.vector_store %arg15[%swap3A_2383], %add3A_2370 {strides = array<i32>} : memref<272xf32, #tpu.memory_space<vmem>>, vector<16xf32>,
        %swap3A_2385 = arith.index_cast %mul3A_2382 : i32 to index
        %swap3A_2386 = tpu.vector_load %arg16[%swap3A_2385] {strides = array<i32>} : memref<272xf32, #tpu.memory_space<vmem>>, vector<16xf32>,
        tpu.vector_store %arg16[%swap3A_2385], %add3A_2372 {strides = array<i32>} : memref<272xf32, #tpu.memory_space<vmem>>, vector<16xf32>,
        %swap3A_2387 = arith.index_cast %mul3A_2382 : i32 to index
        %swap3A_2388 = tpu.vector_load %arg17[%swap3A_2387] {strides = array<i32>} : memref<272xf32, #tpu.memory_space<vmem>>, vector<16xf32>,
        tpu.vector_store %arg17[%swap3A_2387], %add3A_2374 {strides = array<i32>} : memref<272xf32, #tpu.memory_space<vmem>>, vector<16xf32>,
        %swap3A_2389 = arith.index_cast %mul3A_2382 : i32 to index
        %swap3A_2390 = tpu.vector_load %arg18[%swap3A_2389] {strides = array<i32>} : memref<272xf32, #tpu.memory_space<vmem>>, vector<16xf32>,
        tpu.vector_store %arg18[%swap3A_2389], %add3A_2376 {strides = array<i32>} : memref<272xf32, #tpu.memory_space<vmem>>, vector<16xf32>,
        %swap3A_2391 = arith.index_cast %mul3A_2382 : i32 to index
        %swap3A_2392 = tpu.vector_load %arg19[%swap3A_2391] {strides = array<i32>} : memref<272xf32, #tpu.memory_space<vmem>>, vector<16xf32>,
        tpu.vector_store %arg19[%swap3A_2391], %add3A_2378 {strides = array<i32>} : memref<272xf32, #tpu.memory_space<vmem>>, vector<16xf32>,
        %swap3A_2393 = arith.index_cast %mul3A_2382 : i32 to index
        %swap3A_2394 = tpu.vector_load %arg20[%swap3A_2393] {strides = array<i32>} : memref<272xf32, #tpu.memory_space<vmem>>, vector<16xf32>,
        tpu.vector_store %arg20[%swap3A_2393], %add3A_2380 {strides = array<i32>} : memref<272xf32, #tpu.memory_space<vmem>>, vector<16xf32>,
        %scan3A_2395 = arith.constant 1 : i32
        %scan3A_2396 = arith.addi %scan3A_1997, %scan3A_2395 : i32
        %get3A_2397 = arith.index_cast %scan3A_2396 : i32 to index
        %get3A_2398 = arith.constant 0 : index
        %get3A_2399 = tpu.vector_load %arg7[%get3A_2397, %get3A_2398] {strides = array<i32>} : memref<16x256xf32, #tpu.memory_space<vmem>>, vector<16xf32>,
        %get3A_2400 = arith.index_cast %scan3A_2396 : i32 to index
        %get3A_2401 = arith.constant 0 : index
        %get3A_2402 = tpu.vector_load %arg8[%get3A_2400, %get3A_2401] {strides = array<i32>} : memref<16x256xf32, #tpu.memory_space<vmem>>, vector<16xf32>,
        %get3A_2403 = arith.index_cast %scan3A_2396 : i32 to index
        %get3A_2404 = arith.constant 0 : index
        %get3A_2405 = tpu.vector_load %arg9[%get3A_2403, %get3A_2404] {strides = array<i32>} : memref<16x256xf32, #tpu.memory_space<vmem>>, vector<16xf32>,
        %get3A_2406 = arith.index_cast %scan3A_2396 : i32 to index
        %get3A_2407 = arith.constant 0 : index
        %get3A_2408 = tpu.vector_load %arg10[%get3A_2406, %get3A_2407] {strides = array<i32>} : memref<16x256xf32, #tpu.memory_space<vmem>>, vector<16xf32>,
        %mul3A_2409 = arith.mulf %get3A_2399, %get3A_2399 : vector<16xf32>
        %add3A_2410 = arith.addf %broadcast_in_dim3A_1, %mul3A_2409 : vector<16xf32>
        %mul3A_2411 = arith.mulf %get3A_2402, %get3A_2402 : vector<16xf32>
        %add3A_2412 = arith.addf %broadcast_in_dim3A_1, %mul3A_2411 : vector<16xf32>
        %mul3A_2413 = arith.mulf %get3A_2399, %get3A_2402 : vector<16xf32>
        %add3A_2414 = arith.addf %broadcast_in_dim3A_1, %mul3A_2413 : vector<16xf32>
        %mul3A_2415 = arith.mulf %get3A_2405, %get3A_2405 : vector<16xf32>
        %add3A_2416 = arith.addf %broadcast_in_dim3A_1, %mul3A_2415 : vector<16xf32>
        %mul3A_2417 = arith.mulf %get3A_2408, %get3A_2408 : vector<16xf32>
        %add3A_2418 = arith.addf %broadcast_in_dim3A_1, %mul3A_2417 : vector<16xf32>
        %mul3A_2419 = arith.mulf %get3A_2405, %get3A_2408 : vector<16xf32>
        %add3A_2420 = arith.addf %broadcast_in_dim3A_1, %mul3A_2419 : vector<16xf32>
        %get3A_2421 = arith.index_cast %scan3A_2396 : i32 to index
        %get3A_2422 = arith.constant 16 : index
        %get3A_2423 = tpu.vector_load %arg7[%get3A_2421, %get3A_2422] {strides = array<i32>} : memref<16x256xf32, #tpu.memory_space<vmem>>, vector<16xf32>,
        %get3A_2424 = arith.index_cast %scan3A_2396 : i32 to index
        %get3A_2425 = arith.constant 16 : index
        %get3A_2426 = tpu.vector_load %arg8[%get3A_2424, %get3A_2425] {strides = array<i32>} : memref<16x256xf32, #tpu.memory_space<vmem>>, vector<16xf32>,
        %get3A_2427 = arith.index_cast %scan3A_2396 : i32 to index
        %get3A_2428 = arith.constant 16 : index
        %get3A_2429 = tpu.vector_load %arg9[%get3A_2427, %get3A_2428] {strides = array<i32>} : memref<16x256xf32, #tpu.memory_space<vmem>>, vector<16xf32>,
        %get3A_2430 = arith.index_cast %scan3A_2396 : i32 to index
        %get3A_2431 = arith.constant 16 : index
        %get3A_2432 = tpu.vector_load %arg10[%get3A_2430, %get3A_2431] {strides = array<i32>} : memref<16x256xf32, #tpu.memory_space<vmem>>, vector<16xf32>,
        %mul3A_2433 = arith.mulf %get3A_2423, %get3A_2423 : vector<16xf32>
        %add3A_2434 = arith.addf %add3A_2410, %mul3A_2433 : vector<16xf32>
        %mul3A_2435 = arith.mulf %get3A_2426, %get3A_2426 : vector<16xf32>
        %add3A_2436 = arith.addf %add3A_2412, %mul3A_2435 : vector<16xf32>
        %mul3A_2437 = arith.mulf %get3A_2423, %get3A_2426 : vector<16xf32>
        %add3A_2438 = arith.addf %add3A_2414, %mul3A_2437 : vector<16xf32>
        %mul3A_2439 = arith.mulf %get3A_2429, %get3A_2429 : vector<16xf32>
        %add3A_2440 = arith.addf %add3A_2416, %mul3A_2439 : vector<16xf32>
        %mul3A_2441 = arith.mulf %get3A_2432, %get3A_2432 : vector<16xf32>
        %add3A_2442 = arith.addf %add3A_2418, %mul3A_2441 : vector<16xf32>
        %mul3A_2443 = arith.mulf %get3A_2429, %get3A_2432 : vector<16xf32>
        %add3A_2444 = arith.addf %add3A_2420, %mul3A_2443 : vector<16xf32>
        %get3A_2445 = arith.index_cast %scan3A_2396 : i32 to index
        %get3A_2446 = arith.constant 32 : index
        %get3A_2447 = tpu.vector_load %arg7[%get3A_2445, %get3A_2446] {strides = array<i32>} : memref<16x256xf32, #tpu.memory_space<vmem>>, vector<16xf32>,
        %get3A_2448 = arith.index_cast %scan3A_2396 : i32 to index
        %get3A_2449 = arith.constant 32 : index
        %get3A_2450 = tpu.vector_load %arg8[%get3A_2448, %get3A_2449] {strides = array<i32>} : memref<16x256xf32, #tpu.memory_space<vmem>>, vector<16xf32>,
        %get3A_2451 = arith.index_cast %scan3A_2396 : i32 to index
        %get3A_2452 = arith.constant 32 : index
        %get3A_2453 = tpu.vector_load %arg9[%get3A_2451, %get3A_2452] {strides = array<i32>} : memref<16x256xf32, #tpu.memory_space<vmem>>, vector<16xf32>,
        %get3A_2454 = arith.index_cast %scan3A_2396 : i32 to index
        %get3A_2455 = arith.constant 32 : index
        %get3A_2456 = tpu.vector_load %arg10[%get3A_2454, %get3A_2455] {strides = array<i32>} : memref<16x256xf32, #tpu.memory_space<vmem>>, vector<16xf32>,
        %mul3A_2457 = arith.mulf %get3A_2447, %get3A_2447 : vector<16xf32>
        %add3A_2458 = arith.addf %add3A_2434, %mul3A_2457 : vector<16xf32>
        %mul3A_2459 = arith.mulf %get3A_2450, %get3A_2450 : vector<16xf32>
        %add3A_2460 = arith.addf %add3A_2436, %mul3A_2459 : vector<16xf32>
        %mul3A_2461 = arith.mulf %get3A_2447, %get3A_2450 : vector<16xf32>
        %add3A_2462 = arith.addf %add3A_2438, %mul3A_2461 : vector<16xf32>
        %mul3A_2463 = arith.mulf %get3A_2453, %get3A_2453 : vector<16xf32>
        %add3A_2464 = arith.addf %add3A_2440, %mul3A_2463 : vector<16xf32>
        %mul3A_2465 = arith.mulf %get3A_2456, %get3A_2456 : vector<16xf32>
        %add3A_2466 = arith.addf %add3A_2442, %mul3A_2465 : vector<16xf32>
        %mul3A_2467 = arith.mulf %get3A_2453, %get3A_2456 : vector<16xf32>
        %add3A_2468 = arith.addf %add3A_2444, %mul3A_2467 : vector<16xf32>
        %get3A_2469 = arith.index_cast %scan3A_2396 : i32 to index
        %get3A_2470 = arith.constant 48 : index
        %get3A_2471 = tpu.vector_load %arg7[%get3A_2469, %get3A_2470] {strides = array<i32>} : memref<16x256xf32, #tpu.memory_space<vmem>>, vector<16xf32>,
        %get3A_2472 = arith.index_cast %scan3A_2396 : i32 to index
        %get3A_2473 = arith.constant 48 : index
        %get3A_2474 = tpu.vector_load %arg8[%get3A_2472, %get3A_2473] {strides = array<i32>} : memref<16x256xf32, #tpu.memory_space<vmem>>, vector<16xf32>,
        %get3A_2475 = arith.index_cast %scan3A_2396 : i32 to index
        %get3A_2476 = arith.constant 48 : index
        %get3A_2477 = tpu.vector_load %arg9[%get3A_2475, %get3A_2476] {strides = array<i32>} : memref<16x256xf32, #tpu.memory_space<vmem>>, vector<16xf32>,
        %get3A_2478 = arith.index_cast %scan3A_2396 : i32 to index
        %get3A_2479 = arith.constant 48 : index
        %get3A_2480 = tpu.vector_load %arg10[%get3A_2478, %get3A_2479] {strides = array<i32>} : memref<16x256xf32, #tpu.memory_space<vmem>>, vector<16xf32>,
        %mul3A_2481 = arith.mulf %get3A_2471, %get3A_2471 : vector<16xf32>
        %add3A_2482 = arith.addf %add3A_2458, %mul3A_2481 : vector<16xf32>
        %mul3A_2483 = arith.mulf %get3A_2474, %get3A_2474 : vector<16xf32>
        %add3A_2484 = arith.addf %add3A_2460, %mul3A_2483 : vector<16xf32>
        %mul3A_2485 = arith.mulf %get3A_2471, %get3A_2474 : vector<16xf32>
        %add3A_2486 = arith.addf %add3A_2462, %mul3A_2485 : vector<16xf32>
        %mul3A_2487 = arith.mulf %get3A_2477, %get3A_2477 : vector<16xf32>
        %add3A_2488 = arith.addf %add3A_2464, %mul3A_2487 : vector<16xf32>
        %mul3A_2489 = arith.mulf %get3A_2480, %get3A_2480 : vector<16xf32>
        %add3A_2490 = arith.addf %add3A_2466, %mul3A_2489 : vector<16xf32>
        %mul3A_2491 = arith.mulf %get3A_2477, %get3A_2480 : vector<16xf32>
        %add3A_2492 = arith.addf %add3A_2468, %mul3A_2491 : vector<16xf32>
        %get3A_2493 = arith.index_cast %scan3A_2396 : i32 to index
        %get3A_2494 = arith.constant 64 : index
        %get3A_2495 = tpu.vector_load %arg7[%get3A_2493, %get3A_2494] {strides = array<i32>} : memref<16x256xf32, #tpu.memory_space<vmem>>, vector<16xf32>,
        %get3A_2496 = arith.index_cast %scan3A_2396 : i32 to index
        %get3A_2497 = arith.constant 64 : index
        %get3A_2498 = tpu.vector_load %arg8[%get3A_2496, %get3A_2497] {strides = array<i32>} : memref<16x256xf32, #tpu.memory_space<vmem>>, vector<16xf32>,
        %get3A_2499 = arith.index_cast %scan3A_2396 : i32 to index
        %get3A_2500 = arith.constant 64 : index
        %get3A_2501 = tpu.vector_load %arg9[%get3A_2499, %get3A_2500] {strides = array<i32>} : memref<16x256xf32, #tpu.memory_space<vmem>>, vector<16xf32>,
        %get3A_2502 = arith.index_cast %scan3A_2396 : i32 to index
        %get3A_2503 = arith.constant 64 : index
        %get3A_2504 = tpu.vector_load %arg10[%get3A_2502, %get3A_2503] {strides = array<i32>} : memref<16x256xf32, #tpu.memory_space<vmem>>, vector<16xf32>,
        %mul3A_2505 = arith.mulf %get3A_2495, %get3A_2495 : vector<16xf32>
        %add3A_2506 = arith.addf %add3A_2482, %mul3A_2505 : vector<16xf32>
        %mul3A_2507 = arith.mulf %get3A_2498, %get3A_2498 : vector<16xf32>
        %add3A_2508 = arith.addf %add3A_2484, %mul3A_2507 : vector<16xf32>
        %mul3A_2509 = arith.mulf %get3A_2495, %get3A_2498 : vector<16xf32>
        %add3A_2510 = arith.addf %add3A_2486, %mul3A_2509 : vector<16xf32>
        %mul3A_2511 = arith.mulf %get3A_2501, %get3A_2501 : vector<16xf32>
        %add3A_2512 = arith.addf %add3A_2488, %mul3A_2511 : vector<16xf32>
        %mul3A_2513 = arith.mulf %get3A_2504, %get3A_2504 : vector<16xf32>
        %add3A_2514 = arith.addf %add3A_2490, %mul3A_2513 : vector<16xf32>
        %mul3A_2515 = arith.mulf %get3A_2501, %get3A_2504 : vector<16xf32>
        %add3A_2516 = arith.addf %add3A_2492, %mul3A_2515 : vector<16xf32>
        %get3A_2517 = arith.index_cast %scan3A_2396 : i32 to index
        %get3A_2518 = arith.constant 80 : index
        %get3A_2519 = tpu.vector_load %arg7[%get3A_2517, %get3A_2518] {strides = array<i32>} : memref<16x256xf32, #tpu.memory_space<vmem>>, vector<16xf32>,
        %get3A_2520 = arith.index_cast %scan3A_2396 : i32 to index
        %get3A_2521 = arith.constant 80 : index
        %get3A_2522 = tpu.vector_load %arg8[%get3A_2520, %get3A_2521] {strides = array<i32>} : memref<16x256xf32, #tpu.memory_space<vmem>>, vector<16xf32>,
        %get3A_2523 = arith.index_cast %scan3A_2396 : i32 to index
        %get3A_2524 = arith.constant 80 : index
        %get3A_2525 = tpu.vector_load %arg9[%get3A_2523, %get3A_2524] {strides = array<i32>} : memref<16x256xf32, #tpu.memory_space<vmem>>, vector<16xf32>,
        %get3A_2526 = arith.index_cast %scan3A_2396 : i32 to index
        %get3A_2527 = arith.constant 80 : index
        %get3A_2528 = tpu.vector_load %arg10[%get3A_2526, %get3A_2527] {strides = array<i32>} : memref<16x256xf32, #tpu.memory_space<vmem>>, vector<16xf32>,
        %mul3A_2529 = arith.mulf %get3A_2519, %get3A_2519 : vector<16xf32>
        %add3A_2530 = arith.addf %add3A_2506, %mul3A_2529 : vector<16xf32>
        %mul3A_2531 = arith.mulf %get3A_2522, %get3A_2522 : vector<16xf32>
        %add3A_2532 = arith.addf %add3A_2508, %mul3A_2531 : vector<16xf32>
        %mul3A_2533 = arith.mulf %get3A_2519, %get3A_2522 : vector<16xf32>
        %add3A_2534 = arith.addf %add3A_2510, %mul3A_2533 : vector<16xf32>
        %mul3A_2535 = arith.mulf %get3A_2525, %get3A_2525 : vector<16xf32>
        %add3A_2536 = arith.addf %add3A_2512, %mul3A_2535 : vector<16xf32>
        %mul3A_2537 = arith.mulf %get3A_2528, %get3A_2528 : vector<16xf32>
        %add3A_2538 = arith.addf %add3A_2514, %mul3A_2537 : vector<16xf32>
        %mul3A_2539 = arith.mulf %get3A_2525, %get3A_2528 : vector<16xf32>
        %add3A_2540 = arith.addf %add3A_2516, %mul3A_2539 : vector<16xf32>
        %get3A_2541 = arith.index_cast %scan3A_2396 : i32 to index
        %get3A_2542 = arith.constant 96 : index
        %get3A_2543 = tpu.vector_load %arg7[%get3A_2541, %get3A_2542] {strides = array<i32>} : memref<16x256xf32, #tpu.memory_space<vmem>>, vector<16xf32>,
        %get3A_2544 = arith.index_cast %scan3A_2396 : i32 to index
        %get3A_2545 = arith.constant 96 : index
        %get3A_2546 = tpu.vector_load %arg8[%get3A_2544, %get3A_2545] {strides = array<i32>} : memref<16x256xf32, #tpu.memory_space<vmem>>, vector<16xf32>,
        %get3A_2547 = arith.index_cast %scan3A_2396 : i32 to index
        %get3A_2548 = arith.constant 96 : index
        %get3A_2549 = tpu.vector_load %arg9[%get3A_2547, %get3A_2548] {strides = array<i32>} : memref<16x256xf32, #tpu.memory_space<vmem>>, vector<16xf32>,
        %get3A_2550 = arith.index_cast %scan3A_2396 : i32 to index
        %get3A_2551 = arith.constant 96 : index
        %get3A_2552 = tpu.vector_load %arg10[%get3A_2550, %get3A_2551] {strides = array<i32>} : memref<16x256xf32, #tpu.memory_space<vmem>>, vector<16xf32>,
        %mul3A_2553 = arith.mulf %get3A_2543, %get3A_2543 : vector<16xf32>
        %add3A_2554 = arith.addf %add3A_2530, %mul3A_2553 : vector<16xf32>
        %mul3A_2555 = arith.mulf %get3A_2546, %get3A_2546 : vector<16xf32>
        %add3A_2556 = arith.addf %add3A_2532, %mul3A_2555 : vector<16xf32>
        %mul3A_2557 = arith.mulf %get3A_2543, %get3A_2546 : vector<16xf32>
        %add3A_2558 = arith.addf %add3A_2534, %mul3A_2557 : vector<16xf32>
        %mul3A_2559 = arith.mulf %get3A_2549, %get3A_2549 : vector<16xf32>
        %add3A_2560 = arith.addf %add3A_2536, %mul3A_2559 : vector<16xf32>
        %mul3A_2561 = arith.mulf %get3A_2552, %get3A_2552 : vector<16xf32>
        %add3A_2562 = arith.addf %add3A_2538, %mul3A_2561 : vector<16xf32>
        %mul3A_2563 = arith.mulf %get3A_2549, %get3A_2552 : vector<16xf32>
        %add3A_2564 = arith.addf %add3A_2540, %mul3A_2563 : vector<16xf32>
        %get3A_2565 = arith.index_cast %scan3A_2396 : i32 to index
        %get3A_2566 = arith.constant 112 : index
        %get3A_2567 = tpu.vector_load %arg7[%get3A_2565, %get3A_2566] {strides = array<i32>} : memref<16x256xf32, #tpu.memory_space<vmem>>, vector<16xf32>,
        %get3A_2568 = arith.index_cast %scan3A_2396 : i32 to index
        %get3A_2569 = arith.constant 112 : index
        %get3A_2570 = tpu.vector_load %arg8[%get3A_2568, %get3A_2569] {strides = array<i32>} : memref<16x256xf32, #tpu.memory_space<vmem>>, vector<16xf32>,
        %get3A_2571 = arith.index_cast %scan3A_2396 : i32 to index
        %get3A_2572 = arith.constant 112 : index
        %get3A_2573 = tpu.vector_load %arg9[%get3A_2571, %get3A_2572] {strides = array<i32>} : memref<16x256xf32, #tpu.memory_space<vmem>>, vector<16xf32>,
        %get3A_2574 = arith.index_cast %scan3A_2396 : i32 to index
        %get3A_2575 = arith.constant 112 : index
        %get3A_2576 = tpu.vector_load %arg10[%get3A_2574, %get3A_2575] {strides = array<i32>} : memref<16x256xf32, #tpu.memory_space<vmem>>, vector<16xf32>,
        %mul3A_2577 = arith.mulf %get3A_2567, %get3A_2567 : vector<16xf32>
        %add3A_2578 = arith.addf %add3A_2554, %mul3A_2577 : vector<16xf32>
        %mul3A_2579 = arith.mulf %get3A_2570, %get3A_2570 : vector<16xf32>
        %add3A_2580 = arith.addf %add3A_2556, %mul3A_2579 : vector<16xf32>
        %mul3A_2581 = arith.mulf %get3A_2567, %get3A_2570 : vector<16xf32>
        %add3A_2582 = arith.addf %add3A_2558, %mul3A_2581 : vector<16xf32>
        %mul3A_2583 = arith.mulf %get3A_2573, %get3A_2573 : vector<16xf32>
        %add3A_2584 = arith.addf %add3A_2560, %mul3A_2583 : vector<16xf32>
        %mul3A_2585 = arith.mulf %get3A_2576, %get3A_2576 : vector<16xf32>
        %add3A_2586 = arith.addf %add3A_2562, %mul3A_2585 : vector<16xf32>
        %mul3A_2587 = arith.mulf %get3A_2573, %get3A_2576 : vector<16xf32>
        %add3A_2588 = arith.addf %add3A_2564, %mul3A_2587 : vector<16xf32>
        %get3A_2589 = arith.index_cast %scan3A_2396 : i32 to index
        %get3A_2590 = arith.constant 128 : index
        %get3A_2591 = tpu.vector_load %arg7[%get3A_2589, %get3A_2590] {strides = array<i32>} : memref<16x256xf32, #tpu.memory_space<vmem>>, vector<16xf32>,
        %get3A_2592 = arith.index_cast %scan3A_2396 : i32 to index
        %get3A_2593 = arith.constant 128 : index
        %get3A_2594 = tpu.vector_load %arg8[%get3A_2592, %get3A_2593] {strides = array<i32>} : memref<16x256xf32, #tpu.memory_space<vmem>>, vector<16xf32>,
        %get3A_2595 = arith.index_cast %scan3A_2396 : i32 to index
        %get3A_2596 = arith.constant 128 : index
        %get3A_2597 = tpu.vector_load %arg9[%get3A_2595, %get3A_2596] {strides = array<i32>} : memref<16x256xf32, #tpu.memory_space<vmem>>, vector<16xf32>,
        %get3A_2598 = arith.index_cast %scan3A_2396 : i32 to index
        %get3A_2599 = arith.constant 128 : index
        %get3A_2600 = tpu.vector_load %arg10[%get3A_2598, %get3A_2599] {strides = array<i32>} : memref<16x256xf32, #tpu.memory_space<vmem>>, vector<16xf32>,
        %mul3A_2601 = arith.mulf %get3A_2591, %get3A_2591 : vector<16xf32>
        %add3A_2602 = arith.addf %add3A_2578, %mul3A_2601 : vector<16xf32>
        %mul3A_2603 = arith.mulf %get3A_2594, %get3A_2594 : vector<16xf32>
        %add3A_2604 = arith.addf %add3A_2580, %mul3A_2603 : vector<16xf32>
        %mul3A_2605 = arith.mulf %get3A_2591, %get3A_2594 : vector<16xf32>
        %add3A_2606 = arith.addf %add3A_2582, %mul3A_2605 : vector<16xf32>
        %mul3A_2607 = arith.mulf %get3A_2597, %get3A_2597 : vector<16xf32>
        %add3A_2608 = arith.addf %add3A_2584, %mul3A_2607 : vector<16xf32>
        %mul3A_2609 = arith.mulf %get3A_2600, %get3A_2600 : vector<16xf32>
        %add3A_2610 = arith.addf %add3A_2586, %mul3A_2609 : vector<16xf32>
        %mul3A_2611 = arith.mulf %get3A_2597, %get3A_2600 : vector<16xf32>
        %add3A_2612 = arith.addf %add3A_2588, %mul3A_2611 : vector<16xf32>
        %get3A_2613 = arith.index_cast %scan3A_2396 : i32 to index
        %get3A_2614 = arith.constant 144 : index
        %get3A_2615 = tpu.vector_load %arg7[%get3A_2613, %get3A_2614] {strides = array<i32>} : memref<16x256xf32, #tpu.memory_space<vmem>>, vector<16xf32>,
        %get3A_2616 = arith.index_cast %scan3A_2396 : i32 to index
        %get3A_2617 = arith.constant 144 : index
        %get3A_2618 = tpu.vector_load %arg8[%get3A_2616, %get3A_2617] {strides = array<i32>} : memref<16x256xf32, #tpu.memory_space<vmem>>, vector<16xf32>,
        %get3A_2619 = arith.index_cast %scan3A_2396 : i32 to index
        %get3A_2620 = arith.constant 144 : index
        %get3A_2621 = tpu.vector_load %arg9[%get3A_2619, %get3A_2620] {strides = array<i32>} : memref<16x256xf32, #tpu.memory_space<vmem>>, vector<16xf32>,
        %get3A_2622 = arith.index_cast %scan3A_2396 : i32 to index
        %get3A_2623 = arith.constant 144 : index
        %get3A_2624 = tpu.vector_load %arg10[%get3A_2622, %get3A_2623] {strides = array<i32>} : memref<16x256xf32, #tpu.memory_space<vmem>>, vector<16xf32>,
        %mul3A_2625 = arith.mulf %get3A_2615, %get3A_2615 : vector<16xf32>
        %add3A_2626 = arith.addf %add3A_2602, %mul3A_2625 : vector<16xf32>
        %mul3A_2627 = arith.mulf %get3A_2618, %get3A_2618 : vector<16xf32>
        %add3A_2628 = arith.addf %add3A_2604, %mul3A_2627 : vector<16xf32>
        %mul3A_2629 = arith.mulf %get3A_2615, %get3A_2618 : vector<16xf32>
        %add3A_2630 = arith.addf %add3A_2606, %mul3A_2629 : vector<16xf32>
        %mul3A_2631 = arith.mulf %get3A_2621, %get3A_2621 : vector<16xf32>
        %add3A_2632 = arith.addf %add3A_2608, %mul3A_2631 : vector<16xf32>
        %mul3A_2633 = arith.mulf %get3A_2624, %get3A_2624 : vector<16xf32>
        %add3A_2634 = arith.addf %add3A_2610, %mul3A_2633 : vector<16xf32>
        %mul3A_2635 = arith.mulf %get3A_2621, %get3A_2624 : vector<16xf32>
        %add3A_2636 = arith.addf %add3A_2612, %mul3A_2635 : vector<16xf32>
        %get3A_2637 = arith.index_cast %scan3A_2396 : i32 to index
        %get3A_2638 = arith.constant 160 : index
        %get3A_2639 = tpu.vector_load %arg7[%get3A_2637, %get3A_2638] {strides = array<i32>} : memref<16x256xf32, #tpu.memory_space<vmem>>, vector<16xf32>,
        %get3A_2640 = arith.index_cast %scan3A_2396 : i32 to index
        %get3A_2641 = arith.constant 160 : index
        %get3A_2642 = tpu.vector_load %arg8[%get3A_2640, %get3A_2641] {strides = array<i32>} : memref<16x256xf32, #tpu.memory_space<vmem>>, vector<16xf32>,
        %get3A_2643 = arith.index_cast %scan3A_2396 : i32 to index
        %get3A_2644 = arith.constant 160 : index
        %get3A_2645 = tpu.vector_load %arg9[%get3A_2643, %get3A_2644] {strides = array<i32>} : memref<16x256xf32, #tpu.memory_space<vmem>>, vector<16xf32>,
        %get3A_2646 = arith.index_cast %scan3A_2396 : i32 to index
        %get3A_2647 = arith.constant 160 : index
        %get3A_2648 = tpu.vector_load %arg10[%get3A_2646, %get3A_2647] {strides = array<i32>} : memref<16x256xf32, #tpu.memory_space<vmem>>, vector<16xf32>,
        %mul3A_2649 = arith.mulf %get3A_2639, %get3A_2639 : vector<16xf32>
        %add3A_2650 = arith.addf %add3A_2626, %mul3A_2649 : vector<16xf32>
        %mul3A_2651 = arith.mulf %get3A_2642, %get3A_2642 : vector<16xf32>
        %add3A_2652 = arith.addf %add3A_2628, %mul3A_2651 : vector<16xf32>
        %mul3A_2653 = arith.mulf %get3A_2639, %get3A_2642 : vector<16xf32>
        %add3A_2654 = arith.addf %add3A_2630, %mul3A_2653 : vector<16xf32>
        %mul3A_2655 = arith.mulf %get3A_2645, %get3A_2645 : vector<16xf32>
        %add3A_2656 = arith.addf %add3A_2632, %mul3A_2655 : vector<16xf32>
        %mul3A_2657 = arith.mulf %get3A_2648, %get3A_2648 : vector<16xf32>
        %add3A_2658 = arith.addf %add3A_2634, %mul3A_2657 : vector<16xf32>
        %mul3A_2659 = arith.mulf %get3A_2645, %get3A_2648 : vector<16xf32>
        %add3A_2660 = arith.addf %add3A_2636, %mul3A_2659 : vector<16xf32>
        %get3A_2661 = arith.index_cast %scan3A_2396 : i32 to index
        %get3A_2662 = arith.constant 176 : index
        %get3A_2663 = tpu.vector_load %arg7[%get3A_2661, %get3A_2662] {strides = array<i32>} : memref<16x256xf32, #tpu.memory_space<vmem>>, vector<16xf32>,
        %get3A_2664 = arith.index_cast %scan3A_2396 : i32 to index
        %get3A_2665 = arith.constant 176 : index
        %get3A_2666 = tpu.vector_load %arg8[%get3A_2664, %get3A_2665] {strides = array<i32>} : memref<16x256xf32, #tpu.memory_space<vmem>>, vector<16xf32>,
        %get3A_2667 = arith.index_cast %scan3A_2396 : i32 to index
        %get3A_2668 = arith.constant 176 : index
        %get3A_2669 = tpu.vector_load %arg9[%get3A_2667, %get3A_2668] {strides = array<i32>} : memref<16x256xf32, #tpu.memory_space<vmem>>, vector<16xf32>,
        %get3A_2670 = arith.index_cast %scan3A_2396 : i32 to index
        %get3A_2671 = arith.constant 176 : index
        %get3A_2672 = tpu.vector_load %arg10[%get3A_2670, %get3A_2671] {strides = array<i32>} : memref<16x256xf32, #tpu.memory_space<vmem>>, vector<16xf32>,
        %mul3A_2673 = arith.mulf %get3A_2663, %get3A_2663 : vector<16xf32>
        %add3A_2674 = arith.addf %add3A_2650, %mul3A_2673 : vector<16xf32>
        %mul3A_2675 = arith.mulf %get3A_2666, %get3A_2666 : vector<16xf32>
        %add3A_2676 = arith.addf %add3A_2652, %mul3A_2675 : vector<16xf32>
        %mul3A_2677 = arith.mulf %get3A_2663, %get3A_2666 : vector<16xf32>
        %add3A_2678 = arith.addf %add3A_2654, %mul3A_2677 : vector<16xf32>
        %mul3A_2679 = arith.mulf %get3A_2669, %get3A_2669 : vector<16xf32>
        %add3A_2680 = arith.addf %add3A_2656, %mul3A_2679 : vector<16xf32>
        %mul3A_2681 = arith.mulf %get3A_2672, %get3A_2672 : vector<16xf32>
        %add3A_2682 = arith.addf %add3A_2658, %mul3A_2681 : vector<16xf32>
        %mul3A_2683 = arith.mulf %get3A_2669, %get3A_2672 : vector<16xf32>
        %add3A_2684 = arith.addf %add3A_2660, %mul3A_2683 : vector<16xf32>
        %get3A_2685 = arith.index_cast %scan3A_2396 : i32 to index
        %get3A_2686 = arith.constant 192 : index
        %get3A_2687 = tpu.vector_load %arg7[%get3A_2685, %get3A_2686] {strides = array<i32>} : memref<16x256xf32, #tpu.memory_space<vmem>>, vector<16xf32>,
        %get3A_2688 = arith.index_cast %scan3A_2396 : i32 to index
        %get3A_2689 = arith.constant 192 : index
        %get3A_2690 = tpu.vector_load %arg8[%get3A_2688, %get3A_2689] {strides = array<i32>} : memref<16x256xf32, #tpu.memory_space<vmem>>, vector<16xf32>,
        %get3A_2691 = arith.index_cast %scan3A_2396 : i32 to index
        %get3A_2692 = arith.constant 192 : index
        %get3A_2693 = tpu.vector_load %arg9[%get3A_2691, %get3A_2692] {strides = array<i32>} : memref<16x256xf32, #tpu.memory_space<vmem>>, vector<16xf32>,
        %get3A_2694 = arith.index_cast %scan3A_2396 : i32 to index
        %get3A_2695 = arith.constant 192 : index
        %get3A_2696 = tpu.vector_load %arg10[%get3A_2694, %get3A_2695] {strides = array<i32>} : memref<16x256xf32, #tpu.memory_space<vmem>>, vector<16xf32>,
        %mul3A_2697 = arith.mulf %get3A_2687, %get3A_2687 : vector<16xf32>
        %add3A_2698 = arith.addf %add3A_2674, %mul3A_2697 : vector<16xf32>
        %mul3A_2699 = arith.mulf %get3A_2690, %get3A_2690 : vector<16xf32>
        %add3A_2700 = arith.addf %add3A_2676, %mul3A_2699 : vector<16xf32>
        %mul3A_2701 = arith.mulf %get3A_2687, %get3A_2690 : vector<16xf32>
        %add3A_2702 = arith.addf %add3A_2678, %mul3A_2701 : vector<16xf32>
        %mul3A_2703 = arith.mulf %get3A_2693, %get3A_2693 : vector<16xf32>
        %add3A_2704 = arith.addf %add3A_2680, %mul3A_2703 : vector<16xf32>
        %mul3A_2705 = arith.mulf %get3A_2696, %get3A_2696 : vector<16xf32>
        %add3A_2706 = arith.addf %add3A_2682, %mul3A_2705 : vector<16xf32>
        %mul3A_2707 = arith.mulf %get3A_2693, %get3A_2696 : vector<16xf32>
        %add3A_2708 = arith.addf %add3A_2684, %mul3A_2707 : vector<16xf32>
        %get3A_2709 = arith.index_cast %scan3A_2396 : i32 to index
        %get3A_2710 = arith.constant 208 : index
        %get3A_2711 = tpu.vector_load %arg7[%get3A_2709, %get3A_2710] {strides = array<i32>} : memref<16x256xf32, #tpu.memory_space<vmem>>, vector<16xf32>,
        %get3A_2712 = arith.index_cast %scan3A_2396 : i32 to index
        %get3A_2713 = arith.constant 208 : index
        %get3A_2714 = tpu.vector_load %arg8[%get3A_2712, %get3A_2713] {strides = array<i32>} : memref<16x256xf32, #tpu.memory_space<vmem>>, vector<16xf32>,
        %get3A_2715 = arith.index_cast %scan3A_2396 : i32 to index
        %get3A_2716 = arith.constant 208 : index
        %get3A_2717 = tpu.vector_load %arg9[%get3A_2715, %get3A_2716] {strides = array<i32>} : memref<16x256xf32, #tpu.memory_space<vmem>>, vector<16xf32>,
        %get3A_2718 = arith.index_cast %scan3A_2396 : i32 to index
        %get3A_2719 = arith.constant 208 : index
        %get3A_2720 = tpu.vector_load %arg10[%get3A_2718, %get3A_2719] {strides = array<i32>} : memref<16x256xf32, #tpu.memory_space<vmem>>, vector<16xf32>,
        %mul3A_2721 = arith.mulf %get3A_2711, %get3A_2711 : vector<16xf32>
        %add3A_2722 = arith.addf %add3A_2698, %mul3A_2721 : vector<16xf32>
        %mul3A_2723 = arith.mulf %get3A_2714, %get3A_2714 : vector<16xf32>
        %add3A_2724 = arith.addf %add3A_2700, %mul3A_2723 : vector<16xf32>
        %mul3A_2725 = arith.mulf %get3A_2711, %get3A_2714 : vector<16xf32>
        %add3A_2726 = arith.addf %add3A_2702, %mul3A_2725 : vector<16xf32>
        %mul3A_2727 = arith.mulf %get3A_2717, %get3A_2717 : vector<16xf32>
        %add3A_2728 = arith.addf %add3A_2704, %mul3A_2727 : vector<16xf32>
        %mul3A_2729 = arith.mulf %get3A_2720, %get3A_2720 : vector<16xf32>
        %add3A_2730 = arith.addf %add3A_2706, %mul3A_2729 : vector<16xf32>
        %mul3A_2731 = arith.mulf %get3A_2717, %get3A_2720 : vector<16xf32>
        %add3A_2732 = arith.addf %add3A_2708, %mul3A_2731 : vector<16xf32>
        %get3A_2733 = arith.index_cast %scan3A_2396 : i32 to index
        %get3A_2734 = arith.constant 224 : index
        %get3A_2735 = tpu.vector_load %arg7[%get3A_2733, %get3A_2734] {strides = array<i32>} : memref<16x256xf32, #tpu.memory_space<vmem>>, vector<16xf32>,
        %get3A_2736 = arith.index_cast %scan3A_2396 : i32 to index
        %get3A_2737 = arith.constant 224 : index
        %get3A_2738 = tpu.vector_load %arg8[%get3A_2736, %get3A_2737] {strides = array<i32>} : memref<16x256xf32, #tpu.memory_space<vmem>>, vector<16xf32>,
        %get3A_2739 = arith.index_cast %scan3A_2396 : i32 to index
        %get3A_2740 = arith.constant 224 : index
        %get3A_2741 = tpu.vector_load %arg9[%get3A_2739, %get3A_2740] {strides = array<i32>} : memref<16x256xf32, #tpu.memory_space<vmem>>, vector<16xf32>,
        %get3A_2742 = arith.index_cast %scan3A_2396 : i32 to index
        %get3A_2743 = arith.constant 224 : index
        %get3A_2744 = tpu.vector_load %arg10[%get3A_2742, %get3A_2743] {strides = array<i32>} : memref<16x256xf32, #tpu.memory_space<vmem>>, vector<16xf32>,
        %mul3A_2745 = arith.mulf %get3A_2735, %get3A_2735 : vector<16xf32>
        %add3A_2746 = arith.addf %add3A_2722, %mul3A_2745 : vector<16xf32>
        %mul3A_2747 = arith.mulf %get3A_2738, %get3A_2738 : vector<16xf32>
        %add3A_2748 = arith.addf %add3A_2724, %mul3A_2747 : vector<16xf32>
        %mul3A_2749 = arith.mulf %get3A_2735, %get3A_2738 : vector<16xf32>
        %add3A_2750 = arith.addf %add3A_2726, %mul3A_2749 : vector<16xf32>
        %mul3A_2751 = arith.mulf %get3A_2741, %get3A_2741 : vector<16xf32>
        %add3A_2752 = arith.addf %add3A_2728, %mul3A_2751 : vector<16xf32>
        %mul3A_2753 = arith.mulf %get3A_2744, %get3A_2744 : vector<16xf32>
        %add3A_2754 = arith.addf %add3A_2730, %mul3A_2753 : vector<16xf32>
        %mul3A_2755 = arith.mulf %get3A_2741, %get3A_2744 : vector<16xf32>
        %add3A_2756 = arith.addf %add3A_2732, %mul3A_2755 : vector<16xf32>
        %get3A_2757 = arith.index_cast %scan3A_2396 : i32 to index
        %get3A_2758 = arith.constant 240 : index
        %get3A_2759 = tpu.vector_load %arg7[%get3A_2757, %get3A_2758] {strides = array<i32>} : memref<16x256xf32, #tpu.memory_space<vmem>>, vector<16xf32>,
        %get3A_2760 = arith.index_cast %scan3A_2396 : i32 to index
        %get3A_2761 = arith.constant 240 : index
        %get3A_2762 = tpu.vector_load %arg8[%get3A_2760, %get3A_2761] {strides = array<i32>} : memref<16x256xf32, #tpu.memory_space<vmem>>, vector<16xf32>,
        %get3A_2763 = arith.index_cast %scan3A_2396 : i32 to index
        %get3A_2764 = arith.constant 240 : index
        %get3A_2765 = tpu.vector_load %arg9[%get3A_2763, %get3A_2764] {strides = array<i32>} : memref<16x256xf32, #tpu.memory_space<vmem>>, vector<16xf32>,
        %get3A_2766 = arith.index_cast %scan3A_2396 : i32 to index
        %get3A_2767 = arith.constant 240 : index
        %get3A_2768 = tpu.vector_load %arg10[%get3A_2766, %get3A_2767] {strides = array<i32>} : memref<16x256xf32, #tpu.memory_space<vmem>>, vector<16xf32>,
        %mul3A_2769 = arith.mulf %get3A_2759, %get3A_2759 : vector<16xf32>
        %add3A_2770 = arith.addf %add3A_2746, %mul3A_2769 : vector<16xf32>
        %mul3A_2771 = arith.mulf %get3A_2762, %get3A_2762 : vector<16xf32>
        %add3A_2772 = arith.addf %add3A_2748, %mul3A_2771 : vector<16xf32>
        %mul3A_2773 = arith.mulf %get3A_2759, %get3A_2762 : vector<16xf32>
        %add3A_2774 = arith.addf %add3A_2750, %mul3A_2773 : vector<16xf32>
        %mul3A_2775 = arith.mulf %get3A_2765, %get3A_2765 : vector<16xf32>
        %add3A_2776 = arith.addf %add3A_2752, %mul3A_2775 : vector<16xf32>
        %mul3A_2777 = arith.mulf %get3A_2768, %get3A_2768 : vector<16xf32>
        %add3A_2778 = arith.addf %add3A_2754, %mul3A_2777 : vector<16xf32>
        %mul3A_2779 = arith.mulf %get3A_2765, %get3A_2768 : vector<16xf32>
        %add3A_2780 = arith.addf %add3A_2756, %mul3A_2779 : vector<16xf32>
        %mul3A_2781 = arith.constant 17 : i32
        %mul3A_2782 = arith.muli %scan3A_2396, %mul3A_2781 : i32
        %swap3A_2783 = arith.index_cast %mul3A_2782 : i32 to index
        %swap3A_2784 = tpu.vector_load %arg15[%swap3A_2783] {strides = array<i32>} : memref<272xf32, #tpu.memory_space<vmem>>, vector<16xf32>,
        tpu.vector_store %arg15[%swap3A_2783], %add3A_2770 {strides = array<i32>} : memref<272xf32, #tpu.memory_space<vmem>>, vector<16xf32>,
        %swap3A_2785 = arith.index_cast %mul3A_2782 : i32 to index
        %swap3A_2786 = tpu.vector_load %arg16[%swap3A_2785] {strides = array<i32>} : memref<272xf32, #tpu.memory_space<vmem>>, vector<16xf32>,
        tpu.vector_store %arg16[%swap3A_2785], %add3A_2772 {strides = array<i32>} : memref<272xf32, #tpu.memory_space<vmem>>, vector<16xf32>,
        %swap3A_2787 = arith.index_cast %mul3A_2782 : i32 to index
        %swap3A_2788 = tpu.vector_load %arg17[%swap3A_2787] {strides = array<i32>} : memref<272xf32, #tpu.memory_space<vmem>>, vector<16xf32>,
        tpu.vector_store %arg17[%swap3A_2787], %add3A_2774 {strides = array<i32>} : memref<272xf32, #tpu.memory_space<vmem>>, vector<16xf32>,
        %swap3A_2789 = arith.index_cast %mul3A_2782 : i32 to index
        %swap3A_2790 = tpu.vector_load %arg18[%swap3A_2789] {strides = array<i32>} : memref<272xf32, #tpu.memory_space<vmem>>, vector<16xf32>,
        tpu.vector_store %arg18[%swap3A_2789], %add3A_2776 {strides = array<i32>} : memref<272xf32, #tpu.memory_space<vmem>>, vector<16xf32>,
        %swap3A_2791 = arith.index_cast %mul3A_2782 : i32 to index
        %swap3A_2792 = tpu.vector_load %arg19[%swap3A_2791] {strides = array<i32>} : memref<272xf32, #tpu.memory_space<vmem>>, vector<16xf32>,
        tpu.vector_store %arg19[%swap3A_2791], %add3A_2778 {strides = array<i32>} : memref<272xf32, #tpu.memory_space<vmem>>, vector<16xf32>,
        %swap3A_2793 = arith.index_cast %mul3A_2782 : i32 to index
        %swap3A_2794 = tpu.vector_load %arg20[%swap3A_2793] {strides = array<i32>} : memref<272xf32, #tpu.memory_space<vmem>>, vector<16xf32>,
        tpu.vector_store %arg20[%swap3A_2793], %add3A_2780 {strides = array<i32>} : memref<272xf32, #tpu.memory_space<vmem>>, vector<16xf32>,
      }
      %scan3A_66 = arith.constant 16 : i32
      %mul3A_67 = arith.constant 17 : i32
      %mul3A_68 = vector.broadcast %mul3A_67 : i32 to vector<16xi32>
      %mul3A_69 = arith.muli %iota3A, %mul3A_68 : vector<16xi32>
      %add3A_70 = arith.constant 0 : i32
      %add3A_71 = vector.broadcast %add3A_70 : i32 to vector<16xi32>
      %add3A_72 = arith.addi %mul3A_69, %add3A_71 : vector<16xi32>
      %gather3A = tpu.vector_load_idx %arg15[%add3A_72] : memref<272xf32, #tpu.memory_space<vmem>>[vector<16xi32>], vector<16xf32>,
      %add3A_73 = arith.addf %broadcast_in_dim3A_1, %gather3A : vector<16xf32>
      %mul3A_74 = arith.constant 17 : i32
      %mul3A_75 = vector.broadcast %mul3A_74 : i32 to vector<16xi32>
      %mul3A_76 = arith.muli %iota3A, %mul3A_75 : vector<16xi32>
      %add3A_77 = arith.constant 1 : i32
      %add3A_78 = vector.broadcast %add3A_77 : i32 to vector<16xi32>
      %add3A_79 = arith.addi %mul3A_76, %add3A_78 : vector<16xi32>
      %gather3A_80 = tpu.vector_load_idx %arg15[%add3A_79] : memref<272xf32, #tpu.memory_space<vmem>>[vector<16xi32>], vector<16xf32>,
      %add3A_81 = arith.addf %add3A_73, %gather3A_80 : vector<16xf32>
      %mul3A_82 = arith.constant 17 : i32
      %mul3A_83 = vector.broadcast %mul3A_82 : i32 to vector<16xi32>
      %mul3A_84 = arith.muli %iota3A, %mul3A_83 : vector<16xi32>
      %add3A_85 = arith.constant 2 : i32
      %add3A_86 = vector.broadcast %add3A_85 : i32 to vector<16xi32>
      %add3A_87 = arith.addi %mul3A_84, %add3A_86 : vector<16xi32>
      %gather3A_88 = tpu.vector_load_idx %arg15[%add3A_87] : memref<272xf32, #tpu.memory_space<vmem>>[vector<16xi32>], vector<16xf32>,
      %add3A_89 = arith.addf %add3A_81, %gather3A_88 : vector<16xf32>
      %mul3A_90 = arith.constant 17 : i32
      %mul3A_91 = vector.broadcast %mul3A_90 : i32 to vector<16xi32>
      %mul3A_92 = arith.muli %iota3A, %mul3A_91 : vector<16xi32>
      %add3A_93 = arith.constant 3 : i32
      %add3A_94 = vector.broadcast %add3A_93 : i32 to vector<16xi32>
      %add3A_95 = arith.addi %mul3A_92, %add3A_94 : vector<16xi32>
      %gather3A_96 = tpu.vector_load_idx %arg15[%add3A_95] : memref<272xf32, #tpu.memory_space<vmem>>[vector<16xi32>], vector<16xf32>,
      %add3A_97 = arith.addf %add3A_89, %gather3A_96 : vector<16xf32>
      %mul3A_98 = arith.constant 17 : i32
      %mul3A_99 = vector.broadcast %mul3A_98 : i32 to vector<16xi32>
      %mul3A_100 = arith.muli %iota3A, %mul3A_99 : vector<16xi32>
      %add3A_101 = arith.constant 4 : i32
      %add3A_102 = vector.broadcast %add3A_101 : i32 to vector<16xi32>
      %add3A_103 = arith.addi %mul3A_100, %add3A_102 : vector<16xi32>
      %gather3A_104 = tpu.vector_load_idx %arg15[%add3A_103] : memref<272xf32, #tpu.memory_space<vmem>>[vector<16xi32>], vector<16xf32>,
      %add3A_105 = arith.addf %add3A_97, %gather3A_104 : vector<16xf32>
      %mul3A_106 = arith.constant 17 : i32
      %mul3A_107 = vector.broadcast %mul3A_106 : i32 to vector<16xi32>
      %mul3A_108 = arith.muli %iota3A, %mul3A_107 : vector<16xi32>
      %add3A_109 = arith.constant 5 : i32
      %add3A_110 = vector.broadcast %add3A_109 : i32 to vector<16xi32>
      %add3A_111 = arith.addi %mul3A_108, %add3A_110 : vector<16xi32>
      %gather3A_112 = tpu.vector_load_idx %arg15[%add3A_111] : memref<272xf32, #tpu.memory_space<vmem>>[vector<16xi32>], vector<16xf32>,
      %add3A_113 = arith.addf %add3A_105, %gather3A_112 : vector<16xf32>
      %mul3A_114 = arith.constant 17 : i32
      %mul3A_115 = vector.broadcast %mul3A_114 : i32 to vector<16xi32>
      %mul3A_116 = arith.muli %iota3A, %mul3A_115 : vector<16xi32>
      %add3A_117 = arith.constant 6 : i32
      %add3A_118 = vector.broadcast %add3A_117 : i32 to vector<16xi32>
      %add3A_119 = arith.addi %mul3A_116, %add3A_118 : vector<16xi32>
      %gather3A_120 = tpu.vector_load_idx %arg15[%add3A_119] : memref<272xf32, #tpu.memory_space<vmem>>[vector<16xi32>], vector<16xf32>,
      %add3A_121 = arith.addf %add3A_113, %gather3A_120 : vector<16xf32>
      %mul3A_122 = arith.constant 17 : i32
      %mul3A_123 = vector.broadcast %mul3A_122 : i32 to vector<16xi32>
      %mul3A_124 = arith.muli %iota3A, %mul3A_123 : vector<16xi32>
      %add3A_125 = arith.constant 7 : i32
      %add3A_126 = vector.broadcast %add3A_125 : i32 to vector<16xi32>
      %add3A_127 = arith.addi %mul3A_124, %add3A_126 : vector<16xi32>
      %gather3A_128 = tpu.vector_load_idx %arg15[%add3A_127] : memref<272xf32, #tpu.memory_space<vmem>>[vector<16xi32>], vector<16xf32>,
      %add3A_129 = arith.addf %add3A_121, %gather3A_128 : vector<16xf32>
      %mul3A_130 = arith.constant 17 : i32
      %mul3A_131 = vector.broadcast %mul3A_130 : i32 to vector<16xi32>
      %mul3A_132 = arith.muli %iota3A, %mul3A_131 : vector<16xi32>
      %add3A_133 = arith.constant 8 : i32
      %add3A_134 = vector.broadcast %add3A_133 : i32 to vector<16xi32>
      %add3A_135 = arith.addi %mul3A_132, %add3A_134 : vector<16xi32>
      %gather3A_136 = tpu.vector_load_idx %arg15[%add3A_135] : memref<272xf32, #tpu.memory_space<vmem>>[vector<16xi32>], vector<16xf32>,
      %add3A_137 = arith.addf %add3A_129, %gather3A_136 : vector<16xf32>
      %mul3A_138 = arith.constant 17 : i32
      %mul3A_139 = vector.broadcast %mul3A_138 : i32 to vector<16xi32>
      %mul3A_140 = arith.muli %iota3A, %mul3A_139 : vector<16xi32>
      %add3A_141 = arith.constant 9 : i32
      %add3A_142 = vector.broadcast %add3A_141 : i32 to vector<16xi32>
      %add3A_143 = arith.addi %mul3A_140, %add3A_142 : vector<16xi32>
      %gather3A_144 = tpu.vector_load_idx %arg15[%add3A_143] : memref<272xf32, #tpu.memory_space<vmem>>[vector<16xi32>], vector<16xf32>,
      %add3A_145 = arith.addf %add3A_137, %gather3A_144 : vector<16xf32>
      %mul3A_146 = arith.constant 17 : i32
      %mul3A_147 = vector.broadcast %mul3A_146 : i32 to vector<16xi32>
      %mul3A_148 = arith.muli %iota3A, %mul3A_147 : vector<16xi32>
      %add3A_149 = arith.constant 10 : i32
      %add3A_150 = vector.broadcast %add3A_149 : i32 to vector<16xi32>
      %add3A_151 = arith.addi %mul3A_148, %add3A_150 : vector<16xi32>
      %gather3A_152 = tpu.vector_load_idx %arg15[%add3A_151] : memref<272xf32, #tpu.memory_space<vmem>>[vector<16xi32>], vector<16xf32>,
      %add3A_153 = arith.addf %add3A_145, %gather3A_152 : vector<16xf32>
      %mul3A_154 = arith.constant 17 : i32
      %mul3A_155 = vector.broadcast %mul3A_154 : i32 to vector<16xi32>
      %mul3A_156 = arith.muli %iota3A, %mul3A_155 : vector<16xi32>
      %add3A_157 = arith.constant 11 : i32
      %add3A_158 = vector.broadcast %add3A_157 : i32 to vector<16xi32>
      %add3A_159 = arith.addi %mul3A_156, %add3A_158 : vector<16xi32>
      %gather3A_160 = tpu.vector_load_idx %arg15[%add3A_159] : memref<272xf32, #tpu.memory_space<vmem>>[vector<16xi32>], vector<16xf32>,
      %add3A_161 = arith.addf %add3A_153, %gather3A_160 : vector<16xf32>
      %mul3A_162 = arith.constant 17 : i32
      %mul3A_163 = vector.broadcast %mul3A_162 : i32 to vector<16xi32>
      %mul3A_164 = arith.muli %iota3A, %mul3A_163 : vector<16xi32>
      %add3A_165 = arith.constant 12 : i32
      %add3A_166 = vector.broadcast %add3A_165 : i32 to vector<16xi32>
      %add3A_167 = arith.addi %mul3A_164, %add3A_166 : vector<16xi32>
      %gather3A_168 = tpu.vector_load_idx %arg15[%add3A_167] : memref<272xf32, #tpu.memory_space<vmem>>[vector<16xi32>], vector<16xf32>,
      %add3A_169 = arith.addf %add3A_161, %gather3A_168 : vector<16xf32>
      %mul3A_170 = arith.constant 17 : i32
      %mul3A_171 = vector.broadcast %mul3A_170 : i32 to vector<16xi32>
      %mul3A_172 = arith.muli %iota3A, %mul3A_171 : vector<16xi32>
      %add3A_173 = arith.constant 13 : i32
      %add3A_174 = vector.broadcast %add3A_173 : i32 to vector<16xi32>
      %add3A_175 = arith.addi %mul3A_172, %add3A_174 : vector<16xi32>
      %gather3A_176 = tpu.vector_load_idx %arg15[%add3A_175] : memref<272xf32, #tpu.memory_space<vmem>>[vector<16xi32>], vector<16xf32>,
      %add3A_177 = arith.addf %add3A_169, %gather3A_176 : vector<16xf32>
      %mul3A_178 = arith.constant 17 : i32
      %mul3A_179 = vector.broadcast %mul3A_178 : i32 to vector<16xi32>
      %mul3A_180 = arith.muli %iota3A, %mul3A_179 : vector<16xi32>
      %add3A_181 = arith.constant 14 : i32
      %add3A_182 = vector.broadcast %add3A_181 : i32 to vector<16xi32>
      %add3A_183 = arith.addi %mul3A_180, %add3A_182 : vector<16xi32>
      %gather3A_184 = tpu.vector_load_idx %arg15[%add3A_183] : memref<272xf32, #tpu.memory_space<vmem>>[vector<16xi32>], vector<16xf32>,
      %add3A_185 = arith.addf %add3A_177, %gather3A_184 : vector<16xf32>
      %mul3A_186 = arith.constant 17 : i32
      %mul3A_187 = vector.broadcast %mul3A_186 : i32 to vector<16xi32>
      %mul3A_188 = arith.muli %iota3A, %mul3A_187 : vector<16xi32>
      %add3A_189 = arith.constant 15 : i32
      %add3A_190 = vector.broadcast %add3A_189 : i32 to vector<16xi32>
      %add3A_191 = arith.addi %mul3A_188, %add3A_190 : vector<16xi32>
      %gather3A_192 = tpu.vector_load_idx %arg15[%add3A_191] : memref<272xf32, #tpu.memory_space<vmem>>[vector<16xi32>], vector<16xf32>,
      %add3A_193 = arith.addf %add3A_185, %gather3A_192 : vector<16xf32>
      %mul3A_194 = arith.constant 17 : i32
      %mul3A_195 = vector.broadcast %mul3A_194 : i32 to vector<16xi32>
      %mul3A_196 = arith.muli %iota3A, %mul3A_195 : vector<16xi32>
      %add3A_197 = arith.constant 0 : i32
      %add3A_198 = vector.broadcast %add3A_197 : i32 to vector<16xi32>
      %add3A_199 = arith.addi %mul3A_196, %add3A_198 : vector<16xi32>
      %gather3A_200 = tpu.vector_load_idx %arg16[%add3A_199] : memref<272xf32, #tpu.memory_space<vmem>>[vector<16xi32>], vector<16xf32>,
      %add3A_201 = arith.addf %broadcast_in_dim3A_1, %gather3A_200 : vector<16xf32>
      %mul3A_202 = arith.constant 17 : i32
      %mul3A_203 = vector.broadcast %mul3A_202 : i32 to vector<16xi32>
      %mul3A_204 = arith.muli %iota3A, %mul3A_203 : vector<16xi32>
      %add3A_205 = arith.constant 1 : i32
      %add3A_206 = vector.broadcast %add3A_205 : i32 to vector<16xi32>
      %add3A_207 = arith.addi %mul3A_204, %add3A_206 : vector<16xi32>
      %gather3A_208 = tpu.vector_load_idx %arg16[%add3A_207] : memref<272xf32, #tpu.memory_space<vmem>>[vector<16xi32>], vector<16xf32>,
      %add3A_209 = arith.addf %add3A_201, %gather3A_208 : vector<16xf32>
      %mul3A_210 = arith.constant 17 : i32
      %mul3A_211 = vector.broadcast %mul3A_210 : i32 to vector<16xi32>
      %mul3A_212 = arith.muli %iota3A, %mul3A_211 : vector<16xi32>
      %add3A_213 = arith.constant 2 : i32
      %add3A_214 = vector.broadcast %add3A_213 : i32 to vector<16xi32>
      %add3A_215 = arith.addi %mul3A_212, %add3A_214 : vector<16xi32>
      %gather3A_216 = tpu.vector_load_idx %arg16[%add3A_215] : memref<272xf32, #tpu.memory_space<vmem>>[vector<16xi32>], vector<16xf32>,
      %add3A_217 = arith.addf %add3A_209, %gather3A_216 : vector<16xf32>
      %mul3A_218 = arith.constant 17 : i32
      %mul3A_219 = vector.broadcast %mul3A_218 : i32 to vector<16xi32>
      %mul3A_220 = arith.muli %iota3A, %mul3A_219 : vector<16xi32>
      %add3A_221 = arith.constant 3 : i32
      %add3A_222 = vector.broadcast %add3A_221 : i32 to vector<16xi32>
      %add3A_223 = arith.addi %mul3A_220, %add3A_222 : vector<16xi32>
      %gather3A_224 = tpu.vector_load_idx %arg16[%add3A_223] : memref<272xf32, #tpu.memory_space<vmem>>[vector<16xi32>], vector<16xf32>,
      %add3A_225 = arith.addf %add3A_217, %gather3A_224 : vector<16xf32>
      %mul3A_226 = arith.constant 17 : i32
      %mul3A_227 = vector.broadcast %mul3A_226 : i32 to vector<16xi32>
      %mul3A_228 = arith.muli %iota3A, %mul3A_227 : vector<16xi32>
      %add3A_229 = arith.constant 4 : i32
      %add3A_230 = vector.broadcast %add3A_229 : i32 to vector<16xi32>
      %add3A_231 = arith.addi %mul3A_228, %add3A_230 : vector<16xi32>
      %gather3A_232 = tpu.vector_load_idx %arg16[%add3A_231] : memref<272xf32, #tpu.memory_space<vmem>>[vector<16xi32>], vector<16xf32>,
      %add3A_233 = arith.addf %add3A_225, %gather3A_232 : vector<16xf32>
      %mul3A_234 = arith.constant 17 : i32
      %mul3A_235 = vector.broadcast %mul3A_234 : i32 to vector<16xi32>
      %mul3A_236 = arith.muli %iota3A, %mul3A_235 : vector<16xi32>
      %add3A_237 = arith.constant 5 : i32
      %add3A_238 = vector.broadcast %add3A_237 : i32 to vector<16xi32>
      %add3A_239 = arith.addi %mul3A_236, %add3A_238 : vector<16xi32>
      %gather3A_240 = tpu.vector_load_idx %arg16[%add3A_239] : memref<272xf32, #tpu.memory_space<vmem>>[vector<16xi32>], vector<16xf32>,
      %add3A_241 = arith.addf %add3A_233, %gather3A_240 : vector<16xf32>
      %mul3A_242 = arith.constant 17 : i32
      %mul3A_243 = vector.broadcast %mul3A_242 : i32 to vector<16xi32>
      %mul3A_244 = arith.muli %iota3A, %mul3A_243 : vector<16xi32>
      %add3A_245 = arith.constant 6 : i32
      %add3A_246 = vector.broadcast %add3A_245 : i32 to vector<16xi32>
      %add3A_247 = arith.addi %mul3A_244, %add3A_246 : vector<16xi32>
      %gather3A_248 = tpu.vector_load_idx %arg16[%add3A_247] : memref<272xf32, #tpu.memory_space<vmem>>[vector<16xi32>], vector<16xf32>,
      %add3A_249 = arith.addf %add3A_241, %gather3A_248 : vector<16xf32>
      %mul3A_250 = arith.constant 17 : i32
      %mul3A_251 = vector.broadcast %mul3A_250 : i32 to vector<16xi32>
      %mul3A_252 = arith.muli %iota3A, %mul3A_251 : vector<16xi32>
      %add3A_253 = arith.constant 7 : i32
      %add3A_254 = vector.broadcast %add3A_253 : i32 to vector<16xi32>
      %add3A_255 = arith.addi %mul3A_252, %add3A_254 : vector<16xi32>
      %gather3A_256 = tpu.vector_load_idx %arg16[%add3A_255] : memref<272xf32, #tpu.memory_space<vmem>>[vector<16xi32>], vector<16xf32>,
      %add3A_257 = arith.addf %add3A_249, %gather3A_256 : vector<16xf32>
      %mul3A_258 = arith.constant 17 : i32
      %mul3A_259 = vector.broadcast %mul3A_258 : i32 to vector<16xi32>
      %mul3A_260 = arith.muli %iota3A, %mul3A_259 : vector<16xi32>
      %add3A_261 = arith.constant 8 : i32
      %add3A_262 = vector.broadcast %add3A_261 : i32 to vector<16xi32>
      %add3A_263 = arith.addi %mul3A_260, %add3A_262 : vector<16xi32>
      %gather3A_264 = tpu.vector_load_idx %arg16[%add3A_263] : memref<272xf32, #tpu.memory_space<vmem>>[vector<16xi32>], vector<16xf32>,
      %add3A_265 = arith.addf %add3A_257, %gather3A_264 : vector<16xf32>
      %mul3A_266 = arith.constant 17 : i32
      %mul3A_267 = vector.broadcast %mul3A_266 : i32 to vector<16xi32>
      %mul3A_268 = arith.muli %iota3A, %mul3A_267 : vector<16xi32>
      %add3A_269 = arith.constant 9 : i32
      %add3A_270 = vector.broadcast %add3A_269 : i32 to vector<16xi32>
      %add3A_271 = arith.addi %mul3A_268, %add3A_270 : vector<16xi32>
      %gather3A_272 = tpu.vector_load_idx %arg16[%add3A_271] : memref<272xf32, #tpu.memory_space<vmem>>[vector<16xi32>], vector<16xf32>,
      %add3A_273 = arith.addf %add3A_265, %gather3A_272 : vector<16xf32>
      %mul3A_274 = arith.constant 17 : i32
      %mul3A_275 = vector.broadcast %mul3A_274 : i32 to vector<16xi32>
      %mul3A_276 = arith.muli %iota3A, %mul3A_275 : vector<16xi32>
      %add3A_277 = arith.constant 10 : i32
      %add3A_278 = vector.broadcast %add3A_277 : i32 to vector<16xi32>
      %add3A_279 = arith.addi %mul3A_276, %add3A_278 : vector<16xi32>
      %gather3A_280 = tpu.vector_load_idx %arg16[%add3A_279] : memref<272xf32, #tpu.memory_space<vmem>>[vector<16xi32>], vector<16xf32>,
      %add3A_281 = arith.addf %add3A_273, %gather3A_280 : vector<16xf32>
      %mul3A_282 = arith.constant 17 : i32
      %mul3A_283 = vector.broadcast %mul3A_282 : i32 to vector<16xi32>
      %mul3A_284 = arith.muli %iota3A, %mul3A_283 : vector<16xi32>
      %add3A_285 = arith.constant 11 : i32
      %add3A_286 = vector.broadcast %add3A_285 : i32 to vector<16xi32>
      %add3A_287 = arith.addi %mul3A_284, %add3A_286 : vector<16xi32>
      %gather3A_288 = tpu.vector_load_idx %arg16[%add3A_287] : memref<272xf32, #tpu.memory_space<vmem>>[vector<16xi32>], vector<16xf32>,
      %add3A_289 = arith.addf %add3A_281, %gather3A_288 : vector<16xf32>
      %mul3A_290 = arith.constant 17 : i32
      %mul3A_291 = vector.broadcast %mul3A_290 : i32 to vector<16xi32>
      %mul3A_292 = arith.muli %iota3A, %mul3A_291 : vector<16xi32>
      %add3A_293 = arith.constant 12 : i32
      %add3A_294 = vector.broadcast %add3A_293 : i32 to vector<16xi32>
      %add3A_295 = arith.addi %mul3A_292, %add3A_294 : vector<16xi32>
      %gather3A_296 = tpu.vector_load_idx %arg16[%add3A_295] : memref<272xf32, #tpu.memory_space<vmem>>[vector<16xi32>], vector<16xf32>,
      %add3A_297 = arith.addf %add3A_289, %gather3A_296 : vector<16xf32>
      %mul3A_298 = arith.constant 17 : i32
      %mul3A_299 = vector.broadcast %mul3A_298 : i32 to vector<16xi32>
      %mul3A_300 = arith.muli %iota3A, %mul3A_299 : vector<16xi32>
      %add3A_301 = arith.constant 13 : i32
      %add3A_302 = vector.broadcast %add3A_301 : i32 to vector<16xi32>
      %add3A_303 = arith.addi %mul3A_300, %add3A_302 : vector<16xi32>
      %gather3A_304 = tpu.vector_load_idx %arg16[%add3A_303] : memref<272xf32, #tpu.memory_space<vmem>>[vector<16xi32>], vector<16xf32>,
      %add3A_305 = arith.addf %add3A_297, %gather3A_304 : vector<16xf32>
      %mul3A_306 = arith.constant 17 : i32
      %mul3A_307 = vector.broadcast %mul3A_306 : i32 to vector<16xi32>
      %mul3A_308 = arith.muli %iota3A, %mul3A_307 : vector<16xi32>
      %add3A_309 = arith.constant 14 : i32
      %add3A_310 = vector.broadcast %add3A_309 : i32 to vector<16xi32>
      %add3A_311 = arith.addi %mul3A_308, %add3A_310 : vector<16xi32>
      %gather3A_312 = tpu.vector_load_idx %arg16[%add3A_311] : memref<272xf32, #tpu.memory_space<vmem>>[vector<16xi32>], vector<16xf32>,
      %add3A_313 = arith.addf %add3A_305, %gather3A_312 : vector<16xf32>
      %mul3A_314 = arith.constant 17 : i32
      %mul3A_315 = vector.broadcast %mul3A_314 : i32 to vector<16xi32>
      %mul3A_316 = arith.muli %iota3A, %mul3A_315 : vector<16xi32>
      %add3A_317 = arith.constant 15 : i32
      %add3A_318 = vector.broadcast %add3A_317 : i32 to vector<16xi32>
      %add3A_319 = arith.addi %mul3A_316, %add3A_318 : vector<16xi32>
      %gather3A_320 = tpu.vector_load_idx %arg16[%add3A_319] : memref<272xf32, #tpu.memory_space<vmem>>[vector<16xi32>], vector<16xf32>,
      %add3A_321 = arith.addf %add3A_313, %gather3A_320 : vector<16xf32>
      %mul3A_322 = arith.constant 17 : i32
      %mul3A_323 = vector.broadcast %mul3A_322 : i32 to vector<16xi32>
      %mul3A_324 = arith.muli %iota3A, %mul3A_323 : vector<16xi32>
      %add3A_325 = arith.constant 0 : i32
      %add3A_326 = vector.broadcast %add3A_325 : i32 to vector<16xi32>
      %add3A_327 = arith.addi %mul3A_324, %add3A_326 : vector<16xi32>
      %gather3A_328 = tpu.vector_load_idx %arg17[%add3A_327] : memref<272xf32, #tpu.memory_space<vmem>>[vector<16xi32>], vector<16xf32>,
      %add3A_329 = arith.addf %broadcast_in_dim3A_1, %gather3A_328 : vector<16xf32>
      %mul3A_330 = arith.constant 17 : i32
      %mul3A_331 = vector.broadcast %mul3A_330 : i32 to vector<16xi32>
      %mul3A_332 = arith.muli %iota3A, %mul3A_331 : vector<16xi32>
      %add3A_333 = arith.constant 1 : i32
      %add3A_334 = vector.broadcast %add3A_333 : i32 to vector<16xi32>
      %add3A_335 = arith.addi %mul3A_332, %add3A_334 : vector<16xi32>
      %gather3A_336 = tpu.vector_load_idx %arg17[%add3A_335] : memref<272xf32, #tpu.memory_space<vmem>>[vector<16xi32>], vector<16xf32>,
      %add3A_337 = arith.addf %add3A_329, %gather3A_336 : vector<16xf32>
      %mul3A_338 = arith.constant 17 : i32
      %mul3A_339 = vector.broadcast %mul3A_338 : i32 to vector<16xi32>
      %mul3A_340 = arith.muli %iota3A, %mul3A_339 : vector<16xi32>
      %add3A_341 = arith.constant 2 : i32
      %add3A_342 = vector.broadcast %add3A_341 : i32 to vector<16xi32>
      %add3A_343 = arith.addi %mul3A_340, %add3A_342 : vector<16xi32>
      %gather3A_344 = tpu.vector_load_idx %arg17[%add3A_343] : memref<272xf32, #tpu.memory_space<vmem>>[vector<16xi32>], vector<16xf32>,
      %add3A_345 = arith.addf %add3A_337, %gather3A_344 : vector<16xf32>
      %mul3A_346 = arith.constant 17 : i32
      %mul3A_347 = vector.broadcast %mul3A_346 : i32 to vector<16xi32>
      %mul3A_348 = arith.muli %iota3A, %mul3A_347 : vector<16xi32>
      %add3A_349 = arith.constant 3 : i32
      %add3A_350 = vector.broadcast %add3A_349 : i32 to vector<16xi32>
      %add3A_351 = arith.addi %mul3A_348, %add3A_350 : vector<16xi32>
      %gather3A_352 = tpu.vector_load_idx %arg17[%add3A_351] : memref<272xf32, #tpu.memory_space<vmem>>[vector<16xi32>], vector<16xf32>,
      %add3A_353 = arith.addf %add3A_345, %gather3A_352 : vector<16xf32>
      %mul3A_354 = arith.constant 17 : i32
      %mul3A_355 = vector.broadcast %mul3A_354 : i32 to vector<16xi32>
      %mul3A_356 = arith.muli %iota3A, %mul3A_355 : vector<16xi32>
      %add3A_357 = arith.constant 4 : i32
      %add3A_358 = vector.broadcast %add3A_357 : i32 to vector<16xi32>
      %add3A_359 = arith.addi %mul3A_356, %add3A_358 : vector<16xi32>
      %gather3A_360 = tpu.vector_load_idx %arg17[%add3A_359] : memref<272xf32, #tpu.memory_space<vmem>>[vector<16xi32>], vector<16xf32>,
      %add3A_361 = arith.addf %add3A_353, %gather3A_360 : vector<16xf32>
      %mul3A_362 = arith.constant 17 : i32
      %mul3A_363 = vector.broadcast %mul3A_362 : i32 to vector<16xi32>
      %mul3A_364 = arith.muli %iota3A, %mul3A_363 : vector<16xi32>
      %add3A_365 = arith.constant 5 : i32
      %add3A_366 = vector.broadcast %add3A_365 : i32 to vector<16xi32>
      %add3A_367 = arith.addi %mul3A_364, %add3A_366 : vector<16xi32>
      %gather3A_368 = tpu.vector_load_idx %arg17[%add3A_367] : memref<272xf32, #tpu.memory_space<vmem>>[vector<16xi32>], vector<16xf32>,
      %add3A_369 = arith.addf %add3A_361, %gather3A_368 : vector<16xf32>
      %mul3A_370 = arith.constant 17 : i32
      %mul3A_371 = vector.broadcast %mul3A_370 : i32 to vector<16xi32>
      %mul3A_372 = arith.muli %iota3A, %mul3A_371 : vector<16xi32>
      %add3A_373 = arith.constant 6 : i32
      %add3A_374 = vector.broadcast %add3A_373 : i32 to vector<16xi32>
      %add3A_375 = arith.addi %mul3A_372, %add3A_374 : vector<16xi32>
      %gather3A_376 = tpu.vector_load_idx %arg17[%add3A_375] : memref<272xf32, #tpu.memory_space<vmem>>[vector<16xi32>], vector<16xf32>,
      %add3A_377 = arith.addf %add3A_369, %gather3A_376 : vector<16xf32>
      %mul3A_378 = arith.constant 17 : i32
      %mul3A_379 = vector.broadcast %mul3A_378 : i32 to vector<16xi32>
      %mul3A_380 = arith.muli %iota3A, %mul3A_379 : vector<16xi32>
      %add3A_381 = arith.constant 7 : i32
      %add3A_382 = vector.broadcast %add3A_381 : i32 to vector<16xi32>
      %add3A_383 = arith.addi %mul3A_380, %add3A_382 : vector<16xi32>
      %gather3A_384 = tpu.vector_load_idx %arg17[%add3A_383] : memref<272xf32, #tpu.memory_space<vmem>>[vector<16xi32>], vector<16xf32>,
      %add3A_385 = arith.addf %add3A_377, %gather3A_384 : vector<16xf32>
      %mul3A_386 = arith.constant 17 : i32
      %mul3A_387 = vector.broadcast %mul3A_386 : i32 to vector<16xi32>
      %mul3A_388 = arith.muli %iota3A, %mul3A_387 : vector<16xi32>
      %add3A_389 = arith.constant 8 : i32
      %add3A_390 = vector.broadcast %add3A_389 : i32 to vector<16xi32>
      %add3A_391 = arith.addi %mul3A_388, %add3A_390 : vector<16xi32>
      %gather3A_392 = tpu.vector_load_idx %arg17[%add3A_391] : memref<272xf32, #tpu.memory_space<vmem>>[vector<16xi32>], vector<16xf32>,
      %add3A_393 = arith.addf %add3A_385, %gather3A_392 : vector<16xf32>
      %mul3A_394 = arith.constant 17 : i32
      %mul3A_395 = vector.broadcast %mul3A_394 : i32 to vector<16xi32>
      %mul3A_396 = arith.muli %iota3A, %mul3A_395 : vector<16xi32>
      %add3A_397 = arith.constant 9 : i32
      %add3A_398 = vector.broadcast %add3A_397 : i32 to vector<16xi32>
      %add3A_399 = arith.addi %mul3A_396, %add3A_398 : vector<16xi32>
      %gather3A_400 = tpu.vector_load_idx %arg17[%add3A_399] : memref<272xf32, #tpu.memory_space<vmem>>[vector<16xi32>], vector<16xf32>,
      %add3A_401 = arith.addf %add3A_393, %gather3A_400 : vector<16xf32>
      %mul3A_402 = arith.constant 17 : i32
      %mul3A_403 = vector.broadcast %mul3A_402 : i32 to vector<16xi32>
      %mul3A_404 = arith.muli %iota3A, %mul3A_403 : vector<16xi32>
      %add3A_405 = arith.constant 10 : i32
      %add3A_406 = vector.broadcast %add3A_405 : i32 to vector<16xi32>
      %add3A_407 = arith.addi %mul3A_404, %add3A_406 : vector<16xi32>
      %gather3A_408 = tpu.vector_load_idx %arg17[%add3A_407] : memref<272xf32, #tpu.memory_space<vmem>>[vector<16xi32>], vector<16xf32>,
      %add3A_409 = arith.addf %add3A_401, %gather3A_408 : vector<16xf32>
      %mul3A_410 = arith.constant 17 : i32
      %mul3A_411 = vector.broadcast %mul3A_410 : i32 to vector<16xi32>
      %mul3A_412 = arith.muli %iota3A, %mul3A_411 : vector<16xi32>
      %add3A_413 = arith.constant 11 : i32
      %add3A_414 = vector.broadcast %add3A_413 : i32 to vector<16xi32>
      %add3A_415 = arith.addi %mul3A_412, %add3A_414 : vector<16xi32>
      %gather3A_416 = tpu.vector_load_idx %arg17[%add3A_415] : memref<272xf32, #tpu.memory_space<vmem>>[vector<16xi32>], vector<16xf32>,
      %add3A_417 = arith.addf %add3A_409, %gather3A_416 : vector<16xf32>
      %mul3A_418 = arith.constant 17 : i32
      %mul3A_419 = vector.broadcast %mul3A_418 : i32 to vector<16xi32>
      %mul3A_420 = arith.muli %iota3A, %mul3A_419 : vector<16xi32>
      %add3A_421 = arith.constant 12 : i32
      %add3A_422 = vector.broadcast %add3A_421 : i32 to vector<16xi32>
      %add3A_423 = arith.addi %mul3A_420, %add3A_422 : vector<16xi32>
      %gather3A_424 = tpu.vector_load_idx %arg17[%add3A_423] : memref<272xf32, #tpu.memory_space<vmem>>[vector<16xi32>], vector<16xf32>,
      %add3A_425 = arith.addf %add3A_417, %gather3A_424 : vector<16xf32>
      %mul3A_426 = arith.constant 17 : i32
      %mul3A_427 = vector.broadcast %mul3A_426 : i32 to vector<16xi32>
      %mul3A_428 = arith.muli %iota3A, %mul3A_427 : vector<16xi32>
      %add3A_429 = arith.constant 13 : i32
      %add3A_430 = vector.broadcast %add3A_429 : i32 to vector<16xi32>
      %add3A_431 = arith.addi %mul3A_428, %add3A_430 : vector<16xi32>
      %gather3A_432 = tpu.vector_load_idx %arg17[%add3A_431] : memref<272xf32, #tpu.memory_space<vmem>>[vector<16xi32>], vector<16xf32>,
      %add3A_433 = arith.addf %add3A_425, %gather3A_432 : vector<16xf32>
      %mul3A_434 = arith.constant 17 : i32
      %mul3A_435 = vector.broadcast %mul3A_434 : i32 to vector<16xi32>
      %mul3A_436 = arith.muli %iota3A, %mul3A_435 : vector<16xi32>
      %add3A_437 = arith.constant 14 : i32
      %add3A_438 = vector.broadcast %add3A_437 : i32 to vector<16xi32>
      %add3A_439 = arith.addi %mul3A_436, %add3A_438 : vector<16xi32>
      %gather3A_440 = tpu.vector_load_idx %arg17[%add3A_439] : memref<272xf32, #tpu.memory_space<vmem>>[vector<16xi32>], vector<16xf32>,
      %add3A_441 = arith.addf %add3A_433, %gather3A_440 : vector<16xf32>
      %mul3A_442 = arith.constant 17 : i32
      %mul3A_443 = vector.broadcast %mul3A_442 : i32 to vector<16xi32>
      %mul3A_444 = arith.muli %iota3A, %mul3A_443 : vector<16xi32>
      %add3A_445 = arith.constant 15 : i32
      %add3A_446 = vector.broadcast %add3A_445 : i32 to vector<16xi32>
      %add3A_447 = arith.addi %mul3A_444, %add3A_446 : vector<16xi32>
      %gather3A_448 = tpu.vector_load_idx %arg17[%add3A_447] : memref<272xf32, #tpu.memory_space<vmem>>[vector<16xi32>], vector<16xf32>,
      %add3A_449 = arith.addf %add3A_441, %gather3A_448 : vector<16xf32>
      %mul3A_450 = arith.constant 17 : i32
      %mul3A_451 = vector.broadcast %mul3A_450 : i32 to vector<16xi32>
      %mul3A_452 = arith.muli %iota3A, %mul3A_451 : vector<16xi32>
      %add3A_453 = arith.constant 0 : i32
      %add3A_454 = vector.broadcast %add3A_453 : i32 to vector<16xi32>
      %add3A_455 = arith.addi %mul3A_452, %add3A_454 : vector<16xi32>
      %gather3A_456 = tpu.vector_load_idx %arg18[%add3A_455] : memref<272xf32, #tpu.memory_space<vmem>>[vector<16xi32>], vector<16xf32>,
      %add3A_457 = arith.addf %broadcast_in_dim3A_1, %gather3A_456 : vector<16xf32>
      %mul3A_458 = arith.constant 17 : i32
      %mul3A_459 = vector.broadcast %mul3A_458 : i32 to vector<16xi32>
      %mul3A_460 = arith.muli %iota3A, %mul3A_459 : vector<16xi32>
      %add3A_461 = arith.constant 1 : i32
      %add3A_462 = vector.broadcast %add3A_461 : i32 to vector<16xi32>
      %add3A_463 = arith.addi %mul3A_460, %add3A_462 : vector<16xi32>
      %gather3A_464 = tpu.vector_load_idx %arg18[%add3A_463] : memref<272xf32, #tpu.memory_space<vmem>>[vector<16xi32>], vector<16xf32>,
      %add3A_465 = arith.addf %add3A_457, %gather3A_464 : vector<16xf32>
      %mul3A_466 = arith.constant 17 : i32
      %mul3A_467 = vector.broadcast %mul3A_466 : i32 to vector<16xi32>
      %mul3A_468 = arith.muli %iota3A, %mul3A_467 : vector<16xi32>
      %add3A_469 = arith.constant 2 : i32
      %add3A_470 = vector.broadcast %add3A_469 : i32 to vector<16xi32>
      %add3A_471 = arith.addi %mul3A_468, %add3A_470 : vector<16xi32>
      %gather3A_472 = tpu.vector_load_idx %arg18[%add3A_471] : memref<272xf32, #tpu.memory_space<vmem>>[vector<16xi32>], vector<16xf32>,
      %add3A_473 = arith.addf %add3A_465, %gather3A_472 : vector<16xf32>
      %mul3A_474 = arith.constant 17 : i32
      %mul3A_475 = vector.broadcast %mul3A_474 : i32 to vector<16xi32>
      %mul3A_476 = arith.muli %iota3A, %mul3A_475 : vector<16xi32>
      %add3A_477 = arith.constant 3 : i32
      %add3A_478 = vector.broadcast %add3A_477 : i32 to vector<16xi32>
      %add3A_479 = arith.addi %mul3A_476, %add3A_478 : vector<16xi32>
      %gather3A_480 = tpu.vector_load_idx %arg18[%add3A_479] : memref<272xf32, #tpu.memory_space<vmem>>[vector<16xi32>], vector<16xf32>,
      %add3A_481 = arith.addf %add3A_473, %gather3A_480 : vector<16xf32>
      %mul3A_482 = arith.constant 17 : i32
      %mul3A_483 = vector.broadcast %mul3A_482 : i32 to vector<16xi32>
      %mul3A_484 = arith.muli %iota3A, %mul3A_483 : vector<16xi32>
      %add3A_485 = arith.constant 4 : i32
      %add3A_486 = vector.broadcast %add3A_485 : i32 to vector<16xi32>
      %add3A_487 = arith.addi %mul3A_484, %add3A_486 : vector<16xi32>
      %gather3A_488 = tpu.vector_load_idx %arg18[%add3A_487] : memref<272xf32, #tpu.memory_space<vmem>>[vector<16xi32>], vector<16xf32>,
      %add3A_489 = arith.addf %add3A_481, %gather3A_488 : vector<16xf32>
      %mul3A_490 = arith.constant 17 : i32
      %mul3A_491 = vector.broadcast %mul3A_490 : i32 to vector<16xi32>
      %mul3A_492 = arith.muli %iota3A, %mul3A_491 : vector<16xi32>
      %add3A_493 = arith.constant 5 : i32
      %add3A_494 = vector.broadcast %add3A_493 : i32 to vector<16xi32>
      %add3A_495 = arith.addi %mul3A_492, %add3A_494 : vector<16xi32>
      %gather3A_496 = tpu.vector_load_idx %arg18[%add3A_495] : memref<272xf32, #tpu.memory_space<vmem>>[vector<16xi32>], vector<16xf32>,
      %add3A_497 = arith.addf %add3A_489, %gather3A_496 : vector<16xf32>
      %mul3A_498 = arith.constant 17 : i32
      %mul3A_499 = vector.broadcast %mul3A_498 : i32 to vector<16xi32>
      %mul3A_500 = arith.muli %iota3A, %mul3A_499 : vector<16xi32>
      %add3A_501 = arith.constant 6 : i32
      %add3A_502 = vector.broadcast %add3A_501 : i32 to vector<16xi32>
      %add3A_503 = arith.addi %mul3A_500, %add3A_502 : vector<16xi32>
      %gather3A_504 = tpu.vector_load_idx %arg18[%add3A_503] : memref<272xf32, #tpu.memory_space<vmem>>[vector<16xi32>], vector<16xf32>,
      %add3A_505 = arith.addf %add3A_497, %gather3A_504 : vector<16xf32>
      %mul3A_506 = arith.constant 17 : i32
      %mul3A_507 = vector.broadcast %mul3A_506 : i32 to vector<16xi32>
      %mul3A_508 = arith.muli %iota3A, %mul3A_507 : vector<16xi32>
      %add3A_509 = arith.constant 7 : i32
      %add3A_510 = vector.broadcast %add3A_509 : i32 to vector<16xi32>
      %add3A_511 = arith.addi %mul3A_508, %add3A_510 : vector<16xi32>
      %gather3A_512 = tpu.vector_load_idx %arg18[%add3A_511] : memref<272xf32, #tpu.memory_space<vmem>>[vector<16xi32>], vector<16xf32>,
      %add3A_513 = arith.addf %add3A_505, %gather3A_512 : vector<16xf32>
      %mul3A_514 = arith.constant 17 : i32
      %mul3A_515 = vector.broadcast %mul3A_514 : i32 to vector<16xi32>
      %mul3A_516 = arith.muli %iota3A, %mul3A_515 : vector<16xi32>
      %add3A_517 = arith.constant 8 : i32
      %add3A_518 = vector.broadcast %add3A_517 : i32 to vector<16xi32>
      %add3A_519 = arith.addi %mul3A_516, %add3A_518 : vector<16xi32>
      %gather3A_520 = tpu.vector_load_idx %arg18[%add3A_519] : memref<272xf32, #tpu.memory_space<vmem>>[vector<16xi32>], vector<16xf32>,
      %add3A_521 = arith.addf %add3A_513, %gather3A_520 : vector<16xf32>
      %mul3A_522 = arith.constant 17 : i32
      %mul3A_523 = vector.broadcast %mul3A_522 : i32 to vector<16xi32>
      %mul3A_524 = arith.muli %iota3A, %mul3A_523 : vector<16xi32>
      %add3A_525 = arith.constant 9 : i32
      %add3A_526 = vector.broadcast %add3A_525 : i32 to vector<16xi32>
      %add3A_527 = arith.addi %mul3A_524, %add3A_526 : vector<16xi32>
      %gather3A_528 = tpu.vector_load_idx %arg18[%add3A_527] : memref<272xf32, #tpu.memory_space<vmem>>[vector<16xi32>], vector<16xf32>,
      %add3A_529 = arith.addf %add3A_521, %gather3A_528 : vector<16xf32>
      %mul3A_530 = arith.constant 17 : i32
      %mul3A_531 = vector.broadcast %mul3A_530 : i32 to vector<16xi32>
      %mul3A_532 = arith.muli %iota3A, %mul3A_531 : vector<16xi32>
      %add3A_533 = arith.constant 10 : i32
      %add3A_534 = vector.broadcast %add3A_533 : i32 to vector<16xi32>
      %add3A_535 = arith.addi %mul3A_532, %add3A_534 : vector<16xi32>
      %gather3A_536 = tpu.vector_load_idx %arg18[%add3A_535] : memref<272xf32, #tpu.memory_space<vmem>>[vector<16xi32>], vector<16xf32>,
      %add3A_537 = arith.addf %add3A_529, %gather3A_536 : vector<16xf32>
      %mul3A_538 = arith.constant 17 : i32
      %mul3A_539 = vector.broadcast %mul3A_538 : i32 to vector<16xi32>
      %mul3A_540 = arith.muli %iota3A, %mul3A_539 : vector<16xi32>
      %add3A_541 = arith.constant 11 : i32
      %add3A_542 = vector.broadcast %add3A_541 : i32 to vector<16xi32>
      %add3A_543 = arith.addi %mul3A_540, %add3A_542 : vector<16xi32>
      %gather3A_544 = tpu.vector_load_idx %arg18[%add3A_543] : memref<272xf32, #tpu.memory_space<vmem>>[vector<16xi32>], vector<16xf32>,
      %add3A_545 = arith.addf %add3A_537, %gather3A_544 : vector<16xf32>
      %mul3A_546 = arith.constant 17 : i32
      %mul3A_547 = vector.broadcast %mul3A_546 : i32 to vector<16xi32>
      %mul3A_548 = arith.muli %iota3A, %mul3A_547 : vector<16xi32>
      %add3A_549 = arith.constant 12 : i32
      %add3A_550 = vector.broadcast %add3A_549 : i32 to vector<16xi32>
      %add3A_551 = arith.addi %mul3A_548, %add3A_550 : vector<16xi32>
      %gather3A_552 = tpu.vector_load_idx %arg18[%add3A_551] : memref<272xf32, #tpu.memory_space<vmem>>[vector<16xi32>], vector<16xf32>,
      %add3A_553 = arith.addf %add3A_545, %gather3A_552 : vector<16xf32>
      %mul3A_554 = arith.constant 17 : i32
      %mul3A_555 = vector.broadcast %mul3A_554 : i32 to vector<16xi32>
      %mul3A_556 = arith.muli %iota3A, %mul3A_555 : vector<16xi32>
      %add3A_557 = arith.constant 13 : i32
      %add3A_558 = vector.broadcast %add3A_557 : i32 to vector<16xi32>
      %add3A_559 = arith.addi %mul3A_556, %add3A_558 : vector<16xi32>
      %gather3A_560 = tpu.vector_load_idx %arg18[%add3A_559] : memref<272xf32, #tpu.memory_space<vmem>>[vector<16xi32>], vector<16xf32>,
      %add3A_561 = arith.addf %add3A_553, %gather3A_560 : vector<16xf32>
      %mul3A_562 = arith.constant 17 : i32
      %mul3A_563 = vector.broadcast %mul3A_562 : i32 to vector<16xi32>
      %mul3A_564 = arith.muli %iota3A, %mul3A_563 : vector<16xi32>
      %add3A_565 = arith.constant 14 : i32
      %add3A_566 = vector.broadcast %add3A_565 : i32 to vector<16xi32>
      %add3A_567 = arith.addi %mul3A_564, %add3A_566 : vector<16xi32>
      %gather3A_568 = tpu.vector_load_idx %arg18[%add3A_567] : memref<272xf32, #tpu.memory_space<vmem>>[vector<16xi32>], vector<16xf32>,
      %add3A_569 = arith.addf %add3A_561, %gather3A_568 : vector<16xf32>
      %mul3A_570 = arith.constant 17 : i32
      %mul3A_571 = vector.broadcast %mul3A_570 : i32 to vector<16xi32>
      %mul3A_572 = arith.muli %iota3A, %mul3A_571 : vector<16xi32>
      %add3A_573 = arith.constant 15 : i32
      %add3A_574 = vector.broadcast %add3A_573 : i32 to vector<16xi32>
      %add3A_575 = arith.addi %mul3A_572, %add3A_574 : vector<16xi32>
      %gather3A_576 = tpu.vector_load_idx %arg18[%add3A_575] : memref<272xf32, #tpu.memory_space<vmem>>[vector<16xi32>], vector<16xf32>,
      %add3A_577 = arith.addf %add3A_569, %gather3A_576 : vector<16xf32>
      %mul3A_578 = arith.constant 17 : i32
      %mul3A_579 = vector.broadcast %mul3A_578 : i32 to vector<16xi32>
      %mul3A_580 = arith.muli %iota3A, %mul3A_579 : vector<16xi32>
      %add3A_581 = arith.constant 0 : i32
      %add3A_582 = vector.broadcast %add3A_581 : i32 to vector<16xi32>
      %add3A_583 = arith.addi %mul3A_580, %add3A_582 : vector<16xi32>
      %gather3A_584 = tpu.vector_load_idx %arg19[%add3A_583] : memref<272xf32, #tpu.memory_space<vmem>>[vector<16xi32>], vector<16xf32>,
      %add3A_585 = arith.addf %broadcast_in_dim3A_1, %gather3A_584 : vector<16xf32>
      %mul3A_586 = arith.constant 17 : i32
      %mul3A_587 = vector.broadcast %mul3A_586 : i32 to vector<16xi32>
      %mul3A_588 = arith.muli %iota3A, %mul3A_587 : vector<16xi32>
      %add3A_589 = arith.constant 1 : i32
      %add3A_590 = vector.broadcast %add3A_589 : i32 to vector<16xi32>
      %add3A_591 = arith.addi %mul3A_588, %add3A_590 : vector<16xi32>
      %gather3A_592 = tpu.vector_load_idx %arg19[%add3A_591] : memref<272xf32, #tpu.memory_space<vmem>>[vector<16xi32>], vector<16xf32>,
      %add3A_593 = arith.addf %add3A_585, %gather3A_592 : vector<16xf32>
      %mul3A_594 = arith.constant 17 : i32
      %mul3A_595 = vector.broadcast %mul3A_594 : i32 to vector<16xi32>
      %mul3A_596 = arith.muli %iota3A, %mul3A_595 : vector<16xi32>
      %add3A_597 = arith.constant 2 : i32
      %add3A_598 = vector.broadcast %add3A_597 : i32 to vector<16xi32>
      %add3A_599 = arith.addi %mul3A_596, %add3A_598 : vector<16xi32>
      %gather3A_600 = tpu.vector_load_idx %arg19[%add3A_599] : memref<272xf32, #tpu.memory_space<vmem>>[vector<16xi32>], vector<16xf32>,
      %add3A_601 = arith.addf %add3A_593, %gather3A_600 : vector<16xf32>
      %mul3A_602 = arith.constant 17 : i32
      %mul3A_603 = vector.broadcast %mul3A_602 : i32 to vector<16xi32>
      %mul3A_604 = arith.muli %iota3A, %mul3A_603 : vector<16xi32>
      %add3A_605 = arith.constant 3 : i32
      %add3A_606 = vector.broadcast %add3A_605 : i32 to vector<16xi32>
      %add3A_607 = arith.addi %mul3A_604, %add3A_606 : vector<16xi32>
      %gather3A_608 = tpu.vector_load_idx %arg19[%add3A_607] : memref<272xf32, #tpu.memory_space<vmem>>[vector<16xi32>], vector<16xf32>,
      %add3A_609 = arith.addf %add3A_601, %gather3A_608 : vector<16xf32>
      %mul3A_610 = arith.constant 17 : i32
      %mul3A_611 = vector.broadcast %mul3A_610 : i32 to vector<16xi32>
      %mul3A_612 = arith.muli %iota3A, %mul3A_611 : vector<16xi32>
      %add3A_613 = arith.constant 4 : i32
      %add3A_614 = vector.broadcast %add3A_613 : i32 to vector<16xi32>
      %add3A_615 = arith.addi %mul3A_612, %add3A_614 : vector<16xi32>
      %gather3A_616 = tpu.vector_load_idx %arg19[%add3A_615] : memref<272xf32, #tpu.memory_space<vmem>>[vector<16xi32>], vector<16xf32>,
      %add3A_617 = arith.addf %add3A_609, %gather3A_616 : vector<16xf32>
      %mul3A_618 = arith.constant 17 : i32
      %mul3A_619 = vector.broadcast %mul3A_618 : i32 to vector<16xi32>
      %mul3A_620 = arith.muli %iota3A, %mul3A_619 : vector<16xi32>
      %add3A_621 = arith.constant 5 : i32
      %add3A_622 = vector.broadcast %add3A_621 : i32 to vector<16xi32>
      %add3A_623 = arith.addi %mul3A_620, %add3A_622 : vector<16xi32>
      %gather3A_624 = tpu.vector_load_idx %arg19[%add3A_623] : memref<272xf32, #tpu.memory_space<vmem>>[vector<16xi32>], vector<16xf32>,
      %add3A_625 = arith.addf %add3A_617, %gather3A_624 : vector<16xf32>
      %mul3A_626 = arith.constant 17 : i32
      %mul3A_627 = vector.broadcast %mul3A_626 : i32 to vector<16xi32>
      %mul3A_628 = arith.muli %iota3A, %mul3A_627 : vector<16xi32>
      %add3A_629 = arith.constant 6 : i32
      %add3A_630 = vector.broadcast %add3A_629 : i32 to vector<16xi32>
      %add3A_631 = arith.addi %mul3A_628, %add3A_630 : vector<16xi32>
      %gather3A_632 = tpu.vector_load_idx %arg19[%add3A_631] : memref<272xf32, #tpu.memory_space<vmem>>[vector<16xi32>], vector<16xf32>,
      %add3A_633 = arith.addf %add3A_625, %gather3A_632 : vector<16xf32>
      %mul3A_634 = arith.constant 17 : i32
      %mul3A_635 = vector.broadcast %mul3A_634 : i32 to vector<16xi32>
      %mul3A_636 = arith.muli %iota3A, %mul3A_635 : vector<16xi32>
      %add3A_637 = arith.constant 7 : i32
      %add3A_638 = vector.broadcast %add3A_637 : i32 to vector<16xi32>
      %add3A_639 = arith.addi %mul3A_636, %add3A_638 : vector<16xi32>
      %gather3A_640 = tpu.vector_load_idx %arg19[%add3A_639] : memref<272xf32, #tpu.memory_space<vmem>>[vector<16xi32>], vector<16xf32>,
      %add3A_641 = arith.addf %add3A_633, %gather3A_640 : vector<16xf32>
      %mul3A_642 = arith.constant 17 : i32
      %mul3A_643 = vector.broadcast %mul3A_642 : i32 to vector<16xi32>
      %mul3A_644 = arith.muli %iota3A, %mul3A_643 : vector<16xi32>
      %add3A_645 = arith.constant 8 : i32
      %add3A_646 = vector.broadcast %add3A_645 : i32 to vector<16xi32>
      %add3A_647 = arith.addi %mul3A_644, %add3A_646 : vector<16xi32>
      %gather3A_648 = tpu.vector_load_idx %arg19[%add3A_647] : memref<272xf32, #tpu.memory_space<vmem>>[vector<16xi32>], vector<16xf32>,
      %add3A_649 = arith.addf %add3A_641, %gather3A_648 : vector<16xf32>
      %mul3A_650 = arith.constant 17 : i32
      %mul3A_651 = vector.broadcast %mul3A_650 : i32 to vector<16xi32>
      %mul3A_652 = arith.muli %iota3A, %mul3A_651 : vector<16xi32>
      %add3A_653 = arith.constant 9 : i32
      %add3A_654 = vector.broadcast %add3A_653 : i32 to vector<16xi32>
      %add3A_655 = arith.addi %mul3A_652, %add3A_654 : vector<16xi32>
      %gather3A_656 = tpu.vector_load_idx %arg19[%add3A_655] : memref<272xf32, #tpu.memory_space<vmem>>[vector<16xi32>], vector<16xf32>,
      %add3A_657 = arith.addf %add3A_649, %gather3A_656 : vector<16xf32>
      %mul3A_658 = arith.constant 17 : i32
      %mul3A_659 = vector.broadcast %mul3A_658 : i32 to vector<16xi32>
      %mul3A_660 = arith.muli %iota3A, %mul3A_659 : vector<16xi32>
      %add3A_661 = arith.constant 10 : i32
      %add3A_662 = vector.broadcast %add3A_661 : i32 to vector<16xi32>
      %add3A_663 = arith.addi %mul3A_660, %add3A_662 : vector<16xi32>
      %gather3A_664 = tpu.vector_load_idx %arg19[%add3A_663] : memref<272xf32, #tpu.memory_space<vmem>>[vector<16xi32>], vector<16xf32>,
      %add3A_665 = arith.addf %add3A_657, %gather3A_664 : vector<16xf32>
      %mul3A_666 = arith.constant 17 : i32
      %mul3A_667 = vector.broadcast %mul3A_666 : i32 to vector<16xi32>
      %mul3A_668 = arith.muli %iota3A, %mul3A_667 : vector<16xi32>
      %add3A_669 = arith.constant 11 : i32
      %add3A_670 = vector.broadcast %add3A_669 : i32 to vector<16xi32>
      %add3A_671 = arith.addi %mul3A_668, %add3A_670 : vector<16xi32>
      %gather3A_672 = tpu.vector_load_idx %arg19[%add3A_671] : memref<272xf32, #tpu.memory_space<vmem>>[vector<16xi32>], vector<16xf32>,
      %add3A_673 = arith.addf %add3A_665, %gather3A_672 : vector<16xf32>
      %mul3A_674 = arith.constant 17 : i32
      %mul3A_675 = vector.broadcast %mul3A_674 : i32 to vector<16xi32>
      %mul3A_676 = arith.muli %iota3A, %mul3A_675 : vector<16xi32>
      %add3A_677 = arith.constant 12 : i32
      %add3A_678 = vector.broadcast %add3A_677 : i32 to vector<16xi32>
      %add3A_679 = arith.addi %mul3A_676, %add3A_678 : vector<16xi32>
      %gather3A_680 = tpu.vector_load_idx %arg19[%add3A_679] : memref<272xf32, #tpu.memory_space<vmem>>[vector<16xi32>], vector<16xf32>,
      %add3A_681 = arith.addf %add3A_673, %gather3A_680 : vector<16xf32>
      %mul3A_682 = arith.constant 17 : i32
      %mul3A_683 = vector.broadcast %mul3A_682 : i32 to vector<16xi32>
      %mul3A_684 = arith.muli %iota3A, %mul3A_683 : vector<16xi32>
      %add3A_685 = arith.constant 13 : i32
      %add3A_686 = vector.broadcast %add3A_685 : i32 to vector<16xi32>
      %add3A_687 = arith.addi %mul3A_684, %add3A_686 : vector<16xi32>
      %gather3A_688 = tpu.vector_load_idx %arg19[%add3A_687] : memref<272xf32, #tpu.memory_space<vmem>>[vector<16xi32>], vector<16xf32>,
      %add3A_689 = arith.addf %add3A_681, %gather3A_688 : vector<16xf32>
      %mul3A_690 = arith.constant 17 : i32
      %mul3A_691 = vector.broadcast %mul3A_690 : i32 to vector<16xi32>
      %mul3A_692 = arith.muli %iota3A, %mul3A_691 : vector<16xi32>
      %add3A_693 = arith.constant 14 : i32
      %add3A_694 = vector.broadcast %add3A_693 : i32 to vector<16xi32>
      %add3A_695 = arith.addi %mul3A_692, %add3A_694 : vector<16xi32>
      %gather3A_696 = tpu.vector_load_idx %arg19[%add3A_695] : memref<272xf32, #tpu.memory_space<vmem>>[vector<16xi32>], vector<16xf32>,
      %add3A_697 = arith.addf %add3A_689, %gather3A_696 : vector<16xf32>
      %mul3A_698 = arith.constant 17 : i32
      %mul3A_699 = vector.broadcast %mul3A_698 : i32 to vector<16xi32>
      %mul3A_700 = arith.muli %iota3A, %mul3A_699 : vector<16xi32>
      %add3A_701 = arith.constant 15 : i32
      %add3A_702 = vector.broadcast %add3A_701 : i32 to vector<16xi32>
      %add3A_703 = arith.addi %mul3A_700, %add3A_702 : vector<16xi32>
      %gather3A_704 = tpu.vector_load_idx %arg19[%add3A_703] : memref<272xf32, #tpu.memory_space<vmem>>[vector<16xi32>], vector<16xf32>,
      %add3A_705 = arith.addf %add3A_697, %gather3A_704 : vector<16xf32>
      %mul3A_706 = arith.constant 17 : i32
      %mul3A_707 = vector.broadcast %mul3A_706 : i32 to vector<16xi32>
      %mul3A_708 = arith.muli %iota3A, %mul3A_707 : vector<16xi32>
      %add3A_709 = arith.constant 0 : i32
      %add3A_710 = vector.broadcast %add3A_709 : i32 to vector<16xi32>
      %add3A_711 = arith.addi %mul3A_708, %add3A_710 : vector<16xi32>
      %gather3A_712 = tpu.vector_load_idx %arg20[%add3A_711] : memref<272xf32, #tpu.memory_space<vmem>>[vector<16xi32>], vector<16xf32>,
      %add3A_713 = arith.addf %broadcast_in_dim3A_1, %gather3A_712 : vector<16xf32>
      %mul3A_714 = arith.constant 17 : i32
      %mul3A_715 = vector.broadcast %mul3A_714 : i32 to vector<16xi32>
      %mul3A_716 = arith.muli %iota3A, %mul3A_715 : vector<16xi32>
      %add3A_717 = arith.constant 1 : i32
      %add3A_718 = vector.broadcast %add3A_717 : i32 to vector<16xi32>
      %add3A_719 = arith.addi %mul3A_716, %add3A_718 : vector<16xi32>
      %gather3A_720 = tpu.vector_load_idx %arg20[%add3A_719] : memref<272xf32, #tpu.memory_space<vmem>>[vector<16xi32>], vector<16xf32>,
      %add3A_721 = arith.addf %add3A_713, %gather3A_720 : vector<16xf32>
      %mul3A_722 = arith.constant 17 : i32
      %mul3A_723 = vector.broadcast %mul3A_722 : i32 to vector<16xi32>
      %mul3A_724 = arith.muli %iota3A, %mul3A_723 : vector<16xi32>
      %add3A_725 = arith.constant 2 : i32
      %add3A_726 = vector.broadcast %add3A_725 : i32 to vector<16xi32>
      %add3A_727 = arith.addi %mul3A_724, %add3A_726 : vector<16xi32>
      %gather3A_728 = tpu.vector_load_idx %arg20[%add3A_727] : memref<272xf32, #tpu.memory_space<vmem>>[vector<16xi32>], vector<16xf32>,
      %add3A_729 = arith.addf %add3A_721, %gather3A_728 : vector<16xf32>
      %mul3A_730 = arith.constant 17 : i32
      %mul3A_731 = vector.broadcast %mul3A_730 : i32 to vector<16xi32>
      %mul3A_732 = arith.muli %iota3A, %mul3A_731 : vector<16xi32>
      %add3A_733 = arith.constant 3 : i32
      %add3A_734 = vector.broadcast %add3A_733 : i32 to vector<16xi32>
      %add3A_735 = arith.addi %mul3A_732, %add3A_734 : vector<16xi32>
      %gather3A_736 = tpu.vector_load_idx %arg20[%add3A_735] : memref<272xf32, #tpu.memory_space<vmem>>[vector<16xi32>], vector<16xf32>,
      %add3A_737 = arith.addf %add3A_729, %gather3A_736 : vector<16xf32>
      %mul3A_738 = arith.constant 17 : i32
      %mul3A_739 = vector.broadcast %mul3A_738 : i32 to vector<16xi32>
      %mul3A_740 = arith.muli %iota3A, %mul3A_739 : vector<16xi32>
      %add3A_741 = arith.constant 4 : i32
      %add3A_742 = vector.broadcast %add3A_741 : i32 to vector<16xi32>
      %add3A_743 = arith.addi %mul3A_740, %add3A_742 : vector<16xi32>
      %gather3A_744 = tpu.vector_load_idx %arg20[%add3A_743] : memref<272xf32, #tpu.memory_space<vmem>>[vector<16xi32>], vector<16xf32>,
      %add3A_745 = arith.addf %add3A_737, %gather3A_744 : vector<16xf32>
      %mul3A_746 = arith.constant 17 : i32
      %mul3A_747 = vector.broadcast %mul3A_746 : i32 to vector<16xi32>
      %mul3A_748 = arith.muli %iota3A, %mul3A_747 : vector<16xi32>
      %add3A_749 = arith.constant 5 : i32
      %add3A_750 = vector.broadcast %add3A_749 : i32 to vector<16xi32>
      %add3A_751 = arith.addi %mul3A_748, %add3A_750 : vector<16xi32>
      %gather3A_752 = tpu.vector_load_idx %arg20[%add3A_751] : memref<272xf32, #tpu.memory_space<vmem>>[vector<16xi32>], vector<16xf32>,
      %add3A_753 = arith.addf %add3A_745, %gather3A_752 : vector<16xf32>
      %mul3A_754 = arith.constant 17 : i32
      %mul3A_755 = vector.broadcast %mul3A_754 : i32 to vector<16xi32>
      %mul3A_756 = arith.muli %iota3A, %mul3A_755 : vector<16xi32>
      %add3A_757 = arith.constant 6 : i32
      %add3A_758 = vector.broadcast %add3A_757 : i32 to vector<16xi32>
      %add3A_759 = arith.addi %mul3A_756, %add3A_758 : vector<16xi32>
      %gather3A_760 = tpu.vector_load_idx %arg20[%add3A_759] : memref<272xf32, #tpu.memory_space<vmem>>[vector<16xi32>], vector<16xf32>,
      %add3A_761 = arith.addf %add3A_753, %gather3A_760 : vector<16xf32>
      %mul3A_762 = arith.constant 17 : i32
      %mul3A_763 = vector.broadcast %mul3A_762 : i32 to vector<16xi32>
      %mul3A_764 = arith.muli %iota3A, %mul3A_763 : vector<16xi32>
      %add3A_765 = arith.constant 7 : i32
      %add3A_766 = vector.broadcast %add3A_765 : i32 to vector<16xi32>
      %add3A_767 = arith.addi %mul3A_764, %add3A_766 : vector<16xi32>
      %gather3A_768 = tpu.vector_load_idx %arg20[%add3A_767] : memref<272xf32, #tpu.memory_space<vmem>>[vector<16xi32>], vector<16xf32>,
      %add3A_769 = arith.addf %add3A_761, %gather3A_768 : vector<16xf32>
      %mul3A_770 = arith.constant 17 : i32
      %mul3A_771 = vector.broadcast %mul3A_770 : i32 to vector<16xi32>
      %mul3A_772 = arith.muli %iota3A, %mul3A_771 : vector<16xi32>
      %add3A_773 = arith.constant 8 : i32
      %add3A_774 = vector.broadcast %add3A_773 : i32 to vector<16xi32>
      %add3A_775 = arith.addi %mul3A_772, %add3A_774 : vector<16xi32>
      %gather3A_776 = tpu.vector_load_idx %arg20[%add3A_775] : memref<272xf32, #tpu.memory_space<vmem>>[vector<16xi32>], vector<16xf32>,
      %add3A_777 = arith.addf %add3A_769, %gather3A_776 : vector<16xf32>
      %mul3A_778 = arith.constant 17 : i32
      %mul3A_779 = vector.broadcast %mul3A_778 : i32 to vector<16xi32>
      %mul3A_780 = arith.muli %iota3A, %mul3A_779 : vector<16xi32>
      %add3A_781 = arith.constant 9 : i32
      %add3A_782 = vector.broadcast %add3A_781 : i32 to vector<16xi32>
      %add3A_783 = arith.addi %mul3A_780, %add3A_782 : vector<16xi32>
      %gather3A_784 = tpu.vector_load_idx %arg20[%add3A_783] : memref<272xf32, #tpu.memory_space<vmem>>[vector<16xi32>], vector<16xf32>,
      %add3A_785 = arith.addf %add3A_777, %gather3A_784 : vector<16xf32>
      %mul3A_786 = arith.constant 17 : i32
      %mul3A_787 = vector.broadcast %mul3A_786 : i32 to vector<16xi32>
      %mul3A_788 = arith.muli %iota3A, %mul3A_787 : vector<16xi32>
      %add3A_789 = arith.constant 10 : i32
      %add3A_790 = vector.broadcast %add3A_789 : i32 to vector<16xi32>
      %add3A_791 = arith.addi %mul3A_788, %add3A_790 : vector<16xi32>
      %gather3A_792 = tpu.vector_load_idx %arg20[%add3A_791] : memref<272xf32, #tpu.memory_space<vmem>>[vector<16xi32>], vector<16xf32>,
      %add3A_793 = arith.addf %add3A_785, %gather3A_792 : vector<16xf32>
      %mul3A_794 = arith.constant 17 : i32
      %mul3A_795 = vector.broadcast %mul3A_794 : i32 to vector<16xi32>
      %mul3A_796 = arith.muli %iota3A, %mul3A_795 : vector<16xi32>
      %add3A_797 = arith.constant 11 : i32
      %add3A_798 = vector.broadcast %add3A_797 : i32 to vector<16xi32>
      %add3A_799 = arith.addi %mul3A_796, %add3A_798 : vector<16xi32>
      %gather3A_800 = tpu.vector_load_idx %arg20[%add3A_799] : memref<272xf32, #tpu.memory_space<vmem>>[vector<16xi32>], vector<16xf32>,
      %add3A_801 = arith.addf %add3A_793, %gather3A_800 : vector<16xf32>
      %mul3A_802 = arith.constant 17 : i32
      %mul3A_803 = vector.broadcast %mul3A_802 : i32 to vector<16xi32>
      %mul3A_804 = arith.muli %iota3A, %mul3A_803 : vector<16xi32>
      %add3A_805 = arith.constant 12 : i32
      %add3A_806 = vector.broadcast %add3A_805 : i32 to vector<16xi32>
      %add3A_807 = arith.addi %mul3A_804, %add3A_806 : vector<16xi32>
      %gather3A_808 = tpu.vector_load_idx %arg20[%add3A_807] : memref<272xf32, #tpu.memory_space<vmem>>[vector<16xi32>], vector<16xf32>,
      %add3A_809 = arith.addf %add3A_801, %gather3A_808 : vector<16xf32>
      %mul3A_810 = arith.constant 17 : i32
      %mul3A_811 = vector.broadcast %mul3A_810 : i32 to vector<16xi32>
      %mul3A_812 = arith.muli %iota3A, %mul3A_811 : vector<16xi32>
      %add3A_813 = arith.constant 13 : i32
      %add3A_814 = vector.broadcast %add3A_813 : i32 to vector<16xi32>
      %add3A_815 = arith.addi %mul3A_812, %add3A_814 : vector<16xi32>
      %gather3A_816 = tpu.vector_load_idx %arg20[%add3A_815] : memref<272xf32, #tpu.memory_space<vmem>>[vector<16xi32>], vector<16xf32>,
      %add3A_817 = arith.addf %add3A_809, %gather3A_816 : vector<16xf32>
      %mul3A_818 = arith.constant 17 : i32
      %mul3A_819 = vector.broadcast %mul3A_818 : i32 to vector<16xi32>
      %mul3A_820 = arith.muli %iota3A, %mul3A_819 : vector<16xi32>
      %add3A_821 = arith.constant 14 : i32
      %add3A_822 = vector.broadcast %add3A_821 : i32 to vector<16xi32>
      %add3A_823 = arith.addi %mul3A_820, %add3A_822 : vector<16xi32>
      %gather3A_824 = tpu.vector_load_idx %arg20[%add3A_823] : memref<272xf32, #tpu.memory_space<vmem>>[vector<16xi32>], vector<16xf32>,
      %add3A_825 = arith.addf %add3A_817, %gather3A_824 : vector<16xf32>
      %mul3A_826 = arith.constant 17 : i32
      %mul3A_827 = vector.broadcast %mul3A_826 : i32 to vector<16xi32>
      %mul3A_828 = arith.muli %iota3A, %mul3A_827 : vector<16xi32>
      %add3A_829 = arith.constant 15 : i32
      %add3A_830 = vector.broadcast %add3A_829 : i32 to vector<16xi32>
      %add3A_831 = arith.addi %mul3A_828, %add3A_830 : vector<16xi32>
      %gather3A_832 = tpu.vector_load_idx %arg20[%add3A_831] : memref<272xf32, #tpu.memory_space<vmem>>[vector<16xi32>], vector<16xf32>,
      %add3A_833 = arith.addf %add3A_825, %gather3A_832 : vector<16xf32>
      %bitcast3A = vector.bitcast %add3A_193 : vector<16xf32> to vector<16xi32>
      %shift_right_arithmetic3A = arith.constant 1 : i32
      %shift_right_arithmetic3A_834 = vector.broadcast %shift_right_arithmetic3A : i32 to vector<16xi32>
      %shift_right_arithmetic3A_835 = arith.shrsi %bitcast3A, %shift_right_arithmetic3A_834 : vector<16xi32>
      %sub3A = arith.constant 1597463007 : i32
      %sub3A_836 = vector.broadcast %sub3A : i32 to vector<16xi32>
      %sub3A_837 = arith.subi %sub3A_836, %shift_right_arithmetic3A_835 : vector<16xi32>
      %bitcast3A_838 = vector.bitcast %sub3A_837 : vector<16xi32> to vector<16xf32>
      %mul3A_839 = arith.constant 5.000000e-01 : f32
      %mul3A_840 = vector.broadcast %mul3A_839 : f32 to vector<16xf32>
      %mul3A_841 = arith.mulf %mul3A_840, %add3A_193 : vector<16xf32>
      %mul3A_842 = arith.mulf %mul3A_841, %bitcast3A_838 : vector<16xf32>
      %mul3A_843 = arith.mulf %mul3A_842, %bitcast3A_838 : vector<16xf32>
      %sub3A_844 = arith.constant 1.500000e+00 : f32
      %sub3A_845 = vector.broadcast %sub3A_844 : f32 to vector<16xf32>
      %sub3A_846 = arith.subf %sub3A_845, %mul3A_843 : vector<16xf32>
      %mul3A_847 = arith.mulf %bitcast3A_838, %sub3A_846 : vector<16xf32>
      %mul3A_848 = arith.constant 5.000000e-01 : f32
      %mul3A_849 = vector.broadcast %mul3A_848 : f32 to vector<16xf32>
      %mul3A_850 = arith.mulf %mul3A_849, %add3A_193 : vector<16xf32>
      %mul3A_851 = arith.mulf %mul3A_850, %mul3A_847 : vector<16xf32>
      %mul3A_852 = arith.mulf %mul3A_851, %mul3A_847 : vector<16xf32>
      %sub3A_853 = arith.constant 1.500000e+00 : f32
      %sub3A_854 = vector.broadcast %sub3A_853 : f32 to vector<16xf32>
      %sub3A_855 = arith.subf %sub3A_854, %mul3A_852 : vector<16xf32>
      %mul3A_856 = arith.mulf %mul3A_847, %sub3A_855 : vector<16xf32>
      %mul3A_857 = arith.constant 5.000000e-01 : f32
      %mul3A_858 = vector.broadcast %mul3A_857 : f32 to vector<16xf32>
      %mul3A_859 = arith.mulf %mul3A_858, %add3A_193 : vector<16xf32>
      %mul3A_860 = arith.mulf %mul3A_859, %mul3A_856 : vector<16xf32>
      %mul3A_861 = arith.mulf %mul3A_860, %mul3A_856 : vector<16xf32>
      %sub3A_862 = arith.constant 1.500000e+00 : f32
      %sub3A_863 = vector.broadcast %sub3A_862 : f32 to vector<16xf32>
      %sub3A_864 = arith.subf %sub3A_863, %mul3A_861 : vector<16xf32>
      %mul3A_865 = arith.mulf %mul3A_856, %sub3A_864 : vector<16xf32>
      %mul3A_866 = arith.mulf %add3A_193, %mul3A_865 : vector<16xf32>
      %max3A = arith.constant 9.99999996E-13 : f32
      %max3A_867 = vector.broadcast %max3A : f32 to vector<16xf32>
      %max3A_868 = arith.maximumf %mul3A_866, %max3A_867 : vector<16xf32>
      %bitcast3A_869 = vector.bitcast %add3A_321 : vector<16xf32> to vector<16xi32>
      %shift_right_arithmetic3A_870 = arith.constant 1 : i32
      %shift_right_arithmetic3A_871 = vector.broadcast %shift_right_arithmetic3A_870 : i32 to vector<16xi32>
      %shift_right_arithmetic3A_872 = arith.shrsi %bitcast3A_869, %shift_right_arithmetic3A_871 : vector<16xi32>
      %sub3A_873 = arith.constant 1597463007 : i32
      %sub3A_874 = vector.broadcast %sub3A_873 : i32 to vector<16xi32>
      %sub3A_875 = arith.subi %sub3A_874, %shift_right_arithmetic3A_872 : vector<16xi32>
      %bitcast3A_876 = vector.bitcast %sub3A_875 : vector<16xi32> to vector<16xf32>
      %mul3A_877 = arith.constant 5.000000e-01 : f32
      %mul3A_878 = vector.broadcast %mul3A_877 : f32 to vector<16xf32>
      %mul3A_879 = arith.mulf %mul3A_878, %add3A_321 : vector<16xf32>
      %mul3A_880 = arith.mulf %mul3A_879, %bitcast3A_876 : vector<16xf32>
      %mul3A_881 = arith.mulf %mul3A_880, %bitcast3A_876 : vector<16xf32>
      %sub3A_882 = arith.constant 1.500000e+00 : f32
      %sub3A_883 = vector.broadcast %sub3A_882 : f32 to vector<16xf32>
      %sub3A_884 = arith.subf %sub3A_883, %mul3A_881 : vector<16xf32>
      %mul3A_885 = arith.mulf %bitcast3A_876, %sub3A_884 : vector<16xf32>
      %mul3A_886 = arith.constant 5.000000e-01 : f32
      %mul3A_887 = vector.broadcast %mul3A_886 : f32 to vector<16xf32>
      %mul3A_888 = arith.mulf %mul3A_887, %add3A_321 : vector<16xf32>
      %mul3A_889 = arith.mulf %mul3A_888, %mul3A_885 : vector<16xf32>
      %mul3A_890 = arith.mulf %mul3A_889, %mul3A_885 : vector<16xf32>
      %sub3A_891 = arith.constant 1.500000e+00 : f32
      %sub3A_892 = vector.broadcast %sub3A_891 : f32 to vector<16xf32>
      %sub3A_893 = arith.subf %sub3A_892, %mul3A_890 : vector<16xf32>
      %mul3A_894 = arith.mulf %mul3A_885, %sub3A_893 : vector<16xf32>
      %mul3A_895 = arith.constant 5.000000e-01 : f32
      %mul3A_896 = vector.broadcast %mul3A_895 : f32 to vector<16xf32>
      %mul3A_897 = arith.mulf %mul3A_896, %add3A_321 : vector<16xf32>
      %mul3A_898 = arith.mulf %mul3A_897, %mul3A_894 : vector<16xf32>
      %mul3A_899 = arith.mulf %mul3A_898, %mul3A_894 : vector<16xf32>
      %sub3A_900 = arith.constant 1.500000e+00 : f32
      %sub3A_901 = vector.broadcast %sub3A_900 : f32 to vector<16xf32>
      %sub3A_902 = arith.subf %sub3A_901, %mul3A_899 : vector<16xf32>
      %mul3A_903 = arith.mulf %mul3A_894, %sub3A_902 : vector<16xf32>
      %mul3A_904 = arith.mulf %add3A_321, %mul3A_903 : vector<16xf32>
      %max3A_905 = arith.constant 9.99999996E-13 : f32
      %max3A_906 = vector.broadcast %max3A_905 : f32 to vector<16xf32>
      %max3A_907 = arith.maximumf %mul3A_904, %max3A_906 : vector<16xf32>
      %mul3A_908 = arith.mulf %max3A_868, %max3A_868 : vector<16xf32>
      %div3A = arith.divf %add3A_193, %mul3A_908 : vector<16xf32>
      %mul3A_909 = arith.mulf %max3A_907, %max3A_907 : vector<16xf32>
      %div3A_910 = arith.divf %add3A_321, %mul3A_909 : vector<16xf32>
      %add3A_911 = arith.addf %div3A, %div3A_910 : vector<16xf32>
      %mul3A_912 = arith.mulf %max3A_868, %max3A_907 : vector<16xf32>
      %div3A_913 = arith.divf %add3A_449, %mul3A_912 : vector<16xf32>
      %mul3A_914 = arith.constant 2.000000e+00 : f32
      %mul3A_915 = vector.broadcast %mul3A_914 : f32 to vector<16xf32>
      %mul3A_916 = arith.mulf %mul3A_915, %div3A_913 : vector<16xf32>
      %sub3A_917 = arith.subf %add3A_911, %mul3A_916 : vector<16xf32>
      %add3A_918 = arith.addf %scan3A_30, %sub3A_917 : vector<16xf32>
      %bitcast3A_919 = vector.bitcast %add3A_577 : vector<16xf32> to vector<16xi32>
      %shift_right_arithmetic3A_920 = arith.constant 1 : i32
      %shift_right_arithmetic3A_921 = vector.broadcast %shift_right_arithmetic3A_920 : i32 to vector<16xi32>
      %shift_right_arithmetic3A_922 = arith.shrsi %bitcast3A_919, %shift_right_arithmetic3A_921 : vector<16xi32>
      %sub3A_923 = arith.constant 1597463007 : i32
      %sub3A_924 = vector.broadcast %sub3A_923 : i32 to vector<16xi32>
      %sub3A_925 = arith.subi %sub3A_924, %shift_right_arithmetic3A_922 : vector<16xi32>
      %bitcast3A_926 = vector.bitcast %sub3A_925 : vector<16xi32> to vector<16xf32>
      %mul3A_927 = arith.constant 5.000000e-01 : f32
      %mul3A_928 = vector.broadcast %mul3A_927 : f32 to vector<16xf32>
      %mul3A_929 = arith.mulf %mul3A_928, %add3A_577 : vector<16xf32>
      %mul3A_930 = arith.mulf %mul3A_929, %bitcast3A_926 : vector<16xf32>
      %mul3A_931 = arith.mulf %mul3A_930, %bitcast3A_926 : vector<16xf32>
      %sub3A_932 = arith.constant 1.500000e+00 : f32
      %sub3A_933 = vector.broadcast %sub3A_932 : f32 to vector<16xf32>
      %sub3A_934 = arith.subf %sub3A_933, %mul3A_931 : vector<16xf32>
      %mul3A_935 = arith.mulf %bitcast3A_926, %sub3A_934 : vector<16xf32>
      %mul3A_936 = arith.constant 5.000000e-01 : f32
      %mul3A_937 = vector.broadcast %mul3A_936 : f32 to vector<16xf32>
      %mul3A_938 = arith.mulf %mul3A_937, %add3A_577 : vector<16xf32>
      %mul3A_939 = arith.mulf %mul3A_938, %mul3A_935 : vector<16xf32>
      %mul3A_940 = arith.mulf %mul3A_939, %mul3A_935 : vector<16xf32>
      %sub3A_941 = arith.constant 1.500000e+00 : f32
      %sub3A_942 = vector.broadcast %sub3A_941 : f32 to vector<16xf32>
      %sub3A_943 = arith.subf %sub3A_942, %mul3A_940 : vector<16xf32>
      %mul3A_944 = arith.mulf %mul3A_935, %sub3A_943 : vector<16xf32>
      %mul3A_945 = arith.constant 5.000000e-01 : f32
      %mul3A_946 = vector.broadcast %mul3A_945 : f32 to vector<16xf32>
      %mul3A_947 = arith.mulf %mul3A_946, %add3A_577 : vector<16xf32>
      %mul3A_948 = arith.mulf %mul3A_947, %mul3A_944 : vector<16xf32>
      %mul3A_949 = arith.mulf %mul3A_948, %mul3A_944 : vector<16xf32>
      %sub3A_950 = arith.constant 1.500000e+00 : f32
      %sub3A_951 = vector.broadcast %sub3A_950 : f32 to vector<16xf32>
      %sub3A_952 = arith.subf %sub3A_951, %mul3A_949 : vector<16xf32>
      %mul3A_953 = arith.mulf %mul3A_944, %sub3A_952 : vector<16xf32>
      %mul3A_954 = arith.mulf %add3A_577, %mul3A_953 : vector<16xf32>
      %max3A_955 = arith.constant 9.99999996E-13 : f32
      %max3A_956 = vector.broadcast %max3A_955 : f32 to vector<16xf32>
      %max3A_957 = arith.maximumf %mul3A_954, %max3A_956 : vector<16xf32>
      %bitcast3A_958 = vector.bitcast %add3A_705 : vector<16xf32> to vector<16xi32>
      %shift_right_arithmetic3A_959 = arith.constant 1 : i32
      %shift_right_arithmetic3A_960 = vector.broadcast %shift_right_arithmetic3A_959 : i32 to vector<16xi32>
      %shift_right_arithmetic3A_961 = arith.shrsi %bitcast3A_958, %shift_right_arithmetic3A_960 : vector<16xi32>
      %sub3A_962 = arith.constant 1597463007 : i32
      %sub3A_963 = vector.broadcast %sub3A_962 : i32 to vector<16xi32>
      %sub3A_964 = arith.subi %sub3A_963, %shift_right_arithmetic3A_961 : vector<16xi32>
      %bitcast3A_965 = vector.bitcast %sub3A_964 : vector<16xi32> to vector<16xf32>
      %mul3A_966 = arith.constant 5.000000e-01 : f32
      %mul3A_967 = vector.broadcast %mul3A_966 : f32 to vector<16xf32>
      %mul3A_968 = arith.mulf %mul3A_967, %add3A_705 : vector<16xf32>
      %mul3A_969 = arith.mulf %mul3A_968, %bitcast3A_965 : vector<16xf32>
      %mul3A_970 = arith.mulf %mul3A_969, %bitcast3A_965 : vector<16xf32>
      %sub3A_971 = arith.constant 1.500000e+00 : f32
      %sub3A_972 = vector.broadcast %sub3A_971 : f32 to vector<16xf32>
      %sub3A_973 = arith.subf %sub3A_972, %mul3A_970 : vector<16xf32>
      %mul3A_974 = arith.mulf %bitcast3A_965, %sub3A_973 : vector<16xf32>
      %mul3A_975 = arith.constant 5.000000e-01 : f32
      %mul3A_976 = vector.broadcast %mul3A_975 : f32 to vector<16xf32>
      %mul3A_977 = arith.mulf %mul3A_976, %add3A_705 : vector<16xf32>
      %mul3A_978 = arith.mulf %mul3A_977, %mul3A_974 : vector<16xf32>
      %mul3A_979 = arith.mulf %mul3A_978, %mul3A_974 : vector<16xf32>
      %sub3A_980 = arith.constant 1.500000e+00 : f32
      %sub3A_981 = vector.broadcast %sub3A_980 : f32 to vector<16xf32>
      %sub3A_982 = arith.subf %sub3A_981, %mul3A_979 : vector<16xf32>
      %mul3A_983 = arith.mulf %mul3A_974, %sub3A_982 : vector<16xf32>
      %mul3A_984 = arith.constant 5.000000e-01 : f32
      %mul3A_985 = vector.broadcast %mul3A_984 : f32 to vector<16xf32>
      %mul3A_986 = arith.mulf %mul3A_985, %add3A_705 : vector<16xf32>
      %mul3A_987 = arith.mulf %mul3A_986, %mul3A_983 : vector<16xf32>
      %mul3A_988 = arith.mulf %mul3A_987, %mul3A_983 : vector<16xf32>
      %sub3A_989 = arith.constant 1.500000e+00 : f32
      %sub3A_990 = vector.broadcast %sub3A_989 : f32 to vector<16xf32>
      %sub3A_991 = arith.subf %sub3A_990, %mul3A_988 : vector<16xf32>
      %mul3A_992 = arith.mulf %mul3A_983, %sub3A_991 : vector<16xf32>
      %mul3A_993 = arith.mulf %add3A_705, %mul3A_992 : vector<16xf32>
      %max3A_994 = arith.constant 9.99999996E-13 : f32
      %max3A_995 = vector.broadcast %max3A_994 : f32 to vector<16xf32>
      %max3A_996 = arith.maximumf %mul3A_993, %max3A_995 : vector<16xf32>
      %mul3A_997 = arith.mulf %max3A_957, %max3A_957 : vector<16xf32>
      %div3A_998 = arith.divf %add3A_577, %mul3A_997 : vector<16xf32>
      %mul3A_999 = arith.mulf %max3A_996, %max3A_996 : vector<16xf32>
      %div3A_1000 = arith.divf %add3A_705, %mul3A_999 : vector<16xf32>
      %add3A_1001 = arith.addf %div3A_998, %div3A_1000 : vector<16xf32>
      %mul3A_1002 = arith.mulf %max3A_957, %max3A_996 : vector<16xf32>
      %div3A_1003 = arith.divf %add3A_833, %mul3A_1002 : vector<16xf32>
      %mul3A_1004 = arith.constant 2.000000e+00 : f32
      %mul3A_1005 = vector.broadcast %mul3A_1004 : f32 to vector<16xf32>
      %mul3A_1006 = arith.mulf %mul3A_1005, %div3A_1003 : vector<16xf32>
      %sub3A_1007 = arith.subf %add3A_1001, %mul3A_1006 : vector<16xf32>
      %add3A_1008 = arith.addf %add3A_918, %sub3A_1007 : vector<16xf32>
      %mul3A_1009 = arith.constant 2 : i32
      %mul3A_1010 = arith.muli %mul3A_1009, %scan3A_29 : i32
      %add3A_1011 = arith.constant 1 : i32
      %add3A_1012 = arith.addi %mul3A_1010, %add3A_1011 : i32
      %add3A_1013 = arith.constant 1 : i32
      %add3A_1014 = arith.addi %add3A_1012, %add3A_1013 : i32
      %lt3A_1015 = arith.constant 32 : i32
      %lt3A_1016 = arith.cmpi slt, %add3A_1014, %lt3A_1015 : i32
      %convert_element_type3A_1017 = arith.extui %lt3A_1016 : i1 to i32
      %cond3A_1018 = arith.constant 0 : i32
      %cond3A_1019 = arith.cmpi ne, %convert_element_type3A_1017, %cond3A_1018 : i32
      scf.if %cond3A_1019 {
        %add3A_1997 = arith.constant 1 : i32
        %add3A_1998 = arith.addi %add3A_1012, %add3A_1997 : i32
        %mul3A_1999 = arith.constant 32 : i32
        %mul3A_2000 = arith.muli %add3A_1998, %mul3A_1999 : i32
        %add3A_2001 = arith.addi %add3A, %mul3A_2000 : i32
        %mul3A_2002 = arith.constant 16 : i32
        %mul3A_2003 = arith.muli %add3A_2001, %mul3A_2002 : i32
        %add3A_2004 = arith.constant 33616 : i32
        %add3A_2005 = arith.addi %add3A_2004, %mul3A_2003 : i32
        %dma_start3A_2006 = arith.constant 0 : i32
        %dma_start3A_2007 = tpu.memref_slice %arg2[%add3A_2005, %dma_start3A_2006] : memref<50000x256xf32, #tpu.memory_space<hbm>> -> memref<16x256xf32, #tpu.memory_space<hbm>>
        %dma_start3A_2008 = arith.constant 0 : i32
        %dma_start3A_2009 = tpu.memref_slice %arg2[%add3A_2005, %dma_start3A_2008] : memref<50000x256xf32, #tpu.memory_space<hbm>> -> memref<16x256xf32, #tpu.memory_space<hbm>>
        tpu.enqueue_dma source(%dma_start3A_2009 : memref<16x256xf32, #tpu.memory_space<hbm>>) target(%arg7 : memref<16x256xf32, #tpu.memory_space<vmem>>) target_semaphore(%arg22 : memref<!tpu.dma_semaphore, #tpu.memory_space<semaphore_mem>>)
        %dma_start3A_2010 = arith.constant 0 : i32
        %dma_start3A_2011 = tpu.memref_slice %arg3[%add3A_2005, %dma_start3A_2010] : memref<50000x256xf32, #tpu.memory_space<hbm>> -> memref<16x256xf32, #tpu.memory_space<hbm>>
        %dma_start3A_2012 = arith.constant 0 : i32
        %dma_start3A_2013 = tpu.memref_slice %arg3[%add3A_2005, %dma_start3A_2012] : memref<50000x256xf32, #tpu.memory_space<hbm>> -> memref<16x256xf32, #tpu.memory_space<hbm>>
        tpu.enqueue_dma source(%dma_start3A_2013 : memref<16x256xf32, #tpu.memory_space<hbm>>) target(%arg8 : memref<16x256xf32, #tpu.memory_space<vmem>>) target_semaphore(%arg22 : memref<!tpu.dma_semaphore, #tpu.memory_space<semaphore_mem>>)
        %dma_start3A_2014 = arith.constant 0 : i32
        %dma_start3A_2015 = tpu.memref_slice %arg4[%add3A_2005, %dma_start3A_2014] : memref<50000x256xf32, #tpu.memory_space<hbm>> -> memref<16x256xf32, #tpu.memory_space<hbm>>
        %dma_start3A_2016 = arith.constant 0 : i32
        %dma_start3A_2017 = tpu.memref_slice %arg4[%add3A_2005, %dma_start3A_2016] : memref<50000x256xf32, #tpu.memory_space<hbm>> -> memref<16x256xf32, #tpu.memory_space<hbm>>
        tpu.enqueue_dma source(%dma_start3A_2017 : memref<16x256xf32, #tpu.memory_space<hbm>>) target(%arg9 : memref<16x256xf32, #tpu.memory_space<vmem>>) target_semaphore(%arg22 : memref<!tpu.dma_semaphore, #tpu.memory_space<semaphore_mem>>)
        %dma_start3A_2018 = arith.constant 0 : i32
        %dma_start3A_2019 = tpu.memref_slice %arg5[%add3A_2005, %dma_start3A_2018] : memref<50000x256xf32, #tpu.memory_space<hbm>> -> memref<16x256xf32, #tpu.memory_space<hbm>>
        %dma_start3A_2020 = arith.constant 0 : i32
        %dma_start3A_2021 = tpu.memref_slice %arg5[%add3A_2005, %dma_start3A_2020] : memref<50000x256xf32, #tpu.memory_space<hbm>> -> memref<16x256xf32, #tpu.memory_space<hbm>>
        tpu.enqueue_dma source(%dma_start3A_2021 : memref<16x256xf32, #tpu.memory_space<hbm>>) target(%arg10 : memref<16x256xf32, #tpu.memory_space<vmem>>) target_semaphore(%arg22 : memref<!tpu.dma_semaphore, #tpu.memory_space<semaphore_mem>>)
      } else {
      }
      %mul3A_1020 = arith.constant 32 : i32
      %mul3A_1021 = arith.muli %add3A_1012, %mul3A_1020 : i32
      %add3A_1022 = arith.addi %add3A, %mul3A_1021 : i32
      %mul3A_1023 = arith.constant 16 : i32
      %mul3A_1024 = arith.muli %add3A_1022, %mul3A_1023 : i32
      %add3A_1025 = arith.constant 33616 : i32
      %add3A_1026 = arith.addi %add3A_1025, %mul3A_1024 : i32
      %dma_wait3A_1027 = arith.constant 0 : i32
      %dma_wait3A_1028 = tpu.memref_slice %arg2[%add3A_1026, %dma_wait3A_1027] : memref<50000x256xf32, #tpu.memory_space<hbm>> -> memref<16x256xf32, #tpu.memory_space<hbm>>
      %dma_wait3A_1029 = arith.constant 0 : i32
      %dma_wait3A_1030 = tpu.memref_slice %arg2[%add3A_1026, %dma_wait3A_1029] : memref<50000x256xf32, #tpu.memory_space<hbm>> -> memref<16x256xf32, #tpu.memory_space<hbm>>
      tpu.wait_dma2 semaphore(%arg23 : memref<!tpu.dma_semaphore, #tpu.memory_space<semaphore_mem>>) src(%dma_wait3A_1030 : memref<16x256xf32, #tpu.memory_space<hbm>>) dst(%arg11 : memref<16x256xf32, #tpu.memory_space<vmem>>)
      %dma_wait3A_1031 = arith.constant 0 : i32
      %dma_wait3A_1032 = tpu.memref_slice %arg3[%add3A_1026, %dma_wait3A_1031] : memref<50000x256xf32, #tpu.memory_space<hbm>> -> memref<16x256xf32, #tpu.memory_space<hbm>>
      %dma_wait3A_1033 = arith.constant 0 : i32
      %dma_wait3A_1034 = tpu.memref_slice %arg3[%add3A_1026, %dma_wait3A_1033] : memref<50000x256xf32, #tpu.memory_space<hbm>> -> memref<16x256xf32, #tpu.memory_space<hbm>>
      tpu.wait_dma2 semaphore(%arg23 : memref<!tpu.dma_semaphore, #tpu.memory_space<semaphore_mem>>) src(%dma_wait3A_1034 : memref<16x256xf32, #tpu.memory_space<hbm>>) dst(%arg12 : memref<16x256xf32, #tpu.memory_space<vmem>>)
      %dma_wait3A_1035 = arith.constant 0 : i32
      %dma_wait3A_1036 = tpu.memref_slice %arg4[%add3A_1026, %dma_wait3A_1035] : memref<50000x256xf32, #tpu.memory_space<hbm>> -> memref<16x256xf32, #tpu.memory_space<hbm>>
      %dma_wait3A_1037 = arith.constant 0 : i32
      %dma_wait3A_1038 = tpu.memref_slice %arg4[%add3A_1026, %dma_wait3A_1037] : memref<50000x256xf32, #tpu.memory_space<hbm>> -> memref<16x256xf32, #tpu.memory_space<hbm>>
      tpu.wait_dma2 semaphore(%arg23 : memref<!tpu.dma_semaphore, #tpu.memory_space<semaphore_mem>>) src(%dma_wait3A_1038 : memref<16x256xf32, #tpu.memory_space<hbm>>) dst(%arg13 : memref<16x256xf32, #tpu.memory_space<vmem>>)
      %dma_wait3A_1039 = arith.constant 0 : i32
      %dma_wait3A_1040 = tpu.memref_slice %arg5[%add3A_1026, %dma_wait3A_1039] : memref<50000x256xf32, #tpu.memory_space<hbm>> -> memref<16x256xf32, #tpu.memory_space<hbm>>
      %dma_wait3A_1041 = arith.constant 0 : i32
      %dma_wait3A_1042 = tpu.memref_slice %arg5[%add3A_1026, %dma_wait3A_1041] : memref<50000x256xf32, #tpu.memory_space<hbm>> -> memref<16x256xf32, #tpu.memory_space<hbm>>
      tpu.wait_dma2 semaphore(%arg23 : memref<!tpu.dma_semaphore, #tpu.memory_space<semaphore_mem>>) src(%dma_wait3A_1042 : memref<16x256xf32, #tpu.memory_space<hbm>>) dst(%arg14 : memref<16x256xf32, #tpu.memory_space<vmem>>)
      %scan3A_1043 = arith.constant 0 : i32
      %scan3A_1044 = arith.constant 0 : i32
      %scan3A_1045 = arith.constant 16 : i32
      %scan3A_1046 = arith.addi %scan3A_1044, %scan3A_1045 : i32
      %scan3A_1047 = arith.constant 2 : i32
      scf.for %scan3A_1997 = %scan3A_1044 to %scan3A_1046 step %scan3A_1047  : i32 {
        %get3A = arith.index_cast %scan3A_1997 : i32 to index
        %get3A_1998 = arith.constant 0 : index
        %get3A_1999 = tpu.vector_load %arg11[%get3A, %get3A_1998] {strides = array<i32>} : memref<16x256xf32, #tpu.memory_space<vmem>>, vector<16xf32>,
        %get3A_2000 = arith.index_cast %scan3A_1997 : i32 to index
        %get3A_2001 = arith.constant 0 : index
        %get3A_2002 = tpu.vector_load %arg12[%get3A_2000, %get3A_2001] {strides = array<i32>} : memref<16x256xf32, #tpu.memory_space<vmem>>, vector<16xf32>,
        %get3A_2003 = arith.index_cast %scan3A_1997 : i32 to index
        %get3A_2004 = arith.constant 0 : index
        %get3A_2005 = tpu.vector_load %arg13[%get3A_2003, %get3A_2004] {strides = array<i32>} : memref<16x256xf32, #tpu.memory_space<vmem>>, vector<16xf32>,
        %get3A_2006 = arith.index_cast %scan3A_1997 : i32 to index
        %get3A_2007 = arith.constant 0 : index
        %get3A_2008 = tpu.vector_load %arg14[%get3A_2006, %get3A_2007] {strides = array<i32>} : memref<16x256xf32, #tpu.memory_space<vmem>>, vector<16xf32>,
        %mul3A_2009 = arith.mulf %get3A_1999, %get3A_1999 : vector<16xf32>
        %add3A_2010 = arith.addf %broadcast_in_dim3A_1, %mul3A_2009 : vector<16xf32>
        %mul3A_2011 = arith.mulf %get3A_2002, %get3A_2002 : vector<16xf32>
        %add3A_2012 = arith.addf %broadcast_in_dim3A_1, %mul3A_2011 : vector<16xf32>
        %mul3A_2013 = arith.mulf %get3A_1999, %get3A_2002 : vector<16xf32>
        %add3A_2014 = arith.addf %broadcast_in_dim3A_1, %mul3A_2013 : vector<16xf32>
        %mul3A_2015 = arith.mulf %get3A_2005, %get3A_2005 : vector<16xf32>
        %add3A_2016 = arith.addf %broadcast_in_dim3A_1, %mul3A_2015 : vector<16xf32>
        %mul3A_2017 = arith.mulf %get3A_2008, %get3A_2008 : vector<16xf32>
        %add3A_2018 = arith.addf %broadcast_in_dim3A_1, %mul3A_2017 : vector<16xf32>
        %mul3A_2019 = arith.mulf %get3A_2005, %get3A_2008 : vector<16xf32>
        %add3A_2020 = arith.addf %broadcast_in_dim3A_1, %mul3A_2019 : vector<16xf32>
        %get3A_2021 = arith.index_cast %scan3A_1997 : i32 to index
        %get3A_2022 = arith.constant 16 : index
        %get3A_2023 = tpu.vector_load %arg11[%get3A_2021, %get3A_2022] {strides = array<i32>} : memref<16x256xf32, #tpu.memory_space<vmem>>, vector<16xf32>,
        %get3A_2024 = arith.index_cast %scan3A_1997 : i32 to index
        %get3A_2025 = arith.constant 16 : index
        %get3A_2026 = tpu.vector_load %arg12[%get3A_2024, %get3A_2025] {strides = array<i32>} : memref<16x256xf32, #tpu.memory_space<vmem>>, vector<16xf32>,
        %get3A_2027 = arith.index_cast %scan3A_1997 : i32 to index
        %get3A_2028 = arith.constant 16 : index
        %get3A_2029 = tpu.vector_load %arg13[%get3A_2027, %get3A_2028] {strides = array<i32>} : memref<16x256xf32, #tpu.memory_space<vmem>>, vector<16xf32>,
        %get3A_2030 = arith.index_cast %scan3A_1997 : i32 to index
        %get3A_2031 = arith.constant 16 : index
        %get3A_2032 = tpu.vector_load %arg14[%get3A_2030, %get3A_2031] {strides = array<i32>} : memref<16x256xf32, #tpu.memory_space<vmem>>, vector<16xf32>,
        %mul3A_2033 = arith.mulf %get3A_2023, %get3A_2023 : vector<16xf32>
        %add3A_2034 = arith.addf %add3A_2010, %mul3A_2033 : vector<16xf32>
        %mul3A_2035 = arith.mulf %get3A_2026, %get3A_2026 : vector<16xf32>
        %add3A_2036 = arith.addf %add3A_2012, %mul3A_2035 : vector<16xf32>
        %mul3A_2037 = arith.mulf %get3A_2023, %get3A_2026 : vector<16xf32>
        %add3A_2038 = arith.addf %add3A_2014, %mul3A_2037 : vector<16xf32>
        %mul3A_2039 = arith.mulf %get3A_2029, %get3A_2029 : vector<16xf32>
        %add3A_2040 = arith.addf %add3A_2016, %mul3A_2039 : vector<16xf32>
        %mul3A_2041 = arith.mulf %get3A_2032, %get3A_2032 : vector<16xf32>
        %add3A_2042 = arith.addf %add3A_2018, %mul3A_2041 : vector<16xf32>
        %mul3A_2043 = arith.mulf %get3A_2029, %get3A_2032 : vector<16xf32>
        %add3A_2044 = arith.addf %add3A_2020, %mul3A_2043 : vector<16xf32>
        %get3A_2045 = arith.index_cast %scan3A_1997 : i32 to index
        %get3A_2046 = arith.constant 32 : index
        %get3A_2047 = tpu.vector_load %arg11[%get3A_2045, %get3A_2046] {strides = array<i32>} : memref<16x256xf32, #tpu.memory_space<vmem>>, vector<16xf32>,
        %get3A_2048 = arith.index_cast %scan3A_1997 : i32 to index
        %get3A_2049 = arith.constant 32 : index
        %get3A_2050 = tpu.vector_load %arg12[%get3A_2048, %get3A_2049] {strides = array<i32>} : memref<16x256xf32, #tpu.memory_space<vmem>>, vector<16xf32>,
        %get3A_2051 = arith.index_cast %scan3A_1997 : i32 to index
        %get3A_2052 = arith.constant 32 : index
        %get3A_2053 = tpu.vector_load %arg13[%get3A_2051, %get3A_2052] {strides = array<i32>} : memref<16x256xf32, #tpu.memory_space<vmem>>, vector<16xf32>,
        %get3A_2054 = arith.index_cast %scan3A_1997 : i32 to index
        %get3A_2055 = arith.constant 32 : index
        %get3A_2056 = tpu.vector_load %arg14[%get3A_2054, %get3A_2055] {strides = array<i32>} : memref<16x256xf32, #tpu.memory_space<vmem>>, vector<16xf32>,
        %mul3A_2057 = arith.mulf %get3A_2047, %get3A_2047 : vector<16xf32>
        %add3A_2058 = arith.addf %add3A_2034, %mul3A_2057 : vector<16xf32>
        %mul3A_2059 = arith.mulf %get3A_2050, %get3A_2050 : vector<16xf32>
        %add3A_2060 = arith.addf %add3A_2036, %mul3A_2059 : vector<16xf32>
        %mul3A_2061 = arith.mulf %get3A_2047, %get3A_2050 : vector<16xf32>
        %add3A_2062 = arith.addf %add3A_2038, %mul3A_2061 : vector<16xf32>
        %mul3A_2063 = arith.mulf %get3A_2053, %get3A_2053 : vector<16xf32>
        %add3A_2064 = arith.addf %add3A_2040, %mul3A_2063 : vector<16xf32>
        %mul3A_2065 = arith.mulf %get3A_2056, %get3A_2056 : vector<16xf32>
        %add3A_2066 = arith.addf %add3A_2042, %mul3A_2065 : vector<16xf32>
        %mul3A_2067 = arith.mulf %get3A_2053, %get3A_2056 : vector<16xf32>
        %add3A_2068 = arith.addf %add3A_2044, %mul3A_2067 : vector<16xf32>
        %get3A_2069 = arith.index_cast %scan3A_1997 : i32 to index
        %get3A_2070 = arith.constant 48 : index
        %get3A_2071 = tpu.vector_load %arg11[%get3A_2069, %get3A_2070] {strides = array<i32>} : memref<16x256xf32, #tpu.memory_space<vmem>>, vector<16xf32>,
        %get3A_2072 = arith.index_cast %scan3A_1997 : i32 to index
        %get3A_2073 = arith.constant 48 : index
        %get3A_2074 = tpu.vector_load %arg12[%get3A_2072, %get3A_2073] {strides = array<i32>} : memref<16x256xf32, #tpu.memory_space<vmem>>, vector<16xf32>,
        %get3A_2075 = arith.index_cast %scan3A_1997 : i32 to index
        %get3A_2076 = arith.constant 48 : index
        %get3A_2077 = tpu.vector_load %arg13[%get3A_2075, %get3A_2076] {strides = array<i32>} : memref<16x256xf32, #tpu.memory_space<vmem>>, vector<16xf32>,
        %get3A_2078 = arith.index_cast %scan3A_1997 : i32 to index
        %get3A_2079 = arith.constant 48 : index
        %get3A_2080 = tpu.vector_load %arg14[%get3A_2078, %get3A_2079] {strides = array<i32>} : memref<16x256xf32, #tpu.memory_space<vmem>>, vector<16xf32>,
        %mul3A_2081 = arith.mulf %get3A_2071, %get3A_2071 : vector<16xf32>
        %add3A_2082 = arith.addf %add3A_2058, %mul3A_2081 : vector<16xf32>
        %mul3A_2083 = arith.mulf %get3A_2074, %get3A_2074 : vector<16xf32>
        %add3A_2084 = arith.addf %add3A_2060, %mul3A_2083 : vector<16xf32>
        %mul3A_2085 = arith.mulf %get3A_2071, %get3A_2074 : vector<16xf32>
        %add3A_2086 = arith.addf %add3A_2062, %mul3A_2085 : vector<16xf32>
        %mul3A_2087 = arith.mulf %get3A_2077, %get3A_2077 : vector<16xf32>
        %add3A_2088 = arith.addf %add3A_2064, %mul3A_2087 : vector<16xf32>
        %mul3A_2089 = arith.mulf %get3A_2080, %get3A_2080 : vector<16xf32>
        %add3A_2090 = arith.addf %add3A_2066, %mul3A_2089 : vector<16xf32>
        %mul3A_2091 = arith.mulf %get3A_2077, %get3A_2080 : vector<16xf32>
        %add3A_2092 = arith.addf %add3A_2068, %mul3A_2091 : vector<16xf32>
        %get3A_2093 = arith.index_cast %scan3A_1997 : i32 to index
        %get3A_2094 = arith.constant 64 : index
        %get3A_2095 = tpu.vector_load %arg11[%get3A_2093, %get3A_2094] {strides = array<i32>} : memref<16x256xf32, #tpu.memory_space<vmem>>, vector<16xf32>,
        %get3A_2096 = arith.index_cast %scan3A_1997 : i32 to index
        %get3A_2097 = arith.constant 64 : index
        %get3A_2098 = tpu.vector_load %arg12[%get3A_2096, %get3A_2097] {strides = array<i32>} : memref<16x256xf32, #tpu.memory_space<vmem>>, vector<16xf32>,
        %get3A_2099 = arith.index_cast %scan3A_1997 : i32 to index
        %get3A_2100 = arith.constant 64 : index
        %get3A_2101 = tpu.vector_load %arg13[%get3A_2099, %get3A_2100] {strides = array<i32>} : memref<16x256xf32, #tpu.memory_space<vmem>>, vector<16xf32>,
        %get3A_2102 = arith.index_cast %scan3A_1997 : i32 to index
        %get3A_2103 = arith.constant 64 : index
        %get3A_2104 = tpu.vector_load %arg14[%get3A_2102, %get3A_2103] {strides = array<i32>} : memref<16x256xf32, #tpu.memory_space<vmem>>, vector<16xf32>,
        %mul3A_2105 = arith.mulf %get3A_2095, %get3A_2095 : vector<16xf32>
        %add3A_2106 = arith.addf %add3A_2082, %mul3A_2105 : vector<16xf32>
        %mul3A_2107 = arith.mulf %get3A_2098, %get3A_2098 : vector<16xf32>
        %add3A_2108 = arith.addf %add3A_2084, %mul3A_2107 : vector<16xf32>
        %mul3A_2109 = arith.mulf %get3A_2095, %get3A_2098 : vector<16xf32>
        %add3A_2110 = arith.addf %add3A_2086, %mul3A_2109 : vector<16xf32>
        %mul3A_2111 = arith.mulf %get3A_2101, %get3A_2101 : vector<16xf32>
        %add3A_2112 = arith.addf %add3A_2088, %mul3A_2111 : vector<16xf32>
        %mul3A_2113 = arith.mulf %get3A_2104, %get3A_2104 : vector<16xf32>
        %add3A_2114 = arith.addf %add3A_2090, %mul3A_2113 : vector<16xf32>
        %mul3A_2115 = arith.mulf %get3A_2101, %get3A_2104 : vector<16xf32>
        %add3A_2116 = arith.addf %add3A_2092, %mul3A_2115 : vector<16xf32>
        %get3A_2117 = arith.index_cast %scan3A_1997 : i32 to index
        %get3A_2118 = arith.constant 80 : index
        %get3A_2119 = tpu.vector_load %arg11[%get3A_2117, %get3A_2118] {strides = array<i32>} : memref<16x256xf32, #tpu.memory_space<vmem>>, vector<16xf32>,
        %get3A_2120 = arith.index_cast %scan3A_1997 : i32 to index
        %get3A_2121 = arith.constant 80 : index
        %get3A_2122 = tpu.vector_load %arg12[%get3A_2120, %get3A_2121] {strides = array<i32>} : memref<16x256xf32, #tpu.memory_space<vmem>>, vector<16xf32>,
        %get3A_2123 = arith.index_cast %scan3A_1997 : i32 to index
        %get3A_2124 = arith.constant 80 : index
        %get3A_2125 = tpu.vector_load %arg13[%get3A_2123, %get3A_2124] {strides = array<i32>} : memref<16x256xf32, #tpu.memory_space<vmem>>, vector<16xf32>,
        %get3A_2126 = arith.index_cast %scan3A_1997 : i32 to index
        %get3A_2127 = arith.constant 80 : index
        %get3A_2128 = tpu.vector_load %arg14[%get3A_2126, %get3A_2127] {strides = array<i32>} : memref<16x256xf32, #tpu.memory_space<vmem>>, vector<16xf32>,
        %mul3A_2129 = arith.mulf %get3A_2119, %get3A_2119 : vector<16xf32>
        %add3A_2130 = arith.addf %add3A_2106, %mul3A_2129 : vector<16xf32>
        %mul3A_2131 = arith.mulf %get3A_2122, %get3A_2122 : vector<16xf32>
        %add3A_2132 = arith.addf %add3A_2108, %mul3A_2131 : vector<16xf32>
        %mul3A_2133 = arith.mulf %get3A_2119, %get3A_2122 : vector<16xf32>
        %add3A_2134 = arith.addf %add3A_2110, %mul3A_2133 : vector<16xf32>
        %mul3A_2135 = arith.mulf %get3A_2125, %get3A_2125 : vector<16xf32>
        %add3A_2136 = arith.addf %add3A_2112, %mul3A_2135 : vector<16xf32>
        %mul3A_2137 = arith.mulf %get3A_2128, %get3A_2128 : vector<16xf32>
        %add3A_2138 = arith.addf %add3A_2114, %mul3A_2137 : vector<16xf32>
        %mul3A_2139 = arith.mulf %get3A_2125, %get3A_2128 : vector<16xf32>
        %add3A_2140 = arith.addf %add3A_2116, %mul3A_2139 : vector<16xf32>
        %get3A_2141 = arith.index_cast %scan3A_1997 : i32 to index
        %get3A_2142 = arith.constant 96 : index
        %get3A_2143 = tpu.vector_load %arg11[%get3A_2141, %get3A_2142] {strides = array<i32>} : memref<16x256xf32, #tpu.memory_space<vmem>>, vector<16xf32>,
        %get3A_2144 = arith.index_cast %scan3A_1997 : i32 to index
        %get3A_2145 = arith.constant 96 : index
        %get3A_2146 = tpu.vector_load %arg12[%get3A_2144, %get3A_2145] {strides = array<i32>} : memref<16x256xf32, #tpu.memory_space<vmem>>, vector<16xf32>,
        %get3A_2147 = arith.index_cast %scan3A_1997 : i32 to index
        %get3A_2148 = arith.constant 96 : index
        %get3A_2149 = tpu.vector_load %arg13[%get3A_2147, %get3A_2148] {strides = array<i32>} : memref<16x256xf32, #tpu.memory_space<vmem>>, vector<16xf32>,
        %get3A_2150 = arith.index_cast %scan3A_1997 : i32 to index
        %get3A_2151 = arith.constant 96 : index
        %get3A_2152 = tpu.vector_load %arg14[%get3A_2150, %get3A_2151] {strides = array<i32>} : memref<16x256xf32, #tpu.memory_space<vmem>>, vector<16xf32>,
        %mul3A_2153 = arith.mulf %get3A_2143, %get3A_2143 : vector<16xf32>
        %add3A_2154 = arith.addf %add3A_2130, %mul3A_2153 : vector<16xf32>
        %mul3A_2155 = arith.mulf %get3A_2146, %get3A_2146 : vector<16xf32>
        %add3A_2156 = arith.addf %add3A_2132, %mul3A_2155 : vector<16xf32>
        %mul3A_2157 = arith.mulf %get3A_2143, %get3A_2146 : vector<16xf32>
        %add3A_2158 = arith.addf %add3A_2134, %mul3A_2157 : vector<16xf32>
        %mul3A_2159 = arith.mulf %get3A_2149, %get3A_2149 : vector<16xf32>
        %add3A_2160 = arith.addf %add3A_2136, %mul3A_2159 : vector<16xf32>
        %mul3A_2161 = arith.mulf %get3A_2152, %get3A_2152 : vector<16xf32>
        %add3A_2162 = arith.addf %add3A_2138, %mul3A_2161 : vector<16xf32>
        %mul3A_2163 = arith.mulf %get3A_2149, %get3A_2152 : vector<16xf32>
        %add3A_2164 = arith.addf %add3A_2140, %mul3A_2163 : vector<16xf32>
        %get3A_2165 = arith.index_cast %scan3A_1997 : i32 to index
        %get3A_2166 = arith.constant 112 : index
        %get3A_2167 = tpu.vector_load %arg11[%get3A_2165, %get3A_2166] {strides = array<i32>} : memref<16x256xf32, #tpu.memory_space<vmem>>, vector<16xf32>,
        %get3A_2168 = arith.index_cast %scan3A_1997 : i32 to index
        %get3A_2169 = arith.constant 112 : index
        %get3A_2170 = tpu.vector_load %arg12[%get3A_2168, %get3A_2169] {strides = array<i32>} : memref<16x256xf32, #tpu.memory_space<vmem>>, vector<16xf32>,
        %get3A_2171 = arith.index_cast %scan3A_1997 : i32 to index
        %get3A_2172 = arith.constant 112 : index
        %get3A_2173 = tpu.vector_load %arg13[%get3A_2171, %get3A_2172] {strides = array<i32>} : memref<16x256xf32, #tpu.memory_space<vmem>>, vector<16xf32>,
        %get3A_2174 = arith.index_cast %scan3A_1997 : i32 to index
        %get3A_2175 = arith.constant 112 : index
        %get3A_2176 = tpu.vector_load %arg14[%get3A_2174, %get3A_2175] {strides = array<i32>} : memref<16x256xf32, #tpu.memory_space<vmem>>, vector<16xf32>,
        %mul3A_2177 = arith.mulf %get3A_2167, %get3A_2167 : vector<16xf32>
        %add3A_2178 = arith.addf %add3A_2154, %mul3A_2177 : vector<16xf32>
        %mul3A_2179 = arith.mulf %get3A_2170, %get3A_2170 : vector<16xf32>
        %add3A_2180 = arith.addf %add3A_2156, %mul3A_2179 : vector<16xf32>
        %mul3A_2181 = arith.mulf %get3A_2167, %get3A_2170 : vector<16xf32>
        %add3A_2182 = arith.addf %add3A_2158, %mul3A_2181 : vector<16xf32>
        %mul3A_2183 = arith.mulf %get3A_2173, %get3A_2173 : vector<16xf32>
        %add3A_2184 = arith.addf %add3A_2160, %mul3A_2183 : vector<16xf32>
        %mul3A_2185 = arith.mulf %get3A_2176, %get3A_2176 : vector<16xf32>
        %add3A_2186 = arith.addf %add3A_2162, %mul3A_2185 : vector<16xf32>
        %mul3A_2187 = arith.mulf %get3A_2173, %get3A_2176 : vector<16xf32>
        %add3A_2188 = arith.addf %add3A_2164, %mul3A_2187 : vector<16xf32>
        %get3A_2189 = arith.index_cast %scan3A_1997 : i32 to index
        %get3A_2190 = arith.constant 128 : index
        %get3A_2191 = tpu.vector_load %arg11[%get3A_2189, %get3A_2190] {strides = array<i32>} : memref<16x256xf32, #tpu.memory_space<vmem>>, vector<16xf32>,
        %get3A_2192 = arith.index_cast %scan3A_1997 : i32 to index
        %get3A_2193 = arith.constant 128 : index
        %get3A_2194 = tpu.vector_load %arg12[%get3A_2192, %get3A_2193] {strides = array<i32>} : memref<16x256xf32, #tpu.memory_space<vmem>>, vector<16xf32>,
        %get3A_2195 = arith.index_cast %scan3A_1997 : i32 to index
        %get3A_2196 = arith.constant 128 : index
        %get3A_2197 = tpu.vector_load %arg13[%get3A_2195, %get3A_2196] {strides = array<i32>} : memref<16x256xf32, #tpu.memory_space<vmem>>, vector<16xf32>,
        %get3A_2198 = arith.index_cast %scan3A_1997 : i32 to index
        %get3A_2199 = arith.constant 128 : index
        %get3A_2200 = tpu.vector_load %arg14[%get3A_2198, %get3A_2199] {strides = array<i32>} : memref<16x256xf32, #tpu.memory_space<vmem>>, vector<16xf32>,
        %mul3A_2201 = arith.mulf %get3A_2191, %get3A_2191 : vector<16xf32>
        %add3A_2202 = arith.addf %add3A_2178, %mul3A_2201 : vector<16xf32>
        %mul3A_2203 = arith.mulf %get3A_2194, %get3A_2194 : vector<16xf32>
        %add3A_2204 = arith.addf %add3A_2180, %mul3A_2203 : vector<16xf32>
        %mul3A_2205 = arith.mulf %get3A_2191, %get3A_2194 : vector<16xf32>
        %add3A_2206 = arith.addf %add3A_2182, %mul3A_2205 : vector<16xf32>
        %mul3A_2207 = arith.mulf %get3A_2197, %get3A_2197 : vector<16xf32>
        %add3A_2208 = arith.addf %add3A_2184, %mul3A_2207 : vector<16xf32>
        %mul3A_2209 = arith.mulf %get3A_2200, %get3A_2200 : vector<16xf32>
        %add3A_2210 = arith.addf %add3A_2186, %mul3A_2209 : vector<16xf32>
        %mul3A_2211 = arith.mulf %get3A_2197, %get3A_2200 : vector<16xf32>
        %add3A_2212 = arith.addf %add3A_2188, %mul3A_2211 : vector<16xf32>
        %get3A_2213 = arith.index_cast %scan3A_1997 : i32 to index
        %get3A_2214 = arith.constant 144 : index
        %get3A_2215 = tpu.vector_load %arg11[%get3A_2213, %get3A_2214] {strides = array<i32>} : memref<16x256xf32, #tpu.memory_space<vmem>>, vector<16xf32>,
        %get3A_2216 = arith.index_cast %scan3A_1997 : i32 to index
        %get3A_2217 = arith.constant 144 : index
        %get3A_2218 = tpu.vector_load %arg12[%get3A_2216, %get3A_2217] {strides = array<i32>} : memref<16x256xf32, #tpu.memory_space<vmem>>, vector<16xf32>,
        %get3A_2219 = arith.index_cast %scan3A_1997 : i32 to index
        %get3A_2220 = arith.constant 144 : index
        %get3A_2221 = tpu.vector_load %arg13[%get3A_2219, %get3A_2220] {strides = array<i32>} : memref<16x256xf32, #tpu.memory_space<vmem>>, vector<16xf32>,
        %get3A_2222 = arith.index_cast %scan3A_1997 : i32 to index
        %get3A_2223 = arith.constant 144 : index
        %get3A_2224 = tpu.vector_load %arg14[%get3A_2222, %get3A_2223] {strides = array<i32>} : memref<16x256xf32, #tpu.memory_space<vmem>>, vector<16xf32>,
        %mul3A_2225 = arith.mulf %get3A_2215, %get3A_2215 : vector<16xf32>
        %add3A_2226 = arith.addf %add3A_2202, %mul3A_2225 : vector<16xf32>
        %mul3A_2227 = arith.mulf %get3A_2218, %get3A_2218 : vector<16xf32>
        %add3A_2228 = arith.addf %add3A_2204, %mul3A_2227 : vector<16xf32>
        %mul3A_2229 = arith.mulf %get3A_2215, %get3A_2218 : vector<16xf32>
        %add3A_2230 = arith.addf %add3A_2206, %mul3A_2229 : vector<16xf32>
        %mul3A_2231 = arith.mulf %get3A_2221, %get3A_2221 : vector<16xf32>
        %add3A_2232 = arith.addf %add3A_2208, %mul3A_2231 : vector<16xf32>
        %mul3A_2233 = arith.mulf %get3A_2224, %get3A_2224 : vector<16xf32>
        %add3A_2234 = arith.addf %add3A_2210, %mul3A_2233 : vector<16xf32>
        %mul3A_2235 = arith.mulf %get3A_2221, %get3A_2224 : vector<16xf32>
        %add3A_2236 = arith.addf %add3A_2212, %mul3A_2235 : vector<16xf32>
        %get3A_2237 = arith.index_cast %scan3A_1997 : i32 to index
        %get3A_2238 = arith.constant 160 : index
        %get3A_2239 = tpu.vector_load %arg11[%get3A_2237, %get3A_2238] {strides = array<i32>} : memref<16x256xf32, #tpu.memory_space<vmem>>, vector<16xf32>,
        %get3A_2240 = arith.index_cast %scan3A_1997 : i32 to index
        %get3A_2241 = arith.constant 160 : index
        %get3A_2242 = tpu.vector_load %arg12[%get3A_2240, %get3A_2241] {strides = array<i32>} : memref<16x256xf32, #tpu.memory_space<vmem>>, vector<16xf32>,
        %get3A_2243 = arith.index_cast %scan3A_1997 : i32 to index
        %get3A_2244 = arith.constant 160 : index
        %get3A_2245 = tpu.vector_load %arg13[%get3A_2243, %get3A_2244] {strides = array<i32>} : memref<16x256xf32, #tpu.memory_space<vmem>>, vector<16xf32>,
        %get3A_2246 = arith.index_cast %scan3A_1997 : i32 to index
        %get3A_2247 = arith.constant 160 : index
        %get3A_2248 = tpu.vector_load %arg14[%get3A_2246, %get3A_2247] {strides = array<i32>} : memref<16x256xf32, #tpu.memory_space<vmem>>, vector<16xf32>,
        %mul3A_2249 = arith.mulf %get3A_2239, %get3A_2239 : vector<16xf32>
        %add3A_2250 = arith.addf %add3A_2226, %mul3A_2249 : vector<16xf32>
        %mul3A_2251 = arith.mulf %get3A_2242, %get3A_2242 : vector<16xf32>
        %add3A_2252 = arith.addf %add3A_2228, %mul3A_2251 : vector<16xf32>
        %mul3A_2253 = arith.mulf %get3A_2239, %get3A_2242 : vector<16xf32>
        %add3A_2254 = arith.addf %add3A_2230, %mul3A_2253 : vector<16xf32>
        %mul3A_2255 = arith.mulf %get3A_2245, %get3A_2245 : vector<16xf32>
        %add3A_2256 = arith.addf %add3A_2232, %mul3A_2255 : vector<16xf32>
        %mul3A_2257 = arith.mulf %get3A_2248, %get3A_2248 : vector<16xf32>
        %add3A_2258 = arith.addf %add3A_2234, %mul3A_2257 : vector<16xf32>
        %mul3A_2259 = arith.mulf %get3A_2245, %get3A_2248 : vector<16xf32>
        %add3A_2260 = arith.addf %add3A_2236, %mul3A_2259 : vector<16xf32>
        %get3A_2261 = arith.index_cast %scan3A_1997 : i32 to index
        %get3A_2262 = arith.constant 176 : index
        %get3A_2263 = tpu.vector_load %arg11[%get3A_2261, %get3A_2262] {strides = array<i32>} : memref<16x256xf32, #tpu.memory_space<vmem>>, vector<16xf32>,
        %get3A_2264 = arith.index_cast %scan3A_1997 : i32 to index
        %get3A_2265 = arith.constant 176 : index
        %get3A_2266 = tpu.vector_load %arg12[%get3A_2264, %get3A_2265] {strides = array<i32>} : memref<16x256xf32, #tpu.memory_space<vmem>>, vector<16xf32>,
        %get3A_2267 = arith.index_cast %scan3A_1997 : i32 to index
        %get3A_2268 = arith.constant 176 : index
        %get3A_2269 = tpu.vector_load %arg13[%get3A_2267, %get3A_2268] {strides = array<i32>} : memref<16x256xf32, #tpu.memory_space<vmem>>, vector<16xf32>,
        %get3A_2270 = arith.index_cast %scan3A_1997 : i32 to index
        %get3A_2271 = arith.constant 176 : index
        %get3A_2272 = tpu.vector_load %arg14[%get3A_2270, %get3A_2271] {strides = array<i32>} : memref<16x256xf32, #tpu.memory_space<vmem>>, vector<16xf32>,
        %mul3A_2273 = arith.mulf %get3A_2263, %get3A_2263 : vector<16xf32>
        %add3A_2274 = arith.addf %add3A_2250, %mul3A_2273 : vector<16xf32>
        %mul3A_2275 = arith.mulf %get3A_2266, %get3A_2266 : vector<16xf32>
        %add3A_2276 = arith.addf %add3A_2252, %mul3A_2275 : vector<16xf32>
        %mul3A_2277 = arith.mulf %get3A_2263, %get3A_2266 : vector<16xf32>
        %add3A_2278 = arith.addf %add3A_2254, %mul3A_2277 : vector<16xf32>
        %mul3A_2279 = arith.mulf %get3A_2269, %get3A_2269 : vector<16xf32>
        %add3A_2280 = arith.addf %add3A_2256, %mul3A_2279 : vector<16xf32>
        %mul3A_2281 = arith.mulf %get3A_2272, %get3A_2272 : vector<16xf32>
        %add3A_2282 = arith.addf %add3A_2258, %mul3A_2281 : vector<16xf32>
        %mul3A_2283 = arith.mulf %get3A_2269, %get3A_2272 : vector<16xf32>
        %add3A_2284 = arith.addf %add3A_2260, %mul3A_2283 : vector<16xf32>
        %get3A_2285 = arith.index_cast %scan3A_1997 : i32 to index
        %get3A_2286 = arith.constant 192 : index
        %get3A_2287 = tpu.vector_load %arg11[%get3A_2285, %get3A_2286] {strides = array<i32>} : memref<16x256xf32, #tpu.memory_space<vmem>>, vector<16xf32>,
        %get3A_2288 = arith.index_cast %scan3A_1997 : i32 to index
        %get3A_2289 = arith.constant 192 : index
        %get3A_2290 = tpu.vector_load %arg12[%get3A_2288, %get3A_2289] {strides = array<i32>} : memref<16x256xf32, #tpu.memory_space<vmem>>, vector<16xf32>,
        %get3A_2291 = arith.index_cast %scan3A_1997 : i32 to index
        %get3A_2292 = arith.constant 192 : index
        %get3A_2293 = tpu.vector_load %arg13[%get3A_2291, %get3A_2292] {strides = array<i32>} : memref<16x256xf32, #tpu.memory_space<vmem>>, vector<16xf32>,
        %get3A_2294 = arith.index_cast %scan3A_1997 : i32 to index
        %get3A_2295 = arith.constant 192 : index
        %get3A_2296 = tpu.vector_load %arg14[%get3A_2294, %get3A_2295] {strides = array<i32>} : memref<16x256xf32, #tpu.memory_space<vmem>>, vector<16xf32>,
        %mul3A_2297 = arith.mulf %get3A_2287, %get3A_2287 : vector<16xf32>
        %add3A_2298 = arith.addf %add3A_2274, %mul3A_2297 : vector<16xf32>
        %mul3A_2299 = arith.mulf %get3A_2290, %get3A_2290 : vector<16xf32>
        %add3A_2300 = arith.addf %add3A_2276, %mul3A_2299 : vector<16xf32>
        %mul3A_2301 = arith.mulf %get3A_2287, %get3A_2290 : vector<16xf32>
        %add3A_2302 = arith.addf %add3A_2278, %mul3A_2301 : vector<16xf32>
        %mul3A_2303 = arith.mulf %get3A_2293, %get3A_2293 : vector<16xf32>
        %add3A_2304 = arith.addf %add3A_2280, %mul3A_2303 : vector<16xf32>
        %mul3A_2305 = arith.mulf %get3A_2296, %get3A_2296 : vector<16xf32>
        %add3A_2306 = arith.addf %add3A_2282, %mul3A_2305 : vector<16xf32>
        %mul3A_2307 = arith.mulf %get3A_2293, %get3A_2296 : vector<16xf32>
        %add3A_2308 = arith.addf %add3A_2284, %mul3A_2307 : vector<16xf32>
        %get3A_2309 = arith.index_cast %scan3A_1997 : i32 to index
        %get3A_2310 = arith.constant 208 : index
        %get3A_2311 = tpu.vector_load %arg11[%get3A_2309, %get3A_2310] {strides = array<i32>} : memref<16x256xf32, #tpu.memory_space<vmem>>, vector<16xf32>,
        %get3A_2312 = arith.index_cast %scan3A_1997 : i32 to index
        %get3A_2313 = arith.constant 208 : index
        %get3A_2314 = tpu.vector_load %arg12[%get3A_2312, %get3A_2313] {strides = array<i32>} : memref<16x256xf32, #tpu.memory_space<vmem>>, vector<16xf32>,
        %get3A_2315 = arith.index_cast %scan3A_1997 : i32 to index
        %get3A_2316 = arith.constant 208 : index
        %get3A_2317 = tpu.vector_load %arg13[%get3A_2315, %get3A_2316] {strides = array<i32>} : memref<16x256xf32, #tpu.memory_space<vmem>>, vector<16xf32>,
        %get3A_2318 = arith.index_cast %scan3A_1997 : i32 to index
        %get3A_2319 = arith.constant 208 : index
        %get3A_2320 = tpu.vector_load %arg14[%get3A_2318, %get3A_2319] {strides = array<i32>} : memref<16x256xf32, #tpu.memory_space<vmem>>, vector<16xf32>,
        %mul3A_2321 = arith.mulf %get3A_2311, %get3A_2311 : vector<16xf32>
        %add3A_2322 = arith.addf %add3A_2298, %mul3A_2321 : vector<16xf32>
        %mul3A_2323 = arith.mulf %get3A_2314, %get3A_2314 : vector<16xf32>
        %add3A_2324 = arith.addf %add3A_2300, %mul3A_2323 : vector<16xf32>
        %mul3A_2325 = arith.mulf %get3A_2311, %get3A_2314 : vector<16xf32>
        %add3A_2326 = arith.addf %add3A_2302, %mul3A_2325 : vector<16xf32>
        %mul3A_2327 = arith.mulf %get3A_2317, %get3A_2317 : vector<16xf32>
        %add3A_2328 = arith.addf %add3A_2304, %mul3A_2327 : vector<16xf32>
        %mul3A_2329 = arith.mulf %get3A_2320, %get3A_2320 : vector<16xf32>
        %add3A_2330 = arith.addf %add3A_2306, %mul3A_2329 : vector<16xf32>
        %mul3A_2331 = arith.mulf %get3A_2317, %get3A_2320 : vector<16xf32>
        %add3A_2332 = arith.addf %add3A_2308, %mul3A_2331 : vector<16xf32>
        %get3A_2333 = arith.index_cast %scan3A_1997 : i32 to index
        %get3A_2334 = arith.constant 224 : index
        %get3A_2335 = tpu.vector_load %arg11[%get3A_2333, %get3A_2334] {strides = array<i32>} : memref<16x256xf32, #tpu.memory_space<vmem>>, vector<16xf32>,
        %get3A_2336 = arith.index_cast %scan3A_1997 : i32 to index
        %get3A_2337 = arith.constant 224 : index
        %get3A_2338 = tpu.vector_load %arg12[%get3A_2336, %get3A_2337] {strides = array<i32>} : memref<16x256xf32, #tpu.memory_space<vmem>>, vector<16xf32>,
        %get3A_2339 = arith.index_cast %scan3A_1997 : i32 to index
        %get3A_2340 = arith.constant 224 : index
        %get3A_2341 = tpu.vector_load %arg13[%get3A_2339, %get3A_2340] {strides = array<i32>} : memref<16x256xf32, #tpu.memory_space<vmem>>, vector<16xf32>,
        %get3A_2342 = arith.index_cast %scan3A_1997 : i32 to index
        %get3A_2343 = arith.constant 224 : index
        %get3A_2344 = tpu.vector_load %arg14[%get3A_2342, %get3A_2343] {strides = array<i32>} : memref<16x256xf32, #tpu.memory_space<vmem>>, vector<16xf32>,
        %mul3A_2345 = arith.mulf %get3A_2335, %get3A_2335 : vector<16xf32>
        %add3A_2346 = arith.addf %add3A_2322, %mul3A_2345 : vector<16xf32>
        %mul3A_2347 = arith.mulf %get3A_2338, %get3A_2338 : vector<16xf32>
        %add3A_2348 = arith.addf %add3A_2324, %mul3A_2347 : vector<16xf32>
        %mul3A_2349 = arith.mulf %get3A_2335, %get3A_2338 : vector<16xf32>
        %add3A_2350 = arith.addf %add3A_2326, %mul3A_2349 : vector<16xf32>
        %mul3A_2351 = arith.mulf %get3A_2341, %get3A_2341 : vector<16xf32>
        %add3A_2352 = arith.addf %add3A_2328, %mul3A_2351 : vector<16xf32>
        %mul3A_2353 = arith.mulf %get3A_2344, %get3A_2344 : vector<16xf32>
        %add3A_2354 = arith.addf %add3A_2330, %mul3A_2353 : vector<16xf32>
        %mul3A_2355 = arith.mulf %get3A_2341, %get3A_2344 : vector<16xf32>
        %add3A_2356 = arith.addf %add3A_2332, %mul3A_2355 : vector<16xf32>
        %get3A_2357 = arith.index_cast %scan3A_1997 : i32 to index
        %get3A_2358 = arith.constant 240 : index
        %get3A_2359 = tpu.vector_load %arg11[%get3A_2357, %get3A_2358] {strides = array<i32>} : memref<16x256xf32, #tpu.memory_space<vmem>>, vector<16xf32>,
        %get3A_2360 = arith.index_cast %scan3A_1997 : i32 to index
        %get3A_2361 = arith.constant 240 : index
        %get3A_2362 = tpu.vector_load %arg12[%get3A_2360, %get3A_2361] {strides = array<i32>} : memref<16x256xf32, #tpu.memory_space<vmem>>, vector<16xf32>,
        %get3A_2363 = arith.index_cast %scan3A_1997 : i32 to index
        %get3A_2364 = arith.constant 240 : index
        %get3A_2365 = tpu.vector_load %arg13[%get3A_2363, %get3A_2364] {strides = array<i32>} : memref<16x256xf32, #tpu.memory_space<vmem>>, vector<16xf32>,
        %get3A_2366 = arith.index_cast %scan3A_1997 : i32 to index
        %get3A_2367 = arith.constant 240 : index
        %get3A_2368 = tpu.vector_load %arg14[%get3A_2366, %get3A_2367] {strides = array<i32>} : memref<16x256xf32, #tpu.memory_space<vmem>>, vector<16xf32>,
        %mul3A_2369 = arith.mulf %get3A_2359, %get3A_2359 : vector<16xf32>
        %add3A_2370 = arith.addf %add3A_2346, %mul3A_2369 : vector<16xf32>
        %mul3A_2371 = arith.mulf %get3A_2362, %get3A_2362 : vector<16xf32>
        %add3A_2372 = arith.addf %add3A_2348, %mul3A_2371 : vector<16xf32>
        %mul3A_2373 = arith.mulf %get3A_2359, %get3A_2362 : vector<16xf32>
        %add3A_2374 = arith.addf %add3A_2350, %mul3A_2373 : vector<16xf32>
        %mul3A_2375 = arith.mulf %get3A_2365, %get3A_2365 : vector<16xf32>
        %add3A_2376 = arith.addf %add3A_2352, %mul3A_2375 : vector<16xf32>
        %mul3A_2377 = arith.mulf %get3A_2368, %get3A_2368 : vector<16xf32>
        %add3A_2378 = arith.addf %add3A_2354, %mul3A_2377 : vector<16xf32>
        %mul3A_2379 = arith.mulf %get3A_2365, %get3A_2368 : vector<16xf32>
        %add3A_2380 = arith.addf %add3A_2356, %mul3A_2379 : vector<16xf32>
        %mul3A_2381 = arith.constant 17 : i32
        %mul3A_2382 = arith.muli %scan3A_1997, %mul3A_2381 : i32
        %swap3A_2383 = arith.index_cast %mul3A_2382 : i32 to index
        %swap3A_2384 = tpu.vector_load %arg15[%swap3A_2383] {strides = array<i32>} : memref<272xf32, #tpu.memory_space<vmem>>, vector<16xf32>,
        tpu.vector_store %arg15[%swap3A_2383], %add3A_2370 {strides = array<i32>} : memref<272xf32, #tpu.memory_space<vmem>>, vector<16xf32>,
        %swap3A_2385 = arith.index_cast %mul3A_2382 : i32 to index
        %swap3A_2386 = tpu.vector_load %arg16[%swap3A_2385] {strides = array<i32>} : memref<272xf32, #tpu.memory_space<vmem>>, vector<16xf32>,
        tpu.vector_store %arg16[%swap3A_2385], %add3A_2372 {strides = array<i32>} : memref<272xf32, #tpu.memory_space<vmem>>, vector<16xf32>,
        %swap3A_2387 = arith.index_cast %mul3A_2382 : i32 to index
        %swap3A_2388 = tpu.vector_load %arg17[%swap3A_2387] {strides = array<i32>} : memref<272xf32, #tpu.memory_space<vmem>>, vector<16xf32>,
        tpu.vector_store %arg17[%swap3A_2387], %add3A_2374 {strides = array<i32>} : memref<272xf32, #tpu.memory_space<vmem>>, vector<16xf32>,
        %swap3A_2389 = arith.index_cast %mul3A_2382 : i32 to index
        %swap3A_2390 = tpu.vector_load %arg18[%swap3A_2389] {strides = array<i32>} : memref<272xf32, #tpu.memory_space<vmem>>, vector<16xf32>,
        tpu.vector_store %arg18[%swap3A_2389], %add3A_2376 {strides = array<i32>} : memref<272xf32, #tpu.memory_space<vmem>>, vector<16xf32>,
        %swap3A_2391 = arith.index_cast %mul3A_2382 : i32 to index
        %swap3A_2392 = tpu.vector_load %arg19[%swap3A_2391] {strides = array<i32>} : memref<272xf32, #tpu.memory_space<vmem>>, vector<16xf32>,
        tpu.vector_store %arg19[%swap3A_2391], %add3A_2378 {strides = array<i32>} : memref<272xf32, #tpu.memory_space<vmem>>, vector<16xf32>,
        %swap3A_2393 = arith.index_cast %mul3A_2382 : i32 to index
        %swap3A_2394 = tpu.vector_load %arg20[%swap3A_2393] {strides = array<i32>} : memref<272xf32, #tpu.memory_space<vmem>>, vector<16xf32>,
        tpu.vector_store %arg20[%swap3A_2393], %add3A_2380 {strides = array<i32>} : memref<272xf32, #tpu.memory_space<vmem>>, vector<16xf32>,
        %scan3A_2395 = arith.constant 1 : i32
        %scan3A_2396 = arith.addi %scan3A_1997, %scan3A_2395 : i32
        %get3A_2397 = arith.index_cast %scan3A_2396 : i32 to index
        %get3A_2398 = arith.constant 0 : index
        %get3A_2399 = tpu.vector_load %arg11[%get3A_2397, %get3A_2398] {strides = array<i32>} : memref<16x256xf32, #tpu.memory_space<vmem>>, vector<16xf32>,
        %get3A_2400 = arith.index_cast %scan3A_2396 : i32 to index
        %get3A_2401 = arith.constant 0 : index
        %get3A_2402 = tpu.vector_load %arg12[%get3A_2400, %get3A_2401] {strides = array<i32>} : memref<16x256xf32, #tpu.memory_space<vmem>>, vector<16xf32>,
        %get3A_2403 = arith.index_cast %scan3A_2396 : i32 to index
        %get3A_2404 = arith.constant 0 : index
        %get3A_2405 = tpu.vector_load %arg13[%get3A_2403, %get3A_2404] {strides = array<i32>} : memref<16x256xf32, #tpu.memory_space<vmem>>, vector<16xf32>,
        %get3A_2406 = arith.index_cast %scan3A_2396 : i32 to index
        %get3A_2407 = arith.constant 0 : index
        %get3A_2408 = tpu.vector_load %arg14[%get3A_2406, %get3A_2407] {strides = array<i32>} : memref<16x256xf32, #tpu.memory_space<vmem>>, vector<16xf32>,
        %mul3A_2409 = arith.mulf %get3A_2399, %get3A_2399 : vector<16xf32>
        %add3A_2410 = arith.addf %broadcast_in_dim3A_1, %mul3A_2409 : vector<16xf32>
        %mul3A_2411 = arith.mulf %get3A_2402, %get3A_2402 : vector<16xf32>
        %add3A_2412 = arith.addf %broadcast_in_dim3A_1, %mul3A_2411 : vector<16xf32>
        %mul3A_2413 = arith.mulf %get3A_2399, %get3A_2402 : vector<16xf32>
        %add3A_2414 = arith.addf %broadcast_in_dim3A_1, %mul3A_2413 : vector<16xf32>
        %mul3A_2415 = arith.mulf %get3A_2405, %get3A_2405 : vector<16xf32>
        %add3A_2416 = arith.addf %broadcast_in_dim3A_1, %mul3A_2415 : vector<16xf32>
        %mul3A_2417 = arith.mulf %get3A_2408, %get3A_2408 : vector<16xf32>
        %add3A_2418 = arith.addf %broadcast_in_dim3A_1, %mul3A_2417 : vector<16xf32>
        %mul3A_2419 = arith.mulf %get3A_2405, %get3A_2408 : vector<16xf32>
        %add3A_2420 = arith.addf %broadcast_in_dim3A_1, %mul3A_2419 : vector<16xf32>
        %get3A_2421 = arith.index_cast %scan3A_2396 : i32 to index
        %get3A_2422 = arith.constant 16 : index
        %get3A_2423 = tpu.vector_load %arg11[%get3A_2421, %get3A_2422] {strides = array<i32>} : memref<16x256xf32, #tpu.memory_space<vmem>>, vector<16xf32>,
        %get3A_2424 = arith.index_cast %scan3A_2396 : i32 to index
        %get3A_2425 = arith.constant 16 : index
        %get3A_2426 = tpu.vector_load %arg12[%get3A_2424, %get3A_2425] {strides = array<i32>} : memref<16x256xf32, #tpu.memory_space<vmem>>, vector<16xf32>,
        %get3A_2427 = arith.index_cast %scan3A_2396 : i32 to index
        %get3A_2428 = arith.constant 16 : index
        %get3A_2429 = tpu.vector_load %arg13[%get3A_2427, %get3A_2428] {strides = array<i32>} : memref<16x256xf32, #tpu.memory_space<vmem>>, vector<16xf32>,
        %get3A_2430 = arith.index_cast %scan3A_2396 : i32 to index
        %get3A_2431 = arith.constant 16 : index
        %get3A_2432 = tpu.vector_load %arg14[%get3A_2430, %get3A_2431] {strides = array<i32>} : memref<16x256xf32, #tpu.memory_space<vmem>>, vector<16xf32>,
        %mul3A_2433 = arith.mulf %get3A_2423, %get3A_2423 : vector<16xf32>
        %add3A_2434 = arith.addf %add3A_2410, %mul3A_2433 : vector<16xf32>
        %mul3A_2435 = arith.mulf %get3A_2426, %get3A_2426 : vector<16xf32>
        %add3A_2436 = arith.addf %add3A_2412, %mul3A_2435 : vector<16xf32>
        %mul3A_2437 = arith.mulf %get3A_2423, %get3A_2426 : vector<16xf32>
        %add3A_2438 = arith.addf %add3A_2414, %mul3A_2437 : vector<16xf32>
        %mul3A_2439 = arith.mulf %get3A_2429, %get3A_2429 : vector<16xf32>
        %add3A_2440 = arith.addf %add3A_2416, %mul3A_2439 : vector<16xf32>
        %mul3A_2441 = arith.mulf %get3A_2432, %get3A_2432 : vector<16xf32>
        %add3A_2442 = arith.addf %add3A_2418, %mul3A_2441 : vector<16xf32>
        %mul3A_2443 = arith.mulf %get3A_2429, %get3A_2432 : vector<16xf32>
        %add3A_2444 = arith.addf %add3A_2420, %mul3A_2443 : vector<16xf32>
        %get3A_2445 = arith.index_cast %scan3A_2396 : i32 to index
        %get3A_2446 = arith.constant 32 : index
        %get3A_2447 = tpu.vector_load %arg11[%get3A_2445, %get3A_2446] {strides = array<i32>} : memref<16x256xf32, #tpu.memory_space<vmem>>, vector<16xf32>,
        %get3A_2448 = arith.index_cast %scan3A_2396 : i32 to index
        %get3A_2449 = arith.constant 32 : index
        %get3A_2450 = tpu.vector_load %arg12[%get3A_2448, %get3A_2449] {strides = array<i32>} : memref<16x256xf32, #tpu.memory_space<vmem>>, vector<16xf32>,
        %get3A_2451 = arith.index_cast %scan3A_2396 : i32 to index
        %get3A_2452 = arith.constant 32 : index
        %get3A_2453 = tpu.vector_load %arg13[%get3A_2451, %get3A_2452] {strides = array<i32>} : memref<16x256xf32, #tpu.memory_space<vmem>>, vector<16xf32>,
        %get3A_2454 = arith.index_cast %scan3A_2396 : i32 to index
        %get3A_2455 = arith.constant 32 : index
        %get3A_2456 = tpu.vector_load %arg14[%get3A_2454, %get3A_2455] {strides = array<i32>} : memref<16x256xf32, #tpu.memory_space<vmem>>, vector<16xf32>,
        %mul3A_2457 = arith.mulf %get3A_2447, %get3A_2447 : vector<16xf32>
        %add3A_2458 = arith.addf %add3A_2434, %mul3A_2457 : vector<16xf32>
        %mul3A_2459 = arith.mulf %get3A_2450, %get3A_2450 : vector<16xf32>
        %add3A_2460 = arith.addf %add3A_2436, %mul3A_2459 : vector<16xf32>
        %mul3A_2461 = arith.mulf %get3A_2447, %get3A_2450 : vector<16xf32>
        %add3A_2462 = arith.addf %add3A_2438, %mul3A_2461 : vector<16xf32>
        %mul3A_2463 = arith.mulf %get3A_2453, %get3A_2453 : vector<16xf32>
        %add3A_2464 = arith.addf %add3A_2440, %mul3A_2463 : vector<16xf32>
        %mul3A_2465 = arith.mulf %get3A_2456, %get3A_2456 : vector<16xf32>
        %add3A_2466 = arith.addf %add3A_2442, %mul3A_2465 : vector<16xf32>
        %mul3A_2467 = arith.mulf %get3A_2453, %get3A_2456 : vector<16xf32>
        %add3A_2468 = arith.addf %add3A_2444, %mul3A_2467 : vector<16xf32>
        %get3A_2469 = arith.index_cast %scan3A_2396 : i32 to index
        %get3A_2470 = arith.constant 48 : index
        %get3A_2471 = tpu.vector_load %arg11[%get3A_2469, %get3A_2470] {strides = array<i32>} : memref<16x256xf32, #tpu.memory_space<vmem>>, vector<16xf32>,
        %get3A_2472 = arith.index_cast %scan3A_2396 : i32 to index
        %get3A_2473 = arith.constant 48 : index
        %get3A_2474 = tpu.vector_load %arg12[%get3A_2472, %get3A_2473] {strides = array<i32>} : memref<16x256xf32, #tpu.memory_space<vmem>>, vector<16xf32>,
        %get3A_2475 = arith.index_cast %scan3A_2396 : i32 to index
        %get3A_2476 = arith.constant 48 : index
        %get3A_2477 = tpu.vector_load %arg13[%get3A_2475, %get3A_2476] {strides = array<i32>} : memref<16x256xf32, #tpu.memory_space<vmem>>, vector<16xf32>,
        %get3A_2478 = arith.index_cast %scan3A_2396 : i32 to index
        %get3A_2479 = arith.constant 48 : index
        %get3A_2480 = tpu.vector_load %arg14[%get3A_2478, %get3A_2479] {strides = array<i32>} : memref<16x256xf32, #tpu.memory_space<vmem>>, vector<16xf32>,
        %mul3A_2481 = arith.mulf %get3A_2471, %get3A_2471 : vector<16xf32>
        %add3A_2482 = arith.addf %add3A_2458, %mul3A_2481 : vector<16xf32>
        %mul3A_2483 = arith.mulf %get3A_2474, %get3A_2474 : vector<16xf32>
        %add3A_2484 = arith.addf %add3A_2460, %mul3A_2483 : vector<16xf32>
        %mul3A_2485 = arith.mulf %get3A_2471, %get3A_2474 : vector<16xf32>
        %add3A_2486 = arith.addf %add3A_2462, %mul3A_2485 : vector<16xf32>
        %mul3A_2487 = arith.mulf %get3A_2477, %get3A_2477 : vector<16xf32>
        %add3A_2488 = arith.addf %add3A_2464, %mul3A_2487 : vector<16xf32>
        %mul3A_2489 = arith.mulf %get3A_2480, %get3A_2480 : vector<16xf32>
        %add3A_2490 = arith.addf %add3A_2466, %mul3A_2489 : vector<16xf32>
        %mul3A_2491 = arith.mulf %get3A_2477, %get3A_2480 : vector<16xf32>
        %add3A_2492 = arith.addf %add3A_2468, %mul3A_2491 : vector<16xf32>
        %get3A_2493 = arith.index_cast %scan3A_2396 : i32 to index
        %get3A_2494 = arith.constant 64 : index
        %get3A_2495 = tpu.vector_load %arg11[%get3A_2493, %get3A_2494] {strides = array<i32>} : memref<16x256xf32, #tpu.memory_space<vmem>>, vector<16xf32>,
        %get3A_2496 = arith.index_cast %scan3A_2396 : i32 to index
        %get3A_2497 = arith.constant 64 : index
        %get3A_2498 = tpu.vector_load %arg12[%get3A_2496, %get3A_2497] {strides = array<i32>} : memref<16x256xf32, #tpu.memory_space<vmem>>, vector<16xf32>,
        %get3A_2499 = arith.index_cast %scan3A_2396 : i32 to index
        %get3A_2500 = arith.constant 64 : index
        %get3A_2501 = tpu.vector_load %arg13[%get3A_2499, %get3A_2500] {strides = array<i32>} : memref<16x256xf32, #tpu.memory_space<vmem>>, vector<16xf32>,
        %get3A_2502 = arith.index_cast %scan3A_2396 : i32 to index
        %get3A_2503 = arith.constant 64 : index
        %get3A_2504 = tpu.vector_load %arg14[%get3A_2502, %get3A_2503] {strides = array<i32>} : memref<16x256xf32, #tpu.memory_space<vmem>>, vector<16xf32>,
        %mul3A_2505 = arith.mulf %get3A_2495, %get3A_2495 : vector<16xf32>
        %add3A_2506 = arith.addf %add3A_2482, %mul3A_2505 : vector<16xf32>
        %mul3A_2507 = arith.mulf %get3A_2498, %get3A_2498 : vector<16xf32>
        %add3A_2508 = arith.addf %add3A_2484, %mul3A_2507 : vector<16xf32>
        %mul3A_2509 = arith.mulf %get3A_2495, %get3A_2498 : vector<16xf32>
        %add3A_2510 = arith.addf %add3A_2486, %mul3A_2509 : vector<16xf32>
        %mul3A_2511 = arith.mulf %get3A_2501, %get3A_2501 : vector<16xf32>
        %add3A_2512 = arith.addf %add3A_2488, %mul3A_2511 : vector<16xf32>
        %mul3A_2513 = arith.mulf %get3A_2504, %get3A_2504 : vector<16xf32>
        %add3A_2514 = arith.addf %add3A_2490, %mul3A_2513 : vector<16xf32>
        %mul3A_2515 = arith.mulf %get3A_2501, %get3A_2504 : vector<16xf32>
        %add3A_2516 = arith.addf %add3A_2492, %mul3A_2515 : vector<16xf32>
        %get3A_2517 = arith.index_cast %scan3A_2396 : i32 to index
        %get3A_2518 = arith.constant 80 : index
        %get3A_2519 = tpu.vector_load %arg11[%get3A_2517, %get3A_2518] {strides = array<i32>} : memref<16x256xf32, #tpu.memory_space<vmem>>, vector<16xf32>,
        %get3A_2520 = arith.index_cast %scan3A_2396 : i32 to index
        %get3A_2521 = arith.constant 80 : index
        %get3A_2522 = tpu.vector_load %arg12[%get3A_2520, %get3A_2521] {strides = array<i32>} : memref<16x256xf32, #tpu.memory_space<vmem>>, vector<16xf32>,
        %get3A_2523 = arith.index_cast %scan3A_2396 : i32 to index
        %get3A_2524 = arith.constant 80 : index
        %get3A_2525 = tpu.vector_load %arg13[%get3A_2523, %get3A_2524] {strides = array<i32>} : memref<16x256xf32, #tpu.memory_space<vmem>>, vector<16xf32>,
        %get3A_2526 = arith.index_cast %scan3A_2396 : i32 to index
        %get3A_2527 = arith.constant 80 : index
        %get3A_2528 = tpu.vector_load %arg14[%get3A_2526, %get3A_2527] {strides = array<i32>} : memref<16x256xf32, #tpu.memory_space<vmem>>, vector<16xf32>,
        %mul3A_2529 = arith.mulf %get3A_2519, %get3A_2519 : vector<16xf32>
        %add3A_2530 = arith.addf %add3A_2506, %mul3A_2529 : vector<16xf32>
        %mul3A_2531 = arith.mulf %get3A_2522, %get3A_2522 : vector<16xf32>
        %add3A_2532 = arith.addf %add3A_2508, %mul3A_2531 : vector<16xf32>
        %mul3A_2533 = arith.mulf %get3A_2519, %get3A_2522 : vector<16xf32>
        %add3A_2534 = arith.addf %add3A_2510, %mul3A_2533 : vector<16xf32>
        %mul3A_2535 = arith.mulf %get3A_2525, %get3A_2525 : vector<16xf32>
        %add3A_2536 = arith.addf %add3A_2512, %mul3A_2535 : vector<16xf32>
        %mul3A_2537 = arith.mulf %get3A_2528, %get3A_2528 : vector<16xf32>
        %add3A_2538 = arith.addf %add3A_2514, %mul3A_2537 : vector<16xf32>
        %mul3A_2539 = arith.mulf %get3A_2525, %get3A_2528 : vector<16xf32>
        %add3A_2540 = arith.addf %add3A_2516, %mul3A_2539 : vector<16xf32>
        %get3A_2541 = arith.index_cast %scan3A_2396 : i32 to index
        %get3A_2542 = arith.constant 96 : index
        %get3A_2543 = tpu.vector_load %arg11[%get3A_2541, %get3A_2542] {strides = array<i32>} : memref<16x256xf32, #tpu.memory_space<vmem>>, vector<16xf32>,
        %get3A_2544 = arith.index_cast %scan3A_2396 : i32 to index
        %get3A_2545 = arith.constant 96 : index
        %get3A_2546 = tpu.vector_load %arg12[%get3A_2544, %get3A_2545] {strides = array<i32>} : memref<16x256xf32, #tpu.memory_space<vmem>>, vector<16xf32>,
        %get3A_2547 = arith.index_cast %scan3A_2396 : i32 to index
        %get3A_2548 = arith.constant 96 : index
        %get3A_2549 = tpu.vector_load %arg13[%get3A_2547, %get3A_2548] {strides = array<i32>} : memref<16x256xf32, #tpu.memory_space<vmem>>, vector<16xf32>,
        %get3A_2550 = arith.index_cast %scan3A_2396 : i32 to index
        %get3A_2551 = arith.constant 96 : index
        %get3A_2552 = tpu.vector_load %arg14[%get3A_2550, %get3A_2551] {strides = array<i32>} : memref<16x256xf32, #tpu.memory_space<vmem>>, vector<16xf32>,
        %mul3A_2553 = arith.mulf %get3A_2543, %get3A_2543 : vector<16xf32>
        %add3A_2554 = arith.addf %add3A_2530, %mul3A_2553 : vector<16xf32>
        %mul3A_2555 = arith.mulf %get3A_2546, %get3A_2546 : vector<16xf32>
        %add3A_2556 = arith.addf %add3A_2532, %mul3A_2555 : vector<16xf32>
        %mul3A_2557 = arith.mulf %get3A_2543, %get3A_2546 : vector<16xf32>
        %add3A_2558 = arith.addf %add3A_2534, %mul3A_2557 : vector<16xf32>
        %mul3A_2559 = arith.mulf %get3A_2549, %get3A_2549 : vector<16xf32>
        %add3A_2560 = arith.addf %add3A_2536, %mul3A_2559 : vector<16xf32>
        %mul3A_2561 = arith.mulf %get3A_2552, %get3A_2552 : vector<16xf32>
        %add3A_2562 = arith.addf %add3A_2538, %mul3A_2561 : vector<16xf32>
        %mul3A_2563 = arith.mulf %get3A_2549, %get3A_2552 : vector<16xf32>
        %add3A_2564 = arith.addf %add3A_2540, %mul3A_2563 : vector<16xf32>
        %get3A_2565 = arith.index_cast %scan3A_2396 : i32 to index
        %get3A_2566 = arith.constant 112 : index
        %get3A_2567 = tpu.vector_load %arg11[%get3A_2565, %get3A_2566] {strides = array<i32>} : memref<16x256xf32, #tpu.memory_space<vmem>>, vector<16xf32>,
        %get3A_2568 = arith.index_cast %scan3A_2396 : i32 to index
        %get3A_2569 = arith.constant 112 : index
        %get3A_2570 = tpu.vector_load %arg12[%get3A_2568, %get3A_2569] {strides = array<i32>} : memref<16x256xf32, #tpu.memory_space<vmem>>, vector<16xf32>,
        %get3A_2571 = arith.index_cast %scan3A_2396 : i32 to index
        %get3A_2572 = arith.constant 112 : index
        %get3A_2573 = tpu.vector_load %arg13[%get3A_2571, %get3A_2572] {strides = array<i32>} : memref<16x256xf32, #tpu.memory_space<vmem>>, vector<16xf32>,
        %get3A_2574 = arith.index_cast %scan3A_2396 : i32 to index
        %get3A_2575 = arith.constant 112 : index
        %get3A_2576 = tpu.vector_load %arg14[%get3A_2574, %get3A_2575] {strides = array<i32>} : memref<16x256xf32, #tpu.memory_space<vmem>>, vector<16xf32>,
        %mul3A_2577 = arith.mulf %get3A_2567, %get3A_2567 : vector<16xf32>
        %add3A_2578 = arith.addf %add3A_2554, %mul3A_2577 : vector<16xf32>
        %mul3A_2579 = arith.mulf %get3A_2570, %get3A_2570 : vector<16xf32>
        %add3A_2580 = arith.addf %add3A_2556, %mul3A_2579 : vector<16xf32>
        %mul3A_2581 = arith.mulf %get3A_2567, %get3A_2570 : vector<16xf32>
        %add3A_2582 = arith.addf %add3A_2558, %mul3A_2581 : vector<16xf32>
        %mul3A_2583 = arith.mulf %get3A_2573, %get3A_2573 : vector<16xf32>
        %add3A_2584 = arith.addf %add3A_2560, %mul3A_2583 : vector<16xf32>
        %mul3A_2585 = arith.mulf %get3A_2576, %get3A_2576 : vector<16xf32>
        %add3A_2586 = arith.addf %add3A_2562, %mul3A_2585 : vector<16xf32>
        %mul3A_2587 = arith.mulf %get3A_2573, %get3A_2576 : vector<16xf32>
        %add3A_2588 = arith.addf %add3A_2564, %mul3A_2587 : vector<16xf32>
        %get3A_2589 = arith.index_cast %scan3A_2396 : i32 to index
        %get3A_2590 = arith.constant 128 : index
        %get3A_2591 = tpu.vector_load %arg11[%get3A_2589, %get3A_2590] {strides = array<i32>} : memref<16x256xf32, #tpu.memory_space<vmem>>, vector<16xf32>,
        %get3A_2592 = arith.index_cast %scan3A_2396 : i32 to index
        %get3A_2593 = arith.constant 128 : index
        %get3A_2594 = tpu.vector_load %arg12[%get3A_2592, %get3A_2593] {strides = array<i32>} : memref<16x256xf32, #tpu.memory_space<vmem>>, vector<16xf32>,
        %get3A_2595 = arith.index_cast %scan3A_2396 : i32 to index
        %get3A_2596 = arith.constant 128 : index
        %get3A_2597 = tpu.vector_load %arg13[%get3A_2595, %get3A_2596] {strides = array<i32>} : memref<16x256xf32, #tpu.memory_space<vmem>>, vector<16xf32>,
        %get3A_2598 = arith.index_cast %scan3A_2396 : i32 to index
        %get3A_2599 = arith.constant 128 : index
        %get3A_2600 = tpu.vector_load %arg14[%get3A_2598, %get3A_2599] {strides = array<i32>} : memref<16x256xf32, #tpu.memory_space<vmem>>, vector<16xf32>,
        %mul3A_2601 = arith.mulf %get3A_2591, %get3A_2591 : vector<16xf32>
        %add3A_2602 = arith.addf %add3A_2578, %mul3A_2601 : vector<16xf32>
        %mul3A_2603 = arith.mulf %get3A_2594, %get3A_2594 : vector<16xf32>
        %add3A_2604 = arith.addf %add3A_2580, %mul3A_2603 : vector<16xf32>
        %mul3A_2605 = arith.mulf %get3A_2591, %get3A_2594 : vector<16xf32>
        %add3A_2606 = arith.addf %add3A_2582, %mul3A_2605 : vector<16xf32>
        %mul3A_2607 = arith.mulf %get3A_2597, %get3A_2597 : vector<16xf32>
        %add3A_2608 = arith.addf %add3A_2584, %mul3A_2607 : vector<16xf32>
        %mul3A_2609 = arith.mulf %get3A_2600, %get3A_2600 : vector<16xf32>
        %add3A_2610 = arith.addf %add3A_2586, %mul3A_2609 : vector<16xf32>
        %mul3A_2611 = arith.mulf %get3A_2597, %get3A_2600 : vector<16xf32>
        %add3A_2612 = arith.addf %add3A_2588, %mul3A_2611 : vector<16xf32>
        %get3A_2613 = arith.index_cast %scan3A_2396 : i32 to index
        %get3A_2614 = arith.constant 144 : index
        %get3A_2615 = tpu.vector_load %arg11[%get3A_2613, %get3A_2614] {strides = array<i32>} : memref<16x256xf32, #tpu.memory_space<vmem>>, vector<16xf32>,
        %get3A_2616 = arith.index_cast %scan3A_2396 : i32 to index
        %get3A_2617 = arith.constant 144 : index
        %get3A_2618 = tpu.vector_load %arg12[%get3A_2616, %get3A_2617] {strides = array<i32>} : memref<16x256xf32, #tpu.memory_space<vmem>>, vector<16xf32>,
        %get3A_2619 = arith.index_cast %scan3A_2396 : i32 to index
        %get3A_2620 = arith.constant 144 : index
        %get3A_2621 = tpu.vector_load %arg13[%get3A_2619, %get3A_2620] {strides = array<i32>} : memref<16x256xf32, #tpu.memory_space<vmem>>, vector<16xf32>,
        %get3A_2622 = arith.index_cast %scan3A_2396 : i32 to index
        %get3A_2623 = arith.constant 144 : index
        %get3A_2624 = tpu.vector_load %arg14[%get3A_2622, %get3A_2623] {strides = array<i32>} : memref<16x256xf32, #tpu.memory_space<vmem>>, vector<16xf32>,
        %mul3A_2625 = arith.mulf %get3A_2615, %get3A_2615 : vector<16xf32>
        %add3A_2626 = arith.addf %add3A_2602, %mul3A_2625 : vector<16xf32>
        %mul3A_2627 = arith.mulf %get3A_2618, %get3A_2618 : vector<16xf32>
        %add3A_2628 = arith.addf %add3A_2604, %mul3A_2627 : vector<16xf32>
        %mul3A_2629 = arith.mulf %get3A_2615, %get3A_2618 : vector<16xf32>
        %add3A_2630 = arith.addf %add3A_2606, %mul3A_2629 : vector<16xf32>
        %mul3A_2631 = arith.mulf %get3A_2621, %get3A_2621 : vector<16xf32>
        %add3A_2632 = arith.addf %add3A_2608, %mul3A_2631 : vector<16xf32>
        %mul3A_2633 = arith.mulf %get3A_2624, %get3A_2624 : vector<16xf32>
        %add3A_2634 = arith.addf %add3A_2610, %mul3A_2633 : vector<16xf32>
        %mul3A_2635 = arith.mulf %get3A_2621, %get3A_2624 : vector<16xf32>
        %add3A_2636 = arith.addf %add3A_2612, %mul3A_2635 : vector<16xf32>
        %get3A_2637 = arith.index_cast %scan3A_2396 : i32 to index
        %get3A_2638 = arith.constant 160 : index
        %get3A_2639 = tpu.vector_load %arg11[%get3A_2637, %get3A_2638] {strides = array<i32>} : memref<16x256xf32, #tpu.memory_space<vmem>>, vector<16xf32>,
        %get3A_2640 = arith.index_cast %scan3A_2396 : i32 to index
        %get3A_2641 = arith.constant 160 : index
        %get3A_2642 = tpu.vector_load %arg12[%get3A_2640, %get3A_2641] {strides = array<i32>} : memref<16x256xf32, #tpu.memory_space<vmem>>, vector<16xf32>,
        %get3A_2643 = arith.index_cast %scan3A_2396 : i32 to index
        %get3A_2644 = arith.constant 160 : index
        %get3A_2645 = tpu.vector_load %arg13[%get3A_2643, %get3A_2644] {strides = array<i32>} : memref<16x256xf32, #tpu.memory_space<vmem>>, vector<16xf32>,
        %get3A_2646 = arith.index_cast %scan3A_2396 : i32 to index
        %get3A_2647 = arith.constant 160 : index
        %get3A_2648 = tpu.vector_load %arg14[%get3A_2646, %get3A_2647] {strides = array<i32>} : memref<16x256xf32, #tpu.memory_space<vmem>>, vector<16xf32>,
        %mul3A_2649 = arith.mulf %get3A_2639, %get3A_2639 : vector<16xf32>
        %add3A_2650 = arith.addf %add3A_2626, %mul3A_2649 : vector<16xf32>
        %mul3A_2651 = arith.mulf %get3A_2642, %get3A_2642 : vector<16xf32>
        %add3A_2652 = arith.addf %add3A_2628, %mul3A_2651 : vector<16xf32>
        %mul3A_2653 = arith.mulf %get3A_2639, %get3A_2642 : vector<16xf32>
        %add3A_2654 = arith.addf %add3A_2630, %mul3A_2653 : vector<16xf32>
        %mul3A_2655 = arith.mulf %get3A_2645, %get3A_2645 : vector<16xf32>
        %add3A_2656 = arith.addf %add3A_2632, %mul3A_2655 : vector<16xf32>
        %mul3A_2657 = arith.mulf %get3A_2648, %get3A_2648 : vector<16xf32>
        %add3A_2658 = arith.addf %add3A_2634, %mul3A_2657 : vector<16xf32>
        %mul3A_2659 = arith.mulf %get3A_2645, %get3A_2648 : vector<16xf32>
        %add3A_2660 = arith.addf %add3A_2636, %mul3A_2659 : vector<16xf32>
        %get3A_2661 = arith.index_cast %scan3A_2396 : i32 to index
        %get3A_2662 = arith.constant 176 : index
        %get3A_2663 = tpu.vector_load %arg11[%get3A_2661, %get3A_2662] {strides = array<i32>} : memref<16x256xf32, #tpu.memory_space<vmem>>, vector<16xf32>,
        %get3A_2664 = arith.index_cast %scan3A_2396 : i32 to index
        %get3A_2665 = arith.constant 176 : index
        %get3A_2666 = tpu.vector_load %arg12[%get3A_2664, %get3A_2665] {strides = array<i32>} : memref<16x256xf32, #tpu.memory_space<vmem>>, vector<16xf32>,
        %get3A_2667 = arith.index_cast %scan3A_2396 : i32 to index
        %get3A_2668 = arith.constant 176 : index
        %get3A_2669 = tpu.vector_load %arg13[%get3A_2667, %get3A_2668] {strides = array<i32>} : memref<16x256xf32, #tpu.memory_space<vmem>>, vector<16xf32>,
        %get3A_2670 = arith.index_cast %scan3A_2396 : i32 to index
        %get3A_2671 = arith.constant 176 : index
        %get3A_2672 = tpu.vector_load %arg14[%get3A_2670, %get3A_2671] {strides = array<i32>} : memref<16x256xf32, #tpu.memory_space<vmem>>, vector<16xf32>,
        %mul3A_2673 = arith.mulf %get3A_2663, %get3A_2663 : vector<16xf32>
        %add3A_2674 = arith.addf %add3A_2650, %mul3A_2673 : vector<16xf32>
        %mul3A_2675 = arith.mulf %get3A_2666, %get3A_2666 : vector<16xf32>
        %add3A_2676 = arith.addf %add3A_2652, %mul3A_2675 : vector<16xf32>
        %mul3A_2677 = arith.mulf %get3A_2663, %get3A_2666 : vector<16xf32>
        %add3A_2678 = arith.addf %add3A_2654, %mul3A_2677 : vector<16xf32>
        %mul3A_2679 = arith.mulf %get3A_2669, %get3A_2669 : vector<16xf32>
        %add3A_2680 = arith.addf %add3A_2656, %mul3A_2679 : vector<16xf32>
        %mul3A_2681 = arith.mulf %get3A_2672, %get3A_2672 : vector<16xf32>
        %add3A_2682 = arith.addf %add3A_2658, %mul3A_2681 : vector<16xf32>
        %mul3A_2683 = arith.mulf %get3A_2669, %get3A_2672 : vector<16xf32>
        %add3A_2684 = arith.addf %add3A_2660, %mul3A_2683 : vector<16xf32>
        %get3A_2685 = arith.index_cast %scan3A_2396 : i32 to index
        %get3A_2686 = arith.constant 192 : index
        %get3A_2687 = tpu.vector_load %arg11[%get3A_2685, %get3A_2686] {strides = array<i32>} : memref<16x256xf32, #tpu.memory_space<vmem>>, vector<16xf32>,
        %get3A_2688 = arith.index_cast %scan3A_2396 : i32 to index
        %get3A_2689 = arith.constant 192 : index
        %get3A_2690 = tpu.vector_load %arg12[%get3A_2688, %get3A_2689] {strides = array<i32>} : memref<16x256xf32, #tpu.memory_space<vmem>>, vector<16xf32>,
        %get3A_2691 = arith.index_cast %scan3A_2396 : i32 to index
        %get3A_2692 = arith.constant 192 : index
        %get3A_2693 = tpu.vector_load %arg13[%get3A_2691, %get3A_2692] {strides = array<i32>} : memref<16x256xf32, #tpu.memory_space<vmem>>, vector<16xf32>,
        %get3A_2694 = arith.index_cast %scan3A_2396 : i32 to index
        %get3A_2695 = arith.constant 192 : index
        %get3A_2696 = tpu.vector_load %arg14[%get3A_2694, %get3A_2695] {strides = array<i32>} : memref<16x256xf32, #tpu.memory_space<vmem>>, vector<16xf32>,
        %mul3A_2697 = arith.mulf %get3A_2687, %get3A_2687 : vector<16xf32>
        %add3A_2698 = arith.addf %add3A_2674, %mul3A_2697 : vector<16xf32>
        %mul3A_2699 = arith.mulf %get3A_2690, %get3A_2690 : vector<16xf32>
        %add3A_2700 = arith.addf %add3A_2676, %mul3A_2699 : vector<16xf32>
        %mul3A_2701 = arith.mulf %get3A_2687, %get3A_2690 : vector<16xf32>
        %add3A_2702 = arith.addf %add3A_2678, %mul3A_2701 : vector<16xf32>
        %mul3A_2703 = arith.mulf %get3A_2693, %get3A_2693 : vector<16xf32>
        %add3A_2704 = arith.addf %add3A_2680, %mul3A_2703 : vector<16xf32>
        %mul3A_2705 = arith.mulf %get3A_2696, %get3A_2696 : vector<16xf32>
        %add3A_2706 = arith.addf %add3A_2682, %mul3A_2705 : vector<16xf32>
        %mul3A_2707 = arith.mulf %get3A_2693, %get3A_2696 : vector<16xf32>
        %add3A_2708 = arith.addf %add3A_2684, %mul3A_2707 : vector<16xf32>
        %get3A_2709 = arith.index_cast %scan3A_2396 : i32 to index
        %get3A_2710 = arith.constant 208 : index
        %get3A_2711 = tpu.vector_load %arg11[%get3A_2709, %get3A_2710] {strides = array<i32>} : memref<16x256xf32, #tpu.memory_space<vmem>>, vector<16xf32>,
        %get3A_2712 = arith.index_cast %scan3A_2396 : i32 to index
        %get3A_2713 = arith.constant 208 : index
        %get3A_2714 = tpu.vector_load %arg12[%get3A_2712, %get3A_2713] {strides = array<i32>} : memref<16x256xf32, #tpu.memory_space<vmem>>, vector<16xf32>,
        %get3A_2715 = arith.index_cast %scan3A_2396 : i32 to index
        %get3A_2716 = arith.constant 208 : index
        %get3A_2717 = tpu.vector_load %arg13[%get3A_2715, %get3A_2716] {strides = array<i32>} : memref<16x256xf32, #tpu.memory_space<vmem>>, vector<16xf32>,
        %get3A_2718 = arith.index_cast %scan3A_2396 : i32 to index
        %get3A_2719 = arith.constant 208 : index
        %get3A_2720 = tpu.vector_load %arg14[%get3A_2718, %get3A_2719] {strides = array<i32>} : memref<16x256xf32, #tpu.memory_space<vmem>>, vector<16xf32>,
        %mul3A_2721 = arith.mulf %get3A_2711, %get3A_2711 : vector<16xf32>
        %add3A_2722 = arith.addf %add3A_2698, %mul3A_2721 : vector<16xf32>
        %mul3A_2723 = arith.mulf %get3A_2714, %get3A_2714 : vector<16xf32>
        %add3A_2724 = arith.addf %add3A_2700, %mul3A_2723 : vector<16xf32>
        %mul3A_2725 = arith.mulf %get3A_2711, %get3A_2714 : vector<16xf32>
        %add3A_2726 = arith.addf %add3A_2702, %mul3A_2725 : vector<16xf32>
        %mul3A_2727 = arith.mulf %get3A_2717, %get3A_2717 : vector<16xf32>
        %add3A_2728 = arith.addf %add3A_2704, %mul3A_2727 : vector<16xf32>
        %mul3A_2729 = arith.mulf %get3A_2720, %get3A_2720 : vector<16xf32>
        %add3A_2730 = arith.addf %add3A_2706, %mul3A_2729 : vector<16xf32>
        %mul3A_2731 = arith.mulf %get3A_2717, %get3A_2720 : vector<16xf32>
        %add3A_2732 = arith.addf %add3A_2708, %mul3A_2731 : vector<16xf32>
        %get3A_2733 = arith.index_cast %scan3A_2396 : i32 to index
        %get3A_2734 = arith.constant 224 : index
        %get3A_2735 = tpu.vector_load %arg11[%get3A_2733, %get3A_2734] {strides = array<i32>} : memref<16x256xf32, #tpu.memory_space<vmem>>, vector<16xf32>,
        %get3A_2736 = arith.index_cast %scan3A_2396 : i32 to index
        %get3A_2737 = arith.constant 224 : index
        %get3A_2738 = tpu.vector_load %arg12[%get3A_2736, %get3A_2737] {strides = array<i32>} : memref<16x256xf32, #tpu.memory_space<vmem>>, vector<16xf32>,
        %get3A_2739 = arith.index_cast %scan3A_2396 : i32 to index
        %get3A_2740 = arith.constant 224 : index
        %get3A_2741 = tpu.vector_load %arg13[%get3A_2739, %get3A_2740] {strides = array<i32>} : memref<16x256xf32, #tpu.memory_space<vmem>>, vector<16xf32>,
        %get3A_2742 = arith.index_cast %scan3A_2396 : i32 to index
        %get3A_2743 = arith.constant 224 : index
        %get3A_2744 = tpu.vector_load %arg14[%get3A_2742, %get3A_2743] {strides = array<i32>} : memref<16x256xf32, #tpu.memory_space<vmem>>, vector<16xf32>,
        %mul3A_2745 = arith.mulf %get3A_2735, %get3A_2735 : vector<16xf32>
        %add3A_2746 = arith.addf %add3A_2722, %mul3A_2745 : vector<16xf32>
        %mul3A_2747 = arith.mulf %get3A_2738, %get3A_2738 : vector<16xf32>
        %add3A_2748 = arith.addf %add3A_2724, %mul3A_2747 : vector<16xf32>
        %mul3A_2749 = arith.mulf %get3A_2735, %get3A_2738 : vector<16xf32>
        %add3A_2750 = arith.addf %add3A_2726, %mul3A_2749 : vector<16xf32>
        %mul3A_2751 = arith.mulf %get3A_2741, %get3A_2741 : vector<16xf32>
        %add3A_2752 = arith.addf %add3A_2728, %mul3A_2751 : vector<16xf32>
        %mul3A_2753 = arith.mulf %get3A_2744, %get3A_2744 : vector<16xf32>
        %add3A_2754 = arith.addf %add3A_2730, %mul3A_2753 : vector<16xf32>
        %mul3A_2755 = arith.mulf %get3A_2741, %get3A_2744 : vector<16xf32>
        %add3A_2756 = arith.addf %add3A_2732, %mul3A_2755 : vector<16xf32>
        %get3A_2757 = arith.index_cast %scan3A_2396 : i32 to index
        %get3A_2758 = arith.constant 240 : index
        %get3A_2759 = tpu.vector_load %arg11[%get3A_2757, %get3A_2758] {strides = array<i32>} : memref<16x256xf32, #tpu.memory_space<vmem>>, vector<16xf32>,
        %get3A_2760 = arith.index_cast %scan3A_2396 : i32 to index
        %get3A_2761 = arith.constant 240 : index
        %get3A_2762 = tpu.vector_load %arg12[%get3A_2760, %get3A_2761] {strides = array<i32>} : memref<16x256xf32, #tpu.memory_space<vmem>>, vector<16xf32>,
        %get3A_2763 = arith.index_cast %scan3A_2396 : i32 to index
        %get3A_2764 = arith.constant 240 : index
        %get3A_2765 = tpu.vector_load %arg13[%get3A_2763, %get3A_2764] {strides = array<i32>} : memref<16x256xf32, #tpu.memory_space<vmem>>, vector<16xf32>,
        %get3A_2766 = arith.index_cast %scan3A_2396 : i32 to index
        %get3A_2767 = arith.constant 240 : index
        %get3A_2768 = tpu.vector_load %arg14[%get3A_2766, %get3A_2767] {strides = array<i32>} : memref<16x256xf32, #tpu.memory_space<vmem>>, vector<16xf32>,
        %mul3A_2769 = arith.mulf %get3A_2759, %get3A_2759 : vector<16xf32>
        %add3A_2770 = arith.addf %add3A_2746, %mul3A_2769 : vector<16xf32>
        %mul3A_2771 = arith.mulf %get3A_2762, %get3A_2762 : vector<16xf32>
        %add3A_2772 = arith.addf %add3A_2748, %mul3A_2771 : vector<16xf32>
        %mul3A_2773 = arith.mulf %get3A_2759, %get3A_2762 : vector<16xf32>
        %add3A_2774 = arith.addf %add3A_2750, %mul3A_2773 : vector<16xf32>
        %mul3A_2775 = arith.mulf %get3A_2765, %get3A_2765 : vector<16xf32>
        %add3A_2776 = arith.addf %add3A_2752, %mul3A_2775 : vector<16xf32>
        %mul3A_2777 = arith.mulf %get3A_2768, %get3A_2768 : vector<16xf32>
        %add3A_2778 = arith.addf %add3A_2754, %mul3A_2777 : vector<16xf32>
        %mul3A_2779 = arith.mulf %get3A_2765, %get3A_2768 : vector<16xf32>
        %add3A_2780 = arith.addf %add3A_2756, %mul3A_2779 : vector<16xf32>
        %mul3A_2781 = arith.constant 17 : i32
        %mul3A_2782 = arith.muli %scan3A_2396, %mul3A_2781 : i32
        %swap3A_2783 = arith.index_cast %mul3A_2782 : i32 to index
        %swap3A_2784 = tpu.vector_load %arg15[%swap3A_2783] {strides = array<i32>} : memref<272xf32, #tpu.memory_space<vmem>>, vector<16xf32>,
        tpu.vector_store %arg15[%swap3A_2783], %add3A_2770 {strides = array<i32>} : memref<272xf32, #tpu.memory_space<vmem>>, vector<16xf32>,
        %swap3A_2785 = arith.index_cast %mul3A_2782 : i32 to index
        %swap3A_2786 = tpu.vector_load %arg16[%swap3A_2785] {strides = array<i32>} : memref<272xf32, #tpu.memory_space<vmem>>, vector<16xf32>,
        tpu.vector_store %arg16[%swap3A_2785], %add3A_2772 {strides = array<i32>} : memref<272xf32, #tpu.memory_space<vmem>>, vector<16xf32>,
        %swap3A_2787 = arith.index_cast %mul3A_2782 : i32 to index
        %swap3A_2788 = tpu.vector_load %arg17[%swap3A_2787] {strides = array<i32>} : memref<272xf32, #tpu.memory_space<vmem>>, vector<16xf32>,
        tpu.vector_store %arg17[%swap3A_2787], %add3A_2774 {strides = array<i32>} : memref<272xf32, #tpu.memory_space<vmem>>, vector<16xf32>,
        %swap3A_2789 = arith.index_cast %mul3A_2782 : i32 to index
        %swap3A_2790 = tpu.vector_load %arg18[%swap3A_2789] {strides = array<i32>} : memref<272xf32, #tpu.memory_space<vmem>>, vector<16xf32>,
        tpu.vector_store %arg18[%swap3A_2789], %add3A_2776 {strides = array<i32>} : memref<272xf32, #tpu.memory_space<vmem>>, vector<16xf32>,
        %swap3A_2791 = arith.index_cast %mul3A_2782 : i32 to index
        %swap3A_2792 = tpu.vector_load %arg19[%swap3A_2791] {strides = array<i32>} : memref<272xf32, #tpu.memory_space<vmem>>, vector<16xf32>,
        tpu.vector_store %arg19[%swap3A_2791], %add3A_2778 {strides = array<i32>} : memref<272xf32, #tpu.memory_space<vmem>>, vector<16xf32>,
        %swap3A_2793 = arith.index_cast %mul3A_2782 : i32 to index
        %swap3A_2794 = tpu.vector_load %arg20[%swap3A_2793] {strides = array<i32>} : memref<272xf32, #tpu.memory_space<vmem>>, vector<16xf32>,
        tpu.vector_store %arg20[%swap3A_2793], %add3A_2780 {strides = array<i32>} : memref<272xf32, #tpu.memory_space<vmem>>, vector<16xf32>,
      }
      %scan3A_1048 = arith.constant 16 : i32
      %mul3A_1049 = arith.constant 17 : i32
      %mul3A_1050 = vector.broadcast %mul3A_1049 : i32 to vector<16xi32>
      %mul3A_1051 = arith.muli %iota3A, %mul3A_1050 : vector<16xi32>
      %add3A_1052 = arith.constant 0 : i32
      %add3A_1053 = vector.broadcast %add3A_1052 : i32 to vector<16xi32>
      %add3A_1054 = arith.addi %mul3A_1051, %add3A_1053 : vector<16xi32>
      %gather3A_1055 = tpu.vector_load_idx %arg15[%add3A_1054] : memref<272xf32, #tpu.memory_space<vmem>>[vector<16xi32>], vector<16xf32>,
      %add3A_1056 = arith.addf %broadcast_in_dim3A_1, %gather3A_1055 : vector<16xf32>
      %mul3A_1057 = arith.constant 17 : i32
      %mul3A_1058 = vector.broadcast %mul3A_1057 : i32 to vector<16xi32>
      %mul3A_1059 = arith.muli %iota3A, %mul3A_1058 : vector<16xi32>
      %add3A_1060 = arith.constant 1 : i32
      %add3A_1061 = vector.broadcast %add3A_1060 : i32 to vector<16xi32>
      %add3A_1062 = arith.addi %mul3A_1059, %add3A_1061 : vector<16xi32>
      %gather3A_1063 = tpu.vector_load_idx %arg15[%add3A_1062] : memref<272xf32, #tpu.memory_space<vmem>>[vector<16xi32>], vector<16xf32>,
      %add3A_1064 = arith.addf %add3A_1056, %gather3A_1063 : vector<16xf32>
      %mul3A_1065 = arith.constant 17 : i32
      %mul3A_1066 = vector.broadcast %mul3A_1065 : i32 to vector<16xi32>
      %mul3A_1067 = arith.muli %iota3A, %mul3A_1066 : vector<16xi32>
      %add3A_1068 = arith.constant 2 : i32
      %add3A_1069 = vector.broadcast %add3A_1068 : i32 to vector<16xi32>
      %add3A_1070 = arith.addi %mul3A_1067, %add3A_1069 : vector<16xi32>
      %gather3A_1071 = tpu.vector_load_idx %arg15[%add3A_1070] : memref<272xf32, #tpu.memory_space<vmem>>[vector<16xi32>], vector<16xf32>,
      %add3A_1072 = arith.addf %add3A_1064, %gather3A_1071 : vector<16xf32>
      %mul3A_1073 = arith.constant 17 : i32
      %mul3A_1074 = vector.broadcast %mul3A_1073 : i32 to vector<16xi32>
      %mul3A_1075 = arith.muli %iota3A, %mul3A_1074 : vector<16xi32>
      %add3A_1076 = arith.constant 3 : i32
      %add3A_1077 = vector.broadcast %add3A_1076 : i32 to vector<16xi32>
      %add3A_1078 = arith.addi %mul3A_1075, %add3A_1077 : vector<16xi32>
      %gather3A_1079 = tpu.vector_load_idx %arg15[%add3A_1078] : memref<272xf32, #tpu.memory_space<vmem>>[vector<16xi32>], vector<16xf32>,
      %add3A_1080 = arith.addf %add3A_1072, %gather3A_1079 : vector<16xf32>
      %mul3A_1081 = arith.constant 17 : i32
      %mul3A_1082 = vector.broadcast %mul3A_1081 : i32 to vector<16xi32>
      %mul3A_1083 = arith.muli %iota3A, %mul3A_1082 : vector<16xi32>
      %add3A_1084 = arith.constant 4 : i32
      %add3A_1085 = vector.broadcast %add3A_1084 : i32 to vector<16xi32>
      %add3A_1086 = arith.addi %mul3A_1083, %add3A_1085 : vector<16xi32>
      %gather3A_1087 = tpu.vector_load_idx %arg15[%add3A_1086] : memref<272xf32, #tpu.memory_space<vmem>>[vector<16xi32>], vector<16xf32>,
      %add3A_1088 = arith.addf %add3A_1080, %gather3A_1087 : vector<16xf32>
      %mul3A_1089 = arith.constant 17 : i32
      %mul3A_1090 = vector.broadcast %mul3A_1089 : i32 to vector<16xi32>
      %mul3A_1091 = arith.muli %iota3A, %mul3A_1090 : vector<16xi32>
      %add3A_1092 = arith.constant 5 : i32
      %add3A_1093 = vector.broadcast %add3A_1092 : i32 to vector<16xi32>
      %add3A_1094 = arith.addi %mul3A_1091, %add3A_1093 : vector<16xi32>
      %gather3A_1095 = tpu.vector_load_idx %arg15[%add3A_1094] : memref<272xf32, #tpu.memory_space<vmem>>[vector<16xi32>], vector<16xf32>,
      %add3A_1096 = arith.addf %add3A_1088, %gather3A_1095 : vector<16xf32>
      %mul3A_1097 = arith.constant 17 : i32
      %mul3A_1098 = vector.broadcast %mul3A_1097 : i32 to vector<16xi32>
      %mul3A_1099 = arith.muli %iota3A, %mul3A_1098 : vector<16xi32>
      %add3A_1100 = arith.constant 6 : i32
      %add3A_1101 = vector.broadcast %add3A_1100 : i32 to vector<16xi32>
      %add3A_1102 = arith.addi %mul3A_1099, %add3A_1101 : vector<16xi32>
      %gather3A_1103 = tpu.vector_load_idx %arg15[%add3A_1102] : memref<272xf32, #tpu.memory_space<vmem>>[vector<16xi32>], vector<16xf32>,
      %add3A_1104 = arith.addf %add3A_1096, %gather3A_1103 : vector<16xf32>
      %mul3A_1105 = arith.constant 17 : i32
      %mul3A_1106 = vector.broadcast %mul3A_1105 : i32 to vector<16xi32>
      %mul3A_1107 = arith.muli %iota3A, %mul3A_1106 : vector<16xi32>
      %add3A_1108 = arith.constant 7 : i32
      %add3A_1109 = vector.broadcast %add3A_1108 : i32 to vector<16xi32>
      %add3A_1110 = arith.addi %mul3A_1107, %add3A_1109 : vector<16xi32>
      %gather3A_1111 = tpu.vector_load_idx %arg15[%add3A_1110] : memref<272xf32, #tpu.memory_space<vmem>>[vector<16xi32>], vector<16xf32>,
      %add3A_1112 = arith.addf %add3A_1104, %gather3A_1111 : vector<16xf32>
      %mul3A_1113 = arith.constant 17 : i32
      %mul3A_1114 = vector.broadcast %mul3A_1113 : i32 to vector<16xi32>
      %mul3A_1115 = arith.muli %iota3A, %mul3A_1114 : vector<16xi32>
      %add3A_1116 = arith.constant 8 : i32
      %add3A_1117 = vector.broadcast %add3A_1116 : i32 to vector<16xi32>
      %add3A_1118 = arith.addi %mul3A_1115, %add3A_1117 : vector<16xi32>
      %gather3A_1119 = tpu.vector_load_idx %arg15[%add3A_1118] : memref<272xf32, #tpu.memory_space<vmem>>[vector<16xi32>], vector<16xf32>,
      %add3A_1120 = arith.addf %add3A_1112, %gather3A_1119 : vector<16xf32>
      %mul3A_1121 = arith.constant 17 : i32
      %mul3A_1122 = vector.broadcast %mul3A_1121 : i32 to vector<16xi32>
      %mul3A_1123 = arith.muli %iota3A, %mul3A_1122 : vector<16xi32>
      %add3A_1124 = arith.constant 9 : i32
      %add3A_1125 = vector.broadcast %add3A_1124 : i32 to vector<16xi32>
      %add3A_1126 = arith.addi %mul3A_1123, %add3A_1125 : vector<16xi32>
      %gather3A_1127 = tpu.vector_load_idx %arg15[%add3A_1126] : memref<272xf32, #tpu.memory_space<vmem>>[vector<16xi32>], vector<16xf32>,
      %add3A_1128 = arith.addf %add3A_1120, %gather3A_1127 : vector<16xf32>
      %mul3A_1129 = arith.constant 17 : i32
      %mul3A_1130 = vector.broadcast %mul3A_1129 : i32 to vector<16xi32>
      %mul3A_1131 = arith.muli %iota3A, %mul3A_1130 : vector<16xi32>
      %add3A_1132 = arith.constant 10 : i32
      %add3A_1133 = vector.broadcast %add3A_1132 : i32 to vector<16xi32>
      %add3A_1134 = arith.addi %mul3A_1131, %add3A_1133 : vector<16xi32>
      %gather3A_1135 = tpu.vector_load_idx %arg15[%add3A_1134] : memref<272xf32, #tpu.memory_space<vmem>>[vector<16xi32>], vector<16xf32>,
      %add3A_1136 = arith.addf %add3A_1128, %gather3A_1135 : vector<16xf32>
      %mul3A_1137 = arith.constant 17 : i32
      %mul3A_1138 = vector.broadcast %mul3A_1137 : i32 to vector<16xi32>
      %mul3A_1139 = arith.muli %iota3A, %mul3A_1138 : vector<16xi32>
      %add3A_1140 = arith.constant 11 : i32
      %add3A_1141 = vector.broadcast %add3A_1140 : i32 to vector<16xi32>
      %add3A_1142 = arith.addi %mul3A_1139, %add3A_1141 : vector<16xi32>
      %gather3A_1143 = tpu.vector_load_idx %arg15[%add3A_1142] : memref<272xf32, #tpu.memory_space<vmem>>[vector<16xi32>], vector<16xf32>,
      %add3A_1144 = arith.addf %add3A_1136, %gather3A_1143 : vector<16xf32>
      %mul3A_1145 = arith.constant 17 : i32
      %mul3A_1146 = vector.broadcast %mul3A_1145 : i32 to vector<16xi32>
      %mul3A_1147 = arith.muli %iota3A, %mul3A_1146 : vector<16xi32>
      %add3A_1148 = arith.constant 12 : i32
      %add3A_1149 = vector.broadcast %add3A_1148 : i32 to vector<16xi32>
      %add3A_1150 = arith.addi %mul3A_1147, %add3A_1149 : vector<16xi32>
      %gather3A_1151 = tpu.vector_load_idx %arg15[%add3A_1150] : memref<272xf32, #tpu.memory_space<vmem>>[vector<16xi32>], vector<16xf32>,
      %add3A_1152 = arith.addf %add3A_1144, %gather3A_1151 : vector<16xf32>
      %mul3A_1153 = arith.constant 17 : i32
      %mul3A_1154 = vector.broadcast %mul3A_1153 : i32 to vector<16xi32>
      %mul3A_1155 = arith.muli %iota3A, %mul3A_1154 : vector<16xi32>
      %add3A_1156 = arith.constant 13 : i32
      %add3A_1157 = vector.broadcast %add3A_1156 : i32 to vector<16xi32>
      %add3A_1158 = arith.addi %mul3A_1155, %add3A_1157 : vector<16xi32>
      %gather3A_1159 = tpu.vector_load_idx %arg15[%add3A_1158] : memref<272xf32, #tpu.memory_space<vmem>>[vector<16xi32>], vector<16xf32>,
      %add3A_1160 = arith.addf %add3A_1152, %gather3A_1159 : vector<16xf32>
      %mul3A_1161 = arith.constant 17 : i32
      %mul3A_1162 = vector.broadcast %mul3A_1161 : i32 to vector<16xi32>
      %mul3A_1163 = arith.muli %iota3A, %mul3A_1162 : vector<16xi32>
      %add3A_1164 = arith.constant 14 : i32
      %add3A_1165 = vector.broadcast %add3A_1164 : i32 to vector<16xi32>
      %add3A_1166 = arith.addi %mul3A_1163, %add3A_1165 : vector<16xi32>
      %gather3A_1167 = tpu.vector_load_idx %arg15[%add3A_1166] : memref<272xf32, #tpu.memory_space<vmem>>[vector<16xi32>], vector<16xf32>,
      %add3A_1168 = arith.addf %add3A_1160, %gather3A_1167 : vector<16xf32>
      %mul3A_1169 = arith.constant 17 : i32
      %mul3A_1170 = vector.broadcast %mul3A_1169 : i32 to vector<16xi32>
      %mul3A_1171 = arith.muli %iota3A, %mul3A_1170 : vector<16xi32>
      %add3A_1172 = arith.constant 15 : i32
      %add3A_1173 = vector.broadcast %add3A_1172 : i32 to vector<16xi32>
      %add3A_1174 = arith.addi %mul3A_1171, %add3A_1173 : vector<16xi32>
      %gather3A_1175 = tpu.vector_load_idx %arg15[%add3A_1174] : memref<272xf32, #tpu.memory_space<vmem>>[vector<16xi32>], vector<16xf32>,
      %add3A_1176 = arith.addf %add3A_1168, %gather3A_1175 : vector<16xf32>
      %mul3A_1177 = arith.constant 17 : i32
      %mul3A_1178 = vector.broadcast %mul3A_1177 : i32 to vector<16xi32>
      %mul3A_1179 = arith.muli %iota3A, %mul3A_1178 : vector<16xi32>
      %add3A_1180 = arith.constant 0 : i32
      %add3A_1181 = vector.broadcast %add3A_1180 : i32 to vector<16xi32>
      %add3A_1182 = arith.addi %mul3A_1179, %add3A_1181 : vector<16xi32>
      %gather3A_1183 = tpu.vector_load_idx %arg16[%add3A_1182] : memref<272xf32, #tpu.memory_space<vmem>>[vector<16xi32>], vector<16xf32>,
      %add3A_1184 = arith.addf %broadcast_in_dim3A_1, %gather3A_1183 : vector<16xf32>
      %mul3A_1185 = arith.constant 17 : i32
      %mul3A_1186 = vector.broadcast %mul3A_1185 : i32 to vector<16xi32>
      %mul3A_1187 = arith.muli %iota3A, %mul3A_1186 : vector<16xi32>
      %add3A_1188 = arith.constant 1 : i32
      %add3A_1189 = vector.broadcast %add3A_1188 : i32 to vector<16xi32>
      %add3A_1190 = arith.addi %mul3A_1187, %add3A_1189 : vector<16xi32>
      %gather3A_1191 = tpu.vector_load_idx %arg16[%add3A_1190] : memref<272xf32, #tpu.memory_space<vmem>>[vector<16xi32>], vector<16xf32>,
      %add3A_1192 = arith.addf %add3A_1184, %gather3A_1191 : vector<16xf32>
      %mul3A_1193 = arith.constant 17 : i32
      %mul3A_1194 = vector.broadcast %mul3A_1193 : i32 to vector<16xi32>
      %mul3A_1195 = arith.muli %iota3A, %mul3A_1194 : vector<16xi32>
      %add3A_1196 = arith.constant 2 : i32
      %add3A_1197 = vector.broadcast %add3A_1196 : i32 to vector<16xi32>
      %add3A_1198 = arith.addi %mul3A_1195, %add3A_1197 : vector<16xi32>
      %gather3A_1199 = tpu.vector_load_idx %arg16[%add3A_1198] : memref<272xf32, #tpu.memory_space<vmem>>[vector<16xi32>], vector<16xf32>,
      %add3A_1200 = arith.addf %add3A_1192, %gather3A_1199 : vector<16xf32>
      %mul3A_1201 = arith.constant 17 : i32
      %mul3A_1202 = vector.broadcast %mul3A_1201 : i32 to vector<16xi32>
      %mul3A_1203 = arith.muli %iota3A, %mul3A_1202 : vector<16xi32>
      %add3A_1204 = arith.constant 3 : i32
      %add3A_1205 = vector.broadcast %add3A_1204 : i32 to vector<16xi32>
      %add3A_1206 = arith.addi %mul3A_1203, %add3A_1205 : vector<16xi32>
      %gather3A_1207 = tpu.vector_load_idx %arg16[%add3A_1206] : memref<272xf32, #tpu.memory_space<vmem>>[vector<16xi32>], vector<16xf32>,
      %add3A_1208 = arith.addf %add3A_1200, %gather3A_1207 : vector<16xf32>
      %mul3A_1209 = arith.constant 17 : i32
      %mul3A_1210 = vector.broadcast %mul3A_1209 : i32 to vector<16xi32>
      %mul3A_1211 = arith.muli %iota3A, %mul3A_1210 : vector<16xi32>
      %add3A_1212 = arith.constant 4 : i32
      %add3A_1213 = vector.broadcast %add3A_1212 : i32 to vector<16xi32>
      %add3A_1214 = arith.addi %mul3A_1211, %add3A_1213 : vector<16xi32>
      %gather3A_1215 = tpu.vector_load_idx %arg16[%add3A_1214] : memref<272xf32, #tpu.memory_space<vmem>>[vector<16xi32>], vector<16xf32>,
      %add3A_1216 = arith.addf %add3A_1208, %gather3A_1215 : vector<16xf32>
      %mul3A_1217 = arith.constant 17 : i32
      %mul3A_1218 = vector.broadcast %mul3A_1217 : i32 to vector<16xi32>
      %mul3A_1219 = arith.muli %iota3A, %mul3A_1218 : vector<16xi32>
      %add3A_1220 = arith.constant 5 : i32
      %add3A_1221 = vector.broadcast %add3A_1220 : i32 to vector<16xi32>
      %add3A_1222 = arith.addi %mul3A_1219, %add3A_1221 : vector<16xi32>
      %gather3A_1223 = tpu.vector_load_idx %arg16[%add3A_1222] : memref<272xf32, #tpu.memory_space<vmem>>[vector<16xi32>], vector<16xf32>,
      %add3A_1224 = arith.addf %add3A_1216, %gather3A_1223 : vector<16xf32>
      %mul3A_1225 = arith.constant 17 : i32
      %mul3A_1226 = vector.broadcast %mul3A_1225 : i32 to vector<16xi32>
      %mul3A_1227 = arith.muli %iota3A, %mul3A_1226 : vector<16xi32>
      %add3A_1228 = arith.constant 6 : i32
      %add3A_1229 = vector.broadcast %add3A_1228 : i32 to vector<16xi32>
      %add3A_1230 = arith.addi %mul3A_1227, %add3A_1229 : vector<16xi32>
      %gather3A_1231 = tpu.vector_load_idx %arg16[%add3A_1230] : memref<272xf32, #tpu.memory_space<vmem>>[vector<16xi32>], vector<16xf32>,
      %add3A_1232 = arith.addf %add3A_1224, %gather3A_1231 : vector<16xf32>
      %mul3A_1233 = arith.constant 17 : i32
      %mul3A_1234 = vector.broadcast %mul3A_1233 : i32 to vector<16xi32>
      %mul3A_1235 = arith.muli %iota3A, %mul3A_1234 : vector<16xi32>
      %add3A_1236 = arith.constant 7 : i32
      %add3A_1237 = vector.broadcast %add3A_1236 : i32 to vector<16xi32>
      %add3A_1238 = arith.addi %mul3A_1235, %add3A_1237 : vector<16xi32>
      %gather3A_1239 = tpu.vector_load_idx %arg16[%add3A_1238] : memref<272xf32, #tpu.memory_space<vmem>>[vector<16xi32>], vector<16xf32>,
      %add3A_1240 = arith.addf %add3A_1232, %gather3A_1239 : vector<16xf32>
      %mul3A_1241 = arith.constant 17 : i32
      %mul3A_1242 = vector.broadcast %mul3A_1241 : i32 to vector<16xi32>
      %mul3A_1243 = arith.muli %iota3A, %mul3A_1242 : vector<16xi32>
      %add3A_1244 = arith.constant 8 : i32
      %add3A_1245 = vector.broadcast %add3A_1244 : i32 to vector<16xi32>
      %add3A_1246 = arith.addi %mul3A_1243, %add3A_1245 : vector<16xi32>
      %gather3A_1247 = tpu.vector_load_idx %arg16[%add3A_1246] : memref<272xf32, #tpu.memory_space<vmem>>[vector<16xi32>], vector<16xf32>,
      %add3A_1248 = arith.addf %add3A_1240, %gather3A_1247 : vector<16xf32>
      %mul3A_1249 = arith.constant 17 : i32
      %mul3A_1250 = vector.broadcast %mul3A_1249 : i32 to vector<16xi32>
      %mul3A_1251 = arith.muli %iota3A, %mul3A_1250 : vector<16xi32>
      %add3A_1252 = arith.constant 9 : i32
      %add3A_1253 = vector.broadcast %add3A_1252 : i32 to vector<16xi32>
      %add3A_1254 = arith.addi %mul3A_1251, %add3A_1253 : vector<16xi32>
      %gather3A_1255 = tpu.vector_load_idx %arg16[%add3A_1254] : memref<272xf32, #tpu.memory_space<vmem>>[vector<16xi32>], vector<16xf32>,
      %add3A_1256 = arith.addf %add3A_1248, %gather3A_1255 : vector<16xf32>
      %mul3A_1257 = arith.constant 17 : i32
      %mul3A_1258 = vector.broadcast %mul3A_1257 : i32 to vector<16xi32>
      %mul3A_1259 = arith.muli %iota3A, %mul3A_1258 : vector<16xi32>
      %add3A_1260 = arith.constant 10 : i32
      %add3A_1261 = vector.broadcast %add3A_1260 : i32 to vector<16xi32>
      %add3A_1262 = arith.addi %mul3A_1259, %add3A_1261 : vector<16xi32>
      %gather3A_1263 = tpu.vector_load_idx %arg16[%add3A_1262] : memref<272xf32, #tpu.memory_space<vmem>>[vector<16xi32>], vector<16xf32>,
      %add3A_1264 = arith.addf %add3A_1256, %gather3A_1263 : vector<16xf32>
      %mul3A_1265 = arith.constant 17 : i32
      %mul3A_1266 = vector.broadcast %mul3A_1265 : i32 to vector<16xi32>
      %mul3A_1267 = arith.muli %iota3A, %mul3A_1266 : vector<16xi32>
      %add3A_1268 = arith.constant 11 : i32
      %add3A_1269 = vector.broadcast %add3A_1268 : i32 to vector<16xi32>
      %add3A_1270 = arith.addi %mul3A_1267, %add3A_1269 : vector<16xi32>
      %gather3A_1271 = tpu.vector_load_idx %arg16[%add3A_1270] : memref<272xf32, #tpu.memory_space<vmem>>[vector<16xi32>], vector<16xf32>,
      %add3A_1272 = arith.addf %add3A_1264, %gather3A_1271 : vector<16xf32>
      %mul3A_1273 = arith.constant 17 : i32
      %mul3A_1274 = vector.broadcast %mul3A_1273 : i32 to vector<16xi32>
      %mul3A_1275 = arith.muli %iota3A, %mul3A_1274 : vector<16xi32>
      %add3A_1276 = arith.constant 12 : i32
      %add3A_1277 = vector.broadcast %add3A_1276 : i32 to vector<16xi32>
      %add3A_1278 = arith.addi %mul3A_1275, %add3A_1277 : vector<16xi32>
      %gather3A_1279 = tpu.vector_load_idx %arg16[%add3A_1278] : memref<272xf32, #tpu.memory_space<vmem>>[vector<16xi32>], vector<16xf32>,
      %add3A_1280 = arith.addf %add3A_1272, %gather3A_1279 : vector<16xf32>
      %mul3A_1281 = arith.constant 17 : i32
      %mul3A_1282 = vector.broadcast %mul3A_1281 : i32 to vector<16xi32>
      %mul3A_1283 = arith.muli %iota3A, %mul3A_1282 : vector<16xi32>
      %add3A_1284 = arith.constant 13 : i32
      %add3A_1285 = vector.broadcast %add3A_1284 : i32 to vector<16xi32>
      %add3A_1286 = arith.addi %mul3A_1283, %add3A_1285 : vector<16xi32>
      %gather3A_1287 = tpu.vector_load_idx %arg16[%add3A_1286] : memref<272xf32, #tpu.memory_space<vmem>>[vector<16xi32>], vector<16xf32>,
      %add3A_1288 = arith.addf %add3A_1280, %gather3A_1287 : vector<16xf32>
      %mul3A_1289 = arith.constant 17 : i32
      %mul3A_1290 = vector.broadcast %mul3A_1289 : i32 to vector<16xi32>
      %mul3A_1291 = arith.muli %iota3A, %mul3A_1290 : vector<16xi32>
      %add3A_1292 = arith.constant 14 : i32
      %add3A_1293 = vector.broadcast %add3A_1292 : i32 to vector<16xi32>
      %add3A_1294 = arith.addi %mul3A_1291, %add3A_1293 : vector<16xi32>
      %gather3A_1295 = tpu.vector_load_idx %arg16[%add3A_1294] : memref<272xf32, #tpu.memory_space<vmem>>[vector<16xi32>], vector<16xf32>,
      %add3A_1296 = arith.addf %add3A_1288, %gather3A_1295 : vector<16xf32>
      %mul3A_1297 = arith.constant 17 : i32
      %mul3A_1298 = vector.broadcast %mul3A_1297 : i32 to vector<16xi32>
      %mul3A_1299 = arith.muli %iota3A, %mul3A_1298 : vector<16xi32>
      %add3A_1300 = arith.constant 15 : i32
      %add3A_1301 = vector.broadcast %add3A_1300 : i32 to vector<16xi32>
      %add3A_1302 = arith.addi %mul3A_1299, %add3A_1301 : vector<16xi32>
      %gather3A_1303 = tpu.vector_load_idx %arg16[%add3A_1302] : memref<272xf32, #tpu.memory_space<vmem>>[vector<16xi32>], vector<16xf32>,
      %add3A_1304 = arith.addf %add3A_1296, %gather3A_1303 : vector<16xf32>
      %mul3A_1305 = arith.constant 17 : i32
      %mul3A_1306 = vector.broadcast %mul3A_1305 : i32 to vector<16xi32>
      %mul3A_1307 = arith.muli %iota3A, %mul3A_1306 : vector<16xi32>
      %add3A_1308 = arith.constant 0 : i32
      %add3A_1309 = vector.broadcast %add3A_1308 : i32 to vector<16xi32>
      %add3A_1310 = arith.addi %mul3A_1307, %add3A_1309 : vector<16xi32>
      %gather3A_1311 = tpu.vector_load_idx %arg17[%add3A_1310] : memref<272xf32, #tpu.memory_space<vmem>>[vector<16xi32>], vector<16xf32>,
      %add3A_1312 = arith.addf %broadcast_in_dim3A_1, %gather3A_1311 : vector<16xf32>
      %mul3A_1313 = arith.constant 17 : i32
      %mul3A_1314 = vector.broadcast %mul3A_1313 : i32 to vector<16xi32>
      %mul3A_1315 = arith.muli %iota3A, %mul3A_1314 : vector<16xi32>
      %add3A_1316 = arith.constant 1 : i32
      %add3A_1317 = vector.broadcast %add3A_1316 : i32 to vector<16xi32>
      %add3A_1318 = arith.addi %mul3A_1315, %add3A_1317 : vector<16xi32>
      %gather3A_1319 = tpu.vector_load_idx %arg17[%add3A_1318] : memref<272xf32, #tpu.memory_space<vmem>>[vector<16xi32>], vector<16xf32>,
      %add3A_1320 = arith.addf %add3A_1312, %gather3A_1319 : vector<16xf32>
      %mul3A_1321 = arith.constant 17 : i32
      %mul3A_1322 = vector.broadcast %mul3A_1321 : i32 to vector<16xi32>
      %mul3A_1323 = arith.muli %iota3A, %mul3A_1322 : vector<16xi32>
      %add3A_1324 = arith.constant 2 : i32
      %add3A_1325 = vector.broadcast %add3A_1324 : i32 to vector<16xi32>
      %add3A_1326 = arith.addi %mul3A_1323, %add3A_1325 : vector<16xi32>
      %gather3A_1327 = tpu.vector_load_idx %arg17[%add3A_1326] : memref<272xf32, #tpu.memory_space<vmem>>[vector<16xi32>], vector<16xf32>,
      %add3A_1328 = arith.addf %add3A_1320, %gather3A_1327 : vector<16xf32>
      %mul3A_1329 = arith.constant 17 : i32
      %mul3A_1330 = vector.broadcast %mul3A_1329 : i32 to vector<16xi32>
      %mul3A_1331 = arith.muli %iota3A, %mul3A_1330 : vector<16xi32>
      %add3A_1332 = arith.constant 3 : i32
      %add3A_1333 = vector.broadcast %add3A_1332 : i32 to vector<16xi32>
      %add3A_1334 = arith.addi %mul3A_1331, %add3A_1333 : vector<16xi32>
      %gather3A_1335 = tpu.vector_load_idx %arg17[%add3A_1334] : memref<272xf32, #tpu.memory_space<vmem>>[vector<16xi32>], vector<16xf32>,
      %add3A_1336 = arith.addf %add3A_1328, %gather3A_1335 : vector<16xf32>
      %mul3A_1337 = arith.constant 17 : i32
      %mul3A_1338 = vector.broadcast %mul3A_1337 : i32 to vector<16xi32>
      %mul3A_1339 = arith.muli %iota3A, %mul3A_1338 : vector<16xi32>
      %add3A_1340 = arith.constant 4 : i32
      %add3A_1341 = vector.broadcast %add3A_1340 : i32 to vector<16xi32>
      %add3A_1342 = arith.addi %mul3A_1339, %add3A_1341 : vector<16xi32>
      %gather3A_1343 = tpu.vector_load_idx %arg17[%add3A_1342] : memref<272xf32, #tpu.memory_space<vmem>>[vector<16xi32>], vector<16xf32>,
      %add3A_1344 = arith.addf %add3A_1336, %gather3A_1343 : vector<16xf32>
      %mul3A_1345 = arith.constant 17 : i32
      %mul3A_1346 = vector.broadcast %mul3A_1345 : i32 to vector<16xi32>
      %mul3A_1347 = arith.muli %iota3A, %mul3A_1346 : vector<16xi32>
      %add3A_1348 = arith.constant 5 : i32
      %add3A_1349 = vector.broadcast %add3A_1348 : i32 to vector<16xi32>
      %add3A_1350 = arith.addi %mul3A_1347, %add3A_1349 : vector<16xi32>
      %gather3A_1351 = tpu.vector_load_idx %arg17[%add3A_1350] : memref<272xf32, #tpu.memory_space<vmem>>[vector<16xi32>], vector<16xf32>,
      %add3A_1352 = arith.addf %add3A_1344, %gather3A_1351 : vector<16xf32>
      %mul3A_1353 = arith.constant 17 : i32
      %mul3A_1354 = vector.broadcast %mul3A_1353 : i32 to vector<16xi32>
      %mul3A_1355 = arith.muli %iota3A, %mul3A_1354 : vector<16xi32>
      %add3A_1356 = arith.constant 6 : i32
      %add3A_1357 = vector.broadcast %add3A_1356 : i32 to vector<16xi32>
      %add3A_1358 = arith.addi %mul3A_1355, %add3A_1357 : vector<16xi32>
      %gather3A_1359 = tpu.vector_load_idx %arg17[%add3A_1358] : memref<272xf32, #tpu.memory_space<vmem>>[vector<16xi32>], vector<16xf32>,
      %add3A_1360 = arith.addf %add3A_1352, %gather3A_1359 : vector<16xf32>
      %mul3A_1361 = arith.constant 17 : i32
      %mul3A_1362 = vector.broadcast %mul3A_1361 : i32 to vector<16xi32>
      %mul3A_1363 = arith.muli %iota3A, %mul3A_1362 : vector<16xi32>
      %add3A_1364 = arith.constant 7 : i32
      %add3A_1365 = vector.broadcast %add3A_1364 : i32 to vector<16xi32>
      %add3A_1366 = arith.addi %mul3A_1363, %add3A_1365 : vector<16xi32>
      %gather3A_1367 = tpu.vector_load_idx %arg17[%add3A_1366] : memref<272xf32, #tpu.memory_space<vmem>>[vector<16xi32>], vector<16xf32>,
      %add3A_1368 = arith.addf %add3A_1360, %gather3A_1367 : vector<16xf32>
      %mul3A_1369 = arith.constant 17 : i32
      %mul3A_1370 = vector.broadcast %mul3A_1369 : i32 to vector<16xi32>
      %mul3A_1371 = arith.muli %iota3A, %mul3A_1370 : vector<16xi32>
      %add3A_1372 = arith.constant 8 : i32
      %add3A_1373 = vector.broadcast %add3A_1372 : i32 to vector<16xi32>
      %add3A_1374 = arith.addi %mul3A_1371, %add3A_1373 : vector<16xi32>
      %gather3A_1375 = tpu.vector_load_idx %arg17[%add3A_1374] : memref<272xf32, #tpu.memory_space<vmem>>[vector<16xi32>], vector<16xf32>,
      %add3A_1376 = arith.addf %add3A_1368, %gather3A_1375 : vector<16xf32>
      %mul3A_1377 = arith.constant 17 : i32
      %mul3A_1378 = vector.broadcast %mul3A_1377 : i32 to vector<16xi32>
      %mul3A_1379 = arith.muli %iota3A, %mul3A_1378 : vector<16xi32>
      %add3A_1380 = arith.constant 9 : i32
      %add3A_1381 = vector.broadcast %add3A_1380 : i32 to vector<16xi32>
      %add3A_1382 = arith.addi %mul3A_1379, %add3A_1381 : vector<16xi32>
      %gather3A_1383 = tpu.vector_load_idx %arg17[%add3A_1382] : memref<272xf32, #tpu.memory_space<vmem>>[vector<16xi32>], vector<16xf32>,
      %add3A_1384 = arith.addf %add3A_1376, %gather3A_1383 : vector<16xf32>
      %mul3A_1385 = arith.constant 17 : i32
      %mul3A_1386 = vector.broadcast %mul3A_1385 : i32 to vector<16xi32>
      %mul3A_1387 = arith.muli %iota3A, %mul3A_1386 : vector<16xi32>
      %add3A_1388 = arith.constant 10 : i32
      %add3A_1389 = vector.broadcast %add3A_1388 : i32 to vector<16xi32>
      %add3A_1390 = arith.addi %mul3A_1387, %add3A_1389 : vector<16xi32>
      %gather3A_1391 = tpu.vector_load_idx %arg17[%add3A_1390] : memref<272xf32, #tpu.memory_space<vmem>>[vector<16xi32>], vector<16xf32>,
      %add3A_1392 = arith.addf %add3A_1384, %gather3A_1391 : vector<16xf32>
      %mul3A_1393 = arith.constant 17 : i32
      %mul3A_1394 = vector.broadcast %mul3A_1393 : i32 to vector<16xi32>
      %mul3A_1395 = arith.muli %iota3A, %mul3A_1394 : vector<16xi32>
      %add3A_1396 = arith.constant 11 : i32
      %add3A_1397 = vector.broadcast %add3A_1396 : i32 to vector<16xi32>
      %add3A_1398 = arith.addi %mul3A_1395, %add3A_1397 : vector<16xi32>
      %gather3A_1399 = tpu.vector_load_idx %arg17[%add3A_1398] : memref<272xf32, #tpu.memory_space<vmem>>[vector<16xi32>], vector<16xf32>,
      %add3A_1400 = arith.addf %add3A_1392, %gather3A_1399 : vector<16xf32>
      %mul3A_1401 = arith.constant 17 : i32
      %mul3A_1402 = vector.broadcast %mul3A_1401 : i32 to vector<16xi32>
      %mul3A_1403 = arith.muli %iota3A, %mul3A_1402 : vector<16xi32>
      %add3A_1404 = arith.constant 12 : i32
      %add3A_1405 = vector.broadcast %add3A_1404 : i32 to vector<16xi32>
      %add3A_1406 = arith.addi %mul3A_1403, %add3A_1405 : vector<16xi32>
      %gather3A_1407 = tpu.vector_load_idx %arg17[%add3A_1406] : memref<272xf32, #tpu.memory_space<vmem>>[vector<16xi32>], vector<16xf32>,
      %add3A_1408 = arith.addf %add3A_1400, %gather3A_1407 : vector<16xf32>
      %mul3A_1409 = arith.constant 17 : i32
      %mul3A_1410 = vector.broadcast %mul3A_1409 : i32 to vector<16xi32>
      %mul3A_1411 = arith.muli %iota3A, %mul3A_1410 : vector<16xi32>
      %add3A_1412 = arith.constant 13 : i32
      %add3A_1413 = vector.broadcast %add3A_1412 : i32 to vector<16xi32>
      %add3A_1414 = arith.addi %mul3A_1411, %add3A_1413 : vector<16xi32>
      %gather3A_1415 = tpu.vector_load_idx %arg17[%add3A_1414] : memref<272xf32, #tpu.memory_space<vmem>>[vector<16xi32>], vector<16xf32>,
      %add3A_1416 = arith.addf %add3A_1408, %gather3A_1415 : vector<16xf32>
      %mul3A_1417 = arith.constant 17 : i32
      %mul3A_1418 = vector.broadcast %mul3A_1417 : i32 to vector<16xi32>
      %mul3A_1419 = arith.muli %iota3A, %mul3A_1418 : vector<16xi32>
      %add3A_1420 = arith.constant 14 : i32
      %add3A_1421 = vector.broadcast %add3A_1420 : i32 to vector<16xi32>
      %add3A_1422 = arith.addi %mul3A_1419, %add3A_1421 : vector<16xi32>
      %gather3A_1423 = tpu.vector_load_idx %arg17[%add3A_1422] : memref<272xf32, #tpu.memory_space<vmem>>[vector<16xi32>], vector<16xf32>,
      %add3A_1424 = arith.addf %add3A_1416, %gather3A_1423 : vector<16xf32>
      %mul3A_1425 = arith.constant 17 : i32
      %mul3A_1426 = vector.broadcast %mul3A_1425 : i32 to vector<16xi32>
      %mul3A_1427 = arith.muli %iota3A, %mul3A_1426 : vector<16xi32>
      %add3A_1428 = arith.constant 15 : i32
      %add3A_1429 = vector.broadcast %add3A_1428 : i32 to vector<16xi32>
      %add3A_1430 = arith.addi %mul3A_1427, %add3A_1429 : vector<16xi32>
      %gather3A_1431 = tpu.vector_load_idx %arg17[%add3A_1430] : memref<272xf32, #tpu.memory_space<vmem>>[vector<16xi32>], vector<16xf32>,
      %add3A_1432 = arith.addf %add3A_1424, %gather3A_1431 : vector<16xf32>
      %mul3A_1433 = arith.constant 17 : i32
      %mul3A_1434 = vector.broadcast %mul3A_1433 : i32 to vector<16xi32>
      %mul3A_1435 = arith.muli %iota3A, %mul3A_1434 : vector<16xi32>
      %add3A_1436 = arith.constant 0 : i32
      %add3A_1437 = vector.broadcast %add3A_1436 : i32 to vector<16xi32>
      %add3A_1438 = arith.addi %mul3A_1435, %add3A_1437 : vector<16xi32>
      %gather3A_1439 = tpu.vector_load_idx %arg18[%add3A_1438] : memref<272xf32, #tpu.memory_space<vmem>>[vector<16xi32>], vector<16xf32>,
      %add3A_1440 = arith.addf %broadcast_in_dim3A_1, %gather3A_1439 : vector<16xf32>
      %mul3A_1441 = arith.constant 17 : i32
      %mul3A_1442 = vector.broadcast %mul3A_1441 : i32 to vector<16xi32>
      %mul3A_1443 = arith.muli %iota3A, %mul3A_1442 : vector<16xi32>
      %add3A_1444 = arith.constant 1 : i32
      %add3A_1445 = vector.broadcast %add3A_1444 : i32 to vector<16xi32>
      %add3A_1446 = arith.addi %mul3A_1443, %add3A_1445 : vector<16xi32>
      %gather3A_1447 = tpu.vector_load_idx %arg18[%add3A_1446] : memref<272xf32, #tpu.memory_space<vmem>>[vector<16xi32>], vector<16xf32>,
      %add3A_1448 = arith.addf %add3A_1440, %gather3A_1447 : vector<16xf32>
      %mul3A_1449 = arith.constant 17 : i32
      %mul3A_1450 = vector.broadcast %mul3A_1449 : i32 to vector<16xi32>
      %mul3A_1451 = arith.muli %iota3A, %mul3A_1450 : vector<16xi32>
      %add3A_1452 = arith.constant 2 : i32
      %add3A_1453 = vector.broadcast %add3A_1452 : i32 to vector<16xi32>
      %add3A_1454 = arith.addi %mul3A_1451, %add3A_1453 : vector<16xi32>
      %gather3A_1455 = tpu.vector_load_idx %arg18[%add3A_1454] : memref<272xf32, #tpu.memory_space<vmem>>[vector<16xi32>], vector<16xf32>,
      %add3A_1456 = arith.addf %add3A_1448, %gather3A_1455 : vector<16xf32>
      %mul3A_1457 = arith.constant 17 : i32
      %mul3A_1458 = vector.broadcast %mul3A_1457 : i32 to vector<16xi32>
      %mul3A_1459 = arith.muli %iota3A, %mul3A_1458 : vector<16xi32>
      %add3A_1460 = arith.constant 3 : i32
      %add3A_1461 = vector.broadcast %add3A_1460 : i32 to vector<16xi32>
      %add3A_1462 = arith.addi %mul3A_1459, %add3A_1461 : vector<16xi32>
      %gather3A_1463 = tpu.vector_load_idx %arg18[%add3A_1462] : memref<272xf32, #tpu.memory_space<vmem>>[vector<16xi32>], vector<16xf32>,
      %add3A_1464 = arith.addf %add3A_1456, %gather3A_1463 : vector<16xf32>
      %mul3A_1465 = arith.constant 17 : i32
      %mul3A_1466 = vector.broadcast %mul3A_1465 : i32 to vector<16xi32>
      %mul3A_1467 = arith.muli %iota3A, %mul3A_1466 : vector<16xi32>
      %add3A_1468 = arith.constant 4 : i32
      %add3A_1469 = vector.broadcast %add3A_1468 : i32 to vector<16xi32>
      %add3A_1470 = arith.addi %mul3A_1467, %add3A_1469 : vector<16xi32>
      %gather3A_1471 = tpu.vector_load_idx %arg18[%add3A_1470] : memref<272xf32, #tpu.memory_space<vmem>>[vector<16xi32>], vector<16xf32>,
      %add3A_1472 = arith.addf %add3A_1464, %gather3A_1471 : vector<16xf32>
      %mul3A_1473 = arith.constant 17 : i32
      %mul3A_1474 = vector.broadcast %mul3A_1473 : i32 to vector<16xi32>
      %mul3A_1475 = arith.muli %iota3A, %mul3A_1474 : vector<16xi32>
      %add3A_1476 = arith.constant 5 : i32
      %add3A_1477 = vector.broadcast %add3A_1476 : i32 to vector<16xi32>
      %add3A_1478 = arith.addi %mul3A_1475, %add3A_1477 : vector<16xi32>
      %gather3A_1479 = tpu.vector_load_idx %arg18[%add3A_1478] : memref<272xf32, #tpu.memory_space<vmem>>[vector<16xi32>], vector<16xf32>,
      %add3A_1480 = arith.addf %add3A_1472, %gather3A_1479 : vector<16xf32>
      %mul3A_1481 = arith.constant 17 : i32
      %mul3A_1482 = vector.broadcast %mul3A_1481 : i32 to vector<16xi32>
      %mul3A_1483 = arith.muli %iota3A, %mul3A_1482 : vector<16xi32>
      %add3A_1484 = arith.constant 6 : i32
      %add3A_1485 = vector.broadcast %add3A_1484 : i32 to vector<16xi32>
      %add3A_1486 = arith.addi %mul3A_1483, %add3A_1485 : vector<16xi32>
      %gather3A_1487 = tpu.vector_load_idx %arg18[%add3A_1486] : memref<272xf32, #tpu.memory_space<vmem>>[vector<16xi32>], vector<16xf32>,
      %add3A_1488 = arith.addf %add3A_1480, %gather3A_1487 : vector<16xf32>
      %mul3A_1489 = arith.constant 17 : i32
      %mul3A_1490 = vector.broadcast %mul3A_1489 : i32 to vector<16xi32>
      %mul3A_1491 = arith.muli %iota3A, %mul3A_1490 : vector<16xi32>
      %add3A_1492 = arith.constant 7 : i32
      %add3A_1493 = vector.broadcast %add3A_1492 : i32 to vector<16xi32>
      %add3A_1494 = arith.addi %mul3A_1491, %add3A_1493 : vector<16xi32>
      %gather3A_1495 = tpu.vector_load_idx %arg18[%add3A_1494] : memref<272xf32, #tpu.memory_space<vmem>>[vector<16xi32>], vector<16xf32>,
      %add3A_1496 = arith.addf %add3A_1488, %gather3A_1495 : vector<16xf32>
      %mul3A_1497 = arith.constant 17 : i32
      %mul3A_1498 = vector.broadcast %mul3A_1497 : i32 to vector<16xi32>
      %mul3A_1499 = arith.muli %iota3A, %mul3A_1498 : vector<16xi32>
      %add3A_1500 = arith.constant 8 : i32
      %add3A_1501 = vector.broadcast %add3A_1500 : i32 to vector<16xi32>
      %add3A_1502 = arith.addi %mul3A_1499, %add3A_1501 : vector<16xi32>
      %gather3A_1503 = tpu.vector_load_idx %arg18[%add3A_1502] : memref<272xf32, #tpu.memory_space<vmem>>[vector<16xi32>], vector<16xf32>,
      %add3A_1504 = arith.addf %add3A_1496, %gather3A_1503 : vector<16xf32>
      %mul3A_1505 = arith.constant 17 : i32
      %mul3A_1506 = vector.broadcast %mul3A_1505 : i32 to vector<16xi32>
      %mul3A_1507 = arith.muli %iota3A, %mul3A_1506 : vector<16xi32>
      %add3A_1508 = arith.constant 9 : i32
      %add3A_1509 = vector.broadcast %add3A_1508 : i32 to vector<16xi32>
      %add3A_1510 = arith.addi %mul3A_1507, %add3A_1509 : vector<16xi32>
      %gather3A_1511 = tpu.vector_load_idx %arg18[%add3A_1510] : memref<272xf32, #tpu.memory_space<vmem>>[vector<16xi32>], vector<16xf32>,
      %add3A_1512 = arith.addf %add3A_1504, %gather3A_1511 : vector<16xf32>
      %mul3A_1513 = arith.constant 17 : i32
      %mul3A_1514 = vector.broadcast %mul3A_1513 : i32 to vector<16xi32>
      %mul3A_1515 = arith.muli %iota3A, %mul3A_1514 : vector<16xi32>
      %add3A_1516 = arith.constant 10 : i32
      %add3A_1517 = vector.broadcast %add3A_1516 : i32 to vector<16xi32>
      %add3A_1518 = arith.addi %mul3A_1515, %add3A_1517 : vector<16xi32>
      %gather3A_1519 = tpu.vector_load_idx %arg18[%add3A_1518] : memref<272xf32, #tpu.memory_space<vmem>>[vector<16xi32>], vector<16xf32>,
      %add3A_1520 = arith.addf %add3A_1512, %gather3A_1519 : vector<16xf32>
      %mul3A_1521 = arith.constant 17 : i32
      %mul3A_1522 = vector.broadcast %mul3A_1521 : i32 to vector<16xi32>
      %mul3A_1523 = arith.muli %iota3A, %mul3A_1522 : vector<16xi32>
      %add3A_1524 = arith.constant 11 : i32
      %add3A_1525 = vector.broadcast %add3A_1524 : i32 to vector<16xi32>
      %add3A_1526 = arith.addi %mul3A_1523, %add3A_1525 : vector<16xi32>
      %gather3A_1527 = tpu.vector_load_idx %arg18[%add3A_1526] : memref<272xf32, #tpu.memory_space<vmem>>[vector<16xi32>], vector<16xf32>,
      %add3A_1528 = arith.addf %add3A_1520, %gather3A_1527 : vector<16xf32>
      %mul3A_1529 = arith.constant 17 : i32
      %mul3A_1530 = vector.broadcast %mul3A_1529 : i32 to vector<16xi32>
      %mul3A_1531 = arith.muli %iota3A, %mul3A_1530 : vector<16xi32>
      %add3A_1532 = arith.constant 12 : i32
      %add3A_1533 = vector.broadcast %add3A_1532 : i32 to vector<16xi32>
      %add3A_1534 = arith.addi %mul3A_1531, %add3A_1533 : vector<16xi32>
      %gather3A_1535 = tpu.vector_load_idx %arg18[%add3A_1534] : memref<272xf32, #tpu.memory_space<vmem>>[vector<16xi32>], vector<16xf32>,
      %add3A_1536 = arith.addf %add3A_1528, %gather3A_1535 : vector<16xf32>
      %mul3A_1537 = arith.constant 17 : i32
      %mul3A_1538 = vector.broadcast %mul3A_1537 : i32 to vector<16xi32>
      %mul3A_1539 = arith.muli %iota3A, %mul3A_1538 : vector<16xi32>
      %add3A_1540 = arith.constant 13 : i32
      %add3A_1541 = vector.broadcast %add3A_1540 : i32 to vector<16xi32>
      %add3A_1542 = arith.addi %mul3A_1539, %add3A_1541 : vector<16xi32>
      %gather3A_1543 = tpu.vector_load_idx %arg18[%add3A_1542] : memref<272xf32, #tpu.memory_space<vmem>>[vector<16xi32>], vector<16xf32>,
      %add3A_1544 = arith.addf %add3A_1536, %gather3A_1543 : vector<16xf32>
      %mul3A_1545 = arith.constant 17 : i32
      %mul3A_1546 = vector.broadcast %mul3A_1545 : i32 to vector<16xi32>
      %mul3A_1547 = arith.muli %iota3A, %mul3A_1546 : vector<16xi32>
      %add3A_1548 = arith.constant 14 : i32
      %add3A_1549 = vector.broadcast %add3A_1548 : i32 to vector<16xi32>
      %add3A_1550 = arith.addi %mul3A_1547, %add3A_1549 : vector<16xi32>
      %gather3A_1551 = tpu.vector_load_idx %arg18[%add3A_1550] : memref<272xf32, #tpu.memory_space<vmem>>[vector<16xi32>], vector<16xf32>,
      %add3A_1552 = arith.addf %add3A_1544, %gather3A_1551 : vector<16xf32>
      %mul3A_1553 = arith.constant 17 : i32
      %mul3A_1554 = vector.broadcast %mul3A_1553 : i32 to vector<16xi32>
      %mul3A_1555 = arith.muli %iota3A, %mul3A_1554 : vector<16xi32>
      %add3A_1556 = arith.constant 15 : i32
      %add3A_1557 = vector.broadcast %add3A_1556 : i32 to vector<16xi32>
      %add3A_1558 = arith.addi %mul3A_1555, %add3A_1557 : vector<16xi32>
      %gather3A_1559 = tpu.vector_load_idx %arg18[%add3A_1558] : memref<272xf32, #tpu.memory_space<vmem>>[vector<16xi32>], vector<16xf32>,
      %add3A_1560 = arith.addf %add3A_1552, %gather3A_1559 : vector<16xf32>
      %mul3A_1561 = arith.constant 17 : i32
      %mul3A_1562 = vector.broadcast %mul3A_1561 : i32 to vector<16xi32>
      %mul3A_1563 = arith.muli %iota3A, %mul3A_1562 : vector<16xi32>
      %add3A_1564 = arith.constant 0 : i32
      %add3A_1565 = vector.broadcast %add3A_1564 : i32 to vector<16xi32>
      %add3A_1566 = arith.addi %mul3A_1563, %add3A_1565 : vector<16xi32>
      %gather3A_1567 = tpu.vector_load_idx %arg19[%add3A_1566] : memref<272xf32, #tpu.memory_space<vmem>>[vector<16xi32>], vector<16xf32>,
      %add3A_1568 = arith.addf %broadcast_in_dim3A_1, %gather3A_1567 : vector<16xf32>
      %mul3A_1569 = arith.constant 17 : i32
      %mul3A_1570 = vector.broadcast %mul3A_1569 : i32 to vector<16xi32>
      %mul3A_1571 = arith.muli %iota3A, %mul3A_1570 : vector<16xi32>
      %add3A_1572 = arith.constant 1 : i32
      %add3A_1573 = vector.broadcast %add3A_1572 : i32 to vector<16xi32>
      %add3A_1574 = arith.addi %mul3A_1571, %add3A_1573 : vector<16xi32>
      %gather3A_1575 = tpu.vector_load_idx %arg19[%add3A_1574] : memref<272xf32, #tpu.memory_space<vmem>>[vector<16xi32>], vector<16xf32>,
      %add3A_1576 = arith.addf %add3A_1568, %gather3A_1575 : vector<16xf32>
      %mul3A_1577 = arith.constant 17 : i32
      %mul3A_1578 = vector.broadcast %mul3A_1577 : i32 to vector<16xi32>
      %mul3A_1579 = arith.muli %iota3A, %mul3A_1578 : vector<16xi32>
      %add3A_1580 = arith.constant 2 : i32
      %add3A_1581 = vector.broadcast %add3A_1580 : i32 to vector<16xi32>
      %add3A_1582 = arith.addi %mul3A_1579, %add3A_1581 : vector<16xi32>
      %gather3A_1583 = tpu.vector_load_idx %arg19[%add3A_1582] : memref<272xf32, #tpu.memory_space<vmem>>[vector<16xi32>], vector<16xf32>,
      %add3A_1584 = arith.addf %add3A_1576, %gather3A_1583 : vector<16xf32>
      %mul3A_1585 = arith.constant 17 : i32
      %mul3A_1586 = vector.broadcast %mul3A_1585 : i32 to vector<16xi32>
      %mul3A_1587 = arith.muli %iota3A, %mul3A_1586 : vector<16xi32>
      %add3A_1588 = arith.constant 3 : i32
      %add3A_1589 = vector.broadcast %add3A_1588 : i32 to vector<16xi32>
      %add3A_1590 = arith.addi %mul3A_1587, %add3A_1589 : vector<16xi32>
      %gather3A_1591 = tpu.vector_load_idx %arg19[%add3A_1590] : memref<272xf32, #tpu.memory_space<vmem>>[vector<16xi32>], vector<16xf32>,
      %add3A_1592 = arith.addf %add3A_1584, %gather3A_1591 : vector<16xf32>
      %mul3A_1593 = arith.constant 17 : i32
      %mul3A_1594 = vector.broadcast %mul3A_1593 : i32 to vector<16xi32>
      %mul3A_1595 = arith.muli %iota3A, %mul3A_1594 : vector<16xi32>
      %add3A_1596 = arith.constant 4 : i32
      %add3A_1597 = vector.broadcast %add3A_1596 : i32 to vector<16xi32>
      %add3A_1598 = arith.addi %mul3A_1595, %add3A_1597 : vector<16xi32>
      %gather3A_1599 = tpu.vector_load_idx %arg19[%add3A_1598] : memref<272xf32, #tpu.memory_space<vmem>>[vector<16xi32>], vector<16xf32>,
      %add3A_1600 = arith.addf %add3A_1592, %gather3A_1599 : vector<16xf32>
      %mul3A_1601 = arith.constant 17 : i32
      %mul3A_1602 = vector.broadcast %mul3A_1601 : i32 to vector<16xi32>
      %mul3A_1603 = arith.muli %iota3A, %mul3A_1602 : vector<16xi32>
      %add3A_1604 = arith.constant 5 : i32
      %add3A_1605 = vector.broadcast %add3A_1604 : i32 to vector<16xi32>
      %add3A_1606 = arith.addi %mul3A_1603, %add3A_1605 : vector<16xi32>
      %gather3A_1607 = tpu.vector_load_idx %arg19[%add3A_1606] : memref<272xf32, #tpu.memory_space<vmem>>[vector<16xi32>], vector<16xf32>,
      %add3A_1608 = arith.addf %add3A_1600, %gather3A_1607 : vector<16xf32>
      %mul3A_1609 = arith.constant 17 : i32
      %mul3A_1610 = vector.broadcast %mul3A_1609 : i32 to vector<16xi32>
      %mul3A_1611 = arith.muli %iota3A, %mul3A_1610 : vector<16xi32>
      %add3A_1612 = arith.constant 6 : i32
      %add3A_1613 = vector.broadcast %add3A_1612 : i32 to vector<16xi32>
      %add3A_1614 = arith.addi %mul3A_1611, %add3A_1613 : vector<16xi32>
      %gather3A_1615 = tpu.vector_load_idx %arg19[%add3A_1614] : memref<272xf32, #tpu.memory_space<vmem>>[vector<16xi32>], vector<16xf32>,
      %add3A_1616 = arith.addf %add3A_1608, %gather3A_1615 : vector<16xf32>
      %mul3A_1617 = arith.constant 17 : i32
      %mul3A_1618 = vector.broadcast %mul3A_1617 : i32 to vector<16xi32>
      %mul3A_1619 = arith.muli %iota3A, %mul3A_1618 : vector<16xi32>
      %add3A_1620 = arith.constant 7 : i32
      %add3A_1621 = vector.broadcast %add3A_1620 : i32 to vector<16xi32>
      %add3A_1622 = arith.addi %mul3A_1619, %add3A_1621 : vector<16xi32>
      %gather3A_1623 = tpu.vector_load_idx %arg19[%add3A_1622] : memref<272xf32, #tpu.memory_space<vmem>>[vector<16xi32>], vector<16xf32>,
      %add3A_1624 = arith.addf %add3A_1616, %gather3A_1623 : vector<16xf32>
      %mul3A_1625 = arith.constant 17 : i32
      %mul3A_1626 = vector.broadcast %mul3A_1625 : i32 to vector<16xi32>
      %mul3A_1627 = arith.muli %iota3A, %mul3A_1626 : vector<16xi32>
      %add3A_1628 = arith.constant 8 : i32
      %add3A_1629 = vector.broadcast %add3A_1628 : i32 to vector<16xi32>
      %add3A_1630 = arith.addi %mul3A_1627, %add3A_1629 : vector<16xi32>
      %gather3A_1631 = tpu.vector_load_idx %arg19[%add3A_1630] : memref<272xf32, #tpu.memory_space<vmem>>[vector<16xi32>], vector<16xf32>,
      %add3A_1632 = arith.addf %add3A_1624, %gather3A_1631 : vector<16xf32>
      %mul3A_1633 = arith.constant 17 : i32
      %mul3A_1634 = vector.broadcast %mul3A_1633 : i32 to vector<16xi32>
      %mul3A_1635 = arith.muli %iota3A, %mul3A_1634 : vector<16xi32>
      %add3A_1636 = arith.constant 9 : i32
      %add3A_1637 = vector.broadcast %add3A_1636 : i32 to vector<16xi32>
      %add3A_1638 = arith.addi %mul3A_1635, %add3A_1637 : vector<16xi32>
      %gather3A_1639 = tpu.vector_load_idx %arg19[%add3A_1638] : memref<272xf32, #tpu.memory_space<vmem>>[vector<16xi32>], vector<16xf32>,
      %add3A_1640 = arith.addf %add3A_1632, %gather3A_1639 : vector<16xf32>
      %mul3A_1641 = arith.constant 17 : i32
      %mul3A_1642 = vector.broadcast %mul3A_1641 : i32 to vector<16xi32>
      %mul3A_1643 = arith.muli %iota3A, %mul3A_1642 : vector<16xi32>
      %add3A_1644 = arith.constant 10 : i32
      %add3A_1645 = vector.broadcast %add3A_1644 : i32 to vector<16xi32>
      %add3A_1646 = arith.addi %mul3A_1643, %add3A_1645 : vector<16xi32>
      %gather3A_1647 = tpu.vector_load_idx %arg19[%add3A_1646] : memref<272xf32, #tpu.memory_space<vmem>>[vector<16xi32>], vector<16xf32>,
      %add3A_1648 = arith.addf %add3A_1640, %gather3A_1647 : vector<16xf32>
      %mul3A_1649 = arith.constant 17 : i32
      %mul3A_1650 = vector.broadcast %mul3A_1649 : i32 to vector<16xi32>
      %mul3A_1651 = arith.muli %iota3A, %mul3A_1650 : vector<16xi32>
      %add3A_1652 = arith.constant 11 : i32
      %add3A_1653 = vector.broadcast %add3A_1652 : i32 to vector<16xi32>
      %add3A_1654 = arith.addi %mul3A_1651, %add3A_1653 : vector<16xi32>
      %gather3A_1655 = tpu.vector_load_idx %arg19[%add3A_1654] : memref<272xf32, #tpu.memory_space<vmem>>[vector<16xi32>], vector<16xf32>,
      %add3A_1656 = arith.addf %add3A_1648, %gather3A_1655 : vector<16xf32>
      %mul3A_1657 = arith.constant 17 : i32
      %mul3A_1658 = vector.broadcast %mul3A_1657 : i32 to vector<16xi32>
      %mul3A_1659 = arith.muli %iota3A, %mul3A_1658 : vector<16xi32>
      %add3A_1660 = arith.constant 12 : i32
      %add3A_1661 = vector.broadcast %add3A_1660 : i32 to vector<16xi32>
      %add3A_1662 = arith.addi %mul3A_1659, %add3A_1661 : vector<16xi32>
      %gather3A_1663 = tpu.vector_load_idx %arg19[%add3A_1662] : memref<272xf32, #tpu.memory_space<vmem>>[vector<16xi32>], vector<16xf32>,
      %add3A_1664 = arith.addf %add3A_1656, %gather3A_1663 : vector<16xf32>
      %mul3A_1665 = arith.constant 17 : i32
      %mul3A_1666 = vector.broadcast %mul3A_1665 : i32 to vector<16xi32>
      %mul3A_1667 = arith.muli %iota3A, %mul3A_1666 : vector<16xi32>
      %add3A_1668 = arith.constant 13 : i32
      %add3A_1669 = vector.broadcast %add3A_1668 : i32 to vector<16xi32>
      %add3A_1670 = arith.addi %mul3A_1667, %add3A_1669 : vector<16xi32>
      %gather3A_1671 = tpu.vector_load_idx %arg19[%add3A_1670] : memref<272xf32, #tpu.memory_space<vmem>>[vector<16xi32>], vector<16xf32>,
      %add3A_1672 = arith.addf %add3A_1664, %gather3A_1671 : vector<16xf32>
      %mul3A_1673 = arith.constant 17 : i32
      %mul3A_1674 = vector.broadcast %mul3A_1673 : i32 to vector<16xi32>
      %mul3A_1675 = arith.muli %iota3A, %mul3A_1674 : vector<16xi32>
      %add3A_1676 = arith.constant 14 : i32
      %add3A_1677 = vector.broadcast %add3A_1676 : i32 to vector<16xi32>
      %add3A_1678 = arith.addi %mul3A_1675, %add3A_1677 : vector<16xi32>
      %gather3A_1679 = tpu.vector_load_idx %arg19[%add3A_1678] : memref<272xf32, #tpu.memory_space<vmem>>[vector<16xi32>], vector<16xf32>,
      %add3A_1680 = arith.addf %add3A_1672, %gather3A_1679 : vector<16xf32>
      %mul3A_1681 = arith.constant 17 : i32
      %mul3A_1682 = vector.broadcast %mul3A_1681 : i32 to vector<16xi32>
      %mul3A_1683 = arith.muli %iota3A, %mul3A_1682 : vector<16xi32>
      %add3A_1684 = arith.constant 15 : i32
      %add3A_1685 = vector.broadcast %add3A_1684 : i32 to vector<16xi32>
      %add3A_1686 = arith.addi %mul3A_1683, %add3A_1685 : vector<16xi32>
      %gather3A_1687 = tpu.vector_load_idx %arg19[%add3A_1686] : memref<272xf32, #tpu.memory_space<vmem>>[vector<16xi32>], vector<16xf32>,
      %add3A_1688 = arith.addf %add3A_1680, %gather3A_1687 : vector<16xf32>
      %mul3A_1689 = arith.constant 17 : i32
      %mul3A_1690 = vector.broadcast %mul3A_1689 : i32 to vector<16xi32>
      %mul3A_1691 = arith.muli %iota3A, %mul3A_1690 : vector<16xi32>
      %add3A_1692 = arith.constant 0 : i32
      %add3A_1693 = vector.broadcast %add3A_1692 : i32 to vector<16xi32>
      %add3A_1694 = arith.addi %mul3A_1691, %add3A_1693 : vector<16xi32>
      %gather3A_1695 = tpu.vector_load_idx %arg20[%add3A_1694] : memref<272xf32, #tpu.memory_space<vmem>>[vector<16xi32>], vector<16xf32>,
      %add3A_1696 = arith.addf %broadcast_in_dim3A_1, %gather3A_1695 : vector<16xf32>
      %mul3A_1697 = arith.constant 17 : i32
      %mul3A_1698 = vector.broadcast %mul3A_1697 : i32 to vector<16xi32>
      %mul3A_1699 = arith.muli %iota3A, %mul3A_1698 : vector<16xi32>
      %add3A_1700 = arith.constant 1 : i32
      %add3A_1701 = vector.broadcast %add3A_1700 : i32 to vector<16xi32>
      %add3A_1702 = arith.addi %mul3A_1699, %add3A_1701 : vector<16xi32>
      %gather3A_1703 = tpu.vector_load_idx %arg20[%add3A_1702] : memref<272xf32, #tpu.memory_space<vmem>>[vector<16xi32>], vector<16xf32>,
      %add3A_1704 = arith.addf %add3A_1696, %gather3A_1703 : vector<16xf32>
      %mul3A_1705 = arith.constant 17 : i32
      %mul3A_1706 = vector.broadcast %mul3A_1705 : i32 to vector<16xi32>
      %mul3A_1707 = arith.muli %iota3A, %mul3A_1706 : vector<16xi32>
      %add3A_1708 = arith.constant 2 : i32
      %add3A_1709 = vector.broadcast %add3A_1708 : i32 to vector<16xi32>
      %add3A_1710 = arith.addi %mul3A_1707, %add3A_1709 : vector<16xi32>
      %gather3A_1711 = tpu.vector_load_idx %arg20[%add3A_1710] : memref<272xf32, #tpu.memory_space<vmem>>[vector<16xi32>], vector<16xf32>,
      %add3A_1712 = arith.addf %add3A_1704, %gather3A_1711 : vector<16xf32>
      %mul3A_1713 = arith.constant 17 : i32
      %mul3A_1714 = vector.broadcast %mul3A_1713 : i32 to vector<16xi32>
      %mul3A_1715 = arith.muli %iota3A, %mul3A_1714 : vector<16xi32>
      %add3A_1716 = arith.constant 3 : i32
      %add3A_1717 = vector.broadcast %add3A_1716 : i32 to vector<16xi32>
      %add3A_1718 = arith.addi %mul3A_1715, %add3A_1717 : vector<16xi32>
      %gather3A_1719 = tpu.vector_load_idx %arg20[%add3A_1718] : memref<272xf32, #tpu.memory_space<vmem>>[vector<16xi32>], vector<16xf32>,
      %add3A_1720 = arith.addf %add3A_1712, %gather3A_1719 : vector<16xf32>
      %mul3A_1721 = arith.constant 17 : i32
      %mul3A_1722 = vector.broadcast %mul3A_1721 : i32 to vector<16xi32>
      %mul3A_1723 = arith.muli %iota3A, %mul3A_1722 : vector<16xi32>
      %add3A_1724 = arith.constant 4 : i32
      %add3A_1725 = vector.broadcast %add3A_1724 : i32 to vector<16xi32>
      %add3A_1726 = arith.addi %mul3A_1723, %add3A_1725 : vector<16xi32>
      %gather3A_1727 = tpu.vector_load_idx %arg20[%add3A_1726] : memref<272xf32, #tpu.memory_space<vmem>>[vector<16xi32>], vector<16xf32>,
      %add3A_1728 = arith.addf %add3A_1720, %gather3A_1727 : vector<16xf32>
      %mul3A_1729 = arith.constant 17 : i32
      %mul3A_1730 = vector.broadcast %mul3A_1729 : i32 to vector<16xi32>
      %mul3A_1731 = arith.muli %iota3A, %mul3A_1730 : vector<16xi32>
      %add3A_1732 = arith.constant 5 : i32
      %add3A_1733 = vector.broadcast %add3A_1732 : i32 to vector<16xi32>
      %add3A_1734 = arith.addi %mul3A_1731, %add3A_1733 : vector<16xi32>
      %gather3A_1735 = tpu.vector_load_idx %arg20[%add3A_1734] : memref<272xf32, #tpu.memory_space<vmem>>[vector<16xi32>], vector<16xf32>,
      %add3A_1736 = arith.addf %add3A_1728, %gather3A_1735 : vector<16xf32>
      %mul3A_1737 = arith.constant 17 : i32
      %mul3A_1738 = vector.broadcast %mul3A_1737 : i32 to vector<16xi32>
      %mul3A_1739 = arith.muli %iota3A, %mul3A_1738 : vector<16xi32>
      %add3A_1740 = arith.constant 6 : i32
      %add3A_1741 = vector.broadcast %add3A_1740 : i32 to vector<16xi32>
      %add3A_1742 = arith.addi %mul3A_1739, %add3A_1741 : vector<16xi32>
      %gather3A_1743 = tpu.vector_load_idx %arg20[%add3A_1742] : memref<272xf32, #tpu.memory_space<vmem>>[vector<16xi32>], vector<16xf32>,
      %add3A_1744 = arith.addf %add3A_1736, %gather3A_1743 : vector<16xf32>
      %mul3A_1745 = arith.constant 17 : i32
      %mul3A_1746 = vector.broadcast %mul3A_1745 : i32 to vector<16xi32>
      %mul3A_1747 = arith.muli %iota3A, %mul3A_1746 : vector<16xi32>
      %add3A_1748 = arith.constant 7 : i32
      %add3A_1749 = vector.broadcast %add3A_1748 : i32 to vector<16xi32>
      %add3A_1750 = arith.addi %mul3A_1747, %add3A_1749 : vector<16xi32>
      %gather3A_1751 = tpu.vector_load_idx %arg20[%add3A_1750] : memref<272xf32, #tpu.memory_space<vmem>>[vector<16xi32>], vector<16xf32>,
      %add3A_1752 = arith.addf %add3A_1744, %gather3A_1751 : vector<16xf32>
      %mul3A_1753 = arith.constant 17 : i32
      %mul3A_1754 = vector.broadcast %mul3A_1753 : i32 to vector<16xi32>
      %mul3A_1755 = arith.muli %iota3A, %mul3A_1754 : vector<16xi32>
      %add3A_1756 = arith.constant 8 : i32
      %add3A_1757 = vector.broadcast %add3A_1756 : i32 to vector<16xi32>
      %add3A_1758 = arith.addi %mul3A_1755, %add3A_1757 : vector<16xi32>
      %gather3A_1759 = tpu.vector_load_idx %arg20[%add3A_1758] : memref<272xf32, #tpu.memory_space<vmem>>[vector<16xi32>], vector<16xf32>,
      %add3A_1760 = arith.addf %add3A_1752, %gather3A_1759 : vector<16xf32>
      %mul3A_1761 = arith.constant 17 : i32
      %mul3A_1762 = vector.broadcast %mul3A_1761 : i32 to vector<16xi32>
      %mul3A_1763 = arith.muli %iota3A, %mul3A_1762 : vector<16xi32>
      %add3A_1764 = arith.constant 9 : i32
      %add3A_1765 = vector.broadcast %add3A_1764 : i32 to vector<16xi32>
      %add3A_1766 = arith.addi %mul3A_1763, %add3A_1765 : vector<16xi32>
      %gather3A_1767 = tpu.vector_load_idx %arg20[%add3A_1766] : memref<272xf32, #tpu.memory_space<vmem>>[vector<16xi32>], vector<16xf32>,
      %add3A_1768 = arith.addf %add3A_1760, %gather3A_1767 : vector<16xf32>
      %mul3A_1769 = arith.constant 17 : i32
      %mul3A_1770 = vector.broadcast %mul3A_1769 : i32 to vector<16xi32>
      %mul3A_1771 = arith.muli %iota3A, %mul3A_1770 : vector<16xi32>
      %add3A_1772 = arith.constant 10 : i32
      %add3A_1773 = vector.broadcast %add3A_1772 : i32 to vector<16xi32>
      %add3A_1774 = arith.addi %mul3A_1771, %add3A_1773 : vector<16xi32>
      %gather3A_1775 = tpu.vector_load_idx %arg20[%add3A_1774] : memref<272xf32, #tpu.memory_space<vmem>>[vector<16xi32>], vector<16xf32>,
      %add3A_1776 = arith.addf %add3A_1768, %gather3A_1775 : vector<16xf32>
      %mul3A_1777 = arith.constant 17 : i32
      %mul3A_1778 = vector.broadcast %mul3A_1777 : i32 to vector<16xi32>
      %mul3A_1779 = arith.muli %iota3A, %mul3A_1778 : vector<16xi32>
      %add3A_1780 = arith.constant 11 : i32
      %add3A_1781 = vector.broadcast %add3A_1780 : i32 to vector<16xi32>
      %add3A_1782 = arith.addi %mul3A_1779, %add3A_1781 : vector<16xi32>
      %gather3A_1783 = tpu.vector_load_idx %arg20[%add3A_1782] : memref<272xf32, #tpu.memory_space<vmem>>[vector<16xi32>], vector<16xf32>,
      %add3A_1784 = arith.addf %add3A_1776, %gather3A_1783 : vector<16xf32>
      %mul3A_1785 = arith.constant 17 : i32
      %mul3A_1786 = vector.broadcast %mul3A_1785 : i32 to vector<16xi32>
      %mul3A_1787 = arith.muli %iota3A, %mul3A_1786 : vector<16xi32>
      %add3A_1788 = arith.constant 12 : i32
      %add3A_1789 = vector.broadcast %add3A_1788 : i32 to vector<16xi32>
      %add3A_1790 = arith.addi %mul3A_1787, %add3A_1789 : vector<16xi32>
      %gather3A_1791 = tpu.vector_load_idx %arg20[%add3A_1790] : memref<272xf32, #tpu.memory_space<vmem>>[vector<16xi32>], vector<16xf32>,
      %add3A_1792 = arith.addf %add3A_1784, %gather3A_1791 : vector<16xf32>
      %mul3A_1793 = arith.constant 17 : i32
      %mul3A_1794 = vector.broadcast %mul3A_1793 : i32 to vector<16xi32>
      %mul3A_1795 = arith.muli %iota3A, %mul3A_1794 : vector<16xi32>
      %add3A_1796 = arith.constant 13 : i32
      %add3A_1797 = vector.broadcast %add3A_1796 : i32 to vector<16xi32>
      %add3A_1798 = arith.addi %mul3A_1795, %add3A_1797 : vector<16xi32>
      %gather3A_1799 = tpu.vector_load_idx %arg20[%add3A_1798] : memref<272xf32, #tpu.memory_space<vmem>>[vector<16xi32>], vector<16xf32>,
      %add3A_1800 = arith.addf %add3A_1792, %gather3A_1799 : vector<16xf32>
      %mul3A_1801 = arith.constant 17 : i32
      %mul3A_1802 = vector.broadcast %mul3A_1801 : i32 to vector<16xi32>
      %mul3A_1803 = arith.muli %iota3A, %mul3A_1802 : vector<16xi32>
      %add3A_1804 = arith.constant 14 : i32
      %add3A_1805 = vector.broadcast %add3A_1804 : i32 to vector<16xi32>
      %add3A_1806 = arith.addi %mul3A_1803, %add3A_1805 : vector<16xi32>
      %gather3A_1807 = tpu.vector_load_idx %arg20[%add3A_1806] : memref<272xf32, #tpu.memory_space<vmem>>[vector<16xi32>], vector<16xf32>,
      %add3A_1808 = arith.addf %add3A_1800, %gather3A_1807 : vector<16xf32>
      %mul3A_1809 = arith.constant 17 : i32
      %mul3A_1810 = vector.broadcast %mul3A_1809 : i32 to vector<16xi32>
      %mul3A_1811 = arith.muli %iota3A, %mul3A_1810 : vector<16xi32>
      %add3A_1812 = arith.constant 15 : i32
      %add3A_1813 = vector.broadcast %add3A_1812 : i32 to vector<16xi32>
      %add3A_1814 = arith.addi %mul3A_1811, %add3A_1813 : vector<16xi32>
      %gather3A_1815 = tpu.vector_load_idx %arg20[%add3A_1814] : memref<272xf32, #tpu.memory_space<vmem>>[vector<16xi32>], vector<16xf32>,
      %add3A_1816 = arith.addf %add3A_1808, %gather3A_1815 : vector<16xf32>
      %bitcast3A_1817 = vector.bitcast %add3A_1176 : vector<16xf32> to vector<16xi32>
      %shift_right_arithmetic3A_1818 = arith.constant 1 : i32
      %shift_right_arithmetic3A_1819 = vector.broadcast %shift_right_arithmetic3A_1818 : i32 to vector<16xi32>
      %shift_right_arithmetic3A_1820 = arith.shrsi %bitcast3A_1817, %shift_right_arithmetic3A_1819 : vector<16xi32>
      %sub3A_1821 = arith.constant 1597463007 : i32
      %sub3A_1822 = vector.broadcast %sub3A_1821 : i32 to vector<16xi32>
      %sub3A_1823 = arith.subi %sub3A_1822, %shift_right_arithmetic3A_1820 : vector<16xi32>
      %bitcast3A_1824 = vector.bitcast %sub3A_1823 : vector<16xi32> to vector<16xf32>
      %mul3A_1825 = arith.constant 5.000000e-01 : f32
      %mul3A_1826 = vector.broadcast %mul3A_1825 : f32 to vector<16xf32>
      %mul3A_1827 = arith.mulf %mul3A_1826, %add3A_1176 : vector<16xf32>
      %mul3A_1828 = arith.mulf %mul3A_1827, %bitcast3A_1824 : vector<16xf32>
      %mul3A_1829 = arith.mulf %mul3A_1828, %bitcast3A_1824 : vector<16xf32>
      %sub3A_1830 = arith.constant 1.500000e+00 : f32
      %sub3A_1831 = vector.broadcast %sub3A_1830 : f32 to vector<16xf32>
      %sub3A_1832 = arith.subf %sub3A_1831, %mul3A_1829 : vector<16xf32>
      %mul3A_1833 = arith.mulf %bitcast3A_1824, %sub3A_1832 : vector<16xf32>
      %mul3A_1834 = arith.constant 5.000000e-01 : f32
      %mul3A_1835 = vector.broadcast %mul3A_1834 : f32 to vector<16xf32>
      %mul3A_1836 = arith.mulf %mul3A_1835, %add3A_1176 : vector<16xf32>
      %mul3A_1837 = arith.mulf %mul3A_1836, %mul3A_1833 : vector<16xf32>
      %mul3A_1838 = arith.mulf %mul3A_1837, %mul3A_1833 : vector<16xf32>
      %sub3A_1839 = arith.constant 1.500000e+00 : f32
      %sub3A_1840 = vector.broadcast %sub3A_1839 : f32 to vector<16xf32>
      %sub3A_1841 = arith.subf %sub3A_1840, %mul3A_1838 : vector<16xf32>
      %mul3A_1842 = arith.mulf %mul3A_1833, %sub3A_1841 : vector<16xf32>
      %mul3A_1843 = arith.constant 5.000000e-01 : f32
      %mul3A_1844 = vector.broadcast %mul3A_1843 : f32 to vector<16xf32>
      %mul3A_1845 = arith.mulf %mul3A_1844, %add3A_1176 : vector<16xf32>
      %mul3A_1846 = arith.mulf %mul3A_1845, %mul3A_1842 : vector<16xf32>
      %mul3A_1847 = arith.mulf %mul3A_1846, %mul3A_1842 : vector<16xf32>
      %sub3A_1848 = arith.constant 1.500000e+00 : f32
      %sub3A_1849 = vector.broadcast %sub3A_1848 : f32 to vector<16xf32>
      %sub3A_1850 = arith.subf %sub3A_1849, %mul3A_1847 : vector<16xf32>
      %mul3A_1851 = arith.mulf %mul3A_1842, %sub3A_1850 : vector<16xf32>
      %mul3A_1852 = arith.mulf %add3A_1176, %mul3A_1851 : vector<16xf32>
      %max3A_1853 = arith.constant 9.99999996E-13 : f32
      %max3A_1854 = vector.broadcast %max3A_1853 : f32 to vector<16xf32>
      %max3A_1855 = arith.maximumf %mul3A_1852, %max3A_1854 : vector<16xf32>
      %bitcast3A_1856 = vector.bitcast %add3A_1304 : vector<16xf32> to vector<16xi32>
      %shift_right_arithmetic3A_1857 = arith.constant 1 : i32
      %shift_right_arithmetic3A_1858 = vector.broadcast %shift_right_arithmetic3A_1857 : i32 to vector<16xi32>
      %shift_right_arithmetic3A_1859 = arith.shrsi %bitcast3A_1856, %shift_right_arithmetic3A_1858 : vector<16xi32>
      %sub3A_1860 = arith.constant 1597463007 : i32
      %sub3A_1861 = vector.broadcast %sub3A_1860 : i32 to vector<16xi32>
      %sub3A_1862 = arith.subi %sub3A_1861, %shift_right_arithmetic3A_1859 : vector<16xi32>
      %bitcast3A_1863 = vector.bitcast %sub3A_1862 : vector<16xi32> to vector<16xf32>
      %mul3A_1864 = arith.constant 5.000000e-01 : f32
      %mul3A_1865 = vector.broadcast %mul3A_1864 : f32 to vector<16xf32>
      %mul3A_1866 = arith.mulf %mul3A_1865, %add3A_1304 : vector<16xf32>
      %mul3A_1867 = arith.mulf %mul3A_1866, %bitcast3A_1863 : vector<16xf32>
      %mul3A_1868 = arith.mulf %mul3A_1867, %bitcast3A_1863 : vector<16xf32>
      %sub3A_1869 = arith.constant 1.500000e+00 : f32
      %sub3A_1870 = vector.broadcast %sub3A_1869 : f32 to vector<16xf32>
      %sub3A_1871 = arith.subf %sub3A_1870, %mul3A_1868 : vector<16xf32>
      %mul3A_1872 = arith.mulf %bitcast3A_1863, %sub3A_1871 : vector<16xf32>
      %mul3A_1873 = arith.constant 5.000000e-01 : f32
      %mul3A_1874 = vector.broadcast %mul3A_1873 : f32 to vector<16xf32>
      %mul3A_1875 = arith.mulf %mul3A_1874, %add3A_1304 : vector<16xf32>
      %mul3A_1876 = arith.mulf %mul3A_1875, %mul3A_1872 : vector<16xf32>
      %mul3A_1877 = arith.mulf %mul3A_1876, %mul3A_1872 : vector<16xf32>
      %sub3A_1878 = arith.constant 1.500000e+00 : f32
      %sub3A_1879 = vector.broadcast %sub3A_1878 : f32 to vector<16xf32>
      %sub3A_1880 = arith.subf %sub3A_1879, %mul3A_1877 : vector<16xf32>
      %mul3A_1881 = arith.mulf %mul3A_1872, %sub3A_1880 : vector<16xf32>
      %mul3A_1882 = arith.constant 5.000000e-01 : f32
      %mul3A_1883 = vector.broadcast %mul3A_1882 : f32 to vector<16xf32>
      %mul3A_1884 = arith.mulf %mul3A_1883, %add3A_1304 : vector<16xf32>
      %mul3A_1885 = arith.mulf %mul3A_1884, %mul3A_1881 : vector<16xf32>
      %mul3A_1886 = arith.mulf %mul3A_1885, %mul3A_1881 : vector<16xf32>
      %sub3A_1887 = arith.constant 1.500000e+00 : f32
      %sub3A_1888 = vector.broadcast %sub3A_1887 : f32 to vector<16xf32>
      %sub3A_1889 = arith.subf %sub3A_1888, %mul3A_1886 : vector<16xf32>
      %mul3A_1890 = arith.mulf %mul3A_1881, %sub3A_1889 : vector<16xf32>
      %mul3A_1891 = arith.mulf %add3A_1304, %mul3A_1890 : vector<16xf32>
      %max3A_1892 = arith.constant 9.99999996E-13 : f32
      %max3A_1893 = vector.broadcast %max3A_1892 : f32 to vector<16xf32>
      %max3A_1894 = arith.maximumf %mul3A_1891, %max3A_1893 : vector<16xf32>
      %mul3A_1895 = arith.mulf %max3A_1855, %max3A_1855 : vector<16xf32>
      %div3A_1896 = arith.divf %add3A_1176, %mul3A_1895 : vector<16xf32>
      %mul3A_1897 = arith.mulf %max3A_1894, %max3A_1894 : vector<16xf32>
      %div3A_1898 = arith.divf %add3A_1304, %mul3A_1897 : vector<16xf32>
      %add3A_1899 = arith.addf %div3A_1896, %div3A_1898 : vector<16xf32>
      %mul3A_1900 = arith.mulf %max3A_1855, %max3A_1894 : vector<16xf32>
      %div3A_1901 = arith.divf %add3A_1432, %mul3A_1900 : vector<16xf32>
      %mul3A_1902 = arith.constant 2.000000e+00 : f32
      %mul3A_1903 = vector.broadcast %mul3A_1902 : f32 to vector<16xf32>
      %mul3A_1904 = arith.mulf %mul3A_1903, %div3A_1901 : vector<16xf32>
      %sub3A_1905 = arith.subf %add3A_1899, %mul3A_1904 : vector<16xf32>
      %add3A_1906 = arith.addf %add3A_1008, %sub3A_1905 : vector<16xf32>
      %bitcast3A_1907 = vector.bitcast %add3A_1560 : vector<16xf32> to vector<16xi32>
      %shift_right_arithmetic3A_1908 = arith.constant 1 : i32
      %shift_right_arithmetic3A_1909 = vector.broadcast %shift_right_arithmetic3A_1908 : i32 to vector<16xi32>
      %shift_right_arithmetic3A_1910 = arith.shrsi %bitcast3A_1907, %shift_right_arithmetic3A_1909 : vector<16xi32>
      %sub3A_1911 = arith.constant 1597463007 : i32
      %sub3A_1912 = vector.broadcast %sub3A_1911 : i32 to vector<16xi32>
      %sub3A_1913 = arith.subi %sub3A_1912, %shift_right_arithmetic3A_1910 : vector<16xi32>
      %bitcast3A_1914 = vector.bitcast %sub3A_1913 : vector<16xi32> to vector<16xf32>
      %mul3A_1915 = arith.constant 5.000000e-01 : f32
      %mul3A_1916 = vector.broadcast %mul3A_1915 : f32 to vector<16xf32>
      %mul3A_1917 = arith.mulf %mul3A_1916, %add3A_1560 : vector<16xf32>
      %mul3A_1918 = arith.mulf %mul3A_1917, %bitcast3A_1914 : vector<16xf32>
      %mul3A_1919 = arith.mulf %mul3A_1918, %bitcast3A_1914 : vector<16xf32>
      %sub3A_1920 = arith.constant 1.500000e+00 : f32
      %sub3A_1921 = vector.broadcast %sub3A_1920 : f32 to vector<16xf32>
      %sub3A_1922 = arith.subf %sub3A_1921, %mul3A_1919 : vector<16xf32>
      %mul3A_1923 = arith.mulf %bitcast3A_1914, %sub3A_1922 : vector<16xf32>
      %mul3A_1924 = arith.constant 5.000000e-01 : f32
      %mul3A_1925 = vector.broadcast %mul3A_1924 : f32 to vector<16xf32>
      %mul3A_1926 = arith.mulf %mul3A_1925, %add3A_1560 : vector<16xf32>
      %mul3A_1927 = arith.mulf %mul3A_1926, %mul3A_1923 : vector<16xf32>
      %mul3A_1928 = arith.mulf %mul3A_1927, %mul3A_1923 : vector<16xf32>
      %sub3A_1929 = arith.constant 1.500000e+00 : f32
      %sub3A_1930 = vector.broadcast %sub3A_1929 : f32 to vector<16xf32>
      %sub3A_1931 = arith.subf %sub3A_1930, %mul3A_1928 : vector<16xf32>
      %mul3A_1932 = arith.mulf %mul3A_1923, %sub3A_1931 : vector<16xf32>
      %mul3A_1933 = arith.constant 5.000000e-01 : f32
      %mul3A_1934 = vector.broadcast %mul3A_1933 : f32 to vector<16xf32>
      %mul3A_1935 = arith.mulf %mul3A_1934, %add3A_1560 : vector<16xf32>
      %mul3A_1936 = arith.mulf %mul3A_1935, %mul3A_1932 : vector<16xf32>
      %mul3A_1937 = arith.mulf %mul3A_1936, %mul3A_1932 : vector<16xf32>
      %sub3A_1938 = arith.constant 1.500000e+00 : f32
      %sub3A_1939 = vector.broadcast %sub3A_1938 : f32 to vector<16xf32>
      %sub3A_1940 = arith.subf %sub3A_1939, %mul3A_1937 : vector<16xf32>
      %mul3A_1941 = arith.mulf %mul3A_1932, %sub3A_1940 : vector<16xf32>
      %mul3A_1942 = arith.mulf %add3A_1560, %mul3A_1941 : vector<16xf32>
      %max3A_1943 = arith.constant 9.99999996E-13 : f32
      %max3A_1944 = vector.broadcast %max3A_1943 : f32 to vector<16xf32>
      %max3A_1945 = arith.maximumf %mul3A_1942, %max3A_1944 : vector<16xf32>
      %bitcast3A_1946 = vector.bitcast %add3A_1688 : vector<16xf32> to vector<16xi32>
      %shift_right_arithmetic3A_1947 = arith.constant 1 : i32
      %shift_right_arithmetic3A_1948 = vector.broadcast %shift_right_arithmetic3A_1947 : i32 to vector<16xi32>
      %shift_right_arithmetic3A_1949 = arith.shrsi %bitcast3A_1946, %shift_right_arithmetic3A_1948 : vector<16xi32>
      %sub3A_1950 = arith.constant 1597463007 : i32
      %sub3A_1951 = vector.broadcast %sub3A_1950 : i32 to vector<16xi32>
      %sub3A_1952 = arith.subi %sub3A_1951, %shift_right_arithmetic3A_1949 : vector<16xi32>
      %bitcast3A_1953 = vector.bitcast %sub3A_1952 : vector<16xi32> to vector<16xf32>
      %mul3A_1954 = arith.constant 5.000000e-01 : f32
      %mul3A_1955 = vector.broadcast %mul3A_1954 : f32 to vector<16xf32>
      %mul3A_1956 = arith.mulf %mul3A_1955, %add3A_1688 : vector<16xf32>
      %mul3A_1957 = arith.mulf %mul3A_1956, %bitcast3A_1953 : vector<16xf32>
      %mul3A_1958 = arith.mulf %mul3A_1957, %bitcast3A_1953 : vector<16xf32>
      %sub3A_1959 = arith.constant 1.500000e+00 : f32
      %sub3A_1960 = vector.broadcast %sub3A_1959 : f32 to vector<16xf32>
      %sub3A_1961 = arith.subf %sub3A_1960, %mul3A_1958 : vector<16xf32>
      %mul3A_1962 = arith.mulf %bitcast3A_1953, %sub3A_1961 : vector<16xf32>
      %mul3A_1963 = arith.constant 5.000000e-01 : f32
      %mul3A_1964 = vector.broadcast %mul3A_1963 : f32 to vector<16xf32>
      %mul3A_1965 = arith.mulf %mul3A_1964, %add3A_1688 : vector<16xf32>
      %mul3A_1966 = arith.mulf %mul3A_1965, %mul3A_1962 : vector<16xf32>
      %mul3A_1967 = arith.mulf %mul3A_1966, %mul3A_1962 : vector<16xf32>
      %sub3A_1968 = arith.constant 1.500000e+00 : f32
      %sub3A_1969 = vector.broadcast %sub3A_1968 : f32 to vector<16xf32>
      %sub3A_1970 = arith.subf %sub3A_1969, %mul3A_1967 : vector<16xf32>
      %mul3A_1971 = arith.mulf %mul3A_1962, %sub3A_1970 : vector<16xf32>
      %mul3A_1972 = arith.constant 5.000000e-01 : f32
      %mul3A_1973 = vector.broadcast %mul3A_1972 : f32 to vector<16xf32>
      %mul3A_1974 = arith.mulf %mul3A_1973, %add3A_1688 : vector<16xf32>
      %mul3A_1975 = arith.mulf %mul3A_1974, %mul3A_1971 : vector<16xf32>
      %mul3A_1976 = arith.mulf %mul3A_1975, %mul3A_1971 : vector<16xf32>
      %sub3A_1977 = arith.constant 1.500000e+00 : f32
      %sub3A_1978 = vector.broadcast %sub3A_1977 : f32 to vector<16xf32>
      %sub3A_1979 = arith.subf %sub3A_1978, %mul3A_1976 : vector<16xf32>
      %mul3A_1980 = arith.mulf %mul3A_1971, %sub3A_1979 : vector<16xf32>
      %mul3A_1981 = arith.mulf %add3A_1688, %mul3A_1980 : vector<16xf32>
      %max3A_1982 = arith.constant 9.99999996E-13 : f32
      %max3A_1983 = vector.broadcast %max3A_1982 : f32 to vector<16xf32>
      %max3A_1984 = arith.maximumf %mul3A_1981, %max3A_1983 : vector<16xf32>
      %mul3A_1985 = arith.mulf %max3A_1945, %max3A_1945 : vector<16xf32>
      %div3A_1986 = arith.divf %add3A_1560, %mul3A_1985 : vector<16xf32>
      %mul3A_1987 = arith.mulf %max3A_1984, %max3A_1984 : vector<16xf32>
      %div3A_1988 = arith.divf %add3A_1688, %mul3A_1987 : vector<16xf32>
      %add3A_1989 = arith.addf %div3A_1986, %div3A_1988 : vector<16xf32>
      %mul3A_1990 = arith.mulf %max3A_1945, %max3A_1984 : vector<16xf32>
      %div3A_1991 = arith.divf %add3A_1816, %mul3A_1990 : vector<16xf32>
      %mul3A_1992 = arith.constant 2.000000e+00 : f32
      %mul3A_1993 = vector.broadcast %mul3A_1992 : f32 to vector<16xf32>
      %mul3A_1994 = arith.mulf %mul3A_1993, %div3A_1991 : vector<16xf32>
      %sub3A_1995 = arith.subf %add3A_1989, %mul3A_1994 : vector<16xf32>
      %add3A_1996 = arith.addf %add3A_1906, %sub3A_1995 : vector<16xf32>
      scf.yield %add3A_1996 : vector<16xf32>
    }
    %scan3A_27 = arith.constant 16 : i32
    %swap3A = arith.constant 0 : index
    %swap3A_28 = tpu.vector_load %arg21[%swap3A] {strides = array<i32>} : memref<16xf32, #tpu.memory_space<vmem>>, vector<16xf32>,
    tpu.vector_store %arg21[%swap3A], %scan3A_26 {strides = array<i32>} : memref<16xf32, #tpu.memory_space<vmem>>, vector<16xf32>,
    "tpu.region"() ({
      %run_scoped3A = tpu.sem_alloc : memref<!tpu.dma_semaphore, #tpu.memory_space<semaphore_mem>>
      %dma_start3A_29 = arith.constant 0 : i32
      %dma_start3A_30 = tpu.memref_slice %arg6[%add3A, %dma_start3A_29] : memref<32x16xf32, #tpu.memory_space<hbm>> -> memref<1x16xf32, #tpu.memory_space<hbm>>
      %dma_start3A_31 = tpu.memref_squeeze %dma_start3A_30 : memref<1x16xf32, #tpu.memory_space<hbm>> -> memref<16xf32, #tpu.memory_space<hbm>>
      %dma_start3A_32 = arith.constant 0 : i32
      %dma_start3A_33 = tpu.memref_slice %arg6[%add3A, %dma_start3A_32] : memref<32x16xf32, #tpu.memory_space<hbm>> -> memref<1x16xf32, #tpu.memory_space<hbm>>
      %dma_start3A_34 = tpu.memref_squeeze %dma_start3A_33 : memref<1x16xf32, #tpu.memory_space<hbm>> -> memref<16xf32, #tpu.memory_space<hbm>>
      tpu.enqueue_dma source(%arg21 : memref<16xf32, #tpu.memory_space<vmem>>) target(%dma_start3A_34 : memref<16xf32, #tpu.memory_space<hbm>>) target_semaphore(%run_scoped3A : memref<!tpu.dma_semaphore, #tpu.memory_space<semaphore_mem>>)
      %dma_wait3A = arith.constant 0 : i32
      %dma_wait3A_35 = tpu.memref_slice %arg6[%add3A, %dma_wait3A] : memref<32x16xf32, #tpu.memory_space<hbm>> -> memref<1x16xf32, #tpu.memory_space<hbm>>
      %dma_wait3A_36 = tpu.memref_squeeze %dma_wait3A_35 : memref<1x16xf32, #tpu.memory_space<hbm>> -> memref<16xf32, #tpu.memory_space<hbm>>
      %dma_wait3A_37 = arith.constant 0 : i32
      %dma_wait3A_38 = tpu.memref_slice %arg6[%add3A, %dma_wait3A_37] : memref<32x16xf32, #tpu.memory_space<hbm>> -> memref<1x16xf32, #tpu.memory_space<hbm>>
      %dma_wait3A_39 = tpu.memref_squeeze %dma_wait3A_38 : memref<1x16xf32, #tpu.memory_space<hbm>> -> memref<16xf32, #tpu.memory_space<hbm>>
      tpu.wait_dma2 semaphore(%run_scoped3A : memref<!tpu.dma_semaphore, #tpu.memory_space<semaphore_mem>>) src(%arg21 : memref<16xf32, #tpu.memory_space<vmem>>) dst(%dma_wait3A_39 : memref<16xf32, #tpu.memory_space<hbm>>)
      tpu.yield
    }) : () -> ()
    return
  }
}

module attributes {stable_mosaic.version = 14 : i64} {
  func.func @_tc_body(%arg0: i32, %arg1: memref<3056x256xf32, #tpu.memory_space<vmem>>, %arg2: memref<3056x256xf32, #tpu.memory_space<vmem>>, %arg3: memref<3056x256xf32, #tpu.memory_space<vmem>>, %arg4: memref<3056x256xf32, #tpu.memory_space<vmem>>, %arg5: memref<1x1xf32, #tpu.memory_space<smem>>) attributes {dimension_semantics = [#tpu.dimension_semantics<arbitrary>], iteration_bounds = array<i64: 11>, scalar_prefetch = 0 : i64, scratch_operands = 0 : i64, tpu.core_type = #tpu.core_type<tc>, window_params = [{transform_indices = @transform_0, window_bounds = array<i64: 3056, 256>}, {transform_indices = @transform_1, window_bounds = array<i64: 3056, 256>}, {transform_indices = @transform_2, window_bounds = array<i64: 3056, 256>}, {transform_indices = @transform_3, window_bounds = array<i64: 3056, 256>}, {transform_indices = @transform_4, window_bounds = array<i64: 1, 1>}]} {
    %get3A = arith.constant 0 : index
    %get3A_0 = arith.constant 0 : index
    %get3A_1 = vector.load %arg1[%get3A, %get3A_0] : memref<3056x256xf32, #tpu.memory_space<vmem>>, vector<3056x256xf32>
    %get3A_2 = arith.constant 0 : index
    %get3A_3 = arith.constant 0 : index
    %get3A_4 = vector.load %arg2[%get3A_2, %get3A_3] : memref<3056x256xf32, #tpu.memory_space<vmem>>, vector<3056x256xf32>
    %mul3A = arith.mulf %get3A_1, %get3A_1 : vector<3056x256xf32>
    %reduce_sum3A = arith.constant dense<0.000000e+00> : vector<3056xf32>
    %reduce_sum3A_5 = vector.multi_reduction <add>, %mul3A, %reduce_sum3A [1] : vector<3056x256xf32> to vector<3056xf32>
    %mul3A_6 = arith.mulf %get3A_4, %get3A_4 : vector<3056x256xf32>
    %reduce_sum3A_7 = arith.constant dense<0.000000e+00> : vector<3056xf32>
    %reduce_sum3A_8 = vector.multi_reduction <add>, %mul3A_6, %reduce_sum3A_7 [1] : vector<3056x256xf32> to vector<3056xf32>
    %mul3A_9 = arith.mulf %get3A_1, %get3A_4 : vector<3056x256xf32>
    %reduce_sum3A_10 = arith.constant dense<0.000000e+00> : vector<3056xf32>
    %reduce_sum3A_11 = vector.multi_reduction <add>, %mul3A_9, %reduce_sum3A_10 [1] : vector<3056x256xf32> to vector<3056xf32>
    %sqrt3A = math.sqrt %reduce_sum3A_5 : vector<3056xf32>
    %max3A = arith.constant 9.99999996E-13 : f32
    %max3A_12 = vector.broadcast %max3A : f32 to vector<3056xf32>
    %max3A_13 = arith.maximumf %sqrt3A, %max3A_12 : vector<3056xf32>
    %sqrt3A_14 = math.sqrt %reduce_sum3A_8 : vector<3056xf32>
    %max3A_15 = arith.constant 9.99999996E-13 : f32
    %max3A_16 = vector.broadcast %max3A_15 : f32 to vector<3056xf32>
    %max3A_17 = arith.maximumf %sqrt3A_14, %max3A_16 : vector<3056xf32>
    %mul3A_18 = arith.mulf %max3A_13, %max3A_13 : vector<3056xf32>
    %div3A = arith.divf %reduce_sum3A_5, %mul3A_18 : vector<3056xf32>
    %mul3A_19 = arith.mulf %max3A_17, %max3A_17 : vector<3056xf32>
    %div3A_20 = arith.divf %reduce_sum3A_8, %mul3A_19 : vector<3056xf32>
    %add3A = arith.addf %div3A, %div3A_20 : vector<3056xf32>
    %mul3A_21 = arith.constant 2.000000e+00 : f32
    %mul3A_22 = vector.broadcast %mul3A_21 : f32 to vector<3056xf32>
    %mul3A_23 = arith.mulf %mul3A_22, %reduce_sum3A_11 : vector<3056xf32>
    %mul3A_24 = arith.mulf %max3A_13, %max3A_17 : vector<3056xf32>
    %div3A_25 = arith.divf %mul3A_23, %mul3A_24 : vector<3056xf32>
    %sub3A = arith.subf %add3A, %div3A_25 : vector<3056xf32>
    %reduce_sum3A_26 = vector.shape_cast %sub3A : vector<3056xf32> to vector<1x3056xf32>
    %reduce_sum3A_27 = arith.constant dense<0.000000e+00> : vector<1xf32>
    %reduce_sum3A_28 = vector.multi_reduction <add>, %reduce_sum3A_26, %reduce_sum3A_27 [1] : vector<1x3056xf32> to vector<1xf32>
    %reduce_sum3A_29 = vector.shape_cast %reduce_sum3A_28 : vector<1xf32> to vector<1x1xf32>
    %reduce_sum3A_30 = vector.extract %reduce_sum3A_29[0, 0] : f32 from vector<1x1xf32>
    %get3A_31 = arith.constant 0 : index
    %get3A_32 = arith.constant 0 : index
    %get3A_33 = vector.load %arg3[%get3A_31, %get3A_32] : memref<3056x256xf32, #tpu.memory_space<vmem>>, vector<3056x256xf32>
    %get3A_34 = arith.constant 0 : index
    %get3A_35 = arith.constant 0 : index
    %get3A_36 = vector.load %arg4[%get3A_34, %get3A_35] : memref<3056x256xf32, #tpu.memory_space<vmem>>, vector<3056x256xf32>
    %mul3A_37 = arith.mulf %get3A_33, %get3A_33 : vector<3056x256xf32>
    %reduce_sum3A_38 = arith.constant dense<0.000000e+00> : vector<3056xf32>
    %reduce_sum3A_39 = vector.multi_reduction <add>, %mul3A_37, %reduce_sum3A_38 [1] : vector<3056x256xf32> to vector<3056xf32>
    %mul3A_40 = arith.mulf %get3A_36, %get3A_36 : vector<3056x256xf32>
    %reduce_sum3A_41 = arith.constant dense<0.000000e+00> : vector<3056xf32>
    %reduce_sum3A_42 = vector.multi_reduction <add>, %mul3A_40, %reduce_sum3A_41 [1] : vector<3056x256xf32> to vector<3056xf32>
    %mul3A_43 = arith.mulf %get3A_33, %get3A_36 : vector<3056x256xf32>
    %reduce_sum3A_44 = arith.constant dense<0.000000e+00> : vector<3056xf32>
    %reduce_sum3A_45 = vector.multi_reduction <add>, %mul3A_43, %reduce_sum3A_44 [1] : vector<3056x256xf32> to vector<3056xf32>
    %sqrt3A_46 = math.sqrt %reduce_sum3A_39 : vector<3056xf32>
    %max3A_47 = arith.constant 9.99999996E-13 : f32
    %max3A_48 = vector.broadcast %max3A_47 : f32 to vector<3056xf32>
    %max3A_49 = arith.maximumf %sqrt3A_46, %max3A_48 : vector<3056xf32>
    %sqrt3A_50 = math.sqrt %reduce_sum3A_42 : vector<3056xf32>
    %max3A_51 = arith.constant 9.99999996E-13 : f32
    %max3A_52 = vector.broadcast %max3A_51 : f32 to vector<3056xf32>
    %max3A_53 = arith.maximumf %sqrt3A_50, %max3A_52 : vector<3056xf32>
    %mul3A_54 = arith.mulf %max3A_49, %max3A_49 : vector<3056xf32>
    %div3A_55 = arith.divf %reduce_sum3A_39, %mul3A_54 : vector<3056xf32>
    %mul3A_56 = arith.mulf %max3A_53, %max3A_53 : vector<3056xf32>
    %div3A_57 = arith.divf %reduce_sum3A_42, %mul3A_56 : vector<3056xf32>
    %add3A_58 = arith.addf %div3A_55, %div3A_57 : vector<3056xf32>
    %mul3A_59 = arith.constant 2.000000e+00 : f32
    %mul3A_60 = vector.broadcast %mul3A_59 : f32 to vector<3056xf32>
    %mul3A_61 = arith.mulf %mul3A_60, %reduce_sum3A_45 : vector<3056xf32>
    %mul3A_62 = arith.mulf %max3A_49, %max3A_53 : vector<3056xf32>
    %div3A_63 = arith.divf %mul3A_61, %mul3A_62 : vector<3056xf32>
    %sub3A_64 = arith.subf %add3A_58, %div3A_63 : vector<3056xf32>
    %reduce_sum3A_65 = vector.shape_cast %sub3A_64 : vector<3056xf32> to vector<1x3056xf32>
    %reduce_sum3A_66 = arith.constant dense<0.000000e+00> : vector<1xf32>
    %reduce_sum3A_67 = vector.multi_reduction <add>, %reduce_sum3A_65, %reduce_sum3A_66 [1] : vector<1x3056xf32> to vector<1xf32>
    %reduce_sum3A_68 = vector.shape_cast %reduce_sum3A_67 : vector<1xf32> to vector<1x1xf32>
    %reduce_sum3A_69 = vector.extract %reduce_sum3A_68[0, 0] : f32 from vector<1x1xf32>
    %add3A_70 = arith.addf %reduce_sum3A_30, %reduce_sum3A_69 : f32
    %eq3A = arith.constant 0 : i32
    %eq3A_71 = arith.cmpi eq, %arg0, %eq3A : i32
    %convert_element_type3A = arith.extui %eq3A_71 : i1 to i32
    %cond3A = arith.constant 0 : i32
    %cond3A_72 = arith.cmpi ne, %convert_element_type3A, %cond3A : i32
    scf.if %cond3A_72 {
      %swap3A_79 = arith.constant 0.000000e+00 : f32
      %swap3A_80 = arith.constant 0 : index
      %swap3A_81 = arith.constant 0 : index
      %swap3A_82 = memref.load %arg5[%swap3A_80, %swap3A_81] : memref<1x1xf32, #tpu.memory_space<smem>>
      memref.store %swap3A_79, %arg5[%swap3A_80, %swap3A_81] : memref<1x1xf32, #tpu.memory_space<smem>>
    } else {
    }
    %get3A_73 = arith.constant 0 : index
    %get3A_74 = arith.constant 0 : index
    %get3A_75 = memref.load %arg5[%get3A_73, %get3A_74] : memref<1x1xf32, #tpu.memory_space<smem>>
    %add3A_76 = arith.addf %get3A_75, %add3A_70 : f32
    %swap3A = arith.constant 0 : index
    %swap3A_77 = arith.constant 0 : index
    %swap3A_78 = memref.load %arg5[%swap3A, %swap3A_77] : memref<1x1xf32, #tpu.memory_space<smem>>
    memref.store %add3A_76, %arg5[%swap3A, %swap3A_77] : memref<1x1xf32, #tpu.memory_space<smem>>
    return
  }
  func.func @transform_0(%arg0: i32) -> (i32, i32) {
    %c0_i32 = arith.constant 0 : i32
    %c0_i32_0 = arith.constant 0 : i32
    return %arg0, %c0_i32 : i32, i32
  }
  func.func @transform_1(%arg0: i32) -> (i32, i32) {
    %c0_i32 = arith.constant 0 : i32
    %c0_i32_0 = arith.constant 0 : i32
    return %arg0, %c0_i32 : i32, i32
  }
  func.func @transform_2(%arg0: i32) -> (i32, i32) {
    %c0_i32 = arith.constant 0 : i32
    %c0_i32_0 = arith.constant 0 : i32
    return %arg0, %c0_i32 : i32, i32
  }
  func.func @transform_3(%arg0: i32) -> (i32, i32) {
    %c0_i32 = arith.constant 0 : i32
    %c0_i32_0 = arith.constant 0 : i32
    return %arg0, %c0_i32 : i32, i32
  }
  func.func @transform_4(%arg0: i32) -> (i32, i32) {
    %c0_i32 = arith.constant 0 : i32
    %c0_i32_0 = arith.constant 0 : i32
    %c0_i32_1 = arith.constant 0 : i32
    return %c0_i32, %c0_i32_0 : i32, i32
  }
}

</mosaic_0001>

<sc_bundles>
// kernel: kernel.4.cloned.1.call-start
scs
__scs_entry_jumppad:
0x0: {  	(pc) =	sbr.rel $0x88, $3  }
0x1: {  	(tag) =	ssettag $0x0;
	lr =	simm.s32 $0x1  }
0x2: {  	[smem:$0x3F9D] =	sst lr;
	_ =	strace $0xD0000000  }
0x3: {  	_ = 	snop  }
0x4: {  	_ = 	snop  }
0x5: {  	_ = 	snop  }
0x6: {  	_ = 	snop  }
0x7: {  	_ = 	snop  }
__scs_overlays_trampoline_lowered:
0x8: {  	[smem:$0x3FAC] =	sst s0  }
0x9: {  	[smem:$0x3FAD] =	sst s1  }
0xa: {  	[smem:$0x3FAE] =	sst s2  }
0xb: {  	[smem:$0x3FAF] =	sst s3  }
0xc: {  	[smem:$0x3FB0] =	sst s4  }
0xd: {  	[smem:$0x3FB1] =	sst s5  }
0xe: {  	[smem:$0x3FB2] =	sst s6  }
0xf: {  	[smem:$0x3FB3] =	sst s7  }
0x10: {  	[smem:$0x3FB4] =	sst s8  }
0x11: {  	[smem:$0x3FB5] =	sst s9;
	s0 =	simm.s32 @!p0 $0x0  }
0x12: {  	s1 =	sld [smem:$0x3F9B];
	s0 =	simm.s32 @p0 $0x1  }
0x13: {  	[smem:$0x3FB6] =	sst s0;
	s0 =	simm.s32 @!p1 $0x0  }
0x14: {  	s2 =	sld [smem:$0x3F9A];
	s0 =	simm.s32 @p1 $0x1  }
0x15: {  	[smem:$0x3FB7] =	sst s0;
	s0 =	simm.s32 @!p2 $0x0  }
0x16: {  	s3 =	sld [smem:$0x3FDB];
	s0 =	simm.s32 @p2 $0x1  }
0x17: {  	s4 =	simm.s32 $0x1BF5;
	[smem:$0x3FB9] =	sst s0  }
0x18: {  	s0 =	sld [smem:$0x3F9C];
	_ =	swait.ge [sflag:s4], $0x0  }
0x19: {  	s7 =	sld [smem:$0x3F9D]  }
0x1a: {  	s8 =	sadd.s32 $0xFFFFE003, lr  }
0x1b: {  	s9 =	sadd.s32 $0xFFFFFEF7, lr;
	s5 =	simm.s32 $0xFFFFFFFF;
	p2 =	slt.u32 s8, $0xFFFFF086  }
0x1c: {  	p1 =	slt.u32 s9, $0xF7A;
	s5 =	simm.s32 @!p2 $0x0  }
0x1d: {  	s5 =	simm.s32 @p1 $0x1;
	p0 =	seq.s32 s7, s2  }
0x1e: {  	s7 =	smul.u32 @!p0 $0xF7A, s2;
	p2 =	seq.s32 @!p0 s5, $0x0  }
0x1f: {  	s9 =	smul.u32 $0xF7A, s1;
	s8 =	simm.s32 @!p0 $0x1BF5;
	p2 =	por !p2, p0  }
0x20: {  	[sflag:s8] =	ssyncset.s32 @!p0 $0xFFFFF086;
	s6 =	sadd.s32 @!p0 s3, s7;
	s7 =	simm.s32 @!p0 $0x108  }
0x21: {  	s3 =	sadd.s32 s3, s9;
	s6 =	sadd.s32 @!p0 $0x88, s6;
	s7 =	simm.s32 @p2 $0x1082  }
0x22: {  	[simem:s7], [sflag:s8] =	dma.local @!p0 [hbm:s6], $0xF7A  }
0x23: {  	s9 =	sor.u32 $0xD0000000, s2;
	s6 =	simm.s32 $0x108;
	_ =	swait.ge @!p0 [sflag:s8], $0x0  }
0x24: {  	s3 =	sadd.s32 $0x88, s3;
	s6 =	simm.s32 @!p1 $0x1082;
	[sflag:s4] =	ssyncset.s32 $0xFFFFF086  }
0x25: {  	[simem:s6], [sflag:s4] =	dma.local [hbm:s3], $0xF7A  }
0x26: {  	[smem:$0x3F9D] =	sst s1;
	(tag) =	ssettag s2;
	_ =	strace s9  }
0x27: {  	s1 =	sld [smem:$0x3FAD]  }
0x28: {  	s2 =	sld [smem:$0x3FAE]  }
0x29: {  	s4 =	sld [smem:$0x3FB0]  }
0x2a: {  	p0 =	seq.s32 s5, $0x0;
	s5 =	sld [smem:$0x3FB1]  }
0x2b: {  	s6 =	sld [smem:$0x3FB2]  }
0x2c: {  	s7 =	sld [smem:$0x3FB3]  }
0x2d: {  	s3 =	simm.s32 $0x108;
	s8 =	sld [smem:$0x3FB4]  }
0x2e: {  	s3 =	simm.s32 @!p0 $0x1082;
	s9 =	sld [smem:$0x3FB5]  }
0x2f: {  	lr =	sadd.s32 s0, s3;
	s0 =	sld [smem:$0x3FAC]  }
0x30: {  	s3 =	sld [smem:$0x3FAF]  }
0x31: {  	[smem:$0x3FB8] =	sst s10  }
0x32: {  	s10 =	sld [smem:$0x3FB6];
	_ =	sdelay $0x3  }
0x33: {  	p0 =	seq.s32 s10, $0x1;
	s10 =	sld [smem:$0x3FB8];
	_ =	sdelay $0x3  }
0x34: {  	[smem:$0x3FB8] =	sst s10  }
0x35: {  	s10 =	sld [smem:$0x3FB7];
	_ =	sdelay $0x3  }
0x36: {  	p1 =	seq.s32 s10, $0x1;
	s10 =	sld [smem:$0x3FB8];
	_ =	sdelay $0x3  }
0x37: {  	[smem:$0x3FB8] =	sst s10  }
0x38: {  	s10 =	sld [smem:$0x3FB9]  }
0x39: {  	_ = 	snop;
	(pc) =	sbr.ind lr, $3  }
0x3a: {  	_ = 	snop  }
0x3b: {  	_ = 	snop  }
0x3c: {  	p2 =	seq.s32 s10, $0x1;
	s10 =	sld [smem:$0x3FB8]  }
0x3d: {  	_ =	shalt  }
0x3e: {  	_ =	shalt  }
0x3f: {  	_ =	shalt  }
0x40: {  	_ =	shalt  }
0x41: {  	_ =	shalt  }
0x42: {  	_ =	shalt  }
0x43: {  	_ =	shalt  }
0x44: {  	_ =	shalt  }
0x45: {  	_ =	shalt  }
0x46: {  	_ =	shalt  }
0x47: {  	_ =	shalt  }
0x48: {  	_ =	shalt  }
0x49: {  	_ =	shalt  }
0x4a: {  	_ =	shalt  }
0x4b: {  	_ =	shalt  }
0x4c: {  	_ =	shalt  }
0x4d: {  	_ =	shalt  }
0x4e: {  	_ =	shalt  }
0x4f: {  	_ =	shalt  }
0x50: {  	_ =	shalt  }
0x51: {  	_ =	shalt  }
0x52: {  	_ =	shalt  }
0x53: {  	_ =	shalt  }
0x54: {  	_ =	shalt  }
0x55: {  	_ =	shalt  }
0x56: {  	_ =	shalt  }
0x57: {  	_ =	shalt  }
0x58: {  	_ =	shalt  }
0x59: {  	_ =	shalt  }
0x5a: {  	_ =	shalt  }
0x5b: {  	_ =	shalt  }
0x5c: {  	_ =	shalt  }
0x5d: {  	_ =	shalt  }
0x5e: {  	_ =	shalt  }
0x5f: {  	_ =	shalt  }
0x60: {  	_ =	shalt  }
0x61: {  	_ =	shalt  }
0x62: {  	_ =	shalt  }
0x63: {  	_ =	shalt  }
0x64: {  	_ =	shalt  }
0x65: {  	_ =	shalt  }
0x66: {  	_ =	shalt  }
0x67: {  	_ =	shalt  }
0x68: {  	_ =	shalt  }
0x69: {  	_ =	shalt  }
0x6a: {  	_ =	shalt  }
0x6b: {  	_ =	shalt  }
0x6c: {  	_ =	shalt  }
0x6d: {  	_ =	shalt  }
0x6e: {  	_ =	shalt  }
0x6f: {  	_ =	shalt  }
0x70: {  	_ =	shalt  }
0x71: {  	_ =	shalt  }
0x72: {  	_ =	shalt  }
0x73: {  	_ =	shalt  }
0x74: {  	_ =	shalt  }
0x75: {  	_ =	shalt  }
0x76: {  	_ =	shalt  }
0x77: {  	_ =	shalt  }
0x78: {  	_ =	shalt  }
0x79: {  	_ =	shalt  }
0x7a: {  	_ =	shalt  }
0x7b: {  	_ =	shalt  }
0x7c: {  	_ =	shalt  }
0x7d: {  	_ =	shalt  }
0x7e: {  	_ =	shalt  }
0x7f: {  	_ =	shalt  }
0x80: {  	_ =	shalt  }
0x81: {  	_ =	shalt  }
0x82: {  	_ =	shalt  }
0x83: {  	_ =	shalt  }
0x84: {  	_ =	shalt  }
0x85: {  	_ =	shalt  }
0x86: {  	_ =	shalt  }
0x87: {  	_ =	shalt  }
.Lfunc_end0:
.L_simem_size_0:
called_computation_lowered:
.L_overlay_start_0:
0x88: {  	s2 =	sld [smem:$0x3FD9]  }
0x89: {  	s3 =	sld [smem:$0x3FFE];
	_ =	sdelay $0x1  }
0x8a: {  	s1 =	srdreg.scid  }
0x8b: {  	s0 =	sand.u32 $0x1, s1  }
0x8c: {  	s17 =	sshll.u32 s0, $0xA;
	s2 =	sadd.s32 s3, s2  }
0x8d: {  	s2 =	sadd.s32 s2, s17  }
0x8e: {  	[smem:$0x3FC4] =	sst s2  }
0x8f: {  	_ = 	snop  }
0x90: {  	s2 =	sld [smem:$0x3FC9]  }
0x91: {  	s18 =	sld [smem:$0x3FC8]  }
0x92: {  	s4 =	sld [smem:$0x3FC7]  }
0x93: {  	s5 =	sld [smem:$0x3FC6];
	(tm) =	ssettm $0x1  }
0x94: {  	s6 =	sld [smem:$0x3FFB];
	_ =	sdelay $0x3  }
0x95: {  	_ =	strace s6  }
0x96: {  	s6 =	sld [smem:$0x3FFC];
	_ =	sdelay $0x3  }
0x97: {  	_ =	strace s6  }
0x98: {  	s6 =	sld [smem:$0x3FFD];
	_ =	sdelay $0x3  }
0x99: {  	_ =	strace s6  }
0x9a: {  	_ =	strace $0x8FFFFFFF  }
0x9b: {  	s19 =	sld [smem:$0x3FDB];
	_ =	sdelay $0x1  }
0x9c: {  	s7 =	simm.s32 $_scs_section_size  }
0x9d: {  	s8 =	simm.s32 $_size__tile_overlayer_lowered;
	s9 =	simm.s32 $_tile_overlayer_lowered  }
0x9e: {  	s22 =	simm.s32 $0x1BFF;
	s21 =	sshll.u32 s9, $0x1;
	s6 =	sadd.s32 s7, s19  }
0x9f: {  	s10 =	simm.s32 $0x0;
	s20 =	sshll.u32 s8, $0x1;
	s8 =	sadd.s32 s21, s6  }
0xa0: {  	[timem:s10], [sflag:s22] =	dma.local [hbm:s8], s20  }
0xa1: {  	_ =	swait.ge [sflag:s22], s20  }
0xa2: {  	s7 =	ssub.s32 $0x0, s20;
	[sflag:s22] =	ssyncset.done $0x0  }
0xa3: {  	[sflag:s22] =	ssyncadd.s32 s7;
	_ =	sdelay $0x1  }
0xa4: {  	s23 =	simm.s32 $0x1B8B  }
0xa5: {  	_ =	swait.ge [sflag:s23], $0x1  }
0xa6: {  	[sflag:s23] =	ssyncset.done $0x0  }
0xa7: {  	s25 =	simm.s32 $0x1B8E;
	s24 =	sld [smem:$0x3FFE];
	[sflag:s23] =	ssyncadd.s32 $0xFFFFFFFF  }
0xa8: {  	s26 =	simm.s32 $execute0_lowered;
	[smem:$0x3FD2] =	sst s25  }
0xa9: {  	s8 =	sshll.u32 s26, $0x1;
	_ =	strace $0x80000046;
	[dreg:$0x1] =	wrdreg $0xFFFFFFFF  }
0xaa: {  	s28 =	simm.s32 $_size_execute0_lowered;
	s6 =	sadd.s32 s6, s8;
	[dreg:$0x0] =	wrdreg $0x0  }
0xab: {  	s8 =	sshll.u32 s28, $0x1;
	[dreg:$0x2] =	wrdreg s6  }
0xac: {  	[dreg:$0x3] =	wrdreg s8  }
0xad: {  	[dreg:$0x4] =	wrdreg $0xC0  }
0xae: {  	_ =	task [dreg:s10], $0x5FFFF  }
0xaf: {  	[dreg:$0x1] =	wrdreg $0xFFFFFFFF  }
0xb0: {  	[dreg:$0x0] =	wrdreg $0x60  }
0xb1: {  	[dreg:$0x2] =	wrdreg s2  }
0xb2: {  	[dreg:$0x3] =	wrdreg s18  }
0xb3: {  	[dreg:$0x4] =	wrdreg s4  }
0xb4: {  	[dreg:$0x5] =	wrdreg s5  }
0xb5: {  	[dreg:$0x6] =	wrdreg s24  }
0xb6: {  	[dreg:$0x7] =	wrdreg $0x9  }
0xb7: {  	_ =	task.clear_ibuf [dreg:s10], $0x8FFFF;
	_ =	strace $0x90000046  }
0xb8: {  	s29 =	simm.s32 $0x9;
	_ =	strace $0x80000048  }
0xb9: {  	_ =	swait.ge [sflag:s29], $0x1  }
0xba: {  	[sflag:s29] =	ssyncadd.s32 $0xFFFFFFFF  }
0xbb: {  	_ =	strace $0x90000048  }
0xbc: {  	_ =	sfence  }
0xbd: {  	s30 =	sld [smem:$0x0];
	_ =	sdelay $0x2  }
0xbe: {  	s31 =	sshll.u32 s1, $0xD;
	s1 =	sshrl.u32 s1, $0x2  }
0xbf: {  	s3 =	sand.u32 $0x4000, s31;
	s1 =	sadd.s32 s1, s30  }
0xc0: {  	s0 =	sor.u32 s3, s0;
	s1 =	sshll.u32 s1, $0x11  }
0xc1: {  	s0 =	sor.u32 s1, s0  }
0xc2: {  	s0 =	sadd.s32 $0x8F2B, s0  }
0xc3: {  	[sflag:s0] =	ssyncadd.remote.s32 $0x1  }
0xc4: {  	_ =	sfence.sel $0xFFFF  }
0xc5: {  	[dreg:$0x0] =	wrdreg $0xFFFFFFFF;
	(pc) =	sbr.abs _section_cstart, $3  }
0xc6: {  	[dreg:$0x1] =	wrdreg $0xFFFFFFFF  }
0xc7: {  	_ =	task.clear_ibuf [dreg:s10], $0x2FFFF;
	_ =	strace $0x9FFFFFFF  }
0xc8: {  	(tm) =	ssettm $0x7FFFFFFF  }
0xc9: {  	_ =	shalt  }
tec
execute0_lowered:
.L_overlay_start_1:
0x0: {  	(tag) =	ssettag $0x1  }
0x1: {  	s0 =	rddreg [dreg:$0x0]  }
0x2: {  	s2 =	rddreg [dreg:$0x1]  }
0x3: {  	s3 =	rddreg [dreg:$0x2]  }
0x4: {  	s5 =	rddreg [dreg:$0x3]  }
0x5: {  	s1 =	srdreg.scid;
	s6 =	stileid.u32  }
0x6: {  	s4 =	rddreg [dreg:$0x4];
	s10 =	simm.s32 $0x0;
	s18 =	simm.s32 $0x4000  }
0x7: {  	s19 =	simm.s32 $0x5000;
	s20 =	simm.s32 $0x6000;
	s21 =	simm.s32 $0x7000  }
0x8: {  	s22 =	simm.s32 $0x1;
	s1 =	sand.u32 $0x1, s1;
	s6 =	sshll.u32 s6, $0x1  }
0x9: {  	s23 =	simm.s32 $0x8000;
	s28 =	simm.s32 $0x8600;
	s6 =	sor.u32 s1, s6  }
0xa: {  	s29 =	simm.s32 $0x8780;
	s7 =	sshll.u32 s6, $0x9;
	s6 =	sshll.u32 s6, $0x4  }
0xb: {  	[smem:$0x7FF] =	sst s10;
	s9 =	sadd.s32 $0x106A00, s7;
	s4 =	sadd.s32 s4, s6  }
0xc: {  	_ =	strace $0x80000047;
	s24 =	sadd.s32 s0, s9;
	[dreg:$0xa] =	wrdreg s4  }
0xd: {  	s1 =	ssub.s32 $0x2, s1;
	s25 =	sadd.s32 s2, s9;
	[dreg:$0x6] =	wrdreg s24  }
0xe: {  	s8 =	sshrl.u32 s1, $0x1;
	s26 =	sadd.s32 s3, s9;
	[dreg:$0x7] =	wrdreg s25  }
0xf: {  	s1 =	ssub.s32 s1, s8;
	s31 =	sadd.s32 s5, s9;
	[dreg:$0x8] =	wrdreg s26  }
0x10: {  	s30 =	simm.s32 $0x2;
	s1 =	smax.u32 s1, $0x1;
	[dreg:$0x9] =	wrdreg s31  }
0x11: {  	v0 =	vlaneseq.u32;
	s12 =	sadd.s32 $0x10EA00, s7;
	s6 =	simm.s32 $0x0;
	[dreg:$0xb] =	wrdreg s1  }
0x12: {  	v0 =	vmul.u32 $0x11, v0;
	s24 =	simm.s32 $0x8180;
	s25 =	simm.s32 $0x8300;
	s26 =	simm.s32 $0x8480  }
.LBB2_1:
0x13: {  	[dreg:$0xc] =	wrdreg s6  }
0x14: {  	s1 =	rddreg [dreg:$0x6]  }
0x15: {  	[tilespmem:s10], [sflag:$0x1] =	stream.linear.gather [hbm4b:s1+s10], $0x1000, $0x38;
	[tilespmem:$0x8980] =	vst v63  }
0x16: {  	s14 =	rddreg [dreg:$0x7];
	s4 =	simm.s32 $0x1000  }
0x17: {  	[tilespmem:s4], [sflag:$0x1] =	stream.linear.gather [hbm4b:s14+s10], $0x1000, $0x38;
	[tilespmem:$0x8980] =	vst v63  }
0x18: {  	s15 =	rddreg [dreg:$0x8];
	s16 =	simm.s32 $0x2000  }
0x19: {  	[tilespmem:s16], [sflag:$0x1] =	stream.linear.gather [hbm4b:s15+s10], $0x1000, $0x38;
	[tilespmem:$0x8980] =	vst v63  }
0x1a: {  	s17 =	rddreg [dreg:$0x9];
	s31 =	simm.s32 $0x3000;
	s15 =	simm.s32 $0x0  }
0x1b: {  	v16 =	vimm.f32 $0.0e+00;
	[tilespmem:s31], [sflag:$0x1] =	stream.linear.gather [hbm4b:s17+s10], $0x1000, $0x38;
	[tilespmem:$0x8980] =	vst v63  }
.LBB2_2:
0x1c: {  	s16 =	sshll.u32 s15, $0xF  }
0x1d: {  	s1 =	sor.u32 s7, s16  }
0x1e: {  	s1 =	sadd.s32 $0x10AA00, s1  }
0x1f: {  	s17 =	simm.s32 $0x0;
	s4 =	sadd.s32 s0, s1  }
0x20: {  	[tilespmem:s18], [sflag:$0x2] =	stream.linear.gather [hbm4b:s4+s17], $0x1000, $0x38;
	[tilespmem:$0x8980] =	vst v63  }
0x21: {  	s13 =	sadd.s32 s2, s1  }
0x22: {  	[tilespmem:s19], [sflag:$0x2] =	stream.linear.gather [hbm4b:s13+s17], $0x1000, $0x38;
	[tilespmem:$0x8980] =	vst v63  }
0x23: {  	s14 =	sadd.s32 s3, s1  }
0x24: {  	[tilespmem:s20], [sflag:$0x2] =	stream.linear.gather [hbm4b:s14+s17], $0x1000, $0x38;
	[tilespmem:$0x8980] =	vst v63  }
0x25: {  	s1 =	sadd.s32 s5, s1  }
0x26: {  	[tilespmem:s21], [sflag:$0x2] =	stream.linear.gather [hbm4b:s1+s17], $0x1000, $0x38;
	[tilespmem:$0x8980] =	vst v63  }
0x27: {  	_ =	swait.ge [sflag:s22], $0x1000  }
0x28: {  	[sflag:s22] =	ssyncset.done $0x0  }
0x29: {  	[sflag:s22] =	ssyncadd.s32 $0xFFFFF000  }
0x2a: {  	_ =	swait.ge [sflag:s22], $0x1000  }
0x2b: {  	[sflag:s22] =	ssyncset.done $0x0  }
0x2c: {  	[sflag:s22] =	ssyncadd.s32 $0xFFFFF000  }
0x2d: {  	_ =	swait.ge [sflag:s22], $0x1000  }
0x2e: {  	[sflag:s22] =	ssyncset.done $0x0  }
0x2f: {  	s31 =	simm.s32 $0xFFFFFFFE;
	s8 =	simm.s32 $0x80;
	[sflag:s22] =	ssyncadd.s32 $0xFFFFF000  }
0x30: {  	s9 =	simm.s32 $0x8300;
	s10 =	simm.s32 $0x8491;
	_ =	swait.ge [sflag:s22], $0x1000  }
0x31: {  	s11 =	simm.s32 $0x8611;
	s4 =	simm.s32 $0x8180;
	[sflag:s22] =	ssyncset.done $0x0  }
0x32: {  	s13 =	simm.s32 $0x8791;
	s14 =	simm.s32 $0x8000;
	[sflag:s22] =	ssyncadd.s32 $0xFFFFF000  }
.LBB2_3:
0x33: {  	s1 =	sadd.s32 $0xFFFFFF80, s8  }
0x34: {  	s6 =	sand.u32 $0x800, s17;
	s1 =	sand.u32 $0x300, s1  }
0x35: {  	s1 =	sor.u32 s1, s6  }
0x36: {  	v1 =	vld [tilespmem:s1+$0x0]  }
0x37: {  	v2 =	vld [tilespmem:s1+$0x1000]  }
0x38: {  	v3 =	vld [tilespmem:s1+$0x2000]  }
0x39: {  	v4 =	vld [tilespmem:s1+$0x3000]  }
0x3a: {  	v5 =	vld [tilespmem:s1+$0x10]  }
0x3b: {  	v6 =	vld [tilespmem:s1+$0x1010]  }
0x3c: {  	v7 =	vld [tilespmem:s1+$0x2010]  }
0x3d: {  	v10 =	vld [tilespmem:s1+$0x3010]  }
0x3e: {  	v11 =	vld [tilespmem:s1+$0x20]  }
0x3f: {  	v23 =	vld [tilespmem:s1+$0x1020]  }
0x40: {  	v15 =	vld [tilespmem:s1+$0x2020]  }
0x41: {  	v17 =	vld [tilespmem:s1+$0x3020];
	v8 =	vmul.f32 v1, v1;
	v9 =	vmul.f32 v2, v2  }
0x42: {  	v26 =	vld [tilespmem:s1+$0x30];
	v1 =	vmul.f32 v2, v1;
	v2 =	vmul.f32 v3, v3  }
0x43: {  	v28 =	vld [tilespmem:s1+$0x1030];
	v12 =	vmul.f32 v4, v4;
	v3 =	vmul.f32 v4, v3  }
0x44: {  	v32 =	vld [tilespmem:s1+$0x2030];
	v13 =	vmul.f32 v5, v5;
	v14 =	vmul.f32 v6, v6  }
0x45: {  	v34 =	vld [tilespmem:s1+$0x3030];
	v5 =	vmul.f32 v6, v5;
	v24 =	vmul.f32 v7, v7  }
0x46: {  	v36 =	vld [tilespmem:s1+$0x40];
	v25 =	vmul.f32 v10, v10;
	v27 =	vmul.f32 v10, v7  }
0x47: {  	v38 =	vld [tilespmem:s1+$0x1040];
	v30 =	vmul.f32 v11, v11;
	v31 =	vmul.f32 v23, v23  }
0x48: {  	v42 =	vld [tilespmem:s1+$0x3040];
	v4 =	vmul.f32 v23, v11;
	v33 =	vmul.f32 v15, v15  }
0x49: {  	v45 =	vld [tilespmem:s1+$0x1050];
	v35 =	vmul.f32 v17, v17;
	v37 =	vmul.f32 v17, v15  }
0x4a: {  	v48 =	vld [tilespmem:s1+$0x2050];
	v39 =	vmul.f32 v26, v26;
	v15 =	vmul.f32 v28, v28  }
0x4b: {  	v51 =	vld [tilespmem:s1+$0x3050];
	v40 =	vmul.f32 v28, v26;
	v41 =	vmul.f32 v32, v32  }
0x4c: {  	v43 =	vmul.f32 v34, v34;
	v44 =	vmul.f32 v34, v32  }
0x4d: {  	v53 =	vld [tilespmem:s1+$0x60];
	v46 =	vmul.f32 v36, v36;
	v47 =	vmul.f32 v38, v38  }
0x4e: {  	v55 =	vld [tilespmem:s1+$0x1060];
	v49 =	vmul.f32 v38, v36;
	v52 =	vmul.f32 v42, v42  }
0x4f: {  	v61 =	vld [tilespmem:s1+$0x70];
	v57 =	vmul.f32 v45, v45;
	v59 =	vmul.f32 v48, v48  }
0x50: {  	v22 =	vld [tilespmem:s1+$0x2070];
	v60 =	vmul.f32 v51, v51;
	v1 =	vadd.f32 $0.0e+00, v1;
	v3 =	vadd.f32 $0.0e+00, v3  }
0x51: {  	v63 =	vld [tilespmem:s1+$0x1070];
	v62 =	vmul.f32 v51, v48;
	v8 =	vadd.f32 v13, v8;
	v9 =	vadd.f32 v14, v9  }
0x52: {  	v17 =	vld [tilespmem:s1+$0x2040];
	v20 =	vmul.f32 v53, v53;
	v2 =	vadd.f32 v24, v2;
	v29 =	vadd.f32 v25, v12  }
0x53: {  	v21 =	vmul.f32 v55, v55;
	v36 =	vld [tilespmem:s1+$0x1410];
	v1 =	vadd.f32 v5, v1;
	v3 =	vadd.f32 v27, v3  }
0x54: {  	v23 =	vmul.f32 v55, v53;
	v25 =	vld [tilespmem:s1+$0x3070];
	v8 =	vadd.f32 v30, v8;
	v9 =	vadd.f32 v31, v9  }
0x55: {  	v32 =	vmul.f32 v22, v22;
	v2 =	vadd.f32 v33, v2;
	v7 =	vadd.f32 v35, v29;
	v27 =	vld [tilespmem:s1+$0x400]  }
0x56: {  	v29 =	vld [tilespmem:s1+$0x1400];
	v30 =	vmul.f32 v61, v61;
	v31 =	vmul.f32 v63, v61;
	v1 =	vadd.f32 v4, v1  }
0x57: {  	v33 =	vld [tilespmem:s1+$0x3400];
	v50 =	vmul.f32 v17, v17;
	v3 =	vadd.f32 v37, v3;
	v8 =	vadd.f32 v39, v8  }
0x58: {  	v54 =	vmul.f32 v42, v17;
	v17 =	vld [tilespmem:s1+$0x2060];
	v9 =	vadd.f32 v15, v9;
	v2 =	vadd.f32 v41, v2  }
0x59: {  	v42 =	vld [tilespmem:s1+$0x3410];
	v48 =	vmul.f32 v36, v36;
	v7 =	vadd.f32 v43, v7;
	v1 =	vadd.f32 v40, v1  }
0x5a: {  	v15 =	vld [tilespmem:s1+$0x50];
	v34 =	vmul.f32 v25, v25;
	v3 =	vadd.f32 v44, v3;
	v8 =	vadd.f32 v46, v8  }
0x5b: {  	v39 =	vld [tilespmem:s1+$0x2410];
	v35 =	vmul.f32 v25, v22;
	v9 =	vadd.f32 v47, v9;
	v2 =	vadd.f32 v50, v2  }
0x5c: {  	v7 =	vadd.f32 v52, v7;
	v44 =	vld [tilespmem:s1+$0x420];
	v37 =	vmul.f32 v27, v27;
	v38 =	vmul.f32 v29, v29  }
0x5d: {  	v46 =	vld [tilespmem:s1+$0x1420];
	v40 =	vmul.f32 v29, v27;
	v43 =	vmul.f32 v33, v33;
	v1 =	vadd.f32 v49, v1  }
0x5e: {  	v52 =	vld [tilespmem:s1+$0x430];
	v3 =	vadd.f32 v54, v3;
	v9 =	vadd.f32 v57, v9;
	v24 =	vmul.f32 v17, v17  }
0x5f: {  	v2 =	vadd.f32 v59, v2;
	v56 =	vmul.f32 v15, v15;
	v58 =	vmul.f32 v45, v15;
	v15 =	vld [tilespmem:s1+$0x3060]  }
0x60: {  	v27 =	vld [tilespmem:s1+$0x1450];
	v7 =	vadd.f32 v60, v7;
	v51 =	vmul.f32 v42, v42;
	v50 =	vmul.f32 v39, v39  }
0x61: {  	v54 =	vld [tilespmem:s1+$0x1430];
	v53 =	vmul.f32 v42, v39;
	v3 =	vadd.f32 v62, v3;
	v9 =	vadd.f32 v21, v9  }
0x62: {  	v57 =	vld [tilespmem:s1+$0x2430];
	v2 =	vadd.f32 v24, v2;
	v8 =	vadd.f32 v56, v8;
	v55 =	vmul.f32 v44, v44  }
0x63: {  	v60 =	vld [tilespmem:s1+$0x3430];
	v1 =	vadd.f32 v58, v1;
	v56 =	vmul.f32 v46, v46;
	v58 =	vmul.f32 v46, v44  }
0x64: {  	v21 =	vmul.f32 v52, v52;
	v2 =	vadd.f32 v32, v2;
	v26 =	vmul.f32 v15, v15  }
0x65: {  	v62 =	vld [tilespmem:s1+$0x440];
	v8 =	vadd.f32 v20, v8;
	v28 =	vmul.f32 v15, v17;
	v15 =	vmul.f32 v63, v63  }
0x66: {  	v39 =	vmul.f32 v27, v27;
	v1 =	vadd.f32 v23, v1;
	v22 =	vmul.f32 v54, v52;
	v17 =	vld [tilespmem:s1+$0x2400]  }
0x67: {  	v23 =	vmul.f32 v57, v57;
	v8 =	vadd.f32 v30, v8;
	v9 =	vadd.f32 v15, v9;
	v15 =	vld [tilespmem:s1+$0x410]  }
0x68: {  	v20 =	vld [tilespmem:s1+$0x1440];
	v25 =	vmul.f32 v60, v60;
	v1 =	vadd.f32 v31, v1;
	v7 =	vadd.f32 v26, v7  }
0x69: {  	v24 =	vld [tilespmem:s1+$0x3440];
	v3 =	vadd.f32 v28, v3;
	v26 =	vmul.f32 v60, v57;
	v8 =	vadd.f32 v37, v8  }
0x6a: {  	v30 =	vld [tilespmem:s1+$0x2450];
	v28 =	vmul.f32 v62, v62;
	v1 =	vadd.f32 v40, v1;
	v7 =	vadd.f32 v34, v7  }
0x6b: {  	v9 =	vadd.f32 v38, v9;
	v41 =	vmul.f32 v17, v17;
	v45 =	vmul.f32 v33, v17;
	v17 =	vld [tilespmem:s1+$0x2420]  }
0x6c: {  	v3 =	vadd.f32 v35, v3;
	v47 =	vmul.f32 v15, v15;
	v49 =	vmul.f32 v36, v15;
	v15 =	vld [tilespmem:s1+$0x3420]  }
0x6d: {  	v29 =	vmul.f32 v20, v20;
	v7 =	vadd.f32 v43, v7;
	v9 =	vadd.f32 v48, v9  }
0x6e: {  	v31 =	vmul.f32 v20, v62;
	v35 =	vld [tilespmem:s1+$0x460];
	v2 =	vadd.f32 v41, v2;
	v3 =	vadd.f32 v45, v3  }
0x6f: {  	v37 =	vld [tilespmem:s1+$0x1460];
	v34 =	vmul.f32 v24, v24;
	v7 =	vadd.f32 v51, v7;
	v9 =	vadd.f32 v56, v9  }
0x70: {  	v41 =	vmul.f32 v30, v30;
	v8 =	vadd.f32 v47, v8;
	v1 =	vadd.f32 v49, v1  }
0x71: {  	v33 =	vld [tilespmem:s1+$0x3450];
	v2 =	vadd.f32 v50, v2;
	v59 =	vmul.f32 v17, v17;
	v61 =	vmul.f32 v15, v15  }
0x72: {  	v3 =	vadd.f32 v53, v3;
	v63 =	vmul.f32 v15, v17;
	v15 =	vmul.f32 v54, v54  }
0x73: {  	v46 =	vmul.f32 v35, v35;
	v8 =	vadd.f32 v55, v8;
	v1 =	vadd.f32 v58, v1;
	v17 =	vld [tilespmem:s1+$0x2440]  }
0x74: {  	v47 =	vmul.f32 v37, v37;
	v2 =	vadd.f32 v59, v2;
	v9 =	vadd.f32 v15, v9;
	v15 =	vld [tilespmem:s1+$0x450]  }
0x75: {  	v49 =	vmul.f32 v37, v35;
	v8 =	vadd.f32 v21, v8;
	v1 =	vadd.f32 v22, v1  }
0x76: {  	v43 =	vld [tilespmem:s1+$0x1470];
	v42 =	vmul.f32 v33, v33;
	v7 =	vadd.f32 v61, v7;
	v3 =	vadd.f32 v63, v3  }
0x77: {  	v48 =	vld [tilespmem:s1+$0x2470];
	v44 =	vmul.f32 v33, v30;
	v2 =	vadd.f32 v23, v2;
	v8 =	vadd.f32 v28, v8  }
0x78: {  	v45 =	vld [tilespmem:s1+$0x3460];
	v1 =	vadd.f32 v31, v1;
	v7 =	vadd.f32 v25, v7;
	v32 =	vmul.f32 v17, v17  }
0x79: {  	v9 =	vadd.f32 v29, v9;
	v38 =	vmul.f32 v15, v15;
	v40 =	vmul.f32 v27, v15;
	v15 =	vld [tilespmem:s1+$0x470]  }
0x7a: {  	v3 =	vadd.f32 v26, v3;
	v36 =	vmul.f32 v24, v17;
	v17 =	vld [tilespmem:s1+$0x2460];
	v7 =	vadd.f32 v34, v7  }
0x7b: {  	v53 =	vmul.f32 v43, v43;
	v9 =	vadd.f32 v39, v9;
	v2 =	vadd.f32 v32, v2  }
0x7c: {  	v56 =	vmul.f32 v48, v48;
	v3 =	vadd.f32 v36, v3;
	v8 =	vadd.f32 v38, v8  }
0x7d: {  	v51 =	vld [tilespmem:s1+$0x3470];
	v54 =	vmul.f32 v45, v45;
	v7 =	vadd.f32 v42, v7;
	v9 =	vadd.f32 v47, v9  }
0x7e: {  	v1 =	vadd.f32 v40, v1;
	v8 =	vadd.f32 v46, v8;
	v52 =	vmul.f32 v15, v15  }
0x7f: {  	v2 =	vadd.f32 v41, v2;
	v3 =	vadd.f32 v44, v3;
	v50 =	vmul.f32 v17, v17  }
0x80: {  	v1 =	vadd.f32 v49, v1;
	v55 =	vmul.f32 v43, v15;
	v8 =	vadd.f32 v52, v8  }
0x81: {  	v6 =	vmul.f32 v45, v17;
	v4 =	vadd.f32 v53, v9;
	v2 =	vadd.f32 v50, v2  }
0x82: {  	v57 =	vmul.f32 v51, v51;
	v5 =	vadd.f32 v54, v7;
	v1 =	vadd.f32 v55, v1;
	[tilespmem:s14+$0x0] =	vst v8  }
0x83: {  	v58 =	vmul.f32 v51, v48;
	v3 =	vadd.f32 v6, v3;
	v2 =	vadd.f32 v56, v2;
	[tilespmem:s4+$0x0] =	vst v4  }
0x84: {  	v59 =	vadd.f32 v57, v5;
	[tilespmem:s9+$0x0] =	vst v1  }
0x85: {  	v1 =	vadd.f32 v58, v3;
	[tilespmem:s10+$0xFFFFFFEF] =	vst v2  }
0x86: {  	s1 =	sand.u32 $0x380, s8;
	[tilespmem:s11+$0xFFFFFFEF] =	vst v59  }
0x87: {  	s1 =	sor.u32 s6, s1;
	[tilespmem:s13+$0xFFFFFFEF] =	vst v1  }
0x88: {  	v1 =	vld [tilespmem:s1+$0x0]  }
0x89: {  	v2 =	vld [tilespmem:s1+$0x1000]  }
0x8a: {  	v3 =	vld [tilespmem:s1+$0x2000]  }
0x8b: {  	v4 =	vld [tilespmem:s1+$0x3000]  }
0x8c: {  	v60 =	vld [tilespmem:s1+$0x10]  }
0x8d: {  	v61 =	vld [tilespmem:s1+$0x1010]  }
0x8e: {  	v62 =	vld [tilespmem:s1+$0x2010]  }
0x8f: {  	v21 =	vld [tilespmem:s1+$0x3010]  }
0x90: {  	v22 =	vld [tilespmem:s1+$0x20]  }
0x91: {  	v24 =	vld [tilespmem:s1+$0x1020]  }
0x92: {  	v15 =	vld [tilespmem:s1+$0x2020]  }
0x93: {  	v17 =	vld [tilespmem:s1+$0x3020];
	v63 =	vmul.f32 v1, v1;
	v20 =	vmul.f32 v2, v2  }
0x94: {  	v29 =	vld [tilespmem:s1+$0x30];
	v1 =	vmul.f32 v2, v1;
	v2 =	vmul.f32 v3, v3  }
0x95: {  	v31 =	vld [tilespmem:s1+$0x1030];
	v23 =	vmul.f32 v4, v4;
	v3 =	vmul.f32 v4, v3  }
0x96: {  	v35 =	vld [tilespmem:s1+$0x2030];
	v25 =	vmul.f32 v60, v60;
	v26 =	vmul.f32 v61, v61  }
0x97: {  	v37 =	vld [tilespmem:s1+$0x3030];
	v5 =	vmul.f32 v61, v60;
	v27 =	vmul.f32 v62, v62  }
0x98: {  	v39 =	vld [tilespmem:s1+$0x40];
	v28 =	vmul.f32 v21, v21;
	v30 =	vmul.f32 v21, v62  }
0x99: {  	v41 =	vld [tilespmem:s1+$0x1040];
	v33 =	vmul.f32 v22, v22;
	v34 =	vmul.f32 v24, v24  }
0x9a: {  	v45 =	vld [tilespmem:s1+$0x3040];
	v4 =	vmul.f32 v24, v22;
	v36 =	vmul.f32 v15, v15  }
0x9b: {  	v48 =	vld [tilespmem:s1+$0x1050];
	v38 =	vmul.f32 v17, v17;
	v40 =	vmul.f32 v17, v15  }
0x9c: {  	v51 =	vld [tilespmem:s1+$0x2050];
	v42 =	vmul.f32 v29, v29;
	v15 =	vmul.f32 v31, v31  }
0x9d: {  	v54 =	vld [tilespmem:s1+$0x3050];
	v43 =	vmul.f32 v31, v29;
	v44 =	vmul.f32 v35, v35  }
0x9e: {  	v58 =	vld [tilespmem:s1+$0x1060];
	v46 =	vmul.f32 v37, v37;
	v47 =	vmul.f32 v37, v35  }
0x9f: {  	v49 =	vmul.f32 v39, v39;
	v50 =	vmul.f32 v41, v41  }
0xa0: {  	v56 =	vld [tilespmem:s1+$0x60];
	v52 =	vmul.f32 v41, v39;
	v55 =	vmul.f32 v45, v45  }
0xa1: {  	v17 =	vld [tilespmem:s1+$0x2040];
	v60 =	vmul.f32 v48, v48;
	v62 =	vmul.f32 v51, v51  }
0xa2: {  	v21 =	vmul.f32 v54, v51;
	v22 =	vld [tilespmem:s1+$0x1070];
	v1 =	vadd.f32 $0.0e+00, v1;
	v3 =	vadd.f32 $0.0e+00, v3  }
0xa3: {  	v24 =	vmul.f32 v58, v58;
	v39 =	vld [tilespmem:s1+$0x1410];
	v8 =	vadd.f32 v25, v63;
	v9 =	vadd.f32 v26, v20  }
0xa4: {  	v2 =	vadd.f32 v27, v2;
	v32 =	vadd.f32 v28, v23;
	v63 =	vmul.f32 v54, v54;
	v20 =	vld [tilespmem:s1+$0x70]  }
0xa5: {  	v23 =	vmul.f32 v56, v56;
	v25 =	vld [tilespmem:s1+$0x2070];
	v1 =	vadd.f32 v5, v1;
	v3 =	vadd.f32 v30, v3  }
0xa6: {  	v26 =	vmul.f32 v58, v56;
	v28 =	vld [tilespmem:s1+$0x3070];
	v8 =	vadd.f32 v33, v8;
	v9 =	vadd.f32 v34, v9  }
0xa7: {  	v2 =	vadd.f32 v36, v2;
	v7 =	vadd.f32 v38, v32;
	v30 =	vld [tilespmem:s1+$0x400];
	v53 =	vmul.f32 v17, v17  }
0xa8: {  	v32 =	vld [tilespmem:s1+$0x1400];
	v57 =	vmul.f32 v45, v17;
	v1 =	vadd.f32 v4, v1;
	v3 =	vadd.f32 v40, v3  }
0xa9: {  	v36 =	vld [tilespmem:s1+$0x3400];
	v51 =	vmul.f32 v39, v39;
	v8 =	vadd.f32 v42, v8;
	v9 =	vadd.f32 v15, v9  }
0xaa: {  	v17 =	vld [tilespmem:s1+$0x2060];
	v2 =	vadd.f32 v44, v2;
	v7 =	vadd.f32 v46, v7;
	v33 =	vmul.f32 v20, v20  }
0xab: {  	v45 =	vld [tilespmem:s1+$0x3410];
	v34 =	vmul.f32 v22, v20;
	v35 =	vmul.f32 v25, v25;
	v1 =	vadd.f32 v43, v1  }
0xac: {  	v15 =	vld [tilespmem:s1+$0x50];
	v37 =	vmul.f32 v28, v28;
	v3 =	vadd.f32 v47, v3;
	v8 =	vadd.f32 v49, v8  }
0xad: {  	v42 =	vld [tilespmem:s1+$0x2410];
	v38 =	vmul.f32 v28, v25;
	v9 =	vadd.f32 v50, v9;
	v2 =	vadd.f32 v53, v2  }
0xae: {  	v7 =	vadd.f32 v55, v7;
	v47 =	vld [tilespmem:s1+$0x420];
	v40 =	vmul.f32 v30, v30;
	v41 =	vmul.f32 v32, v32  }
0xaf: {  	v49 =	vld [tilespmem:s1+$0x1420];
	v43 =	vmul.f32 v32, v30;
	v46 =	vmul.f32 v36, v36;
	v1 =	vadd.f32 v52, v1  }
0xb0: {  	v55 =	vld [tilespmem:s1+$0x430];
	v3 =	vadd.f32 v57, v3;
	v9 =	vadd.f32 v60, v9;
	v27 =	vmul.f32 v17, v17  }
0xb1: {  	v2 =	vadd.f32 v62, v2;
	v59 =	vmul.f32 v15, v15;
	v61 =	vmul.f32 v48, v15;
	v15 =	vld [tilespmem:s1+$0x3060]  }
0xb2: {  	v30 =	vld [tilespmem:s1+$0x1450];
	v7 =	vadd.f32 v63, v7;
	v54 =	vmul.f32 v45, v45;
	v53 =	vmul.f32 v42, v42  }
0xb3: {  	v57 =	vld [tilespmem:s1+$0x1430];
	v56 =	vmul.f32 v45, v42;
	v3 =	vadd.f32 v21, v3;
	v9 =	vadd.f32 v24, v9  }
0xb4: {  	v60 =	vld [tilespmem:s1+$0x2430];
	v2 =	vadd.f32 v27, v2;
	v8 =	vadd.f32 v59, v8;
	v58 =	vmul.f32 v47, v47  }
0xb5: {  	v63 =	vld [tilespmem:s1+$0x3430];
	v1 =	vadd.f32 v61, v1;
	v59 =	vmul.f32 v49, v49;
	v61 =	vmul.f32 v49, v47  }
0xb6: {  	v24 =	vmul.f32 v55, v55;
	v2 =	vadd.f32 v35, v2;
	v29 =	vmul.f32 v15, v15  }
0xb7: {  	v21 =	vld [tilespmem:s1+$0x440];
	v8 =	vadd.f32 v23, v8;
	v31 =	vmul.f32 v15, v17;
	v15 =	vmul.f32 v22, v22  }
0xb8: {  	v42 =	vmul.f32 v30, v30;
	v1 =	vadd.f32 v26, v1;
	v25 =	vmul.f32 v57, v55;
	v17 =	vld [tilespmem:s1+$0x2400]  }
0xb9: {  	v26 =	vmul.f32 v60, v60;
	v8 =	vadd.f32 v33, v8;
	v9 =	vadd.f32 v15, v9;
	v15 =	vld [tilespmem:s1+$0x410]  }
0xba: {  	v23 =	vld [tilespmem:s1+$0x1440];
	v28 =	vmul.f32 v63, v63;
	v1 =	vadd.f32 v34, v1;
	v7 =	vadd.f32 v29, v7  }
0xbb: {  	v27 =	vld [tilespmem:s1+$0x3440];
	v3 =	vadd.f32 v31, v3;
	v29 =	vmul.f32 v63, v60;
	v8 =	vadd.f32 v40, v8  }
0xbc: {  	v33 =	vld [tilespmem:s1+$0x2450];
	v31 =	vmul.f32 v21, v21;
	v1 =	vadd.f32 v43, v1;
	v7 =	vadd.f32 v37, v7  }
0xbd: {  	v9 =	vadd.f32 v41, v9;
	v44 =	vmul.f32 v17, v17;
	v48 =	vmul.f32 v36, v17;
	v17 =	vld [tilespmem:s1+$0x2420]  }
0xbe: {  	v3 =	vadd.f32 v38, v3;
	v50 =	vmul.f32 v15, v15;
	v52 =	vmul.f32 v39, v15;
	v15 =	vld [tilespmem:s1+$0x3420]  }
0xbf: {  	v32 =	vmul.f32 v23, v23;
	v7 =	vadd.f32 v46, v7;
	v9 =	vadd.f32 v51, v9  }
0xc0: {  	v34 =	vmul.f32 v23, v21;
	v38 =	vld [tilespmem:s1+$0x460];
	v2 =	vadd.f32 v44, v2;
	v3 =	vadd.f32 v48, v3  }
0xc1: {  	v40 =	vld [tilespmem:s1+$0x1460];
	v37 =	vmul.f32 v27, v27;
	v7 =	vadd.f32 v54, v7;
	v9 =	vadd.f32 v59, v9  }
0xc2: {  	v44 =	vmul.f32 v33, v33;
	v8 =	vadd.f32 v50, v8;
	v1 =	vadd.f32 v52, v1  }
0xc3: {  	v36 =	vld [tilespmem:s1+$0x3450];
	v2 =	vadd.f32 v53, v2;
	v62 =	vmul.f32 v17, v17;
	v20 =	vmul.f32 v15, v15  }
0xc4: {  	v3 =	vadd.f32 v56, v3;
	v22 =	vmul.f32 v15, v17;
	v15 =	vmul.f32 v57, v57  }
0xc5: {  	v49 =	vmul.f32 v38, v38;
	v8 =	vadd.f32 v58, v8;
	v1 =	vadd.f32 v61, v1;
	v17 =	vld [tilespmem:s1+$0x2440]  }
0xc6: {  	v50 =	vmul.f32 v40, v40;
	v2 =	vadd.f32 v62, v2;
	v9 =	vadd.f32 v15, v9;
	v15 =	vld [tilespmem:s1+$0x450]  }
0xc7: {  	v52 =	vmul.f32 v40, v38;
	v8 =	vadd.f32 v24, v8;
	v1 =	vadd.f32 v25, v1  }
0xc8: {  	v46 =	vld [tilespmem:s1+$0x1470];
	v45 =	vmul.f32 v36, v36;
	v7 =	vadd.f32 v20, v7;
	v3 =	vadd.f32 v22, v3  }
0xc9: {  	v51 =	vld [tilespmem:s1+$0x2470];
	v47 =	vmul.f32 v36, v33;
	v2 =	vadd.f32 v26, v2;
	v8 =	vadd.f32 v31, v8  }
0xca: {  	v48 =	vld [tilespmem:s1+$0x3460];
	v1 =	vadd.f32 v34, v1;
	v7 =	vadd.f32 v28, v7;
	v35 =	vmul.f32 v17, v17  }
0xcb: {  	v9 =	vadd.f32 v32, v9;
	v41 =	vmul.f32 v15, v15;
	v43 =	vmul.f32 v30, v15;
	v15 =	vld [tilespmem:s1+$0x470]  }
0xcc: {  	v3 =	vadd.f32 v29, v3;
	v39 =	vmul.f32 v27, v17;
	v17 =	vld [tilespmem:s1+$0x2460];
	v7 =	vadd.f32 v37, v7  }
0xcd: {  	v56 =	vmul.f32 v46, v46;
	v9 =	vadd.f32 v42, v9;
	v2 =	vadd.f32 v35, v2  }
0xce: {  	v60 =	vmul.f32 v51, v51;
	v3 =	vadd.f32 v39, v3;
	v8 =	vadd.f32 v41, v8  }
0xcf: {  	v54 =	vld [tilespmem:s1+$0x3470];
	v59 =	vmul.f32 v48, v48;
	v7 =	vadd.f32 v45, v7;
	v9 =	vadd.f32 v50, v9  }
0xd0: {  	v1 =	vadd.f32 v43, v1;
	v8 =	vadd.f32 v49, v8;
	v55 =	vmul.f32 v15, v15  }
0xd1: {  	v2 =	vadd.f32 v44, v2;
	v3 =	vadd.f32 v47, v3;
	v53 =	vmul.f32 v17, v17  }
0xd2: {  	v1 =	vadd.f32 v52, v1;
	v58 =	vmul.f32 v46, v15;
	v57 =	vadd.f32 v55, v8  }
0xd3: {  	s31 =	sadd.s32 $0x2, s31;
	v6 =	vmul.f32 v48, v17;
	v4 =	vadd.f32 v56, v9;
	v2 =	vadd.f32 v53, v2  }
0xd4: {  	p0 =	slt.u32 s31, $0xE;
	v61 =	vmul.f32 v54, v54;
	v7 =	vadd.f32 v59, v7;
	v1 =	vadd.f32 v58, v1;
	[tilespmem:s14+$0x11] =	vst v57  }
.Ltmp0:
0xd5: {  	v62 =	vmul.f32 v54, v51;
	v3 =	vadd.f32 v6, v3;
	v2 =	vadd.f32 v60, v2;
	[tilespmem:s4+$0x11] =	vst v4;
	(pc) =	sbr.rel @p0 .LBB2_3-.Ltmp0, $4  }
0xd6: {  	v63 =	vadd.f32 v61, v7;
	[tilespmem:s9+$0x11] =	vst v1  }
0xd7: {  	s17 =	sadd.s32 $0x200, s17;
	s8 =	sadd.s32 $0x100, s8;
	v1 =	vadd.f32 v62, v3;
	[tilespmem:s10+$0x0] =	vst v2  }
0xd8: {  	s14 =	sadd.s32 $0x22, s14;
	s4 =	sadd.s32 $0x22, s4;
	s9 =	sadd.s32 $0x22, s9;
	[tilespmem:s11+$0x0] =	vst v63  }
0xd9: {  	s10 =	sadd.s32 $0x22, s10;
	s11 =	sadd.s32 $0x22, s11;
	[tilespmem:s13+$0x0] =	vst v1;
	s13 =	sadd.s32 $0x22, s13  }
0xda: {  	_ =	sdelay $0x2  }
0xdb: {  	v15 =	vadd.s32 $0x1, v0  }
0xdc: {  	v14 =	vadd.s32 $0x2, v0;
	v17 =	vld.idx.msk [tilespmem:v0+s23+$0x0], $0xffff  }
0xdd: {  	v13 =	vadd.s32 $0x3, v0;
	v33 =	vld.idx.msk [tilespmem:v0+s24+$0x0], $0xffff  }
0xde: {  	v12 =	vadd.s32 $0x4, v0;
	v49 =	vld.idx.msk [tilespmem:v0+s26+$0x0], $0xffff  }
0xdf: {  	v11 =	vadd.s32 $0x5, v0;
	v50 =	vld.idx.msk [tilespmem:v0+s28+$0x0], $0xffff  }
0xe0: {  	v10 =	vadd.s32 $0x6, v0;
	v18 =	vld.idx.msk [tilespmem:v15+s23+$0x0], $0xffff  }
0xe1: {  	v9 =	vadd.s32 $0x7, v0;
	v19 =	vld.idx.msk [tilespmem:v14+s23+$0x0], $0xffff  }
0xe2: {  	v8 =	vadd.s32 $0x8, v0;
	v20 =	vld.idx.msk [tilespmem:v13+s23+$0x0], $0xffff  }
0xe3: {  	v7 =	vadd.s32 $0x9, v0;
	v21 =	vld.idx.msk [tilespmem:v12+s23+$0x0], $0xffff  }
0xe4: {  	v6 =	vadd.s32 $0xA, v0;
	v22 =	vld.idx.msk [tilespmem:v11+s23+$0x0], $0xffff  }
0xe5: {  	v5 =	vadd.s32 $0xB, v0;
	v23 =	vld.idx.msk [tilespmem:v10+s23+$0x0], $0xffff  }
0xe6: {  	v4 =	vadd.s32 $0xC, v0;
	v24 =	vld.idx.msk [tilespmem:v9+s23+$0x0], $0xffff  }
0xe7: {  	v3 =	vadd.s32 $0xD, v0;
	v25 =	vld.idx.msk [tilespmem:v8+s23+$0x0], $0xffff  }
0xe8: {  	v2 =	vadd.s32 $0xE, v0;
	v26 =	vld.idx.msk [tilespmem:v7+s23+$0x0], $0xffff  }
0xe9: {  	v1 =	vadd.s32 $0xF, v0;
	v27 =	vld.idx.msk [tilespmem:v6+s23+$0x0], $0xffff  }
0xea: {  	v28 =	vld.idx.msk [tilespmem:v5+s23+$0x0], $0xffff  }
0xeb: {  	v29 =	vld.idx.msk [tilespmem:v4+s23+$0x0], $0xffff  }
0xec: {  	v30 =	vld.idx.msk [tilespmem:v3+s23+$0x0], $0xffff  }
0xed: {  	v31 =	vld.idx.msk [tilespmem:v2+s23+$0x0], $0xffff  }
0xee: {  	v32 =	vld.idx.msk [tilespmem:v1+s23+$0x0], $0xffff  }
0xef: {  	v34 =	vld.idx.msk [tilespmem:v15+s24+$0x0], $0xffff  }
0xf0: {  	v35 =	vld.idx.msk [tilespmem:v14+s24+$0x0], $0xffff  }
0xf1: {  	v36 =	vld.idx.msk [tilespmem:v13+s24+$0x0], $0xffff  }
0xf2: {  	v37 =	vld.idx.msk [tilespmem:v12+s24+$0x0], $0xffff  }
0xf3: {  	v38 =	vld.idx.msk [tilespmem:v11+s24+$0x0], $0xffff  }
0xf4: {  	v39 =	vld.idx.msk [tilespmem:v10+s24+$0x0], $0xffff  }
0xf5: {  	v40 =	vld.idx.msk [tilespmem:v9+s24+$0x0], $0xffff  }
0xf6: {  	v41 =	vld.idx.msk [tilespmem:v8+s24+$0x0], $0xffff  }
0xf7: {  	v42 =	vld.idx.msk [tilespmem:v7+s24+$0x0], $0xffff  }
0xf8: {  	v43 =	vld.idx.msk [tilespmem:v6+s24+$0x0], $0xffff  }
0xf9: {  	v44 =	vld.idx.msk [tilespmem:v5+s24+$0x0], $0xffff  }
0xfa: {  	v45 =	vld.idx.msk [tilespmem:v4+s24+$0x0], $0xffff  }
0xfb: {  	v46 =	vld.idx.msk [tilespmem:v3+s24+$0x0], $0xffff  }
0xfc: {  	v47 =	vld.idx.msk [tilespmem:v2+s24+$0x0], $0xffff;
	v17 =	vadd.f32 $0.0e+00, v17  }
0xfd: {  	v48 =	vld.idx.msk [tilespmem:v1+s24+$0x0], $0xffff;
	v33 =	vadd.f32 $0.0e+00, v33  }
0xfe: {  	v17 =	vadd.f32 v18, v17;
	v18 =	vld.idx.msk [tilespmem:v15+s26+$0x0], $0xffff  }
0xff: {  	v51 =	vld.idx.msk [tilespmem:v15+s28+$0x0], $0xffff;
	v33 =	vadd.f32 v34, v33  }
0x100: {  	v17 =	vadd.f32 v19, v17;
	v19 =	vld.idx.msk [tilespmem:v14+s26+$0x0], $0xffff  }
0x101: {  	v60 =	vadd.f32 $0.0e+00, v49;
	v61 =	vld.idx.msk [tilespmem:v14+s28+$0x0], $0xffff;
	v33 =	vadd.f32 v35, v33  }
0x102: {  	v62 =	vld.idx.msk [tilespmem:v13+s26+$0x0], $0xffff;
	v50 =	vadd.f32 $0.0e+00, v50;
	v17 =	vadd.f32 v20, v17  }
0x103: {  	v63 =	vld.idx.msk [tilespmem:v13+s28+$0x0], $0xffff;
	v33 =	vadd.f32 v36, v33;
	v18 =	vadd.f32 v18, v60  }
0x104: {  	v50 =	vadd.f32 v51, v50;
	v51 =	vld.idx.msk [tilespmem:v12+s26+$0x0], $0xffff;
	v17 =	vadd.f32 v21, v17  }
0x105: {  	v33 =	vadd.f32 v37, v33;
	v18 =	vadd.f32 v19, v18;
	v19 =	vld.idx.msk [tilespmem:v12+s28+$0x0], $0xffff  }
0x106: {  	v52 =	vld.idx.msk [tilespmem:v11+s26+$0x0], $0xffff;
	v21 =	vadd.f32 v61, v50  }
0x107: {  	v53 =	vld.idx.msk [tilespmem:v11+s28+$0x0], $0xffff;
	v17 =	vadd.f32 v22, v17;
	v33 =	vadd.f32 v38, v33  }
0x108: {  	v54 =	vld.idx.msk [tilespmem:v10+s26+$0x0], $0xffff;
	v21 =	vadd.f32 v63, v21;
	v18 =	vadd.f32 v62, v18  }
0x109: {  	v55 =	vld.idx.msk [tilespmem:v10+s28+$0x0], $0xffff;
	v17 =	vadd.f32 v23, v17;
	v57 =	vadd.f32 v39, v33  }
0x10a: {  	v56 =	vld.idx.msk [tilespmem:v9+s26+$0x0], $0xffff;
	v18 =	vadd.f32 v51, v18;
	v19 =	vadd.f32 v19, v21  }
0x10b: {  	v58 =	vld.idx.msk [tilespmem:v9+s28+$0x0], $0xffff;
	v17 =	vadd.f32 v24, v17;
	v24 =	vadd.f32 v40, v57  }
0x10c: {  	v59 =	vld.idx.msk [tilespmem:v8+s26+$0x0], $0xffff;
	v18 =	vadd.f32 v52, v18;
	v19 =	vadd.f32 v53, v19  }
0x10d: {  	v60 =	vld.idx.msk [tilespmem:v8+s28+$0x0], $0xffff;
	v17 =	vadd.f32 v25, v17;
	v24 =	vadd.f32 v41, v24  }
0x10e: {  	v61 =	vld.idx.msk [tilespmem:v7+s26+$0x0], $0xffff;
	v18 =	vadd.f32 v54, v18;
	v19 =	vadd.f32 v55, v19  }
0x10f: {  	v62 =	vld.idx.msk [tilespmem:v7+s28+$0x0], $0xffff;
	v17 =	vadd.f32 v26, v17;
	v33 =	vadd.f32 v42, v24  }
0x110: {  	v34 =	vld.idx.msk [tilespmem:v6+s28+$0x0], $0xffff;
	v18 =	vadd.f32 v56, v18;
	v19 =	vadd.f32 v58, v19  }
0x111: {  	v63 =	vld.idx.msk [tilespmem:v6+s26+$0x0], $0xffff;
	v17 =	vadd.f32 v27, v17;
	v22 =	vadd.f32 v43, v33  }
0x112: {  	v35 =	vld.idx.msk [tilespmem:v5+s26+$0x0], $0xffff;
	v18 =	vadd.f32 v59, v18;
	v19 =	vadd.f32 v60, v19  }
0x113: {  	v36 =	vld.idx.msk [tilespmem:v5+s28+$0x0], $0xffff;
	v17 =	vadd.f32 v28, v17;
	v38 =	vadd.f32 v44, v22  }
0x114: {  	v37 =	vld.idx.msk [tilespmem:v4+s26+$0x0], $0xffff;
	v18 =	vadd.f32 v61, v18;
	v19 =	vadd.f32 v62, v19  }
0x115: {  	v39 =	vld.idx.msk [tilespmem:v4+s28+$0x0], $0xffff;
	v17 =	vadd.f32 v29, v17;
	v41 =	vadd.f32 v45, v38  }
0x116: {  	v40 =	vld.idx.msk [tilespmem:v3+s26+$0x0], $0xffff;
	v18 =	vadd.f32 v63, v18;
	v19 =	vadd.f32 v34, v19  }
0x117: {  	v42 =	vld.idx.msk [tilespmem:v3+s28+$0x0], $0xffff;
	v17 =	vadd.f32 v30, v17;
	v20 =	vadd.f32 v46, v41  }
0x118: {  	v18 =	vadd.f32 v35, v18;
	v19 =	vadd.f32 v36, v19  }
0x119: {  	v43 =	vld.idx.msk [tilespmem:v2+s26+$0x0], $0xffff;
	v17 =	vadd.f32 v31, v17;
	v20 =	vadd.f32 v47, v20  }
0x11a: {  	v44 =	vld.idx.msk [tilespmem:v2+s28+$0x0], $0xffff;
	v18 =	vadd.f32 v37, v18;
	v19 =	vadd.f32 v39, v19  }
0x11b: {  	v45 =	vld.idx.msk [tilespmem:v1+s26+$0x0], $0xffff;
	v17 =	vadd.f32 v32, v17;
	v20 =	vadd.f32 v48, v20  }
0x11c: {  	v46 =	vld.idx.msk [tilespmem:v1+s28+$0x0], $0xffff;
	v18 =	vadd.f32 v40, v18;
	v19 =	vadd.f32 v42, v19  }
0x11d: {  	v47 =	vshra.s32 v17, $0x1;
	v26 =	vmul.f32 $5.000000000e-01, v17;
	v49 =	vshra.s32 v20, $0x1  }
0x11e: {  	v25 =	vmul.f32 $5.000000000e-01, v20;
	v18 =	vadd.f32 v43, v18;
	v21 =	vsub.s32 $0x5F3759DF, v47  }
0x11f: {  	v51 =	vsub.s32 $0x5F3759DF, v49;
	v19 =	vadd.f32 v44, v19;
	v48 =	vmul.f32 v21, v26  }
0x120: {  	v24 =	vmul.f32 v51, v25;
	v18 =	vadd.f32 v45, v18  }
0x121: {  	v19 =	vadd.f32 v46, v19;
	v50 =	vmul.f32 v21, v48  }
0x122: {  	v24 =	vmul.f32 v51, v24;
	v52 =	vshra.s32 v18, $0x1;
	v28 =	vmul.f32 $5.000000000e-01, v18  }
0x123: {  	v27 =	vsub.s32 $0x5F3759DF, v52;
	v53 =	vshra.s32 v19, $0x1;
	v30 =	vmul.f32 $5.000000000e-01, v19  }
0x124: {  	v22 =	vsub.f32 $1.500000000e+00, v50;
	v54 =	vmul.f32 v27, v28;
	v29 =	vsub.s32 $0x5F3759DF, v53  }
0x125: {  	v24 =	vsub.f32 $1.500000000e+00, v24;
	v55 =	vmul.f32 v29, v30  }
0x126: {  	v56 =	vld.idx.msk [tilespmem:v0+s25+$0x0], $0xffff;
	v21 =	vmul.f32 v21, v22;
	v31 =	vmul.f32 v27, v54  }
0x127: {  	v23 =	vmul.f32 v51, v24;
	v58 =	vmul.f32 v29, v55  }
0x128: {  	v57 =	vld.idx.msk [tilespmem:v15+s25+$0x0], $0xffff;
	v62 =	vmul.f32 v21, v26;
	v60 =	vsub.f32 $1.500000000e+00, v31  }
0x129: {  	v59 =	vld.idx.msk [tilespmem:v14+s25+$0x0], $0xffff;
	v43 =	vmul.f32 v23, v25;
	v22 =	vsub.f32 $1.500000000e+00, v58  }
0x12a: {  	v61 =	vld.idx.msk [tilespmem:v13+s25+$0x0], $0xffff;
	v35 =	vmul.f32 v62, v21;
	v24 =	vmul.f32 v27, v60  }
0x12b: {  	v33 =	vadd.f32 $0.0e+00, v56;
	v56 =	vld.idx.msk [tilespmem:v5+s25+$0x0], $0xffff;
	v37 =	vmul.f32 v43, v23;
	v22 =	vmul.f32 v29, v22  }
0x12c: {  	v49 =	vld.idx.msk [tilespmem:v0+s29+$0x0], $0xffff;
	v35 =	vsub.f32 $1.500000000e+00, v35;
	v46 =	vmul.f32 v24, v28  }
0x12d: {  	v63 =	vld.idx.msk [tilespmem:v12+s25+$0x0], $0xffff;
	v37 =	vsub.f32 $1.500000000e+00, v37;
	v48 =	vmul.f32 v22, v30  }
0x12e: {  	v33 =	vadd.f32 v57, v33;
	v50 =	vld.idx.msk [tilespmem:v15+s29+$0x0], $0xffff;
	v21 =	vmul.f32 v35, v21;
	v38 =	vmul.f32 v46, v24  }
0x12f: {  	v57 =	vld.idx.msk [tilespmem:v12+s29+$0x0], $0xffff;
	v23 =	vmul.f32 v37, v23;
	v40 =	vmul.f32 v48, v22  }
0x130: {  	v32 =	vadd.f32 v59, v33;
	v53 =	vld.idx.msk [tilespmem:v14+s29+$0x0], $0xffff;
	v26 =	vmul.f32 v21, v26;
	v51 =	vsub.f32 $1.500000000e+00, v38  }
0x131: {  	v44 =	vld.idx.msk [tilespmem:v11+s25+$0x0], $0xffff;
	v54 =	vadd.f32 $0.0e+00, v49;
	v25 =	vmul.f32 v23, v25;
	v40 =	vsub.f32 $1.500000000e+00, v40  }
0x132: {  	v55 =	vld.idx.msk [tilespmem:v13+s29+$0x0], $0xffff;
	v31 =	vadd.f32 v61, v32;
	v26 =	vmul.f32 v26, v21;
	v24 =	vmul.f32 v51, v24  }
0x133: {  	v45 =	vld.idx.msk [tilespmem:v10+s25+$0x0], $0xffff;
	v34 =	vadd.f32 v50, v54;
	v25 =	vmul.f32 v25, v23;
	v22 =	vmul.f32 v40, v22  }
0x134: {  	v41 =	vld.idx.msk [tilespmem:v9+s29+$0x0], $0xffff;
	v31 =	vadd.f32 v63, v31;
	v26 =	vsub.f32 $1.500000000e+00, v26;
	v28 =	vmul.f32 v24, v28  }
0x135: {  	v47 =	vld.idx.msk [tilespmem:v9+s25+$0x0], $0xffff;
	v33 =	vadd.f32 v53, v34;
	v25 =	vsub.f32 $1.500000000e+00, v25;
	v30 =	vmul.f32 v22, v30  }
0x136: {  	v52 =	vld.idx.msk [tilespmem:v7+s25+$0x0], $0xffff;
	v27 =	vadd.f32 v44, v31;
	v21 =	vmul.f32 v26, v21;
	v28 =	vmul.f32 v28, v24  }
0x137: {  	v58 =	vld.idx.msk [tilespmem:v11+s29+$0x0], $0xffff;
	v32 =	vadd.f32 v55, v33;
	v23 =	vmul.f32 v25, v23;
	v30 =	vmul.f32 v30, v22  }
0x138: {  	v35 =	vld.idx.msk [tilespmem:v8+s25+$0x0], $0xffff;
	v27 =	vadd.f32 v45, v27;
	v21 =	vmul.f32 v21, v17;
	v59 =	vsub.f32 $1.500000000e+00, v28  }
0x139: {  	v63 =	vld.idx.msk [tilespmem:v10+s29+$0x0], $0xffff;
	v32 =	vadd.f32 v57, v32;
	v23 =	vmul.f32 v23, v20;
	v30 =	vsub.f32 $1.500000000e+00, v30  }
0x13a: {  	v49 =	vld.idx.msk [tilespmem:v5+s29+$0x0], $0xffff;
	v27 =	vadd.f32 v47, v27;
	v21 =	vmax.f32 v21, $9.999999960e-13;
	v24 =	vmul.f32 v59, v24  }
0x13b: {  	v61 =	vld.idx.msk [tilespmem:v2+s25+$0x0], $0xffff;
	v23 =	vmax.f32 v23, $9.999999960e-13;
	v36 =	vmul.f32 v21, v21;
	v22 =	vmul.f32 v30, v22  }
0x13c: {  	v50 =	vld.idx.msk [tilespmem:v4+s29+$0x0], $0xffff;
	v31 =	vadd.f32 v58, v32;
	v42 =	vmul.f32 v23, v23;
	v24 =	vmul.f32 v24, v18  }
0x13d: {  	v43 =	vld.idx.msk [tilespmem:v8+s29+$0x0], $0xffff;
	v27 =	vadd.f32 v35, v27;
	v21 =	vmul.f32 v23, v21;
	v22 =	vmul.f32 v22, v19  }
0x13e: {  	v37 =	vld.idx.msk [tilespmem:v6+s25+$0x0], $0xffff;
	v30 =	vadd.f32 v63, v31;
	(erf) = vrcp.f32 v36;
	v44 =	vmax.f32 v24, $9.999999960e-13  }
0x13f: {  	v45 =	vld.idx.msk [tilespmem:v7+s29+$0x0], $0xffff;
	(erf) = vrcp.f32 v42;
	v22 =	vmax.f32 v22, $9.999999960e-13;
	v46 =	vmul.f32 v44, v44  }
0x140: {  	v62 =	vld.idx.msk [tilespmem:v1+s25+$0x0], $0xffff;
	v30 =	vadd.f32 v41, v30;
	(erf) = vrcp.f32 v21;
	v48 =	vmul.f32 v22, v22  }
0x141: {  	v47 =	vld.idx.msk [tilespmem:v6+s29+$0x0], $0xffff;
	v27 =	vadd.f32 v52, v27;
	v22 =	vmul.f32 v22, v44;
	(erf) = vrcp.f32 v46  }
0x142: {  	v26 =	vld.idx.msk [tilespmem:v4+s25+$0x0], $0xffff;
	v30 =	vadd.f32 v43, v30;
	(erf) = vrcp.f32 v48  }
0x143: {  	p0 =	seq.s32 s15, $0xF;
	v60 =	vld.idx.msk [tilespmem:v3+s25+$0x0], $0xffff;
	v27 =	vadd.f32 v37, v27;
	(erf) = vrcp.f32 v22  }
0x144: {  	s1 =	sadd.s32 @!p0 s16, s12;
	v53 =	vld.idx.msk [tilespmem:v1+s29+$0x0], $0xffff;
	v24 =	vadd.f32 v45, v30  }
0x145: {  	s6 =	simm.s32 @!p0 $0x0;
	s4 =	sadd.s32 @!p0 s0, s1;
	v51 =	vld.idx.msk [tilespmem:v3+s29+$0x0], $0xffff;
	v27 =	vadd.f32 v56, v27  }
0x146: {  	v52 =	vld.idx.msk [tilespmem:v2+s29+$0x0], $0xffff;
	[tilespmem:s6], [sflag:$0x1] =	stream.linear.gather @!p0 [hbm4b:s4+s6], $0x1000, $0x38;
	v24 =	vadd.f32 v47, v24  }
0x147: {  	s8 =	simm.s32 @!p0 $0x1000;
	s4 =	sadd.s32 @!p0 s2, s1;
	v26 =	vadd.f32 v26, v27;
	v54 =	vpop (erf)  }
0x148: {  	[tilespmem:s8], [sflag:$0x1] =	stream.linear.gather @!p0 [hbm4b:s4+s6], $0x1000, $0x38;
	v23 =	vadd.f32 v49, v24;
	v55 =	vpop (erf);
	[tilespmem:$0x8980] =	vst v63  }
0x149: {  	s4 =	sadd.s32 @!p0 s3, s1;
	s8 =	simm.s32 @!p0 $0x2000;
	v59 =	vadd.f32 v60, v26;
	v56 =	vpop (erf)  }
0x14a: {  	[tilespmem:s8], [sflag:$0x1] =	stream.linear.gather @!p0 [hbm4b:s4+s6], $0x1000, $0x38;
	v21 =	vadd.f32 v50, v23;
	v57 =	vpop (erf);
	[tilespmem:$0x8980] =	vst v63  }
0x14b: {  	s1 =	sadd.s32 @!p0 s5, s1;
	s4 =	simm.s32 @!p0 $0x3000;
	v61 =	vadd.f32 v61, v59;
	v58 =	vpop (erf)  }
0x14c: {  	[tilespmem:s4], [sflag:$0x1] =	stream.linear.gather @!p0 [hbm4b:s1+s6], $0x1000, $0x38;
	v21 =	vadd.f32 v51, v21;
	v60 =	vpop (erf);
	[tilespmem:$0x8980] =	vst v63  }
0x14d: {  	v62 =	vadd.f32 v62, v61;
	_ =	swait.ge [sflag:s30], $0x1000  }
0x14e: {  	v17 =	vmul.f32 v54, v17;
	v21 =	vadd.f32 v52, v21;
	[sflag:s30] =	ssyncset.done $0x0  }
0x14f: {  	v20 =	vmul.f32 v55, v20;
	v22 =	vmul.f32 v56, v62;
	[sflag:s30] =	ssyncadd.s32 $0xFFFFF000  }
0x150: {  	v21 =	vadd.f32 v53, v21;
	_ =	swait.ge [sflag:s30], $0x1000  }
0x151: {  	v17 =	vadd.f32 v20, v17;
	v63 =	vadd.f32 v22, v22;
	v18 =	vmul.f32 v57, v18;
	[sflag:s30] =	ssyncset.done $0x0  }
0x152: {  	v19 =	vmul.f32 v58, v19;
	v21 =	vmul.f32 v60, v21;
	[sflag:s30] =	ssyncadd.s32 $0xFFFFF000  }
0x153: {  	v17 =	vsub.f32 v17, v63;
	_ =	swait.ge [sflag:s30], $0x1000  }
0x154: {  	s17 =	simm.s32 $0x80;
	v18 =	vadd.f32 v19, v18;
	v19 =	vadd.f32 v21, v21;
	[sflag:s30] =	ssyncset.done $0x0  }
0x155: {  	s31 =	simm.s32 $0x0;
	s9 =	simm.s32 $0x8491;
	[sflag:s30] =	ssyncadd.s32 $0xFFFFF000  }
0x156: {  	s10 =	simm.s32 $0x8611;
	s11 =	simm.s32 $0x8791;
	v16 =	vadd.f32 v17, v16;
	v17 =	vsub.f32 v18, v19;
	_ =	swait.ge [sflag:s30], $0x1000  }
0x157: {  	s13 =	simm.s32 $0x8000;
	s16 =	simm.s32 $0xFFFFFFFE;
	[sflag:s30] =	ssyncset.done $0x0  }
0x158: {  	s8 =	simm.s32 $0x8300;
	s4 =	simm.s32 $0x8180;
	v16 =	vadd.f32 v17, v16;
	[sflag:s30] =	ssyncadd.s32 $0xFFFFF000  }
.LBB2_5:
0x159: {  	s1 =	sadd.s32 $0xFFFFFF80, s17  }
0x15a: {  	s6 =	sand.u32 $0x800, s31;
	s1 =	sand.u32 $0x300, s1  }
0x15b: {  	s1 =	sor.u32 s1, s6  }
0x15c: {  	v17 =	vld [tilespmem:s1+$0x4000]  }
0x15d: {  	v18 =	vld [tilespmem:s1+$0x5000]  }
0x15e: {  	v19 =	vld [tilespmem:s1+$0x6000]  }
0x15f: {  	v20 =	vld [tilespmem:s1+$0x7000]  }
0x160: {  	v21 =	vld [tilespmem:s1+$0x4010]  }
0x161: {  	v22 =	vld [tilespmem:s1+$0x5010]  }
0x162: {  	v23 =	vld [tilespmem:s1+$0x6010]  }
0x163: {  	v26 =	vld [tilespmem:s1+$0x7010]  }
0x164: {  	v27 =	vld [tilespmem:s1+$0x4020]  }
0x165: {  	v63 =	vld [tilespmem:s1+$0x5020];
	v24 =	vmul.f32 v17, v17;
	v25 =	vmul.f32 v18, v18  }
0x166: {  	v31 =	vld [tilespmem:s1+$0x6020];
	v17 =	vmul.f32 v18, v17;
	v18 =	vmul.f32 v19, v19  }
0x167: {  	v32 =	vld [tilespmem:s1+$0x7020];
	v28 =	vmul.f32 v20, v20;
	v19 =	vmul.f32 v20, v19  }
0x168: {  	v38 =	vld [tilespmem:s1+$0x4030];
	v29 =	vmul.f32 v21, v21;
	v30 =	vmul.f32 v22, v22  }
0x169: {  	v40 =	vld [tilespmem:s1+$0x5030];
	v21 =	vmul.f32 v22, v21;
	v36 =	vmul.f32 v23, v23  }
0x16a: {  	v44 =	vld [tilespmem:s1+$0x6030];
	v37 =	vmul.f32 v26, v26;
	v39 =	vmul.f32 v26, v23  }
0x16b: {  	v46 =	vld [tilespmem:s1+$0x7030];
	v42 =	vmul.f32 v27, v27;
	v43 =	vmul.f32 v63, v63  }
0x16c: {  	v48 =	vld [tilespmem:s1+$0x4040];
	v20 =	vmul.f32 v63, v27;
	v45 =	vmul.f32 v31, v31  }
0x16d: {  	v50 =	vld [tilespmem:s1+$0x5040];
	v47 =	vmul.f32 v32, v32;
	v49 =	vmul.f32 v32, v31  }
0x16e: {  	v53 =	vld [tilespmem:s1+$0x6040];
	v51 =	vmul.f32 v38, v38;
	v52 =	vmul.f32 v40, v40  }
0x16f: {  	v58 =	vld [tilespmem:s1+$0x4050];
	v54 =	vmul.f32 v40, v38;
	v55 =	vmul.f32 v44, v44  }
0x170: {  	v60 =	vld [tilespmem:s1+$0x5050];
	v57 =	vmul.f32 v46, v46;
	v59 =	vmul.f32 v46, v44  }
0x171: {  	v56 =	vld [tilespmem:s1+$0x7040];
	v61 =	vmul.f32 v48, v48;
	v17 =	vadd.f32 $0.0e+00, v17;
	v19 =	vadd.f32 $0.0e+00, v19  }
0x172: {  	v62 =	vmul.f32 v50, v50;
	v63 =	vld [tilespmem:s1+$0x6050];
	v24 =	vadd.f32 v29, v24;
	v25 =	vadd.f32 v30, v25  }
0x173: {  	v34 =	vmul.f32 v50, v48;
	v38 =	vld [tilespmem:s1+$0x4060];
	v18 =	vadd.f32 v36, v18;
	v41 =	vadd.f32 v37, v28  }
0x174: {  	v35 =	vmul.f32 v53, v53;
	v40 =	vld [tilespmem:s1+$0x5060];
	v17 =	vadd.f32 v21, v17;
	v19 =	vadd.f32 v39, v19  }
0x175: {  	v44 =	vmul.f32 v60, v58;
	v46 =	vld [tilespmem:s1+$0x7060];
	v24 =	vadd.f32 v42, v24;
	v25 =	vadd.f32 v43, v25  }
0x176: {  	v36 =	vld [tilespmem:s1+$0x7050];
	v37 =	vmul.f32 v56, v56;
	v18 =	vadd.f32 v45, v18;
	v23 =	vadd.f32 v47, v41  }
0x177: {  	v48 =	vld [tilespmem:s1+$0x4070];
	v39 =	vmul.f32 v56, v53;
	v41 =	vmul.f32 v58, v58;
	v17 =	vadd.f32 v20, v17  }
0x178: {  	v50 =	vld [tilespmem:s1+$0x5070];
	v42 =	vmul.f32 v60, v60;
	v19 =	vadd.f32 v49, v19;
	v24 =	vadd.f32 v51, v24  }
0x179: {  	v43 =	vld [tilespmem:s1+$0x6060];
	v45 =	vmul.f32 v63, v63;
	v25 =	vadd.f32 v52, v25;
	v18 =	vadd.f32 v55, v18  }
0x17a: {  	v53 =	vld [tilespmem:s1+$0x6070];
	v23 =	vadd.f32 v57, v23;
	v51 =	vmul.f32 v38, v38;
	v52 =	vmul.f32 v40, v40  }
0x17b: {  	v56 =	vld [tilespmem:s1+$0x7070];
	v57 =	vmul.f32 v46, v46;
	v47 =	vmul.f32 v36, v36;
	v17 =	vadd.f32 v54, v17  }
0x17c: {  	v58 =	vld [tilespmem:s1+$0x4400];
	v49 =	vmul.f32 v36, v63;
	v19 =	vadd.f32 v59, v19;
	v24 =	vadd.f32 v61, v24  }
0x17d: {  	v60 =	vld [tilespmem:s1+$0x5400];
	v25 =	vadd.f32 v62, v25;
	v18 =	vadd.f32 v35, v18;
	v54 =	vmul.f32 v40, v38  }
0x17e: {  	v63 =	vld [tilespmem:s1+$0x6400];
	v23 =	vadd.f32 v37, v23;
	v61 =	vmul.f32 v48, v48;
	v62 =	vmul.f32 v50, v50  }
0x17f: {  	v36 =	vld [tilespmem:s1+$0x7400];
	v55 =	vmul.f32 v43, v43;
	v59 =	vmul.f32 v46, v43;
	v17 =	vadd.f32 v34, v17  }
0x180: {  	v38 =	vld [tilespmem:s1+$0x4410];
	v35 =	vmul.f32 v53, v53;
	v19 =	vadd.f32 v39, v19;
	v24 =	vadd.f32 v41, v24  }
0x181: {  	v40 =	vld [tilespmem:s1+$0x5410];
	v37 =	vmul.f32 v56, v56;
	v25 =	vadd.f32 v42, v25;
	v18 =	vadd.f32 v45, v18  }
0x182: {  	v43 =	vld [tilespmem:s1+$0x6410];
	v23 =	vadd.f32 v47, v23;
	v34 =	vmul.f32 v50, v48;
	v39 =	vmul.f32 v56, v53  }
0x183: {  	v46 =	vld [tilespmem:s1+$0x7410];
	v41 =	vmul.f32 v58, v58;
	v17 =	vadd.f32 v44, v17;
	v19 =	vadd.f32 v49, v19  }
0x184: {  	v42 =	vmul.f32 v60, v60;
	v48 =	vld [tilespmem:s1+$0x4420];
	v24 =	vadd.f32 v51, v24;
	v25 =	vadd.f32 v52, v25  }
0x185: {  	v50 =	vld [tilespmem:s1+$0x5420];
	v18 =	vadd.f32 v55, v18;
	v44 =	vmul.f32 v60, v58;
	v45 =	vmul.f32 v63, v63  }
0x186: {  	v53 =	vld [tilespmem:s1+$0x6420];
	v23 =	vadd.f32 v57, v23;
	v47 =	vmul.f32 v36, v36;
	v49 =	vmul.f32 v36, v63  }
0x187: {  	v56 =	vld [tilespmem:s1+$0x7420];
	v51 =	vmul.f32 v38, v38;
	v52 =	vmul.f32 v40, v40;
	v17 =	vadd.f32 v54, v17  }
0x188: {  	v58 =	vld [tilespmem:s1+$0x4430];
	v19 =	vadd.f32 v59, v19;
	v24 =	vadd.f32 v61, v24;
	v54 =	vmul.f32 v40, v38  }
0x189: {  	v60 =	vld [tilespmem:s1+$0x5430];
	v25 =	vadd.f32 v62, v25;
	v55 =	vmul.f32 v43, v43;
	v57 =	vmul.f32 v46, v46  }
0x18a: {  	v63 =	vld [tilespmem:s1+$0x6430];
	v18 =	vadd.f32 v35, v18;
	v59 =	vmul.f32 v46, v43;
	v61 =	vmul.f32 v48, v48  }
0x18b: {  	v36 =	vld [tilespmem:s1+$0x7430];
	v23 =	vadd.f32 v37, v23;
	v62 =	vmul.f32 v50, v50;
	v35 =	vmul.f32 v53, v53  }
0x18c: {  	v38 =	vld [tilespmem:s1+$0x4440];
	v37 =	vmul.f32 v56, v56;
	v17 =	vadd.f32 v34, v17;
	v19 =	vadd.f32 v39, v19  }
0x18d: {  	v40 =	vld [tilespmem:s1+$0x5440];
	v24 =	vadd.f32 v41, v24;
	v25 =	vadd.f32 v42, v25;
	v34 =	vmul.f32 v50, v48  }
0x18e: {  	v43 =	vld [tilespmem:s1+$0x6440];
	v18 =	vadd.f32 v45, v18;
	v39 =	vmul.f32 v56, v53;
	v41 =	vmul.f32 v58, v58  }
0x18f: {  	v46 =	vld [tilespmem:s1+$0x7440];
	v23 =	vadd.f32 v47, v23;
	v42 =	vmul.f32 v60, v60;
	v45 =	vmul.f32 v63, v63  }
0x190: {  	v47 =	vmul.f32 v36, v36;
	v17 =	vadd.f32 v44, v17;
	v19 =	vadd.f32 v49, v19  }
0x191: {  	v48 =	vld [tilespmem:s1+$0x4450];
	v24 =	vadd.f32 v51, v24;
	v25 =	vadd.f32 v52, v25;
	v44 =	vmul.f32 v60, v58  }
0x192: {  	v50 =	vld [tilespmem:s1+$0x5450];
	v18 =	vadd.f32 v55, v18;
	v49 =	vmul.f32 v36, v63;
	v51 =	vmul.f32 v38, v38  }
0x193: {  	v56 =	vld [tilespmem:s1+$0x7450];
	v23 =	vadd.f32 v57, v23;
	v52 =	vmul.f32 v40, v40;
	v55 =	vmul.f32 v43, v43  }
0x194: {  	v53 =	vld [tilespmem:s1+$0x6450];
	v57 =	vmul.f32 v46, v46;
	v17 =	vadd.f32 v54, v17;
	v19 =	vadd.f32 v59, v19  }
0x195: {  	v24 =	vadd.f32 v61, v24;
	v25 =	vadd.f32 v62, v25;
	v54 =	vmul.f32 v40, v38  }
0x196: {  	v58 =	vld [tilespmem:s1+$0x4460];
	v18 =	vadd.f32 v35, v18;
	v59 =	vmul.f32 v46, v43;
	v61 =	vmul.f32 v48, v48  }
0x197: {  	v60 =	vld [tilespmem:s1+$0x5460];
	v23 =	vadd.f32 v37, v23;
	v62 =	vmul.f32 v50, v50;
	v33 =	vmul.f32 v50, v48  }
0x198: {  	v36 =	vmul.f32 v56, v56;
	v17 =	vadd.f32 v34, v17;
	v19 =	vadd.f32 v39, v19  }
0x199: {  	v63 =	vld [tilespmem:s1+$0x6460];
	v38 =	vmul.f32 v56, v53;
	v24 =	vadd.f32 v41, v24;
	v25 =	vadd.f32 v42, v25  }
0x19a: {  	v35 =	vld [tilespmem:s1+$0x4470];
	v18 =	vadd.f32 v45, v18;
	v23 =	vadd.f32 v47, v23;
	v34 =	vmul.f32 v53, v53  }
0x19b: {  	v37 =	vld [tilespmem:s1+$0x5470];
	v40 =	vmul.f32 v58, v58;
	v17 =	vadd.f32 v44, v17;
	v19 =	vadd.f32 v49, v19  }
0x19c: {  	v41 =	vmul.f32 v60, v60;
	v24 =	vadd.f32 v51, v24;
	v25 =	vadd.f32 v52, v25  }
0x19d: {  	v39 =	vld [tilespmem:s1+$0x7460];
	v43 =	vmul.f32 v60, v58;
	v18 =	vadd.f32 v55, v18;
	v23 =	vadd.f32 v57, v23  }
0x19e: {  	v44 =	vmul.f32 v63, v63;
	v17 =	vadd.f32 v54, v17;
	v19 =	vadd.f32 v59, v19  }
0x19f: {  	v42 =	vld [tilespmem:s1+$0x6470];
	v46 =	vmul.f32 v35, v35;
	v24 =	vadd.f32 v61, v24;
	v25 =	vadd.f32 v62, v25  }
0x1a0: {  	v45 =	vld [tilespmem:s1+$0x7470];
	v47 =	vmul.f32 v37, v37;
	v18 =	vadd.f32 v34, v18;
	v23 =	vadd.f32 v36, v23  }
0x1a1: {  	v49 =	vmul.f32 v37, v35;
	v17 =	vadd.f32 v33, v17;
	v24 =	vadd.f32 v40, v24  }
0x1a2: {  	v48 =	vmul.f32 v39, v39;
	v19 =	vadd.f32 v38, v19;
	v25 =	vadd.f32 v41, v25  }
0x1a3: {  	v22 =	vmul.f32 v39, v63;
	v17 =	vadd.f32 v43, v17;
	v24 =	vadd.f32 v46, v24  }
0x1a4: {  	v50 =	vmul.f32 v42, v42;
	v18 =	vadd.f32 v44, v18;
	v20 =	vadd.f32 v47, v25  }
0x1a5: {  	v51 =	vmul.f32 v45, v45;
	v21 =	vadd.f32 v48, v23;
	v17 =	vadd.f32 v49, v17;
	[tilespmem:s13+$0x0] =	vst v24  }
0x1a6: {  	v52 =	vmul.f32 v45, v42;
	v19 =	vadd.f32 v22, v19;
	v18 =	vadd.f32 v50, v18;
	[tilespmem:s4+$0x0] =	vst v20  }
0x1a7: {  	v53 =	vadd.f32 v51, v21;
	[tilespmem:s8+$0x0] =	vst v17  }
0x1a8: {  	v17 =	vadd.f32 v52, v19;
	[tilespmem:s9+$0xFFFFFFEF] =	vst v18  }
0x1a9: {  	s14 =	sand.u32 $0x380, s17;
	[tilespmem:s10+$0xFFFFFFEF] =	vst v53  }
0x1aa: {  	s1 =	sor.u32 s6, s14;
	[tilespmem:s11+$0xFFFFFFEF] =	vst v17  }
0x1ab: {  	v17 =	vld [tilespmem:s1+$0x4000]  }
0x1ac: {  	v18 =	vld [tilespmem:s1+$0x5000]  }
0x1ad: {  	v19 =	vld [tilespmem:s1+$0x6000]  }
0x1ae: {  	v20 =	vld [tilespmem:s1+$0x7000]  }
0x1af: {  	v54 =	vld [tilespmem:s1+$0x4010]  }
0x1b0: {  	v55 =	vld [tilespmem:s1+$0x5010]  }
0x1b1: {  	v56 =	vld [tilespmem:s1+$0x6010]  }
0x1b2: {  	v59 =	vld [tilespmem:s1+$0x7010]  }
0x1b3: {  	v60 =	vld [tilespmem:s1+$0x4020]  }
0x1b4: {  	v62 =	vld [tilespmem:s1+$0x5020]  }
0x1b5: {  	v37 =	vld [tilespmem:s1+$0x6020];
	v57 =	vmul.f32 v17, v17  }
0x1b6: {  	v39 =	vld [tilespmem:s1+$0x7020];
	v58 =	vmul.f32 v18, v18;
	v17 =	vmul.f32 v18, v17  }
0x1b7: {  	v41 =	vld [tilespmem:s1+$0x4030];
	v18 =	vmul.f32 v19, v19;
	v61 =	vmul.f32 v20, v20  }
0x1b8: {  	v43 =	vld [tilespmem:s1+$0x5030];
	v19 =	vmul.f32 v20, v19;
	v63 =	vmul.f32 v54, v54  }
0x1b9: {  	v47 =	vld [tilespmem:s1+$0x6030];
	v36 =	vmul.f32 v55, v55;
	v21 =	vmul.f32 v55, v54  }
0x1ba: {  	v49 =	vld [tilespmem:s1+$0x7030];
	v38 =	vmul.f32 v56, v56;
	v40 =	vmul.f32 v59, v59  }
0x1bb: {  	v51 =	vld [tilespmem:s1+$0x4040];
	v42 =	vmul.f32 v59, v56;
	v45 =	vmul.f32 v60, v60  }
0x1bc: {  	v53 =	vld [tilespmem:s1+$0x5040];
	v46 =	vmul.f32 v62, v62;
	v20 =	vmul.f32 v62, v60  }
0x1bd: {  	v48 =	vmul.f32 v37, v37;
	v50 =	vmul.f32 v39, v39  }
0x1be: {  	v52 =	vmul.f32 v39, v37;
	v54 =	vmul.f32 v41, v41;
	v56 =	vld [tilespmem:s1+$0x6040]  }
0x1bf: {  	v55 =	vmul.f32 v43, v43;
	v59 =	vld [tilespmem:s1+$0x7040];
	v60 =	vmul.f32 v49, v49  }
0x1c0: {  	v62 =	vmul.f32 v49, v47;
	v34 =	vmul.f32 v51, v51;
	v39 =	vld [tilespmem:s1+$0x7050];
	v17 =	vadd.f32 $0.0e+00, v17  }
0x1c1: {  	v35 =	vmul.f32 v53, v53;
	v49 =	vld [tilespmem:s1+$0x7060];
	v19 =	vadd.f32 $0.0e+00, v19;
	v24 =	vadd.f32 v63, v57  }
0x1c2: {  	v37 =	vmul.f32 v53, v51;
	v25 =	vadd.f32 v36, v58;
	v44 =	vadd.f32 v40, v61;
	v61 =	vld [tilespmem:s1+$0x4050]  }
0x1c3: {  	v18 =	vadd.f32 v38, v18;
	v57 =	vmul.f32 v43, v41;
	v63 =	vld [tilespmem:s1+$0x5050];
	v17 =	vadd.f32 v21, v17  }
0x1c4: {  	v58 =	vmul.f32 v47, v47;
	v36 =	vld [tilespmem:s1+$0x6050];
	v19 =	vadd.f32 v42, v19;
	v24 =	vadd.f32 v45, v24  }
0x1c5: {  	v41 =	vld [tilespmem:s1+$0x4060];
	v25 =	vadd.f32 v46, v25;
	v18 =	vadd.f32 v48, v18;
	v38 =	vmul.f32 v56, v56  }
0x1c6: {  	v43 =	vld [tilespmem:s1+$0x5060];
	v23 =	vadd.f32 v50, v44;
	v40 =	vmul.f32 v59, v59;
	v42 =	vmul.f32 v59, v56  }
0x1c7: {  	v51 =	vld [tilespmem:s1+$0x4070];
	v50 =	vmul.f32 v39, v39;
	v17 =	vadd.f32 v20, v17;
	v19 =	vadd.f32 v52, v19  }
0x1c8: {  	v53 =	vld [tilespmem:s1+$0x5070];
	v23 =	vadd.f32 v60, v23;
	v60 =	vmul.f32 v49, v49;
	v44 =	vmul.f32 v61, v61  }
0x1c9: {  	v24 =	vadd.f32 v54, v24;
	v45 =	vmul.f32 v63, v63;
	v47 =	vmul.f32 v63, v61  }
0x1ca: {  	v46 =	vld [tilespmem:s1+$0x6060];
	v25 =	vadd.f32 v55, v25;
	v48 =	vmul.f32 v36, v36;
	v52 =	vmul.f32 v39, v36  }
0x1cb: {  	v18 =	vadd.f32 v58, v18;
	v54 =	vmul.f32 v41, v41;
	v55 =	vmul.f32 v43, v43  }
0x1cc: {  	v56 =	vld [tilespmem:s1+$0x6070];
	v36 =	vmul.f32 v51, v51;
	v17 =	vadd.f32 v57, v17;
	v19 =	vadd.f32 v62, v19  }
0x1cd: {  	v59 =	vld [tilespmem:s1+$0x7070];
	v39 =	vmul.f32 v53, v51;
	v24 =	vadd.f32 v34, v24;
	v25 =	vadd.f32 v35, v25  }
0x1ce: {  	v61 =	vld [tilespmem:s1+$0x4400];
	v18 =	vadd.f32 v38, v18;
	v23 =	vadd.f32 v40, v23;
	v57 =	vmul.f32 v43, v41  }
0x1cf: {  	v63 =	vld [tilespmem:s1+$0x5400];
	v58 =	vmul.f32 v46, v46;
	v17 =	vadd.f32 v37, v17;
	v19 =	vadd.f32 v42, v19  }
0x1d0: {  	v38 =	vld [tilespmem:s1+$0x6400];
	v62 =	vmul.f32 v49, v46;
	v24 =	vadd.f32 v44, v24;
	v25 =	vadd.f32 v45, v25  }
0x1d1: {  	v41 =	vld [tilespmem:s1+$0x7400];
	v18 =	vadd.f32 v48, v18;
	v23 =	vadd.f32 v50, v23;
	v37 =	vmul.f32 v53, v53  }
0x1d2: {  	v51 =	vld [tilespmem:s1+$0x7410];
	v40 =	vmul.f32 v56, v56;
	v42 =	vmul.f32 v59, v59;
	v17 =	vadd.f32 v47, v17  }
0x1d3: {  	v43 =	vld [tilespmem:s1+$0x4410];
	v44 =	vmul.f32 v59, v56;
	v19 =	vadd.f32 v52, v19;
	v24 =	vadd.f32 v54, v24  }
0x1d4: {  	v45 =	vld [tilespmem:s1+$0x5410];
	v25 =	vadd.f32 v55, v25;
	v18 =	vadd.f32 v58, v18;
	v46 =	vmul.f32 v61, v61  }
0x1d5: {  	v48 =	vld [tilespmem:s1+$0x6410];
	v23 =	vadd.f32 v60, v23;
	v47 =	vmul.f32 v63, v63;
	v49 =	vmul.f32 v63, v61  }
0x1d6: {  	v53 =	vld [tilespmem:s1+$0x4420];
	v50 =	vmul.f32 v38, v38;
	v52 =	vmul.f32 v41, v41;
	v17 =	vadd.f32 v57, v17  }
0x1d7: {  	v55 =	vld [tilespmem:s1+$0x5420];
	v54 =	vmul.f32 v41, v38;
	v19 =	vadd.f32 v62, v19;
	v24 =	vadd.f32 v36, v24  }
0x1d8: {  	v58 =	vld [tilespmem:s1+$0x6420];
	v56 =	vmul.f32 v43, v43;
	v25 =	vadd.f32 v37, v25;
	v18 =	vadd.f32 v40, v18  }
0x1d9: {  	v61 =	vld [tilespmem:s1+$0x7420];
	v23 =	vadd.f32 v42, v23;
	v62 =	vmul.f32 v51, v51;
	v57 =	vmul.f32 v45, v45  }
0x1da: {  	v59 =	vmul.f32 v45, v43;
	v60 =	vmul.f32 v48, v48;
	v17 =	vadd.f32 v39, v17  }
0x1db: {  	v63 =	vld [tilespmem:s1+$0x4430];
	v36 =	vmul.f32 v51, v48;
	v19 =	vadd.f32 v44, v19;
	v24 =	vadd.f32 v46, v24  }
0x1dc: {  	v37 =	vld [tilespmem:s1+$0x5430];
	v38 =	vmul.f32 v53, v53;
	v25 =	vadd.f32 v47, v25;
	v18 =	vadd.f32 v50, v18  }
0x1dd: {  	v40 =	vld [tilespmem:s1+$0x6430];
	v23 =	vadd.f32 v52, v23;
	v39 =	vmul.f32 v55, v55;
	v41 =	vmul.f32 v55, v53  }
0x1de: {  	v43 =	vld [tilespmem:s1+$0x7430];
	v42 =	vmul.f32 v58, v58;
	v44 =	vmul.f32 v61, v61;
	v17 =	vadd.f32 v49, v17  }
0x1df: {  	v45 =	vld [tilespmem:s1+$0x4440];
	v46 =	vmul.f32 v61, v58;
	v19 =	vadd.f32 v54, v19;
	v24 =	vadd.f32 v56, v24  }
0x1e0: {  	v47 =	vld [tilespmem:s1+$0x5440];
	v48 =	vmul.f32 v63, v63;
	v25 =	vadd.f32 v57, v25;
	v18 =	vadd.f32 v60, v18  }
0x1e1: {  	v50 =	vld [tilespmem:s1+$0x6440];
	v23 =	vadd.f32 v62, v23;
	v49 =	vmul.f32 v37, v37;
	v17 =	vadd.f32 v59, v17  }
0x1e2: {  	v53 =	vld [tilespmem:s1+$0x7440];
	v51 =	vmul.f32 v37, v63;
	v19 =	vadd.f32 v36, v19;
	v24 =	vadd.f32 v38, v24  }
0x1e3: {  	v55 =	vld [tilespmem:s1+$0x4450];
	v52 =	vmul.f32 v40, v40;
	v25 =	vadd.f32 v39, v25;
	v18 =	vadd.f32 v42, v18  }
0x1e4: {  	v57 =	vld [tilespmem:s1+$0x5450];
	v23 =	vadd.f32 v44, v23;
	v54 =	vmul.f32 v43, v43;
	v56 =	vmul.f32 v43, v40  }
0x1e5: {  	v60 =	vld [tilespmem:s1+$0x6450];
	v58 =	vmul.f32 v45, v45;
	v59 =	vmul.f32 v47, v47;
	v17 =	vadd.f32 v41, v17  }
0x1e6: {  	v63 =	vld [tilespmem:s1+$0x7450];
	v61 =	vmul.f32 v47, v45;
	v19 =	vadd.f32 v46, v19;
	v24 =	vadd.f32 v48, v24  }
0x1e7: {  	v36 =	vld [tilespmem:s1+$0x4460];
	v62 =	vmul.f32 v50, v50;
	v25 =	vadd.f32 v49, v25;
	v18 =	vadd.f32 v52, v18  }
0x1e8: {  	v38 =	vld [tilespmem:s1+$0x5460];
	v23 =	vadd.f32 v54, v23;
	v35 =	vmul.f32 v53, v53;
	v37 =	vmul.f32 v53, v50  }
0x1e9: {  	v44 =	vld [tilespmem:s1+$0x4470];
	v39 =	vmul.f32 v55, v55;
	v40 =	vmul.f32 v57, v57;
	v17 =	vadd.f32 v51, v17  }
0x1ea: {  	v41 =	vld [tilespmem:s1+$0x6460];
	v42 =	vmul.f32 v57, v55;
	v19 =	vadd.f32 v56, v19;
	v24 =	vadd.f32 v58, v24  }
0x1eb: {  	v46 =	vld [tilespmem:s1+$0x5470];
	v43 =	vmul.f32 v60, v60;
	v25 =	vadd.f32 v59, v25;
	v18 =	vadd.f32 v62, v18  }
0x1ec: {  	v23 =	vadd.f32 v35, v23;
	v45 =	vmul.f32 v63, v63;
	v47 =	vmul.f32 v63, v60  }
0x1ed: {  	v48 =	vld [tilespmem:s1+$0x7460];
	v49 =	vmul.f32 v36, v36;
	v50 =	vmul.f32 v38, v38;
	v17 =	vadd.f32 v61, v17  }
0x1ee: {  	v52 =	vmul.f32 v38, v36;
	v19 =	vadd.f32 v37, v19;
	v24 =	vadd.f32 v39, v24  }
0x1ef: {  	v51 =	vld [tilespmem:s1+$0x6470];
	v55 =	vmul.f32 v44, v44;
	v25 =	vadd.f32 v40, v25;
	v18 =	vadd.f32 v43, v18  }
0x1f0: {  	v54 =	vld [tilespmem:s1+$0x7470];
	v23 =	vadd.f32 v45, v23;
	v53 =	vmul.f32 v41, v41;
	v56 =	vmul.f32 v46, v46  }
0x1f1: {  	v58 =	vmul.f32 v46, v44;
	v17 =	vadd.f32 v42, v17;
	v24 =	vadd.f32 v49, v24  }
0x1f2: {  	v59 =	vmul.f32 v48, v48;
	v19 =	vadd.f32 v47, v19;
	v25 =	vadd.f32 v50, v25  }
0x1f3: {  	v22 =	vmul.f32 v48, v41;
	v17 =	vadd.f32 v52, v17;
	v57 =	vadd.f32 v55, v24  }
0x1f4: {  	s16 =	sadd.s32 $0x2, s16;
	v18 =	vadd.f32 v53, v18;
	v60 =	vmul.f32 v51, v51;
	v20 =	vadd.f32 v56, v25  }
0x1f5: {  	p0 =	slt.u32 s16, $0xE;
	v61 =	vmul.f32 v54, v54;
	v23 =	vadd.f32 v59, v23;
	v17 =	vadd.f32 v58, v17;
	[tilespmem:s13+$0x11] =	vst v57  }
.Ltmp1:
0x1f6: {  	v62 =	vmul.f32 v54, v51;
	v19 =	vadd.f32 v22, v19;
	v18 =	vadd.f32 v60, v18;
	[tilespmem:s4+$0x11] =	vst v20;
	(pc) =	sbr.rel @p0 .LBB2_5-.Ltmp1, $4  }
0x1f7: {  	v63 =	vadd.f32 v61, v23;
	[tilespmem:s8+$0x11] =	vst v17  }
0x1f8: {  	s17 =	sadd.s32 $0x100, s17;
	s31 =	sadd.s32 $0x200, s31;
	v17 =	vadd.f32 v62, v19;
	[tilespmem:s9+$0x0] =	vst v18  }
0x1f9: {  	s13 =	sadd.s32 $0x22, s13;
	s4 =	sadd.s32 $0x22, s4;
	s8 =	sadd.s32 $0x22, s8;
	[tilespmem:s10+$0x0] =	vst v63  }
0x1fa: {  	s9 =	sadd.s32 $0x22, s9;
	s10 =	sadd.s32 $0x22, s10;
	[tilespmem:s11+$0x0] =	vst v17;
	s11 =	sadd.s32 $0x22, s11  }
0x1fb: {  	_ =	sdelay $0x3  }
0x1fc: {  	v17 =	vld.idx.msk [tilespmem:v0+s23+$0x0], $0xffff  }
0x1fd: {  	v18 =	vld.idx.msk [tilespmem:v15+s23+$0x0], $0xffff  }
0x1fe: {  	v19 =	vld.idx.msk [tilespmem:v14+s23+$0x0], $0xffff  }
0x1ff: {  	v20 =	vld.idx.msk [tilespmem:v13+s23+$0x0], $0xffff  }
0x200: {  	v21 =	vld.idx.msk [tilespmem:v12+s23+$0x0], $0xffff  }
0x201: {  	v22 =	vld.idx.msk [tilespmem:v11+s23+$0x0], $0xffff  }
0x202: {  	v23 =	vld.idx.msk [tilespmem:v10+s23+$0x0], $0xffff  }
0x203: {  	v24 =	vld.idx.msk [tilespmem:v9+s23+$0x0], $0xffff  }
0x204: {  	v25 =	vld.idx.msk [tilespmem:v8+s23+$0x0], $0xffff  }
0x205: {  	v26 =	vld.idx.msk [tilespmem:v7+s23+$0x0], $0xffff  }
0x206: {  	v27 =	vld.idx.msk [tilespmem:v6+s23+$0x0], $0xffff  }
0x207: {  	v28 =	vld.idx.msk [tilespmem:v5+s23+$0x0], $0xffff  }
0x208: {  	v29 =	vld.idx.msk [tilespmem:v4+s23+$0x0], $0xffff  }
0x209: {  	v30 =	vld.idx.msk [tilespmem:v3+s23+$0x0], $0xffff  }
0x20a: {  	v31 =	vld.idx.msk [tilespmem:v2+s23+$0x0], $0xffff  }
0x20b: {  	v32 =	vld.idx.msk [tilespmem:v1+s23+$0x0], $0xffff  }
0x20c: {  	v33 =	vld.idx.msk [tilespmem:v0+s24+$0x0], $0xffff  }
0x20d: {  	v34 =	vld.idx.msk [tilespmem:v15+s24+$0x0], $0xffff  }
0x20e: {  	v35 =	vld.idx.msk [tilespmem:v14+s24+$0x0], $0xffff  }
0x20f: {  	v36 =	vld.idx.msk [tilespmem:v13+s24+$0x0], $0xffff  }
0x210: {  	v37 =	vld.idx.msk [tilespmem:v12+s24+$0x0], $0xffff  }
0x211: {  	v38 =	vld.idx.msk [tilespmem:v11+s24+$0x0], $0xffff  }
0x212: {  	v39 =	vld.idx.msk [tilespmem:v10+s24+$0x0], $0xffff  }
0x213: {  	v40 =	vld.idx.msk [tilespmem:v9+s24+$0x0], $0xffff  }
0x214: {  	v41 =	vld.idx.msk [tilespmem:v8+s24+$0x0], $0xffff  }
0x215: {  	v42 =	vld.idx.msk [tilespmem:v7+s24+$0x0], $0xffff  }
0x216: {  	v43 =	vld.idx.msk [tilespmem:v6+s24+$0x0], $0xffff  }
0x217: {  	v44 =	vld.idx.msk [tilespmem:v5+s24+$0x0], $0xffff  }
0x218: {  	v45 =	vld.idx.msk [tilespmem:v4+s24+$0x0], $0xffff  }
0x219: {  	v46 =	vld.idx.msk [tilespmem:v3+s24+$0x0], $0xffff  }
0x21a: {  	v47 =	vld.idx.msk [tilespmem:v2+s24+$0x0], $0xffff  }
0x21b: {  	v48 =	vld.idx.msk [tilespmem:v1+s24+$0x0], $0xffff  }
0x21c: {  	v49 =	vld.idx.msk [tilespmem:v0+s26+$0x0], $0xffff;
	v17 =	vadd.f32 $0.0e+00, v17  }
0x21d: {  	v50 =	vld.idx.msk [tilespmem:v0+s28+$0x0], $0xffff  }
0x21e: {  	v17 =	vadd.f32 v18, v17;
	v18 =	vld.idx.msk [tilespmem:v15+s26+$0x0], $0xffff  }
0x21f: {  	v51 =	vld.idx.msk [tilespmem:v15+s28+$0x0], $0xffff;
	v33 =	vadd.f32 $0.0e+00, v33  }
0x220: {  	v17 =	vadd.f32 v19, v17;
	v19 =	vld.idx.msk [tilespmem:v14+s26+$0x0], $0xffff  }
0x221: {  	v60 =	vld.idx.msk [tilespmem:v14+s28+$0x0], $0xffff;
	v59 =	vadd.f32 $0.0e+00, v49;
	v33 =	vadd.f32 v34, v33  }
0x222: {  	v61 =	vld.idx.msk [tilespmem:v13+s26+$0x0], $0xffff;
	v50 =	vadd.f32 $0.0e+00, v50;
	v17 =	vadd.f32 v20, v17  }
0x223: {  	v62 =	vld.idx.msk [tilespmem:v13+s28+$0x0], $0xffff;
	v33 =	vadd.f32 v35, v33;
	v18 =	vadd.f32 v18, v59  }
0x224: {  	v63 =	vadd.f32 v51, v50;
	v50 =	vld.idx.msk [tilespmem:v12+s26+$0x0], $0xffff;
	v17 =	vadd.f32 v21, v17  }
0x225: {  	v33 =	vadd.f32 v36, v33;
	v18 =	vadd.f32 v19, v18;
	v19 =	vld.idx.msk [tilespmem:v12+s28+$0x0], $0xffff  }
0x226: {  	v51 =	vld.idx.msk [tilespmem:v11+s26+$0x0], $0xffff;
	v21 =	vadd.f32 v60, v63;
	v17 =	vadd.f32 v22, v17  }
0x227: {  	v52 =	vld.idx.msk [tilespmem:v11+s28+$0x0], $0xffff;
	v33 =	vadd.f32 v37, v33;
	v18 =	vadd.f32 v61, v18  }
0x228: {  	v53 =	vld.idx.msk [tilespmem:v10+s26+$0x0], $0xffff;
	v21 =	vadd.f32 v62, v21;
	v17 =	vadd.f32 v23, v17  }
0x229: {  	v54 =	vld.idx.msk [tilespmem:v10+s28+$0x0], $0xffff;
	v33 =	vadd.f32 v38, v33;
	v18 =	vadd.f32 v50, v18  }
0x22a: {  	v55 =	vld.idx.msk [tilespmem:v9+s26+$0x0], $0xffff;
	v17 =	vadd.f32 v24, v17;
	v19 =	vadd.f32 v19, v21  }
0x22b: {  	v57 =	vld.idx.msk [tilespmem:v9+s28+$0x0], $0xffff;
	v56 =	vadd.f32 v39, v33;
	v18 =	vadd.f32 v51, v18  }
0x22c: {  	v58 =	vld.idx.msk [tilespmem:v8+s26+$0x0], $0xffff;
	v17 =	vadd.f32 v25, v17;
	v19 =	vadd.f32 v52, v19  }
0x22d: {  	v59 =	vld.idx.msk [tilespmem:v8+s28+$0x0], $0xffff;
	v24 =	vadd.f32 v40, v56;
	v18 =	vadd.f32 v53, v18  }
0x22e: {  	v60 =	vld.idx.msk [tilespmem:v7+s26+$0x0], $0xffff;
	v17 =	vadd.f32 v26, v17;
	v19 =	vadd.f32 v54, v19  }
0x22f: {  	v61 =	vld.idx.msk [tilespmem:v7+s28+$0x0], $0xffff;
	v24 =	vadd.f32 v41, v24;
	v18 =	vadd.f32 v55, v18  }
0x230: {  	v62 =	vld.idx.msk [tilespmem:v6+s26+$0x0], $0xffff;
	v17 =	vadd.f32 v27, v17;
	v19 =	vadd.f32 v57, v19  }
0x231: {  	v63 =	vld.idx.msk [tilespmem:v6+s28+$0x0], $0xffff;
	v24 =	vadd.f32 v42, v24;
	v18 =	vadd.f32 v58, v18  }
0x232: {  	v33 =	vld.idx.msk [tilespmem:v5+s26+$0x0], $0xffff;
	v17 =	vadd.f32 v28, v17;
	v19 =	vadd.f32 v59, v19  }
0x233: {  	v35 =	vld.idx.msk [tilespmem:v5+s28+$0x0], $0xffff;
	v34 =	vadd.f32 v43, v24;
	v18 =	vadd.f32 v60, v18  }
0x234: {  	v36 =	vld.idx.msk [tilespmem:v4+s26+$0x0], $0xffff;
	v17 =	vadd.f32 v29, v17;
	v19 =	vadd.f32 v61, v19  }
0x235: {  	v38 =	vld.idx.msk [tilespmem:v4+s28+$0x0], $0xffff;
	v37 =	vadd.f32 v44, v34;
	v18 =	vadd.f32 v62, v18  }
0x236: {  	v39 =	vld.idx.msk [tilespmem:v3+s26+$0x0], $0xffff;
	v17 =	vadd.f32 v30, v17;
	v19 =	vadd.f32 v63, v19  }
0x237: {  	v41 =	vld.idx.msk [tilespmem:v3+s28+$0x0], $0xffff;
	v40 =	vadd.f32 v45, v37;
	v18 =	vadd.f32 v33, v18  }
0x238: {  	v42 =	vld.idx.msk [tilespmem:v2+s26+$0x0], $0xffff;
	v17 =	vadd.f32 v31, v17;
	v19 =	vadd.f32 v35, v19  }
0x239: {  	v43 =	vld.idx.msk [tilespmem:v2+s28+$0x0], $0xffff;
	v20 =	vadd.f32 v46, v40;
	v18 =	vadd.f32 v36, v18  }
0x23a: {  	v44 =	vld.idx.msk [tilespmem:v1+s26+$0x0], $0xffff;
	v17 =	vadd.f32 v32, v17;
	v19 =	vadd.f32 v38, v19  }
0x23b: {  	v45 =	vld.idx.msk [tilespmem:v1+s28+$0x0], $0xffff;
	v20 =	vadd.f32 v47, v20;
	v18 =	vadd.f32 v39, v18  }
0x23c: {  	v21 =	vadd.f32 v41, v19;
	v46 =	vshra.s32 v17, $0x1;
	v27 =	vmul.f32 $5.000000000e-01, v17  }
0x23d: {  	v19 =	vadd.f32 v48, v20;
	v18 =	vadd.f32 v42, v18;
	v23 =	vsub.s32 $0x5F3759DF, v46  }
0x23e: {  	v47 =	vadd.f32 v43, v21;
	v48 =	vmul.f32 v23, v27  }
0x23f: {  	v49 =	vshra.s32 v19, $0x1;
	v25 =	vmul.f32 $5.000000000e-01, v19;
	v18 =	vadd.f32 v44, v18  }
0x240: {  	v51 =	vsub.s32 $0x5F3759DF, v49;
	v20 =	vadd.f32 v45, v47;
	v21 =	vmul.f32 v23, v48  }
0x241: {  	v50 =	vld.idx.msk [tilespmem:v0+s25+$0x0], $0xffff;
	v24 =	vmul.f32 v51, v25;
	v52 =	vshra.s32 v18, $0x1;
	v29 =	vmul.f32 $5.000000000e-01, v18  }
0x242: {  	v28 =	vsub.s32 $0x5F3759DF, v52;
	v54 =	vshra.s32 v20, $0x1;
	v32 =	vmul.f32 $5.000000000e-01, v20  }
0x243: {  	v53 =	vld.idx.msk [tilespmem:v15+s25+$0x0], $0xffff;
	v24 =	vmul.f32 v51, v24;
	v55 =	vmul.f32 v28, v29;
	v31 =	vsub.s32 $0x5F3759DF, v54  }
0x244: {  	v58 =	vld.idx.msk [tilespmem:v0+s29+$0x0], $0xffff;
	v21 =	vsub.f32 $1.500000000e+00, v21;
	v57 =	vmul.f32 v31, v32  }
0x245: {  	v56 =	vld.idx.msk [tilespmem:v14+s25+$0x0], $0xffff;
	v24 =	vsub.f32 $1.500000000e+00, v24;
	v33 =	vmul.f32 v28, v55  }
0x246: {  	v15 =	vld.idx.msk [tilespmem:v15+s29+$0x0], $0xffff;
	v26 =	vadd.f32 $0.0e+00, v50;
	v21 =	vmul.f32 v23, v21;
	v35 =	vmul.f32 v31, v57  }
0x247: {  	v59 =	vld.idx.msk [tilespmem:v13+s25+$0x0], $0xffff;
	v22 =	vmul.f32 v51, v24;
	v60 =	vsub.f32 $1.500000000e+00, v33  }
0x248: {  	v26 =	vadd.f32 v53, v26;
	v63 =	vld.idx.msk [tilespmem:v14+s29+$0x0], $0xffff;
	v62 =	vmul.f32 v21, v27;
	v35 =	vsub.f32 $1.500000000e+00, v35  }
0x249: {  	v61 =	vld.idx.msk [tilespmem:v12+s25+$0x0], $0xffff;
	v36 =	vadd.f32 $0.0e+00, v58;
	v40 =	vmul.f32 v22, v25;
	v24 =	vmul.f32 v28, v60  }
0x24a: {  	v26 =	vadd.f32 v56, v26;
	v42 =	vld.idx.msk [tilespmem:v13+s29+$0x0], $0xffff;
	v33 =	vmul.f32 v62, v21;
	v31 =	vmul.f32 v31, v35  }
0x24b: {  	v15 =	vadd.f32 v15, v36;
	v41 =	vld.idx.msk [tilespmem:v11+s25+$0x0], $0xffff;
	v43 =	vmul.f32 v40, v22;
	v44 =	vmul.f32 v24, v29  }
0x24c: {  	v47 =	vld.idx.msk [tilespmem:v12+s29+$0x0], $0xffff;
	v23 =	vadd.f32 v59, v26;
	v33 =	vsub.f32 $1.500000000e+00, v33;
	v46 =	vmul.f32 v31, v32  }
0x24d: {  	v14 =	vadd.f32 v63, v15;
	v45 =	vld.idx.msk [tilespmem:v10+s25+$0x0], $0xffff;
	v26 =	vsub.f32 $1.500000000e+00, v43;
	v48 =	vmul.f32 v44, v24  }
0x24e: {  	v23 =	vadd.f32 v61, v23;
	v51 =	vld.idx.msk [tilespmem:v11+s29+$0x0], $0xffff;
	v15 =	vmul.f32 v33, v21;
	v50 =	vmul.f32 v46, v31  }
0x24f: {  	v49 =	vld.idx.msk [tilespmem:v9+s25+$0x0], $0xffff;
	v13 =	vadd.f32 v42, v14;
	v22 =	vmul.f32 v26, v22;
	v52 =	vsub.f32 $1.500000000e+00, v48  }
0x250: {  	v55 =	vld.idx.msk [tilespmem:v10+s29+$0x0], $0xffff;
	v23 =	vadd.f32 v41, v23;
	v27 =	vmul.f32 v15, v27;
	v54 =	vsub.f32 $1.500000000e+00, v50  }
0x251: {  	v53 =	vld.idx.msk [tilespmem:v8+s25+$0x0], $0xffff;
	v12 =	vadd.f32 v47, v13;
	v25 =	vmul.f32 v22, v25;
	v24 =	vmul.f32 v52, v24  }
0x252: {  	v58 =	vld.idx.msk [tilespmem:v9+s29+$0x0], $0xffff;
	v23 =	vadd.f32 v45, v23;
	v27 =	vmul.f32 v27, v15;
	v56 =	vmul.f32 v54, v31  }
0x253: {  	v57 =	vld.idx.msk [tilespmem:v7+s25+$0x0], $0xffff;
	v11 =	vadd.f32 v51, v12;
	v59 =	vmul.f32 v25, v22;
	v60 =	vmul.f32 v24, v29  }
0x254: {  	v62 =	vld.idx.msk [tilespmem:v8+s29+$0x0], $0xffff;
	v21 =	vadd.f32 v49, v23;
	v27 =	vsub.f32 $1.500000000e+00, v27;
	v28 =	vmul.f32 v56, v32  }
0x255: {  	v61 =	vld.idx.msk [tilespmem:v6+s25+$0x0], $0xffff;
	v10 =	vadd.f32 v55, v11;
	v63 =	vsub.f32 $1.500000000e+00, v59;
	v25 =	vmul.f32 v60, v24  }
0x256: {  	v14 =	vadd.f32 v53, v21;
	v29 =	vmul.f32 v27, v15;
	v15 =	vmul.f32 v28, v56  }
0x257: {  	v30 =	vld.idx.msk [tilespmem:v7+s29+$0x0], $0xffff;
	v9 =	vadd.f32 v58, v10;
	v21 =	vmul.f32 v63, v22;
	v31 =	vsub.f32 $1.500000000e+00, v25  }
0x258: {  	v14 =	vadd.f32 v57, v14;
	v32 =	vmul.f32 v29, v17;
	v33 =	vsub.f32 $1.500000000e+00, v15  }
0x259: {  	v8 =	vadd.f32 v62, v9;
	v34 =	vmul.f32 v21, v19;
	v15 =	vmul.f32 v31, v24  }
0x25a: {  	v35 =	vld.idx.msk [tilespmem:v5+s25+$0x0], $0xffff;
	v12 =	vadd.f32 v61, v14;
	v36 =	vmax.f32 v32, $9.999999960e-13;
	v37 =	vmul.f32 v33, v56  }
0x25b: {  	v38 =	vld.idx.msk [tilespmem:v6+s29+$0x0], $0xffff;
	v40 =	vmul.f32 v36, v36;
	v39 =	vmax.f32 v34, $9.999999960e-13;
	v41 =	vmul.f32 v15, v18  }
0x25c: {  	v7 =	vadd.f32 v30, v8;
	v15 =	vld.idx.msk [tilespmem:v4+s25+$0x0], $0xffff;
	v42 =	vmul.f32 v39, v39;
	v10 =	vmul.f32 v37, v20  }
0x25d: {  	v43 =	vld.idx.msk [tilespmem:v5+s29+$0x0], $0xffff;
	(erf) = vrcp.f32 v40;
	v9 =	vmul.f32 v39, v36;
	v44 =	vmax.f32 v41, $9.999999960e-13  }
0x25e: {  	v45 =	vld.idx.msk [tilespmem:v3+s25+$0x0], $0xffff;
	(erf) = vrcp.f32 v42;
	v46 =	vmax.f32 v10, $9.999999960e-13;
	v47 =	vmul.f32 v44, v44  }
0x25f: {  	v48 =	vld.idx.msk [tilespmem:v4+s29+$0x0], $0xffff;
	v12 =	vadd.f32 v35, v12;
	(erf) = vrcp.f32 v9;
	v49 =	vmul.f32 v46, v46  }
0x260: {  	v50 =	vld.idx.msk [tilespmem:v2+s25+$0x0], $0xffff;
	v6 =	vadd.f32 v38, v7;
	v51 =	vmul.f32 v46, v44;
	(erf) = vrcp.f32 v47  }
0x261: {  	v3 =	vld.idx.msk [tilespmem:v3+s29+$0x0], $0xffff;
	v52 =	vadd.f32 v15, v12;
	(erf) = vrcp.f32 v49  }
0x262: {  	v53 =	vld.idx.msk [tilespmem:v1+s25+$0x0], $0xffff;
	v5 =	vadd.f32 v43, v6;
	(erf) = vrcp.f32 v51  }
0x263: {  	v2 =	vld.idx.msk [tilespmem:v2+s29+$0x0], $0xffff;
	v54 =	vadd.f32 v45, v52  }
0x264: {  	v4 =	vadd.f32 v48, v5  }
0x265: {  	v1 =	vld.idx.msk [tilespmem:v1+s29+$0x0], $0xffff;
	v55 =	vadd.f32 v50, v54  }
0x266: {  	v3 =	vadd.f32 v3, v4;
	v56 =	vpop (erf)  }
0x267: {  	v57 =	vpop (erf);
	v5 =	vadd.f32 v53, v55  }
0x268: {  	v2 =	vadd.f32 v2, v3;
	v3 =	vmul.f32 v56, v17;
	v58 =	vpop (erf)  }
0x269: {  	v4 =	vmul.f32 v57, v19;
	v5 =	vmul.f32 v58, v5;
	v59 =	vpop (erf)  }
0x26a: {  	v1 =	vadd.f32 v1, v2;
	v60 =	vpop (erf)  }
0x26b: {  	v2 =	vadd.f32 v4, v3;
	v3 =	vadd.f32 v5, v5;
	v61 =	vmul.f32 v59, v18;
	v62 =	vpop (erf)  }
0x26c: {  	s15 =	sadd.s32 $0x1, s15;
	v63 =	vmul.f32 v60, v20;
	v1 =	vmul.f32 v62, v1  }
0x26d: {  	p0 =	sne.s32 s15, $0x10;
	v2 =	vsub.f32 v2, v3  }
.Ltmp2:
0x26e: {  	v3 =	vadd.f32 v63, v61;
	v1 =	vadd.f32 v1, v1;
	(pc) =	sbr.rel @p0 .LBB2_2-.Ltmp2, $3  }
0x26f: {  	_ = 	snop  }
0x270: {  	v2 =	vadd.f32 v2, v16;
	v1 =	vsub.f32 v3, v1;
	_ =	sdelay $0x1  }
0x271: {  	v16 =	vadd.f32 v1, v2  }
0x272: {  	s10 =	simm.s32 $0x0  }
0x273: {  	s1 =	rddreg [dreg:$0xa];
	s4 =	simm.s32 $0x8900;
	s17 =	simm.s32 $0x3;
	[tilespmem:$0x8900] =	vst v16  }
0x274: {  	[hbm4b:s1+s10] =	stream.linear.scatter [tilespmem:s4], [sflag:$0x3], $0x80, $0x38;
	[tilespmem:$0x8980] =	vst v63  }
0x275: {  	_ =	swait.ge [sflag:s17], $0x80  }
0x276: {  	s6 =	rddreg [dreg:$0xc]  }
0x277: {  	s31 =	rddreg [dreg:$0xb];
	s6 =	sadd.s32 $0x1, s6  }
0x278: {  	p0 =	sne.s32 s6, s31  }
.Ltmp3:
0x279: {  	_ = 	snop;
	(pc) =	sbr.rel @p0 .LBB2_1-.Ltmp3, $3  }
0x27a: {  	_ =	sdelay $0x1  }
0x27b: {  	[sflag:s17] =	ssyncset.done $0x0  }
0x27c: {  	[sflag:s17] =	ssyncadd.s32 $0xFFFFFF80  }
0x27d: {  	_ =	sfence.sel $0x180000  }
0x27e: {  	[bflag:$0x0] =	sbarrier.arrive $0xFFFF  }
0x27f: {  	_ =	strace $0x90000047  }
0x280: {  	s0 =	stileid.u32;
	[bflag:$0x2] =	sbarrier.arrive $0xFFFF  }
0x281: {  	p0 =	sne.s32 s0, $0x0;
	s0 =	rddreg [dreg:$0x5]  }
0x282: {  	s0 =	sadd.s32 @!p0 $0x100000, s0  }
0x283: {  	[sflag:s0] =	ssyncadd.tile.s32 @!p0 $0x1;
	_ =	shalt  }
.Lfunc_end2:
_tile_overlayer_lowered:
.L_overlay_start_2:
0x284: {  	(tag) =	ssettag $0x2  }
0x285: {  	s0 =	rddreg [dreg:$0x0];
	s2 =	stileid.u32  }
0x286: {  	s1 =	rddreg [dreg:$0x1];
	p0 =	sne.s32 s2, $0x0  }
0x287: {  	s3 =	rddreg [dreg:$0x2];
	[bflag:$0x3] =	sbarrier.arrive $0xFFFF;
	s2 =	simm.s32 @!p0 $0x1C03  }
0x288: {  	[timem:s3], [sflag:s2] =	dma.local @!p0 [hbm:s0], s1  }
0x289: {  	s0 =	simm.s32 @!p0 $0x3  }
0x28a: {  	_ =	swait.ge @!p0 [sflag:s0], s1  }
0x28b: {  	s1 =	ssub.s32 @!p0 $0x0, s1;
	[sflag:s0] =	ssyncset.done @!p0 $0x0  }
0x28c: {  	[sflag:s0] =	ssyncadd.s32 @!p0 s1  }
0x28d: {  	[bflag:$0x3] =	sbarrier.arrive $0xFFFF  }
0x28e: {  	_ =	shalt  }

</sc_bundles>
